<compile_context>
chip_gen: v7x
topology: tpu7x:2x2x1
jax: 0.10.2.dev20260603
libtpu: 0.0.44.dev20260713+nightly
codegen_flags: <defaults>
</compile_context>

<pallas_src>
import functools

import jax
import jax.numpy as jnp
from jax import lax
from jax.experimental import pallas as pl
from jax.experimental.pallas import tpu as pltpu
from jax.experimental.pallas import tpu_sc as plsc

try:
    _info = plsc.get_sparse_core_info()
    NC, NS = _info.num_cores, _info.num_subcores
except Exception:
    NC, NS = 2, 16
NW = NC * NS

C = 128
S = 10
L = 5


@functools.cache
def _build(nchunk, D):
    mesh = plsc.VectorSubcoreMesh(
        core_axis_name="c", subcore_axis_name="s", num_cores=NC, num_subcores=NS
    )
    ngroups = nchunk // S

    @functools.partial(
        pl.kernel,
        mesh=mesh,
        out_type=jax.ShapeDtypeStruct((NW, nchunk, C, D), jnp.float32),
        scratch_types=[
            pltpu.VMEM((nchunk, C), jnp.int32),
            *[pltpu.VMEM((C, D), jnp.float32) for _ in range(S)],
            *[pltpu.SemaphoreType.DMA for _ in range(2 * S)],
        ],
        compiler_params=pltpu.CompilerParams(use_tc_tiling_on_sc=False),
    )
    def gather_kernel(idx_hbm, tab_hbm, out_hbm, idx_v, *rest):
        bufs = rest[:S]
        sem_g = rest[S : 2 * S]
        sem_s = rest[2 * S : 3 * S]
        wid = lax.axis_index("s") * NC + lax.axis_index("c")
        pltpu.sync_copy(idx_hbm.at[wid], idx_v)

        def fire_gather(j, b):
            pltpu.async_copy(tab_hbm.at[idx_v.at[j]], bufs[b], sem_g[b])

        def wait_gather(j, b):
            pltpu.make_async_copy(tab_hbm.at[idx_v.at[j]], bufs[b], sem_g[b]).wait()

        def fire_store(j, b):
            pltpu.async_copy(bufs[b], out_hbm.at[wid, j], sem_s[b])

        def wait_store(j, b):
            pltpu.make_async_copy(bufs[b], out_hbm.at[wid, j], sem_s[b]).wait()

        for b in range(L):
            fire_gather(b, b)

        for b in range(S):
            wait_gather(b, b)
            fire_store(b, b)
            jn, bn = b + L, (b + L) % S
            if jn >= S:
                wait_store(jn - S, bn)
            fire_gather(jn, bn)

        def group(g, carry):
            base = g * S
            for b in range(S):
                j = base + b
                wait_gather(j, b)
                fire_store(j, b)
                jn, bn = j + L, (b + L) % S
                wait_store(jn - S, bn)
                fire_gather(jn, bn)
            return carry

        lax.fori_loop(1, ngroups - 1, group, 0, unroll=False)

        base = (ngroups - 1) * S
        for b in range(S):
            j = base + b
            wait_gather(j, b)
            fire_store(j, b)
            jn, bn = j + L, (b + L) % S
            if jn < nchunk:
                wait_store(jn - S, bn)
                fire_gather(jn, bn)

        for b in range(S):
            wait_store(base + b, b)

    return gather_kernel


def _half(idx_half, embedding_weight, D):
    B, Hh = idx_half.shape
    total = B * Hh
    assert total % (NW * C) == 0
    nchunk = total // (NW * C)
    assert nchunk % S == 0 and nchunk // S >= 2
    idx = idx_half.reshape(NW, nchunk, C).astype(jnp.int32)
    out = _build(nchunk, D)(idx, embedding_weight)
    return out.reshape(B, Hh, D)


def kernel(input_variable, embedding_weight):
    B, H = input_variable.shape
    V, D = embedding_weight.shape
    h1 = H // 2
    o1 = _half(input_variable[:, :h1], embedding_weight, D)
    o2 = _half(input_variable[:, h1:], embedding_weight, D)
    return jnp.concatenate([o1, o2], axis=1)

# --- scband reference (transcript-rebuilt; emitter-appended) ---
"""Pipeline reference for scband-embedding-layer-8426725835317 (READ-ONLY COPY).

The authoritative reference and input builder live on the scoring server;
editing this copy changes nothing except your own understanding.
"""

import jax, jax.numpy as jnp
import numpy as np

VOCAB = 1000000
EMBED_DIM = 64
BATCH = 16384
HIST = 50

def setup_inputs(seed: int = 0) -> dict:
    key = jax.random.key(seed)
    k_idx, k_tab = jax.random.split(key)
    input_variable = jax.random.randint(k_idx, (BATCH, HIST), 0, VOCAB, dtype=jnp.int64 if jax.config.jax_enable_x64 else jnp.int32)
    embedding_weight = jax.random.normal(k_tab, (VOCAB, EMBED_DIM), dtype=jnp.float32)
    return {"input_variable": input_variable, "embedding_weight": embedding_weight}

def reference(input_variable, embedding_weight):
    # nn.Embedding forward: row gather from the table
    return jnp.take(embedding_weight, input_variable, axis=0)

if __name__ == "__main__":
    import jax
    _d = setup_inputs()
    print(jax.jit(kernel)(*tuple(_d.values())))

</pallas_src>

<mosaic_0001>
#map = affine_map<(d0, d1) -> (0, 0, 0)>
#map1 = affine_map<(d0, d1) -> (0, 0)>
#map2 = affine_map<(d0, d1) -> (0, 0, 0, 0)>
module attributes {stable_mosaic.version = 14 : i64} {
  func.func @gather_kernel(%arg0: i32, %arg1: i32, %arg2: memref<32x100x128xi32, #tpu.memory_space<hbm>>, %arg3: memref<1000000x64xf32, #tpu.memory_space<hbm>>, %arg4: memref<32x100x128x64xf32, #tpu.memory_space<hbm>>, %arg5: memref<100x128xi32, #tpu.memory_space<vmem>>, %arg6: memref<128x64xf32, #tpu.memory_space<vmem>>, %arg7: memref<128x64xf32, #tpu.memory_space<vmem>>, %arg8: memref<128x64xf32, #tpu.memory_space<vmem>>, %arg9: memref<128x64xf32, #tpu.memory_space<vmem>>, %arg10: memref<128x64xf32, #tpu.memory_space<vmem>>, %arg11: memref<128x64xf32, #tpu.memory_space<vmem>>, %arg12: memref<128x64xf32, #tpu.memory_space<vmem>>, %arg13: memref<128x64xf32, #tpu.memory_space<vmem>>, %arg14: memref<128x64xf32, #tpu.memory_space<vmem>>, %arg15: memref<128x64xf32, #tpu.memory_space<vmem>>, %arg16: memref<!tpu.dma_semaphore, #tpu.memory_space<semaphore_mem>>, %arg17: memref<!tpu.dma_semaphore, #tpu.memory_space<semaphore_mem>>, %arg18: memref<!tpu.dma_semaphore, #tpu.memory_space<semaphore_mem>>, %arg19: memref<!tpu.dma_semaphore, #tpu.memory_space<semaphore_mem>>, %arg20: memref<!tpu.dma_semaphore, #tpu.memory_space<semaphore_mem>>, %arg21: memref<!tpu.dma_semaphore, #tpu.memory_space<semaphore_mem>>, %arg22: memref<!tpu.dma_semaphore, #tpu.memory_space<semaphore_mem>>, %arg23: memref<!tpu.dma_semaphore, #tpu.memory_space<semaphore_mem>>, %arg24: memref<!tpu.dma_semaphore, #tpu.memory_space<semaphore_mem>>, %arg25: memref<!tpu.dma_semaphore, #tpu.memory_space<semaphore_mem>>, %arg26: memref<!tpu.dma_semaphore, #tpu.memory_space<semaphore_mem>>, %arg27: memref<!tpu.dma_semaphore, #tpu.memory_space<semaphore_mem>>, %arg28: memref<!tpu.dma_semaphore, #tpu.memory_space<semaphore_mem>>, %arg29: memref<!tpu.dma_semaphore, #tpu.memory_space<semaphore_mem>>, %arg30: memref<!tpu.dma_semaphore, #tpu.memory_space<semaphore_mem>>, %arg31: memref<!tpu.dma_semaphore, #tpu.memory_space<semaphore_mem>>, %arg32: memref<!tpu.dma_semaphore, #tpu.memory_space<semaphore_mem>>, %arg33: memref<!tpu.dma_semaphore, #tpu.memory_space<semaphore_mem>>, %arg34: memref<!tpu.dma_semaphore, #tpu.memory_space<semaphore_mem>>, %arg35: memref<!tpu.dma_semaphore, #tpu.memory_space<semaphore_mem>>) attributes {dimension_semantics = [#tpu.dimension_semantics<core_parallel>, #tpu.dimension_semantics<subcore_parallel>], iteration_bounds = array<i64: 2, 16>, scalar_prefetch = 0 : i64, scratch_operands = 31 : i64, tpu.core_type = #tpu.core_type<sc_vector_subcore>, window_params = [{transform_indices = #map}, {transform_indices = #map1}, {transform_indices = #map2}]} {
    %mul3A = arith.constant 2 : i32
    %mul3A_0 = arith.muli %arg1, %mul3A : i32
    %add3A = arith.addi %mul3A_0, %arg0 : i32
    "tpu.region"() ({
      %run_scoped3A = tpu.sem_alloc : memref<!tpu.dma_semaphore, #tpu.memory_space<semaphore_mem>>
      %dma_start3A_644 = arith.constant 0 : i32
      %dma_start3A_645 = arith.constant 0 : i32
      %dma_start3A_646 = tpu.memref_slice %arg2[%add3A, %dma_start3A_644, %dma_start3A_645] : memref<32x100x128xi32, #tpu.memory_space<hbm>> -> memref<1x100x128xi32, #tpu.memory_space<hbm>>
      %dma_start3A_647 = tpu.memref_squeeze %dma_start3A_646 : memref<1x100x128xi32, #tpu.memory_space<hbm>> -> memref<100x128xi32, #tpu.memory_space<hbm>>
      %dma_start3A_648 = arith.constant 0 : i32
      %dma_start3A_649 = arith.constant 0 : i32
      %dma_start3A_650 = tpu.memref_slice %arg2[%add3A, %dma_start3A_648, %dma_start3A_649] : memref<32x100x128xi32, #tpu.memory_space<hbm>> -> memref<1x100x128xi32, #tpu.memory_space<hbm>>
      %dma_start3A_651 = tpu.memref_squeeze %dma_start3A_650 : memref<1x100x128xi32, #tpu.memory_space<hbm>> -> memref<100x128xi32, #tpu.memory_space<hbm>>
      tpu.enqueue_dma source(%dma_start3A_651 : memref<100x128xi32, #tpu.memory_space<hbm>>) target(%arg5 : memref<100x128xi32, #tpu.memory_space<vmem>>) target_semaphore(%run_scoped3A : memref<!tpu.dma_semaphore, #tpu.memory_space<semaphore_mem>>)
      %dma_wait3A_652 = arith.constant 0 : i32
      %dma_wait3A_653 = arith.constant 0 : i32
      %dma_wait3A_654 = tpu.memref_slice %arg2[%add3A, %dma_wait3A_652, %dma_wait3A_653] : memref<32x100x128xi32, #tpu.memory_space<hbm>> -> memref<1x100x128xi32, #tpu.memory_space<hbm>>
      %dma_wait3A_655 = tpu.memref_squeeze %dma_wait3A_654 : memref<1x100x128xi32, #tpu.memory_space<hbm>> -> memref<100x128xi32, #tpu.memory_space<hbm>>
      %dma_wait3A_656 = arith.constant 0 : i32
      %dma_wait3A_657 = arith.constant 0 : i32
      %dma_wait3A_658 = tpu.memref_slice %arg2[%add3A, %dma_wait3A_656, %dma_wait3A_657] : memref<32x100x128xi32, #tpu.memory_space<hbm>> -> memref<1x100x128xi32, #tpu.memory_space<hbm>>
      %dma_wait3A_659 = tpu.memref_squeeze %dma_wait3A_658 : memref<1x100x128xi32, #tpu.memory_space<hbm>> -> memref<100x128xi32, #tpu.memory_space<hbm>>
      tpu.wait_dma2 semaphore(%run_scoped3A : memref<!tpu.dma_semaphore, #tpu.memory_space<semaphore_mem>>) src(%dma_wait3A_659 : memref<100x128xi32, #tpu.memory_space<hbm>>) dst(%arg5 : memref<100x128xi32, #tpu.memory_space<vmem>>)
      tpu.yield
    }) : () -> ()
    %dma_start3A = arith.constant 0 : i32
    %dma_start3A_1 = arith.constant 0 : i32
    %dma_start3A_2 = tpu.memref_slice %arg5[%dma_start3A, %dma_start3A_1] : memref<100x128xi32, #tpu.memory_space<vmem>> -> memref<1x128xi32, #tpu.memory_space<vmem>>
    %dma_start3A_3 = tpu.memref_squeeze %dma_start3A_2 : memref<1x128xi32, #tpu.memory_space<vmem>> -> memref<128xi32, #tpu.memory_space<vmem>>
    %dma_start3A_4 = arith.constant 0 : i32
    %dma_start3A_5 = arith.constant 0 : i32
    %dma_start3A_6 = tpu.memref_slice %arg3[%dma_start3A_4, %dma_start3A_5] : memref<1000000x64xf32, #tpu.memory_space<hbm>> -> memref<1000000x64xf32, #tpu.memory_space<hbm>>
    tpu.enqueue_indirect_dma source(%dma_start3A_6 : memref<1000000x64xf32, #tpu.memory_space<hbm>>) target(%arg6 : memref<128x64xf32, #tpu.memory_space<vmem>>) offsets(%dma_start3A_3 : memref<128xi32, #tpu.memory_space<vmem>>) semaphore(%arg16 : memref<!tpu.dma_semaphore, #tpu.memory_space<semaphore_mem>>)
    %dma_start3A_7 = arith.constant 1 : i32
    %dma_start3A_8 = arith.constant 0 : i32
    %dma_start3A_9 = tpu.memref_slice %arg5[%dma_start3A_7, %dma_start3A_8] : memref<100x128xi32, #tpu.memory_space<vmem>> -> memref<1x128xi32, #tpu.memory_space<vmem>>
    %dma_start3A_10 = tpu.memref_squeeze %dma_start3A_9 : memref<1x128xi32, #tpu.memory_space<vmem>> -> memref<128xi32, #tpu.memory_space<vmem>>
    %dma_start3A_11 = arith.constant 0 : i32
    %dma_start3A_12 = arith.constant 0 : i32
    %dma_start3A_13 = tpu.memref_slice %arg3[%dma_start3A_11, %dma_start3A_12] : memref<1000000x64xf32, #tpu.memory_space<hbm>> -> memref<1000000x64xf32, #tpu.memory_space<hbm>>
    tpu.enqueue_indirect_dma source(%dma_start3A_13 : memref<1000000x64xf32, #tpu.memory_space<hbm>>) target(%arg7 : memref<128x64xf32, #tpu.memory_space<vmem>>) offsets(%dma_start3A_10 : memref<128xi32, #tpu.memory_space<vmem>>) semaphore(%arg17 : memref<!tpu.dma_semaphore, #tpu.memory_space<semaphore_mem>>)
    %dma_start3A_14 = arith.constant 2 : i32
    %dma_start3A_15 = arith.constant 0 : i32
    %dma_start3A_16 = tpu.memref_slice %arg5[%dma_start3A_14, %dma_start3A_15] : memref<100x128xi32, #tpu.memory_space<vmem>> -> memref<1x128xi32, #tpu.memory_space<vmem>>
    %dma_start3A_17 = tpu.memref_squeeze %dma_start3A_16 : memref<1x128xi32, #tpu.memory_space<vmem>> -> memref<128xi32, #tpu.memory_space<vmem>>
    %dma_start3A_18 = arith.constant 0 : i32
    %dma_start3A_19 = arith.constant 0 : i32
    %dma_start3A_20 = tpu.memref_slice %arg3[%dma_start3A_18, %dma_start3A_19] : memref<1000000x64xf32, #tpu.memory_space<hbm>> -> memref<1000000x64xf32, #tpu.memory_space<hbm>>
    tpu.enqueue_indirect_dma source(%dma_start3A_20 : memref<1000000x64xf32, #tpu.memory_space<hbm>>) target(%arg8 : memref<128x64xf32, #tpu.memory_space<vmem>>) offsets(%dma_start3A_17 : memref<128xi32, #tpu.memory_space<vmem>>) semaphore(%arg18 : memref<!tpu.dma_semaphore, #tpu.memory_space<semaphore_mem>>)
    %dma_start3A_21 = arith.constant 3 : i32
    %dma_start3A_22 = arith.constant 0 : i32
    %dma_start3A_23 = tpu.memref_slice %arg5[%dma_start3A_21, %dma_start3A_22] : memref<100x128xi32, #tpu.memory_space<vmem>> -> memref<1x128xi32, #tpu.memory_space<vmem>>
    %dma_start3A_24 = tpu.memref_squeeze %dma_start3A_23 : memref<1x128xi32, #tpu.memory_space<vmem>> -> memref<128xi32, #tpu.memory_space<vmem>>
    %dma_start3A_25 = arith.constant 0 : i32
    %dma_start3A_26 = arith.constant 0 : i32
    %dma_start3A_27 = tpu.memref_slice %arg3[%dma_start3A_25, %dma_start3A_26] : memref<1000000x64xf32, #tpu.memory_space<hbm>> -> memref<1000000x64xf32, #tpu.memory_space<hbm>>
    tpu.enqueue_indirect_dma source(%dma_start3A_27 : memref<1000000x64xf32, #tpu.memory_space<hbm>>) target(%arg9 : memref<128x64xf32, #tpu.memory_space<vmem>>) offsets(%dma_start3A_24 : memref<128xi32, #tpu.memory_space<vmem>>) semaphore(%arg19 : memref<!tpu.dma_semaphore, #tpu.memory_space<semaphore_mem>>)
    %dma_start3A_28 = arith.constant 4 : i32
    %dma_start3A_29 = arith.constant 0 : i32
    %dma_start3A_30 = tpu.memref_slice %arg5[%dma_start3A_28, %dma_start3A_29] : memref<100x128xi32, #tpu.memory_space<vmem>> -> memref<1x128xi32, #tpu.memory_space<vmem>>
    %dma_start3A_31 = tpu.memref_squeeze %dma_start3A_30 : memref<1x128xi32, #tpu.memory_space<vmem>> -> memref<128xi32, #tpu.memory_space<vmem>>
    %dma_start3A_32 = arith.constant 0 : i32
    %dma_start3A_33 = arith.constant 0 : i32
    %dma_start3A_34 = tpu.memref_slice %arg3[%dma_start3A_32, %dma_start3A_33] : memref<1000000x64xf32, #tpu.memory_space<hbm>> -> memref<1000000x64xf32, #tpu.memory_space<hbm>>
    tpu.enqueue_indirect_dma source(%dma_start3A_34 : memref<1000000x64xf32, #tpu.memory_space<hbm>>) target(%arg10 : memref<128x64xf32, #tpu.memory_space<vmem>>) offsets(%dma_start3A_31 : memref<128xi32, #tpu.memory_space<vmem>>) semaphore(%arg20 : memref<!tpu.dma_semaphore, #tpu.memory_space<semaphore_mem>>)
    %dma_wait3A = arith.constant 0 : i32
    %dma_wait3A_35 = arith.constant 0 : i32
    %dma_wait3A_36 = tpu.memref_slice %arg5[%dma_wait3A, %dma_wait3A_35] : memref<100x128xi32, #tpu.memory_space<vmem>> -> memref<1x128xi32, #tpu.memory_space<vmem>>
    %dma_wait3A_37 = tpu.memref_squeeze %dma_wait3A_36 : memref<1x128xi32, #tpu.memory_space<vmem>> -> memref<128xi32, #tpu.memory_space<vmem>>
    %dma_wait3A_38 = arith.constant 0 : i32
    %dma_wait3A_39 = arith.constant 0 : i32
    %dma_wait3A_40 = tpu.memref_slice %arg3[%dma_wait3A_38, %dma_wait3A_39] : memref<1000000x64xf32, #tpu.memory_space<hbm>> -> memref<1000000x64xf32, #tpu.memory_space<hbm>>
    tpu.wait_indirect_dma semaphore(%arg16 : memref<!tpu.dma_semaphore, #tpu.memory_space<semaphore_mem>>) src(%dma_wait3A_40 : memref<1000000x64xf32, #tpu.memory_space<hbm>>) dst(%arg6 : memref<128x64xf32, #tpu.memory_space<vmem>>)
    %dma_start3A_41 = arith.constant 0 : i32
    %dma_start3A_42 = arith.constant 0 : i32
    %dma_start3A_43 = arith.constant 0 : i32
    %dma_start3A_44 = tpu.memref_slice %arg4[%add3A, %dma_start3A_41, %dma_start3A_42, %dma_start3A_43] : memref<32x100x128x64xf32, #tpu.memory_space<hbm>> -> memref<1x1x128x64xf32, #tpu.memory_space<hbm>>
    %dma_start3A_45 = tpu.memref_squeeze %dma_start3A_44 : memref<1x1x128x64xf32, #tpu.memory_space<hbm>> -> memref<128x64xf32, #tpu.memory_space<hbm>>
    %dma_start3A_46 = arith.constant 0 : i32
    %dma_start3A_47 = arith.constant 0 : i32
    %dma_start3A_48 = tpu.memref_slice %arg4[%add3A, %dma_start3A_41, %dma_start3A_46, %dma_start3A_47] : memref<32x100x128x64xf32, #tpu.memory_space<hbm>> -> memref<1x1x128x64xf32, #tpu.memory_space<hbm>>
    %dma_start3A_49 = tpu.memref_squeeze %dma_start3A_48 : memref<1x1x128x64xf32, #tpu.memory_space<hbm>> -> memref<128x64xf32, #tpu.memory_space<hbm>>
    tpu.enqueue_dma source(%arg6 : memref<128x64xf32, #tpu.memory_space<vmem>>) target(%dma_start3A_49 : memref<128x64xf32, #tpu.memory_space<hbm>>) target_semaphore(%arg26 : memref<!tpu.dma_semaphore, #tpu.memory_space<semaphore_mem>>)
    %dma_start3A_50 = arith.constant 5 : i32
    %dma_start3A_51 = arith.constant 0 : i32
    %dma_start3A_52 = tpu.memref_slice %arg5[%dma_start3A_50, %dma_start3A_51] : memref<100x128xi32, #tpu.memory_space<vmem>> -> memref<1x128xi32, #tpu.memory_space<vmem>>
    %dma_start3A_53 = tpu.memref_squeeze %dma_start3A_52 : memref<1x128xi32, #tpu.memory_space<vmem>> -> memref<128xi32, #tpu.memory_space<vmem>>
    %dma_start3A_54 = arith.constant 0 : i32
    %dma_start3A_55 = arith.constant 0 : i32
    %dma_start3A_56 = tpu.memref_slice %arg3[%dma_start3A_54, %dma_start3A_55] : memref<1000000x64xf32, #tpu.memory_space<hbm>> -> memref<1000000x64xf32, #tpu.memory_space<hbm>>
    tpu.enqueue_indirect_dma source(%dma_start3A_56 : memref<1000000x64xf32, #tpu.memory_space<hbm>>) target(%arg11 : memref<128x64xf32, #tpu.memory_space<vmem>>) offsets(%dma_start3A_53 : memref<128xi32, #tpu.memory_space<vmem>>) semaphore(%arg21 : memref<!tpu.dma_semaphore, #tpu.memory_space<semaphore_mem>>)
    %dma_wait3A_57 = arith.constant 1 : i32
    %dma_wait3A_58 = arith.constant 0 : i32
    %dma_wait3A_59 = tpu.memref_slice %arg5[%dma_wait3A_57, %dma_wait3A_58] : memref<100x128xi32, #tpu.memory_space<vmem>> -> memref<1x128xi32, #tpu.memory_space<vmem>>
    %dma_wait3A_60 = tpu.memref_squeeze %dma_wait3A_59 : memref<1x128xi32, #tpu.memory_space<vmem>> -> memref<128xi32, #tpu.memory_space<vmem>>
    %dma_wait3A_61 = arith.constant 0 : i32
    %dma_wait3A_62 = arith.constant 0 : i32
    %dma_wait3A_63 = tpu.memref_slice %arg3[%dma_wait3A_61, %dma_wait3A_62] : memref<1000000x64xf32, #tpu.memory_space<hbm>> -> memref<1000000x64xf32, #tpu.memory_space<hbm>>
    tpu.wait_indirect_dma semaphore(%arg17 : memref<!tpu.dma_semaphore, #tpu.memory_space<semaphore_mem>>) src(%dma_wait3A_63 : memref<1000000x64xf32, #tpu.memory_space<hbm>>) dst(%arg7 : memref<128x64xf32, #tpu.memory_space<vmem>>)
    %dma_start3A_64 = arith.constant 1 : i32
    %dma_start3A_65 = arith.constant 0 : i32
    %dma_start3A_66 = arith.constant 0 : i32
    %dma_start3A_67 = tpu.memref_slice %arg4[%add3A, %dma_start3A_64, %dma_start3A_65, %dma_start3A_66] : memref<32x100x128x64xf32, #tpu.memory_space<hbm>> -> memref<1x1x128x64xf32, #tpu.memory_space<hbm>>
    %dma_start3A_68 = tpu.memref_squeeze %dma_start3A_67 : memref<1x1x128x64xf32, #tpu.memory_space<hbm>> -> memref<128x64xf32, #tpu.memory_space<hbm>>
    %dma_start3A_69 = arith.constant 0 : i32
    %dma_start3A_70 = arith.constant 0 : i32
    %dma_start3A_71 = tpu.memref_slice %arg4[%add3A, %dma_start3A_64, %dma_start3A_69, %dma_start3A_70] : memref<32x100x128x64xf32, #tpu.memory_space<hbm>> -> memref<1x1x128x64xf32, #tpu.memory_space<hbm>>
    %dma_start3A_72 = tpu.memref_squeeze %dma_start3A_71 : memref<1x1x128x64xf32, #tpu.memory_space<hbm>> -> memref<128x64xf32, #tpu.memory_space<hbm>>
    tpu.enqueue_dma source(%arg7 : memref<128x64xf32, #tpu.memory_space<vmem>>) target(%dma_start3A_72 : memref<128x64xf32, #tpu.memory_space<hbm>>) target_semaphore(%arg27 : memref<!tpu.dma_semaphore, #tpu.memory_space<semaphore_mem>>)
    %dma_start3A_73 = arith.constant 6 : i32
    %dma_start3A_74 = arith.constant 0 : i32
    %dma_start3A_75 = tpu.memref_slice %arg5[%dma_start3A_73, %dma_start3A_74] : memref<100x128xi32, #tpu.memory_space<vmem>> -> memref<1x128xi32, #tpu.memory_space<vmem>>
    %dma_start3A_76 = tpu.memref_squeeze %dma_start3A_75 : memref<1x128xi32, #tpu.memory_space<vmem>> -> memref<128xi32, #tpu.memory_space<vmem>>
    %dma_start3A_77 = arith.constant 0 : i32
    %dma_start3A_78 = arith.constant 0 : i32
    %dma_start3A_79 = tpu.memref_slice %arg3[%dma_start3A_77, %dma_start3A_78] : memref<1000000x64xf32, #tpu.memory_space<hbm>> -> memref<1000000x64xf32, #tpu.memory_space<hbm>>
    tpu.enqueue_indirect_dma source(%dma_start3A_79 : memref<1000000x64xf32, #tpu.memory_space<hbm>>) target(%arg12 : memref<128x64xf32, #tpu.memory_space<vmem>>) offsets(%dma_start3A_76 : memref<128xi32, #tpu.memory_space<vmem>>) semaphore(%arg22 : memref<!tpu.dma_semaphore, #tpu.memory_space<semaphore_mem>>)
    %dma_wait3A_80 = arith.constant 2 : i32
    %dma_wait3A_81 = arith.constant 0 : i32
    %dma_wait3A_82 = tpu.memref_slice %arg5[%dma_wait3A_80, %dma_wait3A_81] : memref<100x128xi32, #tpu.memory_space<vmem>> -> memref<1x128xi32, #tpu.memory_space<vmem>>
    %dma_wait3A_83 = tpu.memref_squeeze %dma_wait3A_82 : memref<1x128xi32, #tpu.memory_space<vmem>> -> memref<128xi32, #tpu.memory_space<vmem>>
    %dma_wait3A_84 = arith.constant 0 : i32
    %dma_wait3A_85 = arith.constant 0 : i32
    %dma_wait3A_86 = tpu.memref_slice %arg3[%dma_wait3A_84, %dma_wait3A_85] : memref<1000000x64xf32, #tpu.memory_space<hbm>> -> memref<1000000x64xf32, #tpu.memory_space<hbm>>
    tpu.wait_indirect_dma semaphore(%arg18 : memref<!tpu.dma_semaphore, #tpu.memory_space<semaphore_mem>>) src(%dma_wait3A_86 : memref<1000000x64xf32, #tpu.memory_space<hbm>>) dst(%arg8 : memref<128x64xf32, #tpu.memory_space<vmem>>)
    %dma_start3A_87 = arith.constant 2 : i32
    %dma_start3A_88 = arith.constant 0 : i32
    %dma_start3A_89 = arith.constant 0 : i32
    %dma_start3A_90 = tpu.memref_slice %arg4[%add3A, %dma_start3A_87, %dma_start3A_88, %dma_start3A_89] : memref<32x100x128x64xf32, #tpu.memory_space<hbm>> -> memref<1x1x128x64xf32, #tpu.memory_space<hbm>>
    %dma_start3A_91 = tpu.memref_squeeze %dma_start3A_90 : memref<1x1x128x64xf32, #tpu.memory_space<hbm>> -> memref<128x64xf32, #tpu.memory_space<hbm>>
    %dma_start3A_92 = arith.constant 0 : i32
    %dma_start3A_93 = arith.constant 0 : i32
    %dma_start3A_94 = tpu.memref_slice %arg4[%add3A, %dma_start3A_87, %dma_start3A_92, %dma_start3A_93] : memref<32x100x128x64xf32, #tpu.memory_space<hbm>> -> memref<1x1x128x64xf32, #tpu.memory_space<hbm>>
    %dma_start3A_95 = tpu.memref_squeeze %dma_start3A_94 : memref<1x1x128x64xf32, #tpu.memory_space<hbm>> -> memref<128x64xf32, #tpu.memory_space<hbm>>
    tpu.enqueue_dma source(%arg8 : memref<128x64xf32, #tpu.memory_space<vmem>>) target(%dma_start3A_95 : memref<128x64xf32, #tpu.memory_space<hbm>>) target_semaphore(%arg28 : memref<!tpu.dma_semaphore, #tpu.memory_space<semaphore_mem>>)
    %dma_start3A_96 = arith.constant 7 : i32
    %dma_start3A_97 = arith.constant 0 : i32
    %dma_start3A_98 = tpu.memref_slice %arg5[%dma_start3A_96, %dma_start3A_97] : memref<100x128xi32, #tpu.memory_space<vmem>> -> memref<1x128xi32, #tpu.memory_space<vmem>>
    %dma_start3A_99 = tpu.memref_squeeze %dma_start3A_98 : memref<1x128xi32, #tpu.memory_space<vmem>> -> memref<128xi32, #tpu.memory_space<vmem>>
    %dma_start3A_100 = arith.constant 0 : i32
    %dma_start3A_101 = arith.constant 0 : i32
    %dma_start3A_102 = tpu.memref_slice %arg3[%dma_start3A_100, %dma_start3A_101] : memref<1000000x64xf32, #tpu.memory_space<hbm>> -> memref<1000000x64xf32, #tpu.memory_space<hbm>>
    tpu.enqueue_indirect_dma source(%dma_start3A_102 : memref<1000000x64xf32, #tpu.memory_space<hbm>>) target(%arg13 : memref<128x64xf32, #tpu.memory_space<vmem>>) offsets(%dma_start3A_99 : memref<128xi32, #tpu.memory_space<vmem>>) semaphore(%arg23 : memref<!tpu.dma_semaphore, #tpu.memory_space<semaphore_mem>>)
    %dma_wait3A_103 = arith.constant 3 : i32
    %dma_wait3A_104 = arith.constant 0 : i32
    %dma_wait3A_105 = tpu.memref_slice %arg5[%dma_wait3A_103, %dma_wait3A_104] : memref<100x128xi32, #tpu.memory_space<vmem>> -> memref<1x128xi32, #tpu.memory_space<vmem>>
    %dma_wait3A_106 = tpu.memref_squeeze %dma_wait3A_105 : memref<1x128xi32, #tpu.memory_space<vmem>> -> memref<128xi32, #tpu.memory_space<vmem>>
    %dma_wait3A_107 = arith.constant 0 : i32
    %dma_wait3A_108 = arith.constant 0 : i32
    %dma_wait3A_109 = tpu.memref_slice %arg3[%dma_wait3A_107, %dma_wait3A_108] : memref<1000000x64xf32, #tpu.memory_space<hbm>> -> memref<1000000x64xf32, #tpu.memory_space<hbm>>
    tpu.wait_indirect_dma semaphore(%arg19 : memref<!tpu.dma_semaphore, #tpu.memory_space<semaphore_mem>>) src(%dma_wait3A_109 : memref<1000000x64xf32, #tpu.memory_space<hbm>>) dst(%arg9 : memref<128x64xf32, #tpu.memory_space<vmem>>)
    %dma_start3A_110 = arith.constant 3 : i32
    %dma_start3A_111 = arith.constant 0 : i32
    %dma_start3A_112 = arith.constant 0 : i32
    %dma_start3A_113 = tpu.memref_slice %arg4[%add3A, %dma_start3A_110, %dma_start3A_111, %dma_start3A_112] : memref<32x100x128x64xf32, #tpu.memory_space<hbm>> -> memref<1x1x128x64xf32, #tpu.memory_space<hbm>>
    %dma_start3A_114 = tpu.memref_squeeze %dma_start3A_113 : memref<1x1x128x64xf32, #tpu.memory_space<hbm>> -> memref<128x64xf32, #tpu.memory_space<hbm>>
    %dma_start3A_115 = arith.constant 0 : i32
    %dma_start3A_116 = arith.constant 0 : i32
    %dma_start3A_117 = tpu.memref_slice %arg4[%add3A, %dma_start3A_110, %dma_start3A_115, %dma_start3A_116] : memref<32x100x128x64xf32, #tpu.memory_space<hbm>> -> memref<1x1x128x64xf32, #tpu.memory_space<hbm>>
    %dma_start3A_118 = tpu.memref_squeeze %dma_start3A_117 : memref<1x1x128x64xf32, #tpu.memory_space<hbm>> -> memref<128x64xf32, #tpu.memory_space<hbm>>
    tpu.enqueue_dma source(%arg9 : memref<128x64xf32, #tpu.memory_space<vmem>>) target(%dma_start3A_118 : memref<128x64xf32, #tpu.memory_space<hbm>>) target_semaphore(%arg29 : memref<!tpu.dma_semaphore, #tpu.memory_space<semaphore_mem>>)
    %dma_start3A_119 = arith.constant 8 : i32
    %dma_start3A_120 = arith.constant 0 : i32
    %dma_start3A_121 = tpu.memref_slice %arg5[%dma_start3A_119, %dma_start3A_120] : memref<100x128xi32, #tpu.memory_space<vmem>> -> memref<1x128xi32, #tpu.memory_space<vmem>>
    %dma_start3A_122 = tpu.memref_squeeze %dma_start3A_121 : memref<1x128xi32, #tpu.memory_space<vmem>> -> memref<128xi32, #tpu.memory_space<vmem>>
    %dma_start3A_123 = arith.constant 0 : i32
    %dma_start3A_124 = arith.constant 0 : i32
    %dma_start3A_125 = tpu.memref_slice %arg3[%dma_start3A_123, %dma_start3A_124] : memref<1000000x64xf32, #tpu.memory_space<hbm>> -> memref<1000000x64xf32, #tpu.memory_space<hbm>>
    tpu.enqueue_indirect_dma source(%dma_start3A_125 : memref<1000000x64xf32, #tpu.memory_space<hbm>>) target(%arg14 : memref<128x64xf32, #tpu.memory_space<vmem>>) offsets(%dma_start3A_122 : memref<128xi32, #tpu.memory_space<vmem>>) semaphore(%arg24 : memref<!tpu.dma_semaphore, #tpu.memory_space<semaphore_mem>>)
    %dma_wait3A_126 = arith.constant 4 : i32
    %dma_wait3A_127 = arith.constant 0 : i32
    %dma_wait3A_128 = tpu.memref_slice %arg5[%dma_wait3A_126, %dma_wait3A_127] : memref<100x128xi32, #tpu.memory_space<vmem>> -> memref<1x128xi32, #tpu.memory_space<vmem>>
    %dma_wait3A_129 = tpu.memref_squeeze %dma_wait3A_128 : memref<1x128xi32, #tpu.memory_space<vmem>> -> memref<128xi32, #tpu.memory_space<vmem>>
    %dma_wait3A_130 = arith.constant 0 : i32
    %dma_wait3A_131 = arith.constant 0 : i32
    %dma_wait3A_132 = tpu.memref_slice %arg3[%dma_wait3A_130, %dma_wait3A_131] : memref<1000000x64xf32, #tpu.memory_space<hbm>> -> memref<1000000x64xf32, #tpu.memory_space<hbm>>
    tpu.wait_indirect_dma semaphore(%arg20 : memref<!tpu.dma_semaphore, #tpu.memory_space<semaphore_mem>>) src(%dma_wait3A_132 : memref<1000000x64xf32, #tpu.memory_space<hbm>>) dst(%arg10 : memref<128x64xf32, #tpu.memory_space<vmem>>)
    %dma_start3A_133 = arith.constant 4 : i32
    %dma_start3A_134 = arith.constant 0 : i32
    %dma_start3A_135 = arith.constant 0 : i32
    %dma_start3A_136 = tpu.memref_slice %arg4[%add3A, %dma_start3A_133, %dma_start3A_134, %dma_start3A_135] : memref<32x100x128x64xf32, #tpu.memory_space<hbm>> -> memref<1x1x128x64xf32, #tpu.memory_space<hbm>>
    %dma_start3A_137 = tpu.memref_squeeze %dma_start3A_136 : memref<1x1x128x64xf32, #tpu.memory_space<hbm>> -> memref<128x64xf32, #tpu.memory_space<hbm>>
    %dma_start3A_138 = arith.constant 0 : i32
    %dma_start3A_139 = arith.constant 0 : i32
    %dma_start3A_140 = tpu.memref_slice %arg4[%add3A, %dma_start3A_133, %dma_start3A_138, %dma_start3A_139] : memref<32x100x128x64xf32, #tpu.memory_space<hbm>> -> memref<1x1x128x64xf32, #tpu.memory_space<hbm>>
    %dma_start3A_141 = tpu.memref_squeeze %dma_start3A_140 : memref<1x1x128x64xf32, #tpu.memory_space<hbm>> -> memref<128x64xf32, #tpu.memory_space<hbm>>
    tpu.enqueue_dma source(%arg10 : memref<128x64xf32, #tpu.memory_space<vmem>>) target(%dma_start3A_141 : memref<128x64xf32, #tpu.memory_space<hbm>>) target_semaphore(%arg30 : memref<!tpu.dma_semaphore, #tpu.memory_space<semaphore_mem>>)
    %dma_start3A_142 = arith.constant 9 : i32
    %dma_start3A_143 = arith.constant 0 : i32
    %dma_start3A_144 = tpu.memref_slice %arg5[%dma_start3A_142, %dma_start3A_143] : memref<100x128xi32, #tpu.memory_space<vmem>> -> memref<1x128xi32, #tpu.memory_space<vmem>>
    %dma_start3A_145 = tpu.memref_squeeze %dma_start3A_144 : memref<1x128xi32, #tpu.memory_space<vmem>> -> memref<128xi32, #tpu.memory_space<vmem>>
    %dma_start3A_146 = arith.constant 0 : i32
    %dma_start3A_147 = arith.constant 0 : i32
    %dma_start3A_148 = tpu.memref_slice %arg3[%dma_start3A_146, %dma_start3A_147] : memref<1000000x64xf32, #tpu.memory_space<hbm>> -> memref<1000000x64xf32, #tpu.memory_space<hbm>>
    tpu.enqueue_indirect_dma source(%dma_start3A_148 : memref<1000000x64xf32, #tpu.memory_space<hbm>>) target(%arg15 : memref<128x64xf32, #tpu.memory_space<vmem>>) offsets(%dma_start3A_145 : memref<128xi32, #tpu.memory_space<vmem>>) semaphore(%arg25 : memref<!tpu.dma_semaphore, #tpu.memory_space<semaphore_mem>>)
    %dma_wait3A_149 = arith.constant 5 : i32
    %dma_wait3A_150 = arith.constant 0 : i32
    %dma_wait3A_151 = tpu.memref_slice %arg5[%dma_wait3A_149, %dma_wait3A_150] : memref<100x128xi32, #tpu.memory_space<vmem>> -> memref<1x128xi32, #tpu.memory_space<vmem>>
    %dma_wait3A_152 = tpu.memref_squeeze %dma_wait3A_151 : memref<1x128xi32, #tpu.memory_space<vmem>> -> memref<128xi32, #tpu.memory_space<vmem>>
    %dma_wait3A_153 = arith.constant 0 : i32
    %dma_wait3A_154 = arith.constant 0 : i32
    %dma_wait3A_155 = tpu.memref_slice %arg3[%dma_wait3A_153, %dma_wait3A_154] : memref<1000000x64xf32, #tpu.memory_space<hbm>> -> memref<1000000x64xf32, #tpu.memory_space<hbm>>
    tpu.wait_indirect_dma semaphore(%arg21 : memref<!tpu.dma_semaphore, #tpu.memory_space<semaphore_mem>>) src(%dma_wait3A_155 : memref<1000000x64xf32, #tpu.memory_space<hbm>>) dst(%arg11 : memref<128x64xf32, #tpu.memory_space<vmem>>)
    %dma_start3A_156 = arith.constant 5 : i32
    %dma_start3A_157 = arith.constant 0 : i32
    %dma_start3A_158 = arith.constant 0 : i32
    %dma_start3A_159 = tpu.memref_slice %arg4[%add3A, %dma_start3A_156, %dma_start3A_157, %dma_start3A_158] : memref<32x100x128x64xf32, #tpu.memory_space<hbm>> -> memref<1x1x128x64xf32, #tpu.memory_space<hbm>>
    %dma_start3A_160 = tpu.memref_squeeze %dma_start3A_159 : memref<1x1x128x64xf32, #tpu.memory_space<hbm>> -> memref<128x64xf32, #tpu.memory_space<hbm>>
    %dma_start3A_161 = arith.constant 0 : i32
    %dma_start3A_162 = arith.constant 0 : i32
    %dma_start3A_163 = tpu.memref_slice %arg4[%add3A, %dma_start3A_156, %dma_start3A_161, %dma_start3A_162] : memref<32x100x128x64xf32, #tpu.memory_space<hbm>> -> memref<1x1x128x64xf32, #tpu.memory_space<hbm>>
    %dma_start3A_164 = tpu.memref_squeeze %dma_start3A_163 : memref<1x1x128x64xf32, #tpu.memory_space<hbm>> -> memref<128x64xf32, #tpu.memory_space<hbm>>
    tpu.enqueue_dma source(%arg11 : memref<128x64xf32, #tpu.memory_space<vmem>>) target(%dma_start3A_164 : memref<128x64xf32, #tpu.memory_space<hbm>>) target_semaphore(%arg31 : memref<!tpu.dma_semaphore, #tpu.memory_space<semaphore_mem>>)
    %dma_wait3A_165 = arith.constant 0 : i32
    %dma_wait3A_166 = arith.constant 0 : i32
    %dma_wait3A_167 = arith.constant 0 : i32
    %dma_wait3A_168 = tpu.memref_slice %arg4[%add3A, %dma_wait3A_165, %dma_wait3A_166, %dma_wait3A_167] : memref<32x100x128x64xf32, #tpu.memory_space<hbm>> -> memref<1x1x128x64xf32, #tpu.memory_space<hbm>>
    %dma_wait3A_169 = tpu.memref_squeeze %dma_wait3A_168 : memref<1x1x128x64xf32, #tpu.memory_space<hbm>> -> memref<128x64xf32, #tpu.memory_space<hbm>>
    %dma_wait3A_170 = arith.constant 0 : i32
    %dma_wait3A_171 = arith.constant 0 : i32
    %dma_wait3A_172 = tpu.memref_slice %arg4[%add3A, %dma_wait3A_165, %dma_wait3A_170, %dma_wait3A_171] : memref<32x100x128x64xf32, #tpu.memory_space<hbm>> -> memref<1x1x128x64xf32, #tpu.memory_space<hbm>>
    %dma_wait3A_173 = tpu.memref_squeeze %dma_wait3A_172 : memref<1x1x128x64xf32, #tpu.memory_space<hbm>> -> memref<128x64xf32, #tpu.memory_space<hbm>>
    tpu.wait_dma2 semaphore(%arg26 : memref<!tpu.dma_semaphore, #tpu.memory_space<semaphore_mem>>) src(%arg6 : memref<128x64xf32, #tpu.memory_space<vmem>>) dst(%dma_wait3A_173 : memref<128x64xf32, #tpu.memory_space<hbm>>)
    %dma_start3A_174 = arith.constant 10 : i32
    %dma_start3A_175 = arith.constant 0 : i32
    %dma_start3A_176 = tpu.memref_slice %arg5[%dma_start3A_174, %dma_start3A_175] : memref<100x128xi32, #tpu.memory_space<vmem>> -> memref<1x128xi32, #tpu.memory_space<vmem>>
    %dma_start3A_177 = tpu.memref_squeeze %dma_start3A_176 : memref<1x128xi32, #tpu.memory_space<vmem>> -> memref<128xi32, #tpu.memory_space<vmem>>
    %dma_start3A_178 = arith.constant 0 : i32
    %dma_start3A_179 = arith.constant 0 : i32
    %dma_start3A_180 = tpu.memref_slice %arg3[%dma_start3A_178, %dma_start3A_179] : memref<1000000x64xf32, #tpu.memory_space<hbm>> -> memref<1000000x64xf32, #tpu.memory_space<hbm>>
    tpu.enqueue_indirect_dma source(%dma_start3A_180 : memref<1000000x64xf32, #tpu.memory_space<hbm>>) target(%arg6 : memref<128x64xf32, #tpu.memory_space<vmem>>) offsets(%dma_start3A_177 : memref<128xi32, #tpu.memory_space<vmem>>) semaphore(%arg16 : memref<!tpu.dma_semaphore, #tpu.memory_space<semaphore_mem>>)
    %dma_wait3A_181 = arith.constant 6 : i32
    %dma_wait3A_182 = arith.constant 0 : i32
    %dma_wait3A_183 = tpu.memref_slice %arg5[%dma_wait3A_181, %dma_wait3A_182] : memref<100x128xi32, #tpu.memory_space<vmem>> -> memref<1x128xi32, #tpu.memory_space<vmem>>
    %dma_wait3A_184 = tpu.memref_squeeze %dma_wait3A_183 : memref<1x128xi32, #tpu.memory_space<vmem>> -> memref<128xi32, #tpu.memory_space<vmem>>
    %dma_wait3A_185 = arith.constant 0 : i32
    %dma_wait3A_186 = arith.constant 0 : i32
    %dma_wait3A_187 = tpu.memref_slice %arg3[%dma_wait3A_185, %dma_wait3A_186] : memref<1000000x64xf32, #tpu.memory_space<hbm>> -> memref<1000000x64xf32, #tpu.memory_space<hbm>>
    tpu.wait_indirect_dma semaphore(%arg22 : memref<!tpu.dma_semaphore, #tpu.memory_space<semaphore_mem>>) src(%dma_wait3A_187 : memref<1000000x64xf32, #tpu.memory_space<hbm>>) dst(%arg12 : memref<128x64xf32, #tpu.memory_space<vmem>>)
    %dma_start3A_188 = arith.constant 6 : i32
    %dma_start3A_189 = arith.constant 0 : i32
    %dma_start3A_190 = arith.constant 0 : i32
    %dma_start3A_191 = tpu.memref_slice %arg4[%add3A, %dma_start3A_188, %dma_start3A_189, %dma_start3A_190] : memref<32x100x128x64xf32, #tpu.memory_space<hbm>> -> memref<1x1x128x64xf32, #tpu.memory_space<hbm>>
    %dma_start3A_192 = tpu.memref_squeeze %dma_start3A_191 : memref<1x1x128x64xf32, #tpu.memory_space<hbm>> -> memref<128x64xf32, #tpu.memory_space<hbm>>
    %dma_start3A_193 = arith.constant 0 : i32
    %dma_start3A_194 = arith.constant 0 : i32
    %dma_start3A_195 = tpu.memref_slice %arg4[%add3A, %dma_start3A_188, %dma_start3A_193, %dma_start3A_194] : memref<32x100x128x64xf32, #tpu.memory_space<hbm>> -> memref<1x1x128x64xf32, #tpu.memory_space<hbm>>
    %dma_start3A_196 = tpu.memref_squeeze %dma_start3A_195 : memref<1x1x128x64xf32, #tpu.memory_space<hbm>> -> memref<128x64xf32, #tpu.memory_space<hbm>>
    tpu.enqueue_dma source(%arg12 : memref<128x64xf32, #tpu.memory_space<vmem>>) target(%dma_start3A_196 : memref<128x64xf32, #tpu.memory_space<hbm>>) target_semaphore(%arg32 : memref<!tpu.dma_semaphore, #tpu.memory_space<semaphore_mem>>)
    %dma_wait3A_197 = arith.constant 1 : i32
    %dma_wait3A_198 = arith.constant 0 : i32
    %dma_wait3A_199 = arith.constant 0 : i32
    %dma_wait3A_200 = tpu.memref_slice %arg4[%add3A, %dma_wait3A_197, %dma_wait3A_198, %dma_wait3A_199] : memref<32x100x128x64xf32, #tpu.memory_space<hbm>> -> memref<1x1x128x64xf32, #tpu.memory_space<hbm>>
    %dma_wait3A_201 = tpu.memref_squeeze %dma_wait3A_200 : memref<1x1x128x64xf32, #tpu.memory_space<hbm>> -> memref<128x64xf32, #tpu.memory_space<hbm>>
    %dma_wait3A_202 = arith.constant 0 : i32
    %dma_wait3A_203 = arith.constant 0 : i32
    %dma_wait3A_204 = tpu.memref_slice %arg4[%add3A, %dma_wait3A_197, %dma_wait3A_202, %dma_wait3A_203] : memref<32x100x128x64xf32, #tpu.memory_space<hbm>> -> memref<1x1x128x64xf32, #tpu.memory_space<hbm>>
    %dma_wait3A_205 = tpu.memref_squeeze %dma_wait3A_204 : memref<1x1x128x64xf32, #tpu.memory_space<hbm>> -> memref<128x64xf32, #tpu.memory_space<hbm>>
    tpu.wait_dma2 semaphore(%arg27 : memref<!tpu.dma_semaphore, #tpu.memory_space<semaphore_mem>>) src(%arg7 : memref<128x64xf32, #tpu.memory_space<vmem>>) dst(%dma_wait3A_205 : memref<128x64xf32, #tpu.memory_space<hbm>>)
    %dma_start3A_206 = arith.constant 11 : i32
    %dma_start3A_207 = arith.constant 0 : i32
    %dma_start3A_208 = tpu.memref_slice %arg5[%dma_start3A_206, %dma_start3A_207] : memref<100x128xi32, #tpu.memory_space<vmem>> -> memref<1x128xi32, #tpu.memory_space<vmem>>
    %dma_start3A_209 = tpu.memref_squeeze %dma_start3A_208 : memref<1x128xi32, #tpu.memory_space<vmem>> -> memref<128xi32, #tpu.memory_space<vmem>>
    %dma_start3A_210 = arith.constant 0 : i32
    %dma_start3A_211 = arith.constant 0 : i32
    %dma_start3A_212 = tpu.memref_slice %arg3[%dma_start3A_210, %dma_start3A_211] : memref<1000000x64xf32, #tpu.memory_space<hbm>> -> memref<1000000x64xf32, #tpu.memory_space<hbm>>
    tpu.enqueue_indirect_dma source(%dma_start3A_212 : memref<1000000x64xf32, #tpu.memory_space<hbm>>) target(%arg7 : memref<128x64xf32, #tpu.memory_space<vmem>>) offsets(%dma_start3A_209 : memref<128xi32, #tpu.memory_space<vmem>>) semaphore(%arg17 : memref<!tpu.dma_semaphore, #tpu.memory_space<semaphore_mem>>)
    %dma_wait3A_213 = arith.constant 7 : i32
    %dma_wait3A_214 = arith.constant 0 : i32
    %dma_wait3A_215 = tpu.memref_slice %arg5[%dma_wait3A_213, %dma_wait3A_214] : memref<100x128xi32, #tpu.memory_space<vmem>> -> memref<1x128xi32, #tpu.memory_space<vmem>>
    %dma_wait3A_216 = tpu.memref_squeeze %dma_wait3A_215 : memref<1x128xi32, #tpu.memory_space<vmem>> -> memref<128xi32, #tpu.memory_space<vmem>>
    %dma_wait3A_217 = arith.constant 0 : i32
    %dma_wait3A_218 = arith.constant 0 : i32
    %dma_wait3A_219 = tpu.memref_slice %arg3[%dma_wait3A_217, %dma_wait3A_218] : memref<1000000x64xf32, #tpu.memory_space<hbm>> -> memref<1000000x64xf32, #tpu.memory_space<hbm>>
    tpu.wait_indirect_dma semaphore(%arg23 : memref<!tpu.dma_semaphore, #tpu.memory_space<semaphore_mem>>) src(%dma_wait3A_219 : memref<1000000x64xf32, #tpu.memory_space<hbm>>) dst(%arg13 : memref<128x64xf32, #tpu.memory_space<vmem>>)
    %dma_start3A_220 = arith.constant 7 : i32
    %dma_start3A_221 = arith.constant 0 : i32
    %dma_start3A_222 = arith.constant 0 : i32
    %dma_start3A_223 = tpu.memref_slice %arg4[%add3A, %dma_start3A_220, %dma_start3A_221, %dma_start3A_222] : memref<32x100x128x64xf32, #tpu.memory_space<hbm>> -> memref<1x1x128x64xf32, #tpu.memory_space<hbm>>
    %dma_start3A_224 = tpu.memref_squeeze %dma_start3A_223 : memref<1x1x128x64xf32, #tpu.memory_space<hbm>> -> memref<128x64xf32, #tpu.memory_space<hbm>>
    %dma_start3A_225 = arith.constant 0 : i32
    %dma_start3A_226 = arith.constant 0 : i32
    %dma_start3A_227 = tpu.memref_slice %arg4[%add3A, %dma_start3A_220, %dma_start3A_225, %dma_start3A_226] : memref<32x100x128x64xf32, #tpu.memory_space<hbm>> -> memref<1x1x128x64xf32, #tpu.memory_space<hbm>>
    %dma_start3A_228 = tpu.memref_squeeze %dma_start3A_227 : memref<1x1x128x64xf32, #tpu.memory_space<hbm>> -> memref<128x64xf32, #tpu.memory_space<hbm>>
    tpu.enqueue_dma source(%arg13 : memref<128x64xf32, #tpu.memory_space<vmem>>) target(%dma_start3A_228 : memref<128x64xf32, #tpu.memory_space<hbm>>) target_semaphore(%arg33 : memref<!tpu.dma_semaphore, #tpu.memory_space<semaphore_mem>>)
    %dma_wait3A_229 = arith.constant 2 : i32
    %dma_wait3A_230 = arith.constant 0 : i32
    %dma_wait3A_231 = arith.constant 0 : i32
    %dma_wait3A_232 = tpu.memref_slice %arg4[%add3A, %dma_wait3A_229, %dma_wait3A_230, %dma_wait3A_231] : memref<32x100x128x64xf32, #tpu.memory_space<hbm>> -> memref<1x1x128x64xf32, #tpu.memory_space<hbm>>
    %dma_wait3A_233 = tpu.memref_squeeze %dma_wait3A_232 : memref<1x1x128x64xf32, #tpu.memory_space<hbm>> -> memref<128x64xf32, #tpu.memory_space<hbm>>
    %dma_wait3A_234 = arith.constant 0 : i32
    %dma_wait3A_235 = arith.constant 0 : i32
    %dma_wait3A_236 = tpu.memref_slice %arg4[%add3A, %dma_wait3A_229, %dma_wait3A_234, %dma_wait3A_235] : memref<32x100x128x64xf32, #tpu.memory_space<hbm>> -> memref<1x1x128x64xf32, #tpu.memory_space<hbm>>
    %dma_wait3A_237 = tpu.memref_squeeze %dma_wait3A_236 : memref<1x1x128x64xf32, #tpu.memory_space<hbm>> -> memref<128x64xf32, #tpu.memory_space<hbm>>
    tpu.wait_dma2 semaphore(%arg28 : memref<!tpu.dma_semaphore, #tpu.memory_space<semaphore_mem>>) src(%arg8 : memref<128x64xf32, #tpu.memory_space<vmem>>) dst(%dma_wait3A_237 : memref<128x64xf32, #tpu.memory_space<hbm>>)
    %dma_start3A_238 = arith.constant 12 : i32
    %dma_start3A_239 = arith.constant 0 : i32
    %dma_start3A_240 = tpu.memref_slice %arg5[%dma_start3A_238, %dma_start3A_239] : memref<100x128xi32, #tpu.memory_space<vmem>> -> memref<1x128xi32, #tpu.memory_space<vmem>>
    %dma_start3A_241 = tpu.memref_squeeze %dma_start3A_240 : memref<1x128xi32, #tpu.memory_space<vmem>> -> memref<128xi32, #tpu.memory_space<vmem>>
    %dma_start3A_242 = arith.constant 0 : i32
    %dma_start3A_243 = arith.constant 0 : i32
    %dma_start3A_244 = tpu.memref_slice %arg3[%dma_start3A_242, %dma_start3A_243] : memref<1000000x64xf32, #tpu.memory_space<hbm>> -> memref<1000000x64xf32, #tpu.memory_space<hbm>>
    tpu.enqueue_indirect_dma source(%dma_start3A_244 : memref<1000000x64xf32, #tpu.memory_space<hbm>>) target(%arg8 : memref<128x64xf32, #tpu.memory_space<vmem>>) offsets(%dma_start3A_241 : memref<128xi32, #tpu.memory_space<vmem>>) semaphore(%arg18 : memref<!tpu.dma_semaphore, #tpu.memory_space<semaphore_mem>>)
    %dma_wait3A_245 = arith.constant 8 : i32
    %dma_wait3A_246 = arith.constant 0 : i32
    %dma_wait3A_247 = tpu.memref_slice %arg5[%dma_wait3A_245, %dma_wait3A_246] : memref<100x128xi32, #tpu.memory_space<vmem>> -> memref<1x128xi32, #tpu.memory_space<vmem>>
    %dma_wait3A_248 = tpu.memref_squeeze %dma_wait3A_247 : memref<1x128xi32, #tpu.memory_space<vmem>> -> memref<128xi32, #tpu.memory_space<vmem>>
    %dma_wait3A_249 = arith.constant 0 : i32
    %dma_wait3A_250 = arith.constant 0 : i32
    %dma_wait3A_251 = tpu.memref_slice %arg3[%dma_wait3A_249, %dma_wait3A_250] : memref<1000000x64xf32, #tpu.memory_space<hbm>> -> memref<1000000x64xf32, #tpu.memory_space<hbm>>
    tpu.wait_indirect_dma semaphore(%arg24 : memref<!tpu.dma_semaphore, #tpu.memory_space<semaphore_mem>>) src(%dma_wait3A_251 : memref<1000000x64xf32, #tpu.memory_space<hbm>>) dst(%arg14 : memref<128x64xf32, #tpu.memory_space<vmem>>)
    %dma_start3A_252 = arith.constant 8 : i32
    %dma_start3A_253 = arith.constant 0 : i32
    %dma_start3A_254 = arith.constant 0 : i32
    %dma_start3A_255 = tpu.memref_slice %arg4[%add3A, %dma_start3A_252, %dma_start3A_253, %dma_start3A_254] : memref<32x100x128x64xf32, #tpu.memory_space<hbm>> -> memref<1x1x128x64xf32, #tpu.memory_space<hbm>>
    %dma_start3A_256 = tpu.memref_squeeze %dma_start3A_255 : memref<1x1x128x64xf32, #tpu.memory_space<hbm>> -> memref<128x64xf32, #tpu.memory_space<hbm>>
    %dma_start3A_257 = arith.constant 0 : i32
    %dma_start3A_258 = arith.constant 0 : i32
    %dma_start3A_259 = tpu.memref_slice %arg4[%add3A, %dma_start3A_252, %dma_start3A_257, %dma_start3A_258] : memref<32x100x128x64xf32, #tpu.memory_space<hbm>> -> memref<1x1x128x64xf32, #tpu.memory_space<hbm>>
    %dma_start3A_260 = tpu.memref_squeeze %dma_start3A_259 : memref<1x1x128x64xf32, #tpu.memory_space<hbm>> -> memref<128x64xf32, #tpu.memory_space<hbm>>
    tpu.enqueue_dma source(%arg14 : memref<128x64xf32, #tpu.memory_space<vmem>>) target(%dma_start3A_260 : memref<128x64xf32, #tpu.memory_space<hbm>>) target_semaphore(%arg34 : memref<!tpu.dma_semaphore, #tpu.memory_space<semaphore_mem>>)
    %dma_wait3A_261 = arith.constant 3 : i32
    %dma_wait3A_262 = arith.constant 0 : i32
    %dma_wait3A_263 = arith.constant 0 : i32
    %dma_wait3A_264 = tpu.memref_slice %arg4[%add3A, %dma_wait3A_261, %dma_wait3A_262, %dma_wait3A_263] : memref<32x100x128x64xf32, #tpu.memory_space<hbm>> -> memref<1x1x128x64xf32, #tpu.memory_space<hbm>>
    %dma_wait3A_265 = tpu.memref_squeeze %dma_wait3A_264 : memref<1x1x128x64xf32, #tpu.memory_space<hbm>> -> memref<128x64xf32, #tpu.memory_space<hbm>>
    %dma_wait3A_266 = arith.constant 0 : i32
    %dma_wait3A_267 = arith.constant 0 : i32
    %dma_wait3A_268 = tpu.memref_slice %arg4[%add3A, %dma_wait3A_261, %dma_wait3A_266, %dma_wait3A_267] : memref<32x100x128x64xf32, #tpu.memory_space<hbm>> -> memref<1x1x128x64xf32, #tpu.memory_space<hbm>>
    %dma_wait3A_269 = tpu.memref_squeeze %dma_wait3A_268 : memref<1x1x128x64xf32, #tpu.memory_space<hbm>> -> memref<128x64xf32, #tpu.memory_space<hbm>>
    tpu.wait_dma2 semaphore(%arg29 : memref<!tpu.dma_semaphore, #tpu.memory_space<semaphore_mem>>) src(%arg9 : memref<128x64xf32, #tpu.memory_space<vmem>>) dst(%dma_wait3A_269 : memref<128x64xf32, #tpu.memory_space<hbm>>)
    %dma_start3A_270 = arith.constant 13 : i32
    %dma_start3A_271 = arith.constant 0 : i32
    %dma_start3A_272 = tpu.memref_slice %arg5[%dma_start3A_270, %dma_start3A_271] : memref<100x128xi32, #tpu.memory_space<vmem>> -> memref<1x128xi32, #tpu.memory_space<vmem>>
    %dma_start3A_273 = tpu.memref_squeeze %dma_start3A_272 : memref<1x128xi32, #tpu.memory_space<vmem>> -> memref<128xi32, #tpu.memory_space<vmem>>
    %dma_start3A_274 = arith.constant 0 : i32
    %dma_start3A_275 = arith.constant 0 : i32
    %dma_start3A_276 = tpu.memref_slice %arg3[%dma_start3A_274, %dma_start3A_275] : memref<1000000x64xf32, #tpu.memory_space<hbm>> -> memref<1000000x64xf32, #tpu.memory_space<hbm>>
    tpu.enqueue_indirect_dma source(%dma_start3A_276 : memref<1000000x64xf32, #tpu.memory_space<hbm>>) target(%arg9 : memref<128x64xf32, #tpu.memory_space<vmem>>) offsets(%dma_start3A_273 : memref<128xi32, #tpu.memory_space<vmem>>) semaphore(%arg19 : memref<!tpu.dma_semaphore, #tpu.memory_space<semaphore_mem>>)
    %dma_wait3A_277 = arith.constant 9 : i32
    %dma_wait3A_278 = arith.constant 0 : i32
    %dma_wait3A_279 = tpu.memref_slice %arg5[%dma_wait3A_277, %dma_wait3A_278] : memref<100x128xi32, #tpu.memory_space<vmem>> -> memref<1x128xi32, #tpu.memory_space<vmem>>
    %dma_wait3A_280 = tpu.memref_squeeze %dma_wait3A_279 : memref<1x128xi32, #tpu.memory_space<vmem>> -> memref<128xi32, #tpu.memory_space<vmem>>
    %dma_wait3A_281 = arith.constant 0 : i32
    %dma_wait3A_282 = arith.constant 0 : i32
    %dma_wait3A_283 = tpu.memref_slice %arg3[%dma_wait3A_281, %dma_wait3A_282] : memref<1000000x64xf32, #tpu.memory_space<hbm>> -> memref<1000000x64xf32, #tpu.memory_space<hbm>>
    tpu.wait_indirect_dma semaphore(%arg25 : memref<!tpu.dma_semaphore, #tpu.memory_space<semaphore_mem>>) src(%dma_wait3A_283 : memref<1000000x64xf32, #tpu.memory_space<hbm>>) dst(%arg15 : memref<128x64xf32, #tpu.memory_space<vmem>>)
    %dma_start3A_284 = arith.constant 9 : i32
    %dma_start3A_285 = arith.constant 0 : i32
    %dma_start3A_286 = arith.constant 0 : i32
    %dma_start3A_287 = tpu.memref_slice %arg4[%add3A, %dma_start3A_284, %dma_start3A_285, %dma_start3A_286] : memref<32x100x128x64xf32, #tpu.memory_space<hbm>> -> memref<1x1x128x64xf32, #tpu.memory_space<hbm>>
    %dma_start3A_288 = tpu.memref_squeeze %dma_start3A_287 : memref<1x1x128x64xf32, #tpu.memory_space<hbm>> -> memref<128x64xf32, #tpu.memory_space<hbm>>
    %dma_start3A_289 = arith.constant 0 : i32
    %dma_start3A_290 = arith.constant 0 : i32
    %dma_start3A_291 = tpu.memref_slice %arg4[%add3A, %dma_start3A_284, %dma_start3A_289, %dma_start3A_290] : memref<32x100x128x64xf32, #tpu.memory_space<hbm>> -> memref<1x1x128x64xf32, #tpu.memory_space<hbm>>
    %dma_start3A_292 = tpu.memref_squeeze %dma_start3A_291 : memref<1x1x128x64xf32, #tpu.memory_space<hbm>> -> memref<128x64xf32, #tpu.memory_space<hbm>>
    tpu.enqueue_dma source(%arg15 : memref<128x64xf32, #tpu.memory_space<vmem>>) target(%dma_start3A_292 : memref<128x64xf32, #tpu.memory_space<hbm>>) target_semaphore(%arg35 : memref<!tpu.dma_semaphore, #tpu.memory_space<semaphore_mem>>)
    %dma_wait3A_293 = arith.constant 4 : i32
    %dma_wait3A_294 = arith.constant 0 : i32
    %dma_wait3A_295 = arith.constant 0 : i32
    %dma_wait3A_296 = tpu.memref_slice %arg4[%add3A, %dma_wait3A_293, %dma_wait3A_294, %dma_wait3A_295] : memref<32x100x128x64xf32, #tpu.memory_space<hbm>> -> memref<1x1x128x64xf32, #tpu.memory_space<hbm>>
    %dma_wait3A_297 = tpu.memref_squeeze %dma_wait3A_296 : memref<1x1x128x64xf32, #tpu.memory_space<hbm>> -> memref<128x64xf32, #tpu.memory_space<hbm>>
    %dma_wait3A_298 = arith.constant 0 : i32
    %dma_wait3A_299 = arith.constant 0 : i32
    %dma_wait3A_300 = tpu.memref_slice %arg4[%add3A, %dma_wait3A_293, %dma_wait3A_298, %dma_wait3A_299] : memref<32x100x128x64xf32, #tpu.memory_space<hbm>> -> memref<1x1x128x64xf32, #tpu.memory_space<hbm>>
    %dma_wait3A_301 = tpu.memref_squeeze %dma_wait3A_300 : memref<1x1x128x64xf32, #tpu.memory_space<hbm>> -> memref<128x64xf32, #tpu.memory_space<hbm>>
    tpu.wait_dma2 semaphore(%arg30 : memref<!tpu.dma_semaphore, #tpu.memory_space<semaphore_mem>>) src(%arg10 : memref<128x64xf32, #tpu.memory_space<vmem>>) dst(%dma_wait3A_301 : memref<128x64xf32, #tpu.memory_space<hbm>>)
    %dma_start3A_302 = arith.constant 14 : i32
    %dma_start3A_303 = arith.constant 0 : i32
    %dma_start3A_304 = tpu.memref_slice %arg5[%dma_start3A_302, %dma_start3A_303] : memref<100x128xi32, #tpu.memory_space<vmem>> -> memref<1x128xi32, #tpu.memory_space<vmem>>
    %dma_start3A_305 = tpu.memref_squeeze %dma_start3A_304 : memref<1x128xi32, #tpu.memory_space<vmem>> -> memref<128xi32, #tpu.memory_space<vmem>>
    %dma_start3A_306 = arith.constant 0 : i32
    %dma_start3A_307 = arith.constant 0 : i32
    %dma_start3A_308 = tpu.memref_slice %arg3[%dma_start3A_306, %dma_start3A_307] : memref<1000000x64xf32, #tpu.memory_space<hbm>> -> memref<1000000x64xf32, #tpu.memory_space<hbm>>
    tpu.enqueue_indirect_dma source(%dma_start3A_308 : memref<1000000x64xf32, #tpu.memory_space<hbm>>) target(%arg10 : memref<128x64xf32, #tpu.memory_space<vmem>>) offsets(%dma_start3A_305 : memref<128xi32, #tpu.memory_space<vmem>>) semaphore(%arg20 : memref<!tpu.dma_semaphore, #tpu.memory_space<semaphore_mem>>)
    %scan3A = arith.constant 0 : i32
    %scan3A_309 = arith.constant 1 : i32
    %scan3A_310 = arith.constant 8 : i32
    %scan3A_311 = arith.addi %scan3A_309, %scan3A_310 : i32
    %scan3A_312 = arith.constant 1 : i32
    scf.for %scan3A_644 = %scan3A_309 to %scan3A_311 step %scan3A_312  : i32 {
      %mul3A_645 = arith.constant 10 : i32
      %mul3A_646 = arith.muli %scan3A_644, %mul3A_645 : i32
      %add3A_647 = arith.constant 0 : i32
      %add3A_648 = arith.addi %mul3A_646, %add3A_647 : i32
      %dma_wait3A_649 = arith.constant 0 : i32
      %dma_wait3A_650 = tpu.memref_slice %arg5[%add3A_648, %dma_wait3A_649] : memref<100x128xi32, #tpu.memory_space<vmem>> -> memref<1x128xi32, #tpu.memory_space<vmem>>
      %dma_wait3A_651 = tpu.memref_squeeze %dma_wait3A_650 : memref<1x128xi32, #tpu.memory_space<vmem>> -> memref<128xi32, #tpu.memory_space<vmem>>
      %dma_wait3A_652 = arith.constant 0 : i32
      %dma_wait3A_653 = arith.constant 0 : i32
      %dma_wait3A_654 = tpu.memref_slice %arg3[%dma_wait3A_652, %dma_wait3A_653] : memref<1000000x64xf32, #tpu.memory_space<hbm>> -> memref<1000000x64xf32, #tpu.memory_space<hbm>>
      tpu.wait_indirect_dma semaphore(%arg16 : memref<!tpu.dma_semaphore, #tpu.memory_space<semaphore_mem>>) src(%dma_wait3A_654 : memref<1000000x64xf32, #tpu.memory_space<hbm>>) dst(%arg6 : memref<128x64xf32, #tpu.memory_space<vmem>>)
      %dma_start3A_655 = arith.constant 0 : i32
      %dma_start3A_656 = arith.constant 0 : i32
      %dma_start3A_657 = tpu.memref_slice %arg4[%add3A, %add3A_648, %dma_start3A_655, %dma_start3A_656] : memref<32x100x128x64xf32, #tpu.memory_space<hbm>> -> memref<1x1x128x64xf32, #tpu.memory_space<hbm>>
      %dma_start3A_658 = tpu.memref_squeeze %dma_start3A_657 : memref<1x1x128x64xf32, #tpu.memory_space<hbm>> -> memref<128x64xf32, #tpu.memory_space<hbm>>
      %dma_start3A_659 = arith.constant 0 : i32
      %dma_start3A_660 = arith.constant 0 : i32
      %dma_start3A_661 = tpu.memref_slice %arg4[%add3A, %add3A_648, %dma_start3A_659, %dma_start3A_660] : memref<32x100x128x64xf32, #tpu.memory_space<hbm>> -> memref<1x1x128x64xf32, #tpu.memory_space<hbm>>
      %dma_start3A_662 = tpu.memref_squeeze %dma_start3A_661 : memref<1x1x128x64xf32, #tpu.memory_space<hbm>> -> memref<128x64xf32, #tpu.memory_space<hbm>>
      tpu.enqueue_dma source(%arg6 : memref<128x64xf32, #tpu.memory_space<vmem>>) target(%dma_start3A_662 : memref<128x64xf32, #tpu.memory_space<hbm>>) target_semaphore(%arg26 : memref<!tpu.dma_semaphore, #tpu.memory_space<semaphore_mem>>)
      %add3A_663 = arith.constant 5 : i32
      %add3A_664 = arith.addi %add3A_648, %add3A_663 : i32
      %sub3A = arith.constant 10 : i32
      %sub3A_665 = arith.subi %add3A_664, %sub3A : i32
      %dma_wait3A_666 = arith.constant 0 : i32
      %dma_wait3A_667 = arith.constant 0 : i32
      %dma_wait3A_668 = tpu.memref_slice %arg4[%add3A, %sub3A_665, %dma_wait3A_666, %dma_wait3A_667] : memref<32x100x128x64xf32, #tpu.memory_space<hbm>> -> memref<1x1x128x64xf32, #tpu.memory_space<hbm>>
      %dma_wait3A_669 = tpu.memref_squeeze %dma_wait3A_668 : memref<1x1x128x64xf32, #tpu.memory_space<hbm>> -> memref<128x64xf32, #tpu.memory_space<hbm>>
      %dma_wait3A_670 = arith.constant 0 : i32
      %dma_wait3A_671 = arith.constant 0 : i32
      %dma_wait3A_672 = tpu.memref_slice %arg4[%add3A, %sub3A_665, %dma_wait3A_670, %dma_wait3A_671] : memref<32x100x128x64xf32, #tpu.memory_space<hbm>> -> memref<1x1x128x64xf32, #tpu.memory_space<hbm>>
      %dma_wait3A_673 = tpu.memref_squeeze %dma_wait3A_672 : memref<1x1x128x64xf32, #tpu.memory_space<hbm>> -> memref<128x64xf32, #tpu.memory_space<hbm>>
      tpu.wait_dma2 semaphore(%arg31 : memref<!tpu.dma_semaphore, #tpu.memory_space<semaphore_mem>>) src(%arg11 : memref<128x64xf32, #tpu.memory_space<vmem>>) dst(%dma_wait3A_673 : memref<128x64xf32, #tpu.memory_space<hbm>>)
      %dma_start3A_674 = arith.constant 0 : i32
      %dma_start3A_675 = tpu.memref_slice %arg5[%add3A_664, %dma_start3A_674] : memref<100x128xi32, #tpu.memory_space<vmem>> -> memref<1x128xi32, #tpu.memory_space<vmem>>
      %dma_start3A_676 = tpu.memref_squeeze %dma_start3A_675 : memref<1x128xi32, #tpu.memory_space<vmem>> -> memref<128xi32, #tpu.memory_space<vmem>>
      %dma_start3A_677 = arith.constant 0 : i32
      %dma_start3A_678 = arith.constant 0 : i32
      %dma_start3A_679 = tpu.memref_slice %arg3[%dma_start3A_677, %dma_start3A_678] : memref<1000000x64xf32, #tpu.memory_space<hbm>> -> memref<1000000x64xf32, #tpu.memory_space<hbm>>
      tpu.enqueue_indirect_dma source(%dma_start3A_679 : memref<1000000x64xf32, #tpu.memory_space<hbm>>) target(%arg11 : memref<128x64xf32, #tpu.memory_space<vmem>>) offsets(%dma_start3A_676 : memref<128xi32, #tpu.memory_space<vmem>>) semaphore(%arg21 : memref<!tpu.dma_semaphore, #tpu.memory_space<semaphore_mem>>)
      %add3A_680 = arith.constant 1 : i32
      %add3A_681 = arith.addi %mul3A_646, %add3A_680 : i32
      %dma_wait3A_682 = arith.constant 0 : i32
      %dma_wait3A_683 = tpu.memref_slice %arg5[%add3A_681, %dma_wait3A_682] : memref<100x128xi32, #tpu.memory_space<vmem>> -> memref<1x128xi32, #tpu.memory_space<vmem>>
      %dma_wait3A_684 = tpu.memref_squeeze %dma_wait3A_683 : memref<1x128xi32, #tpu.memory_space<vmem>> -> memref<128xi32, #tpu.memory_space<vmem>>
      %dma_wait3A_685 = arith.constant 0 : i32
      %dma_wait3A_686 = arith.constant 0 : i32
      %dma_wait3A_687 = tpu.memref_slice %arg3[%dma_wait3A_685, %dma_wait3A_686] : memref<1000000x64xf32, #tpu.memory_space<hbm>> -> memref<1000000x64xf32, #tpu.memory_space<hbm>>
      tpu.wait_indirect_dma semaphore(%arg17 : memref<!tpu.dma_semaphore, #tpu.memory_space<semaphore_mem>>) src(%dma_wait3A_687 : memref<1000000x64xf32, #tpu.memory_space<hbm>>) dst(%arg7 : memref<128x64xf32, #tpu.memory_space<vmem>>)
      %dma_start3A_688 = arith.constant 0 : i32
      %dma_start3A_689 = arith.constant 0 : i32
      %dma_start3A_690 = tpu.memref_slice %arg4[%add3A, %add3A_681, %dma_start3A_688, %dma_start3A_689] : memref<32x100x128x64xf32, #tpu.memory_space<hbm>> -> memref<1x1x128x64xf32, #tpu.memory_space<hbm>>
      %dma_start3A_691 = tpu.memref_squeeze %dma_start3A_690 : memref<1x1x128x64xf32, #tpu.memory_space<hbm>> -> memref<128x64xf32, #tpu.memory_space<hbm>>
      %dma_start3A_692 = arith.constant 0 : i32
      %dma_start3A_693 = arith.constant 0 : i32
      %dma_start3A_694 = tpu.memref_slice %arg4[%add3A, %add3A_681, %dma_start3A_692, %dma_start3A_693] : memref<32x100x128x64xf32, #tpu.memory_space<hbm>> -> memref<1x1x128x64xf32, #tpu.memory_space<hbm>>
      %dma_start3A_695 = tpu.memref_squeeze %dma_start3A_694 : memref<1x1x128x64xf32, #tpu.memory_space<hbm>> -> memref<128x64xf32, #tpu.memory_space<hbm>>
      tpu.enqueue_dma source(%arg7 : memref<128x64xf32, #tpu.memory_space<vmem>>) target(%dma_start3A_695 : memref<128x64xf32, #tpu.memory_space<hbm>>) target_semaphore(%arg27 : memref<!tpu.dma_semaphore, #tpu.memory_space<semaphore_mem>>)
      %add3A_696 = arith.constant 5 : i32
      %add3A_697 = arith.addi %add3A_681, %add3A_696 : i32
      %sub3A_698 = arith.constant 10 : i32
      %sub3A_699 = arith.subi %add3A_697, %sub3A_698 : i32
      %dma_wait3A_700 = arith.constant 0 : i32
      %dma_wait3A_701 = arith.constant 0 : i32
      %dma_wait3A_702 = tpu.memref_slice %arg4[%add3A, %sub3A_699, %dma_wait3A_700, %dma_wait3A_701] : memref<32x100x128x64xf32, #tpu.memory_space<hbm>> -> memref<1x1x128x64xf32, #tpu.memory_space<hbm>>
      %dma_wait3A_703 = tpu.memref_squeeze %dma_wait3A_702 : memref<1x1x128x64xf32, #tpu.memory_space<hbm>> -> memref<128x64xf32, #tpu.memory_space<hbm>>
      %dma_wait3A_704 = arith.constant 0 : i32
      %dma_wait3A_705 = arith.constant 0 : i32
      %dma_wait3A_706 = tpu.memref_slice %arg4[%add3A, %sub3A_699, %dma_wait3A_704, %dma_wait3A_705] : memref<32x100x128x64xf32, #tpu.memory_space<hbm>> -> memref<1x1x128x64xf32, #tpu.memory_space<hbm>>
      %dma_wait3A_707 = tpu.memref_squeeze %dma_wait3A_706 : memref<1x1x128x64xf32, #tpu.memory_space<hbm>> -> memref<128x64xf32, #tpu.memory_space<hbm>>
      tpu.wait_dma2 semaphore(%arg32 : memref<!tpu.dma_semaphore, #tpu.memory_space<semaphore_mem>>) src(%arg12 : memref<128x64xf32, #tpu.memory_space<vmem>>) dst(%dma_wait3A_707 : memref<128x64xf32, #tpu.memory_space<hbm>>)
      %dma_start3A_708 = arith.constant 0 : i32
      %dma_start3A_709 = tpu.memref_slice %arg5[%add3A_697, %dma_start3A_708] : memref<100x128xi32, #tpu.memory_space<vmem>> -> memref<1x128xi32, #tpu.memory_space<vmem>>
      %dma_start3A_710 = tpu.memref_squeeze %dma_start3A_709 : memref<1x128xi32, #tpu.memory_space<vmem>> -> memref<128xi32, #tpu.memory_space<vmem>>
      %dma_start3A_711 = arith.constant 0 : i32
      %dma_start3A_712 = arith.constant 0 : i32
      %dma_start3A_713 = tpu.memref_slice %arg3[%dma_start3A_711, %dma_start3A_712] : memref<1000000x64xf32, #tpu.memory_space<hbm>> -> memref<1000000x64xf32, #tpu.memory_space<hbm>>
      tpu.enqueue_indirect_dma source(%dma_start3A_713 : memref<1000000x64xf32, #tpu.memory_space<hbm>>) target(%arg12 : memref<128x64xf32, #tpu.memory_space<vmem>>) offsets(%dma_start3A_710 : memref<128xi32, #tpu.memory_space<vmem>>) semaphore(%arg22 : memref<!tpu.dma_semaphore, #tpu.memory_space<semaphore_mem>>)
      %add3A_714 = arith.constant 2 : i32
      %add3A_715 = arith.addi %mul3A_646, %add3A_714 : i32
      %dma_wait3A_716 = arith.constant 0 : i32
      %dma_wait3A_717 = tpu.memref_slice %arg5[%add3A_715, %dma_wait3A_716] : memref<100x128xi32, #tpu.memory_space<vmem>> -> memref<1x128xi32, #tpu.memory_space<vmem>>
      %dma_wait3A_718 = tpu.memref_squeeze %dma_wait3A_717 : memref<1x128xi32, #tpu.memory_space<vmem>> -> memref<128xi32, #tpu.memory_space<vmem>>
      %dma_wait3A_719 = arith.constant 0 : i32
      %dma_wait3A_720 = arith.constant 0 : i32
      %dma_wait3A_721 = tpu.memref_slice %arg3[%dma_wait3A_719, %dma_wait3A_720] : memref<1000000x64xf32, #tpu.memory_space<hbm>> -> memref<1000000x64xf32, #tpu.memory_space<hbm>>
      tpu.wait_indirect_dma semaphore(%arg18 : memref<!tpu.dma_semaphore, #tpu.memory_space<semaphore_mem>>) src(%dma_wait3A_721 : memref<1000000x64xf32, #tpu.memory_space<hbm>>) dst(%arg8 : memref<128x64xf32, #tpu.memory_space<vmem>>)
      %dma_start3A_722 = arith.constant 0 : i32
      %dma_start3A_723 = arith.constant 0 : i32
      %dma_start3A_724 = tpu.memref_slice %arg4[%add3A, %add3A_715, %dma_start3A_722, %dma_start3A_723] : memref<32x100x128x64xf32, #tpu.memory_space<hbm>> -> memref<1x1x128x64xf32, #tpu.memory_space<hbm>>
      %dma_start3A_725 = tpu.memref_squeeze %dma_start3A_724 : memref<1x1x128x64xf32, #tpu.memory_space<hbm>> -> memref<128x64xf32, #tpu.memory_space<hbm>>
      %dma_start3A_726 = arith.constant 0 : i32
      %dma_start3A_727 = arith.constant 0 : i32
      %dma_start3A_728 = tpu.memref_slice %arg4[%add3A, %add3A_715, %dma_start3A_726, %dma_start3A_727] : memref<32x100x128x64xf32, #tpu.memory_space<hbm>> -> memref<1x1x128x64xf32, #tpu.memory_space<hbm>>
      %dma_start3A_729 = tpu.memref_squeeze %dma_start3A_728 : memref<1x1x128x64xf32, #tpu.memory_space<hbm>> -> memref<128x64xf32, #tpu.memory_space<hbm>>
      tpu.enqueue_dma source(%arg8 : memref<128x64xf32, #tpu.memory_space<vmem>>) target(%dma_start3A_729 : memref<128x64xf32, #tpu.memory_space<hbm>>) target_semaphore(%arg28 : memref<!tpu.dma_semaphore, #tpu.memory_space<semaphore_mem>>)
      %add3A_730 = arith.constant 5 : i32
      %add3A_731 = arith.addi %add3A_715, %add3A_730 : i32
      %sub3A_732 = arith.constant 10 : i32
      %sub3A_733 = arith.subi %add3A_731, %sub3A_732 : i32
      %dma_wait3A_734 = arith.constant 0 : i32
      %dma_wait3A_735 = arith.constant 0 : i32
      %dma_wait3A_736 = tpu.memref_slice %arg4[%add3A, %sub3A_733, %dma_wait3A_734, %dma_wait3A_735] : memref<32x100x128x64xf32, #tpu.memory_space<hbm>> -> memref<1x1x128x64xf32, #tpu.memory_space<hbm>>
      %dma_wait3A_737 = tpu.memref_squeeze %dma_wait3A_736 : memref<1x1x128x64xf32, #tpu.memory_space<hbm>> -> memref<128x64xf32, #tpu.memory_space<hbm>>
      %dma_wait3A_738 = arith.constant 0 : i32
      %dma_wait3A_739 = arith.constant 0 : i32
      %dma_wait3A_740 = tpu.memref_slice %arg4[%add3A, %sub3A_733, %dma_wait3A_738, %dma_wait3A_739] : memref<32x100x128x64xf32, #tpu.memory_space<hbm>> -> memref<1x1x128x64xf32, #tpu.memory_space<hbm>>
      %dma_wait3A_741 = tpu.memref_squeeze %dma_wait3A_740 : memref<1x1x128x64xf32, #tpu.memory_space<hbm>> -> memref<128x64xf32, #tpu.memory_space<hbm>>
      tpu.wait_dma2 semaphore(%arg33 : memref<!tpu.dma_semaphore, #tpu.memory_space<semaphore_mem>>) src(%arg13 : memref<128x64xf32, #tpu.memory_space<vmem>>) dst(%dma_wait3A_741 : memref<128x64xf32, #tpu.memory_space<hbm>>)
      %dma_start3A_742 = arith.constant 0 : i32
      %dma_start3A_743 = tpu.memref_slice %arg5[%add3A_731, %dma_start3A_742] : memref<100x128xi32, #tpu.memory_space<vmem>> -> memref<1x128xi32, #tpu.memory_space<vmem>>
      %dma_start3A_744 = tpu.memref_squeeze %dma_start3A_743 : memref<1x128xi32, #tpu.memory_space<vmem>> -> memref<128xi32, #tpu.memory_space<vmem>>
      %dma_start3A_745 = arith.constant 0 : i32
      %dma_start3A_746 = arith.constant 0 : i32
      %dma_start3A_747 = tpu.memref_slice %arg3[%dma_start3A_745, %dma_start3A_746] : memref<1000000x64xf32, #tpu.memory_space<hbm>> -> memref<1000000x64xf32, #tpu.memory_space<hbm>>
      tpu.enqueue_indirect_dma source(%dma_start3A_747 : memref<1000000x64xf32, #tpu.memory_space<hbm>>) target(%arg13 : memref<128x64xf32, #tpu.memory_space<vmem>>) offsets(%dma_start3A_744 : memref<128xi32, #tpu.memory_space<vmem>>) semaphore(%arg23 : memref<!tpu.dma_semaphore, #tpu.memory_space<semaphore_mem>>)
      %add3A_748 = arith.constant 3 : i32
      %add3A_749 = arith.addi %mul3A_646, %add3A_748 : i32
      %dma_wait3A_750 = arith.constant 0 : i32
      %dma_wait3A_751 = tpu.memref_slice %arg5[%add3A_749, %dma_wait3A_750] : memref<100x128xi32, #tpu.memory_space<vmem>> -> memref<1x128xi32, #tpu.memory_space<vmem>>
      %dma_wait3A_752 = tpu.memref_squeeze %dma_wait3A_751 : memref<1x128xi32, #tpu.memory_space<vmem>> -> memref<128xi32, #tpu.memory_space<vmem>>
      %dma_wait3A_753 = arith.constant 0 : i32
      %dma_wait3A_754 = arith.constant 0 : i32
      %dma_wait3A_755 = tpu.memref_slice %arg3[%dma_wait3A_753, %dma_wait3A_754] : memref<1000000x64xf32, #tpu.memory_space<hbm>> -> memref<1000000x64xf32, #tpu.memory_space<hbm>>
      tpu.wait_indirect_dma semaphore(%arg19 : memref<!tpu.dma_semaphore, #tpu.memory_space<semaphore_mem>>) src(%dma_wait3A_755 : memref<1000000x64xf32, #tpu.memory_space<hbm>>) dst(%arg9 : memref<128x64xf32, #tpu.memory_space<vmem>>)
      %dma_start3A_756 = arith.constant 0 : i32
      %dma_start3A_757 = arith.constant 0 : i32
      %dma_start3A_758 = tpu.memref_slice %arg4[%add3A, %add3A_749, %dma_start3A_756, %dma_start3A_757] : memref<32x100x128x64xf32, #tpu.memory_space<hbm>> -> memref<1x1x128x64xf32, #tpu.memory_space<hbm>>
      %dma_start3A_759 = tpu.memref_squeeze %dma_start3A_758 : memref<1x1x128x64xf32, #tpu.memory_space<hbm>> -> memref<128x64xf32, #tpu.memory_space<hbm>>
      %dma_start3A_760 = arith.constant 0 : i32
      %dma_start3A_761 = arith.constant 0 : i32
      %dma_start3A_762 = tpu.memref_slice %arg4[%add3A, %add3A_749, %dma_start3A_760, %dma_start3A_761] : memref<32x100x128x64xf32, #tpu.memory_space<hbm>> -> memref<1x1x128x64xf32, #tpu.memory_space<hbm>>
      %dma_start3A_763 = tpu.memref_squeeze %dma_start3A_762 : memref<1x1x128x64xf32, #tpu.memory_space<hbm>> -> memref<128x64xf32, #tpu.memory_space<hbm>>
      tpu.enqueue_dma source(%arg9 : memref<128x64xf32, #tpu.memory_space<vmem>>) target(%dma_start3A_763 : memref<128x64xf32, #tpu.memory_space<hbm>>) target_semaphore(%arg29 : memref<!tpu.dma_semaphore, #tpu.memory_space<semaphore_mem>>)
      %add3A_764 = arith.constant 5 : i32
      %add3A_765 = arith.addi %add3A_749, %add3A_764 : i32
      %sub3A_766 = arith.constant 10 : i32
      %sub3A_767 = arith.subi %add3A_765, %sub3A_766 : i32
      %dma_wait3A_768 = arith.constant 0 : i32
      %dma_wait3A_769 = arith.constant 0 : i32
      %dma_wait3A_770 = tpu.memref_slice %arg4[%add3A, %sub3A_767, %dma_wait3A_768, %dma_wait3A_769] : memref<32x100x128x64xf32, #tpu.memory_space<hbm>> -> memref<1x1x128x64xf32, #tpu.memory_space<hbm>>
      %dma_wait3A_771 = tpu.memref_squeeze %dma_wait3A_770 : memref<1x1x128x64xf32, #tpu.memory_space<hbm>> -> memref<128x64xf32, #tpu.memory_space<hbm>>
      %dma_wait3A_772 = arith.constant 0 : i32
      %dma_wait3A_773 = arith.constant 0 : i32
      %dma_wait3A_774 = tpu.memref_slice %arg4[%add3A, %sub3A_767, %dma_wait3A_772, %dma_wait3A_773] : memref<32x100x128x64xf32, #tpu.memory_space<hbm>> -> memref<1x1x128x64xf32, #tpu.memory_space<hbm>>
      %dma_wait3A_775 = tpu.memref_squeeze %dma_wait3A_774 : memref<1x1x128x64xf32, #tpu.memory_space<hbm>> -> memref<128x64xf32, #tpu.memory_space<hbm>>
      tpu.wait_dma2 semaphore(%arg34 : memref<!tpu.dma_semaphore, #tpu.memory_space<semaphore_mem>>) src(%arg14 : memref<128x64xf32, #tpu.memory_space<vmem>>) dst(%dma_wait3A_775 : memref<128x64xf32, #tpu.memory_space<hbm>>)
      %dma_start3A_776 = arith.constant 0 : i32
      %dma_start3A_777 = tpu.memref_slice %arg5[%add3A_765, %dma_start3A_776] : memref<100x128xi32, #tpu.memory_space<vmem>> -> memref<1x128xi32, #tpu.memory_space<vmem>>
      %dma_start3A_778 = tpu.memref_squeeze %dma_start3A_777 : memref<1x128xi32, #tpu.memory_space<vmem>> -> memref<128xi32, #tpu.memory_space<vmem>>
      %dma_start3A_779 = arith.constant 0 : i32
      %dma_start3A_780 = arith.constant 0 : i32
      %dma_start3A_781 = tpu.memref_slice %arg3[%dma_start3A_779, %dma_start3A_780] : memref<1000000x64xf32, #tpu.memory_space<hbm>> -> memref<1000000x64xf32, #tpu.memory_space<hbm>>
      tpu.enqueue_indirect_dma source(%dma_start3A_781 : memref<1000000x64xf32, #tpu.memory_space<hbm>>) target(%arg14 : memref<128x64xf32, #tpu.memory_space<vmem>>) offsets(%dma_start3A_778 : memref<128xi32, #tpu.memory_space<vmem>>) semaphore(%arg24 : memref<!tpu.dma_semaphore, #tpu.memory_space<semaphore_mem>>)
      %add3A_782 = arith.constant 4 : i32
      %add3A_783 = arith.addi %mul3A_646, %add3A_782 : i32
      %dma_wait3A_784 = arith.constant 0 : i32
      %dma_wait3A_785 = tpu.memref_slice %arg5[%add3A_783, %dma_wait3A_784] : memref<100x128xi32, #tpu.memory_space<vmem>> -> memref<1x128xi32, #tpu.memory_space<vmem>>
      %dma_wait3A_786 = tpu.memref_squeeze %dma_wait3A_785 : memref<1x128xi32, #tpu.memory_space<vmem>> -> memref<128xi32, #tpu.memory_space<vmem>>
      %dma_wait3A_787 = arith.constant 0 : i32
      %dma_wait3A_788 = arith.constant 0 : i32
      %dma_wait3A_789 = tpu.memref_slice %arg3[%dma_wait3A_787, %dma_wait3A_788] : memref<1000000x64xf32, #tpu.memory_space<hbm>> -> memref<1000000x64xf32, #tpu.memory_space<hbm>>
      tpu.wait_indirect_dma semaphore(%arg20 : memref<!tpu.dma_semaphore, #tpu.memory_space<semaphore_mem>>) src(%dma_wait3A_789 : memref<1000000x64xf32, #tpu.memory_space<hbm>>) dst(%arg10 : memref<128x64xf32, #tpu.memory_space<vmem>>)
      %dma_start3A_790 = arith.constant 0 : i32
      %dma_start3A_791 = arith.constant 0 : i32
      %dma_start3A_792 = tpu.memref_slice %arg4[%add3A, %add3A_783, %dma_start3A_790, %dma_start3A_791] : memref<32x100x128x64xf32, #tpu.memory_space<hbm>> -> memref<1x1x128x64xf32, #tpu.memory_space<hbm>>
      %dma_start3A_793 = tpu.memref_squeeze %dma_start3A_792 : memref<1x1x128x64xf32, #tpu.memory_space<hbm>> -> memref<128x64xf32, #tpu.memory_space<hbm>>
      %dma_start3A_794 = arith.constant 0 : i32
      %dma_start3A_795 = arith.constant 0 : i32
      %dma_start3A_796 = tpu.memref_slice %arg4[%add3A, %add3A_783, %dma_start3A_794, %dma_start3A_795] : memref<32x100x128x64xf32, #tpu.memory_space<hbm>> -> memref<1x1x128x64xf32, #tpu.memory_space<hbm>>
      %dma_start3A_797 = tpu.memref_squeeze %dma_start3A_796 : memref<1x1x128x64xf32, #tpu.memory_space<hbm>> -> memref<128x64xf32, #tpu.memory_space<hbm>>
      tpu.enqueue_dma source(%arg10 : memref<128x64xf32, #tpu.memory_space<vmem>>) target(%dma_start3A_797 : memref<128x64xf32, #tpu.memory_space<hbm>>) target_semaphore(%arg30 : memref<!tpu.dma_semaphore, #tpu.memory_space<semaphore_mem>>)
      %add3A_798 = arith.constant 5 : i32
      %add3A_799 = arith.addi %add3A_783, %add3A_798 : i32
      %sub3A_800 = arith.constant 10 : i32
      %sub3A_801 = arith.subi %add3A_799, %sub3A_800 : i32
      %dma_wait3A_802 = arith.constant 0 : i32
      %dma_wait3A_803 = arith.constant 0 : i32
      %dma_wait3A_804 = tpu.memref_slice %arg4[%add3A, %sub3A_801, %dma_wait3A_802, %dma_wait3A_803] : memref<32x100x128x64xf32, #tpu.memory_space<hbm>> -> memref<1x1x128x64xf32, #tpu.memory_space<hbm>>
      %dma_wait3A_805 = tpu.memref_squeeze %dma_wait3A_804 : memref<1x1x128x64xf32, #tpu.memory_space<hbm>> -> memref<128x64xf32, #tpu.memory_space<hbm>>
      %dma_wait3A_806 = arith.constant 0 : i32
      %dma_wait3A_807 = arith.constant 0 : i32
      %dma_wait3A_808 = tpu.memref_slice %arg4[%add3A, %sub3A_801, %dma_wait3A_806, %dma_wait3A_807] : memref<32x100x128x64xf32, #tpu.memory_space<hbm>> -> memref<1x1x128x64xf32, #tpu.memory_space<hbm>>
      %dma_wait3A_809 = tpu.memref_squeeze %dma_wait3A_808 : memref<1x1x128x64xf32, #tpu.memory_space<hbm>> -> memref<128x64xf32, #tpu.memory_space<hbm>>
      tpu.wait_dma2 semaphore(%arg35 : memref<!tpu.dma_semaphore, #tpu.memory_space<semaphore_mem>>) src(%arg15 : memref<128x64xf32, #tpu.memory_space<vmem>>) dst(%dma_wait3A_809 : memref<128x64xf32, #tpu.memory_space<hbm>>)
      %dma_start3A_810 = arith.constant 0 : i32
      %dma_start3A_811 = tpu.memref_slice %arg5[%add3A_799, %dma_start3A_810] : memref<100x128xi32, #tpu.memory_space<vmem>> -> memref<1x128xi32, #tpu.memory_space<vmem>>
      %dma_start3A_812 = tpu.memref_squeeze %dma_start3A_811 : memref<1x128xi32, #tpu.memory_space<vmem>> -> memref<128xi32, #tpu.memory_space<vmem>>
      %dma_start3A_813 = arith.constant 0 : i32
      %dma_start3A_814 = arith.constant 0 : i32
      %dma_start3A_815 = tpu.memref_slice %arg3[%dma_start3A_813, %dma_start3A_814] : memref<1000000x64xf32, #tpu.memory_space<hbm>> -> memref<1000000x64xf32, #tpu.memory_space<hbm>>
      tpu.enqueue_indirect_dma source(%dma_start3A_815 : memref<1000000x64xf32, #tpu.memory_space<hbm>>) target(%arg15 : memref<128x64xf32, #tpu.memory_space<vmem>>) offsets(%dma_start3A_812 : memref<128xi32, #tpu.memory_space<vmem>>) semaphore(%arg25 : memref<!tpu.dma_semaphore, #tpu.memory_space<semaphore_mem>>)
      %add3A_816 = arith.constant 5 : i32
      %add3A_817 = arith.addi %mul3A_646, %add3A_816 : i32
      %dma_wait3A_818 = arith.constant 0 : i32
      %dma_wait3A_819 = tpu.memref_slice %arg5[%add3A_817, %dma_wait3A_818] : memref<100x128xi32, #tpu.memory_space<vmem>> -> memref<1x128xi32, #tpu.memory_space<vmem>>
      %dma_wait3A_820 = tpu.memref_squeeze %dma_wait3A_819 : memref<1x128xi32, #tpu.memory_space<vmem>> -> memref<128xi32, #tpu.memory_space<vmem>>
      %dma_wait3A_821 = arith.constant 0 : i32
      %dma_wait3A_822 = arith.constant 0 : i32
      %dma_wait3A_823 = tpu.memref_slice %arg3[%dma_wait3A_821, %dma_wait3A_822] : memref<1000000x64xf32, #tpu.memory_space<hbm>> -> memref<1000000x64xf32, #tpu.memory_space<hbm>>
      tpu.wait_indirect_dma semaphore(%arg21 : memref<!tpu.dma_semaphore, #tpu.memory_space<semaphore_mem>>) src(%dma_wait3A_823 : memref<1000000x64xf32, #tpu.memory_space<hbm>>) dst(%arg11 : memref<128x64xf32, #tpu.memory_space<vmem>>)
      %dma_start3A_824 = arith.constant 0 : i32
      %dma_start3A_825 = arith.constant 0 : i32
      %dma_start3A_826 = tpu.memref_slice %arg4[%add3A, %add3A_817, %dma_start3A_824, %dma_start3A_825] : memref<32x100x128x64xf32, #tpu.memory_space<hbm>> -> memref<1x1x128x64xf32, #tpu.memory_space<hbm>>
      %dma_start3A_827 = tpu.memref_squeeze %dma_start3A_826 : memref<1x1x128x64xf32, #tpu.memory_space<hbm>> -> memref<128x64xf32, #tpu.memory_space<hbm>>
      %dma_start3A_828 = arith.constant 0 : i32
      %dma_start3A_829 = arith.constant 0 : i32
      %dma_start3A_830 = tpu.memref_slice %arg4[%add3A, %add3A_817, %dma_start3A_828, %dma_start3A_829] : memref<32x100x128x64xf32, #tpu.memory_space<hbm>> -> memref<1x1x128x64xf32, #tpu.memory_space<hbm>>
      %dma_start3A_831 = tpu.memref_squeeze %dma_start3A_830 : memref<1x1x128x64xf32, #tpu.memory_space<hbm>> -> memref<128x64xf32, #tpu.memory_space<hbm>>
      tpu.enqueue_dma source(%arg11 : memref<128x64xf32, #tpu.memory_space<vmem>>) target(%dma_start3A_831 : memref<128x64xf32, #tpu.memory_space<hbm>>) target_semaphore(%arg31 : memref<!tpu.dma_semaphore, #tpu.memory_space<semaphore_mem>>)
      %add3A_832 = arith.constant 5 : i32
      %add3A_833 = arith.addi %add3A_817, %add3A_832 : i32
      %sub3A_834 = arith.constant 10 : i32
      %sub3A_835 = arith.subi %add3A_833, %sub3A_834 : i32
      %dma_wait3A_836 = arith.constant 0 : i32
      %dma_wait3A_837 = arith.constant 0 : i32
      %dma_wait3A_838 = tpu.memref_slice %arg4[%add3A, %sub3A_835, %dma_wait3A_836, %dma_wait3A_837] : memref<32x100x128x64xf32, #tpu.memory_space<hbm>> -> memref<1x1x128x64xf32, #tpu.memory_space<hbm>>
      %dma_wait3A_839 = tpu.memref_squeeze %dma_wait3A_838 : memref<1x1x128x64xf32, #tpu.memory_space<hbm>> -> memref<128x64xf32, #tpu.memory_space<hbm>>
      %dma_wait3A_840 = arith.constant 0 : i32
      %dma_wait3A_841 = arith.constant 0 : i32
      %dma_wait3A_842 = tpu.memref_slice %arg4[%add3A, %sub3A_835, %dma_wait3A_840, %dma_wait3A_841] : memref<32x100x128x64xf32, #tpu.memory_space<hbm>> -> memref<1x1x128x64xf32, #tpu.memory_space<hbm>>
      %dma_wait3A_843 = tpu.memref_squeeze %dma_wait3A_842 : memref<1x1x128x64xf32, #tpu.memory_space<hbm>> -> memref<128x64xf32, #tpu.memory_space<hbm>>
      tpu.wait_dma2 semaphore(%arg26 : memref<!tpu.dma_semaphore, #tpu.memory_space<semaphore_mem>>) src(%arg6 : memref<128x64xf32, #tpu.memory_space<vmem>>) dst(%dma_wait3A_843 : memref<128x64xf32, #tpu.memory_space<hbm>>)
      %dma_start3A_844 = arith.constant 0 : i32
      %dma_start3A_845 = tpu.memref_slice %arg5[%add3A_833, %dma_start3A_844] : memref<100x128xi32, #tpu.memory_space<vmem>> -> memref<1x128xi32, #tpu.memory_space<vmem>>
      %dma_start3A_846 = tpu.memref_squeeze %dma_start3A_845 : memref<1x128xi32, #tpu.memory_space<vmem>> -> memref<128xi32, #tpu.memory_space<vmem>>
      %dma_start3A_847 = arith.constant 0 : i32
      %dma_start3A_848 = arith.constant 0 : i32
      %dma_start3A_849 = tpu.memref_slice %arg3[%dma_start3A_847, %dma_start3A_848] : memref<1000000x64xf32, #tpu.memory_space<hbm>> -> memref<1000000x64xf32, #tpu.memory_space<hbm>>
      tpu.enqueue_indirect_dma source(%dma_start3A_849 : memref<1000000x64xf32, #tpu.memory_space<hbm>>) target(%arg6 : memref<128x64xf32, #tpu.memory_space<vmem>>) offsets(%dma_start3A_846 : memref<128xi32, #tpu.memory_space<vmem>>) semaphore(%arg16 : memref<!tpu.dma_semaphore, #tpu.memory_space<semaphore_mem>>)
      %add3A_850 = arith.constant 6 : i32
      %add3A_851 = arith.addi %mul3A_646, %add3A_850 : i32
      %dma_wait3A_852 = arith.constant 0 : i32
      %dma_wait3A_853 = tpu.memref_slice %arg5[%add3A_851, %dma_wait3A_852] : memref<100x128xi32, #tpu.memory_space<vmem>> -> memref<1x128xi32, #tpu.memory_space<vmem>>
      %dma_wait3A_854 = tpu.memref_squeeze %dma_wait3A_853 : memref<1x128xi32, #tpu.memory_space<vmem>> -> memref<128xi32, #tpu.memory_space<vmem>>
      %dma_wait3A_855 = arith.constant 0 : i32
      %dma_wait3A_856 = arith.constant 0 : i32
      %dma_wait3A_857 = tpu.memref_slice %arg3[%dma_wait3A_855, %dma_wait3A_856] : memref<1000000x64xf32, #tpu.memory_space<hbm>> -> memref<1000000x64xf32, #tpu.memory_space<hbm>>
      tpu.wait_indirect_dma semaphore(%arg22 : memref<!tpu.dma_semaphore, #tpu.memory_space<semaphore_mem>>) src(%dma_wait3A_857 : memref<1000000x64xf32, #tpu.memory_space<hbm>>) dst(%arg12 : memref<128x64xf32, #tpu.memory_space<vmem>>)
      %dma_start3A_858 = arith.constant 0 : i32
      %dma_start3A_859 = arith.constant 0 : i32
      %dma_start3A_860 = tpu.memref_slice %arg4[%add3A, %add3A_851, %dma_start3A_858, %dma_start3A_859] : memref<32x100x128x64xf32, #tpu.memory_space<hbm>> -> memref<1x1x128x64xf32, #tpu.memory_space<hbm>>
      %dma_start3A_861 = tpu.memref_squeeze %dma_start3A_860 : memref<1x1x128x64xf32, #tpu.memory_space<hbm>> -> memref<128x64xf32, #tpu.memory_space<hbm>>
      %dma_start3A_862 = arith.constant 0 : i32
      %dma_start3A_863 = arith.constant 0 : i32
      %dma_start3A_864 = tpu.memref_slice %arg4[%add3A, %add3A_851, %dma_start3A_862, %dma_start3A_863] : memref<32x100x128x64xf32, #tpu.memory_space<hbm>> -> memref<1x1x128x64xf32, #tpu.memory_space<hbm>>
      %dma_start3A_865 = tpu.memref_squeeze %dma_start3A_864 : memref<1x1x128x64xf32, #tpu.memory_space<hbm>> -> memref<128x64xf32, #tpu.memory_space<hbm>>
      tpu.enqueue_dma source(%arg12 : memref<128x64xf32, #tpu.memory_space<vmem>>) target(%dma_start3A_865 : memref<128x64xf32, #tpu.memory_space<hbm>>) target_semaphore(%arg32 : memref<!tpu.dma_semaphore, #tpu.memory_space<semaphore_mem>>)
      %add3A_866 = arith.constant 5 : i32
      %add3A_867 = arith.addi %add3A_851, %add3A_866 : i32
      %sub3A_868 = arith.constant 10 : i32
      %sub3A_869 = arith.subi %add3A_867, %sub3A_868 : i32
      %dma_wait3A_870 = arith.constant 0 : i32
      %dma_wait3A_871 = arith.constant 0 : i32
      %dma_wait3A_872 = tpu.memref_slice %arg4[%add3A, %sub3A_869, %dma_wait3A_870, %dma_wait3A_871] : memref<32x100x128x64xf32, #tpu.memory_space<hbm>> -> memref<1x1x128x64xf32, #tpu.memory_space<hbm>>
      %dma_wait3A_873 = tpu.memref_squeeze %dma_wait3A_872 : memref<1x1x128x64xf32, #tpu.memory_space<hbm>> -> memref<128x64xf32, #tpu.memory_space<hbm>>
      %dma_wait3A_874 = arith.constant 0 : i32
      %dma_wait3A_875 = arith.constant 0 : i32
      %dma_wait3A_876 = tpu.memref_slice %arg4[%add3A, %sub3A_869, %dma_wait3A_874, %dma_wait3A_875] : memref<32x100x128x64xf32, #tpu.memory_space<hbm>> -> memref<1x1x128x64xf32, #tpu.memory_space<hbm>>
      %dma_wait3A_877 = tpu.memref_squeeze %dma_wait3A_876 : memref<1x1x128x64xf32, #tpu.memory_space<hbm>> -> memref<128x64xf32, #tpu.memory_space<hbm>>
      tpu.wait_dma2 semaphore(%arg27 : memref<!tpu.dma_semaphore, #tpu.memory_space<semaphore_mem>>) src(%arg7 : memref<128x64xf32, #tpu.memory_space<vmem>>) dst(%dma_wait3A_877 : memref<128x64xf32, #tpu.memory_space<hbm>>)
      %dma_start3A_878 = arith.constant 0 : i32
      %dma_start3A_879 = tpu.memref_slice %arg5[%add3A_867, %dma_start3A_878] : memref<100x128xi32, #tpu.memory_space<vmem>> -> memref<1x128xi32, #tpu.memory_space<vmem>>
      %dma_start3A_880 = tpu.memref_squeeze %dma_start3A_879 : memref<1x128xi32, #tpu.memory_space<vmem>> -> memref<128xi32, #tpu.memory_space<vmem>>
      %dma_start3A_881 = arith.constant 0 : i32
      %dma_start3A_882 = arith.constant 0 : i32
      %dma_start3A_883 = tpu.memref_slice %arg3[%dma_start3A_881, %dma_start3A_882] : memref<1000000x64xf32, #tpu.memory_space<hbm>> -> memref<1000000x64xf32, #tpu.memory_space<hbm>>
      tpu.enqueue_indirect_dma source(%dma_start3A_883 : memref<1000000x64xf32, #tpu.memory_space<hbm>>) target(%arg7 : memref<128x64xf32, #tpu.memory_space<vmem>>) offsets(%dma_start3A_880 : memref<128xi32, #tpu.memory_space<vmem>>) semaphore(%arg17 : memref<!tpu.dma_semaphore, #tpu.memory_space<semaphore_mem>>)
      %add3A_884 = arith.constant 7 : i32
      %add3A_885 = arith.addi %mul3A_646, %add3A_884 : i32
      %dma_wait3A_886 = arith.constant 0 : i32
      %dma_wait3A_887 = tpu.memref_slice %arg5[%add3A_885, %dma_wait3A_886] : memref<100x128xi32, #tpu.memory_space<vmem>> -> memref<1x128xi32, #tpu.memory_space<vmem>>
      %dma_wait3A_888 = tpu.memref_squeeze %dma_wait3A_887 : memref<1x128xi32, #tpu.memory_space<vmem>> -> memref<128xi32, #tpu.memory_space<vmem>>
      %dma_wait3A_889 = arith.constant 0 : i32
      %dma_wait3A_890 = arith.constant 0 : i32
      %dma_wait3A_891 = tpu.memref_slice %arg3[%dma_wait3A_889, %dma_wait3A_890] : memref<1000000x64xf32, #tpu.memory_space<hbm>> -> memref<1000000x64xf32, #tpu.memory_space<hbm>>
      tpu.wait_indirect_dma semaphore(%arg23 : memref<!tpu.dma_semaphore, #tpu.memory_space<semaphore_mem>>) src(%dma_wait3A_891 : memref<1000000x64xf32, #tpu.memory_space<hbm>>) dst(%arg13 : memref<128x64xf32, #tpu.memory_space<vmem>>)
      %dma_start3A_892 = arith.constant 0 : i32
      %dma_start3A_893 = arith.constant 0 : i32
      %dma_start3A_894 = tpu.memref_slice %arg4[%add3A, %add3A_885, %dma_start3A_892, %dma_start3A_893] : memref<32x100x128x64xf32, #tpu.memory_space<hbm>> -> memref<1x1x128x64xf32, #tpu.memory_space<hbm>>
      %dma_start3A_895 = tpu.memref_squeeze %dma_start3A_894 : memref<1x1x128x64xf32, #tpu.memory_space<hbm>> -> memref<128x64xf32, #tpu.memory_space<hbm>>
      %dma_start3A_896 = arith.constant 0 : i32
      %dma_start3A_897 = arith.constant 0 : i32
      %dma_start3A_898 = tpu.memref_slice %arg4[%add3A, %add3A_885, %dma_start3A_896, %dma_start3A_897] : memref<32x100x128x64xf32, #tpu.memory_space<hbm>> -> memref<1x1x128x64xf32, #tpu.memory_space<hbm>>
      %dma_start3A_899 = tpu.memref_squeeze %dma_start3A_898 : memref<1x1x128x64xf32, #tpu.memory_space<hbm>> -> memref<128x64xf32, #tpu.memory_space<hbm>>
      tpu.enqueue_dma source(%arg13 : memref<128x64xf32, #tpu.memory_space<vmem>>) target(%dma_start3A_899 : memref<128x64xf32, #tpu.memory_space<hbm>>) target_semaphore(%arg33 : memref<!tpu.dma_semaphore, #tpu.memory_space<semaphore_mem>>)
      %add3A_900 = arith.constant 5 : i32
      %add3A_901 = arith.addi %add3A_885, %add3A_900 : i32
      %sub3A_902 = arith.constant 10 : i32
      %sub3A_903 = arith.subi %add3A_901, %sub3A_902 : i32
      %dma_wait3A_904 = arith.constant 0 : i32
      %dma_wait3A_905 = arith.constant 0 : i32
      %dma_wait3A_906 = tpu.memref_slice %arg4[%add3A, %sub3A_903, %dma_wait3A_904, %dma_wait3A_905] : memref<32x100x128x64xf32, #tpu.memory_space<hbm>> -> memref<1x1x128x64xf32, #tpu.memory_space<hbm>>
      %dma_wait3A_907 = tpu.memref_squeeze %dma_wait3A_906 : memref<1x1x128x64xf32, #tpu.memory_space<hbm>> -> memref<128x64xf32, #tpu.memory_space<hbm>>
      %dma_wait3A_908 = arith.constant 0 : i32
      %dma_wait3A_909 = arith.constant 0 : i32
      %dma_wait3A_910 = tpu.memref_slice %arg4[%add3A, %sub3A_903, %dma_wait3A_908, %dma_wait3A_909] : memref<32x100x128x64xf32, #tpu.memory_space<hbm>> -> memref<1x1x128x64xf32, #tpu.memory_space<hbm>>
      %dma_wait3A_911 = tpu.memref_squeeze %dma_wait3A_910 : memref<1x1x128x64xf32, #tpu.memory_space<hbm>> -> memref<128x64xf32, #tpu.memory_space<hbm>>
      tpu.wait_dma2 semaphore(%arg28 : memref<!tpu.dma_semaphore, #tpu.memory_space<semaphore_mem>>) src(%arg8 : memref<128x64xf32, #tpu.memory_space<vmem>>) dst(%dma_wait3A_911 : memref<128x64xf32, #tpu.memory_space<hbm>>)
      %dma_start3A_912 = arith.constant 0 : i32
      %dma_start3A_913 = tpu.memref_slice %arg5[%add3A_901, %dma_start3A_912] : memref<100x128xi32, #tpu.memory_space<vmem>> -> memref<1x128xi32, #tpu.memory_space<vmem>>
      %dma_start3A_914 = tpu.memref_squeeze %dma_start3A_913 : memref<1x128xi32, #tpu.memory_space<vmem>> -> memref<128xi32, #tpu.memory_space<vmem>>
      %dma_start3A_915 = arith.constant 0 : i32
      %dma_start3A_916 = arith.constant 0 : i32
      %dma_start3A_917 = tpu.memref_slice %arg3[%dma_start3A_915, %dma_start3A_916] : memref<1000000x64xf32, #tpu.memory_space<hbm>> -> memref<1000000x64xf32, #tpu.memory_space<hbm>>
      tpu.enqueue_indirect_dma source(%dma_start3A_917 : memref<1000000x64xf32, #tpu.memory_space<hbm>>) target(%arg8 : memref<128x64xf32, #tpu.memory_space<vmem>>) offsets(%dma_start3A_914 : memref<128xi32, #tpu.memory_space<vmem>>) semaphore(%arg18 : memref<!tpu.dma_semaphore, #tpu.memory_space<semaphore_mem>>)
      %add3A_918 = arith.constant 8 : i32
      %add3A_919 = arith.addi %mul3A_646, %add3A_918 : i32
      %dma_wait3A_920 = arith.constant 0 : i32
      %dma_wait3A_921 = tpu.memref_slice %arg5[%add3A_919, %dma_wait3A_920] : memref<100x128xi32, #tpu.memory_space<vmem>> -> memref<1x128xi32, #tpu.memory_space<vmem>>
      %dma_wait3A_922 = tpu.memref_squeeze %dma_wait3A_921 : memref<1x128xi32, #tpu.memory_space<vmem>> -> memref<128xi32, #tpu.memory_space<vmem>>
      %dma_wait3A_923 = arith.constant 0 : i32
      %dma_wait3A_924 = arith.constant 0 : i32
      %dma_wait3A_925 = tpu.memref_slice %arg3[%dma_wait3A_923, %dma_wait3A_924] : memref<1000000x64xf32, #tpu.memory_space<hbm>> -> memref<1000000x64xf32, #tpu.memory_space<hbm>>
      tpu.wait_indirect_dma semaphore(%arg24 : memref<!tpu.dma_semaphore, #tpu.memory_space<semaphore_mem>>) src(%dma_wait3A_925 : memref<1000000x64xf32, #tpu.memory_space<hbm>>) dst(%arg14 : memref<128x64xf32, #tpu.memory_space<vmem>>)
      %dma_start3A_926 = arith.constant 0 : i32
      %dma_start3A_927 = arith.constant 0 : i32
      %dma_start3A_928 = tpu.memref_slice %arg4[%add3A, %add3A_919, %dma_start3A_926, %dma_start3A_927] : memref<32x100x128x64xf32, #tpu.memory_space<hbm>> -> memref<1x1x128x64xf32, #tpu.memory_space<hbm>>
      %dma_start3A_929 = tpu.memref_squeeze %dma_start3A_928 : memref<1x1x128x64xf32, #tpu.memory_space<hbm>> -> memref<128x64xf32, #tpu.memory_space<hbm>>
      %dma_start3A_930 = arith.constant 0 : i32
      %dma_start3A_931 = arith.constant 0 : i32
      %dma_start3A_932 = tpu.memref_slice %arg4[%add3A, %add3A_919, %dma_start3A_930, %dma_start3A_931] : memref<32x100x128x64xf32, #tpu.memory_space<hbm>> -> memref<1x1x128x64xf32, #tpu.memory_space<hbm>>
      %dma_start3A_933 = tpu.memref_squeeze %dma_start3A_932 : memref<1x1x128x64xf32, #tpu.memory_space<hbm>> -> memref<128x64xf32, #tpu.memory_space<hbm>>
      tpu.enqueue_dma source(%arg14 : memref<128x64xf32, #tpu.memory_space<vmem>>) target(%dma_start3A_933 : memref<128x64xf32, #tpu.memory_space<hbm>>) target_semaphore(%arg34 : memref<!tpu.dma_semaphore, #tpu.memory_space<semaphore_mem>>)
      %add3A_934 = arith.constant 5 : i32
      %add3A_935 = arith.addi %add3A_919, %add3A_934 : i32
      %sub3A_936 = arith.constant 10 : i32
      %sub3A_937 = arith.subi %add3A_935, %sub3A_936 : i32
      %dma_wait3A_938 = arith.constant 0 : i32
      %dma_wait3A_939 = arith.constant 0 : i32
      %dma_wait3A_940 = tpu.memref_slice %arg4[%add3A, %sub3A_937, %dma_wait3A_938, %dma_wait3A_939] : memref<32x100x128x64xf32, #tpu.memory_space<hbm>> -> memref<1x1x128x64xf32, #tpu.memory_space<hbm>>
      %dma_wait3A_941 = tpu.memref_squeeze %dma_wait3A_940 : memref<1x1x128x64xf32, #tpu.memory_space<hbm>> -> memref<128x64xf32, #tpu.memory_space<hbm>>
      %dma_wait3A_942 = arith.constant 0 : i32
      %dma_wait3A_943 = arith.constant 0 : i32
      %dma_wait3A_944 = tpu.memref_slice %arg4[%add3A, %sub3A_937, %dma_wait3A_942, %dma_wait3A_943] : memref<32x100x128x64xf32, #tpu.memory_space<hbm>> -> memref<1x1x128x64xf32, #tpu.memory_space<hbm>>
      %dma_wait3A_945 = tpu.memref_squeeze %dma_wait3A_944 : memref<1x1x128x64xf32, #tpu.memory_space<hbm>> -> memref<128x64xf32, #tpu.memory_space<hbm>>
      tpu.wait_dma2 semaphore(%arg29 : memref<!tpu.dma_semaphore, #tpu.memory_space<semaphore_mem>>) src(%arg9 : memref<128x64xf32, #tpu.memory_space<vmem>>) dst(%dma_wait3A_945 : memref<128x64xf32, #tpu.memory_space<hbm>>)
      %dma_start3A_946 = arith.constant 0 : i32
      %dma_start3A_947 = tpu.memref_slice %arg5[%add3A_935, %dma_start3A_946] : memref<100x128xi32, #tpu.memory_space<vmem>> -> memref<1x128xi32, #tpu.memory_space<vmem>>
      %dma_start3A_948 = tpu.memref_squeeze %dma_start3A_947 : memref<1x128xi32, #tpu.memory_space<vmem>> -> memref<128xi32, #tpu.memory_space<vmem>>
      %dma_start3A_949 = arith.constant 0 : i32
      %dma_start3A_950 = arith.constant 0 : i32
      %dma_start3A_951 = tpu.memref_slice %arg3[%dma_start3A_949, %dma_start3A_950] : memref<1000000x64xf32, #tpu.memory_space<hbm>> -> memref<1000000x64xf32, #tpu.memory_space<hbm>>
      tpu.enqueue_indirect_dma source(%dma_start3A_951 : memref<1000000x64xf32, #tpu.memory_space<hbm>>) target(%arg9 : memref<128x64xf32, #tpu.memory_space<vmem>>) offsets(%dma_start3A_948 : memref<128xi32, #tpu.memory_space<vmem>>) semaphore(%arg19 : memref<!tpu.dma_semaphore, #tpu.memory_space<semaphore_mem>>)
      %add3A_952 = arith.constant 9 : i32
      %add3A_953 = arith.addi %mul3A_646, %add3A_952 : i32
      %dma_wait3A_954 = arith.constant 0 : i32
      %dma_wait3A_955 = tpu.memref_slice %arg5[%add3A_953, %dma_wait3A_954] : memref<100x128xi32, #tpu.memory_space<vmem>> -> memref<1x128xi32, #tpu.memory_space<vmem>>
      %dma_wait3A_956 = tpu.memref_squeeze %dma_wait3A_955 : memref<1x128xi32, #tpu.memory_space<vmem>> -> memref<128xi32, #tpu.memory_space<vmem>>
      %dma_wait3A_957 = arith.constant 0 : i32
      %dma_wait3A_958 = arith.constant 0 : i32
      %dma_wait3A_959 = tpu.memref_slice %arg3[%dma_wait3A_957, %dma_wait3A_958] : memref<1000000x64xf32, #tpu.memory_space<hbm>> -> memref<1000000x64xf32, #tpu.memory_space<hbm>>
      tpu.wait_indirect_dma semaphore(%arg25 : memref<!tpu.dma_semaphore, #tpu.memory_space<semaphore_mem>>) src(%dma_wait3A_959 : memref<1000000x64xf32, #tpu.memory_space<hbm>>) dst(%arg15 : memref<128x64xf32, #tpu.memory_space<vmem>>)
      %dma_start3A_960 = arith.constant 0 : i32
      %dma_start3A_961 = arith.constant 0 : i32
      %dma_start3A_962 = tpu.memref_slice %arg4[%add3A, %add3A_953, %dma_start3A_960, %dma_start3A_961] : memref<32x100x128x64xf32, #tpu.memory_space<hbm>> -> memref<1x1x128x64xf32, #tpu.memory_space<hbm>>
      %dma_start3A_963 = tpu.memref_squeeze %dma_start3A_962 : memref<1x1x128x64xf32, #tpu.memory_space<hbm>> -> memref<128x64xf32, #tpu.memory_space<hbm>>
      %dma_start3A_964 = arith.constant 0 : i32
      %dma_start3A_965 = arith.constant 0 : i32
      %dma_start3A_966 = tpu.memref_slice %arg4[%add3A, %add3A_953, %dma_start3A_964, %dma_start3A_965] : memref<32x100x128x64xf32, #tpu.memory_space<hbm>> -> memref<1x1x128x64xf32, #tpu.memory_space<hbm>>
      %dma_start3A_967 = tpu.memref_squeeze %dma_start3A_966 : memref<1x1x128x64xf32, #tpu.memory_space<hbm>> -> memref<128x64xf32, #tpu.memory_space<hbm>>
      tpu.enqueue_dma source(%arg15 : memref<128x64xf32, #tpu.memory_space<vmem>>) target(%dma_start3A_967 : memref<128x64xf32, #tpu.memory_space<hbm>>) target_semaphore(%arg35 : memref<!tpu.dma_semaphore, #tpu.memory_space<semaphore_mem>>)
      %add3A_968 = arith.constant 5 : i32
      %add3A_969 = arith.addi %add3A_953, %add3A_968 : i32
      %sub3A_970 = arith.constant 10 : i32
      %sub3A_971 = arith.subi %add3A_969, %sub3A_970 : i32
      %dma_wait3A_972 = arith.constant 0 : i32
      %dma_wait3A_973 = arith.constant 0 : i32
      %dma_wait3A_974 = tpu.memref_slice %arg4[%add3A, %sub3A_971, %dma_wait3A_972, %dma_wait3A_973] : memref<32x100x128x64xf32, #tpu.memory_space<hbm>> -> memref<1x1x128x64xf32, #tpu.memory_space<hbm>>
      %dma_wait3A_975 = tpu.memref_squeeze %dma_wait3A_974 : memref<1x1x128x64xf32, #tpu.memory_space<hbm>> -> memref<128x64xf32, #tpu.memory_space<hbm>>
      %dma_wait3A_976 = arith.constant 0 : i32
      %dma_wait3A_977 = arith.constant 0 : i32
      %dma_wait3A_978 = tpu.memref_slice %arg4[%add3A, %sub3A_971, %dma_wait3A_976, %dma_wait3A_977] : memref<32x100x128x64xf32, #tpu.memory_space<hbm>> -> memref<1x1x128x64xf32, #tpu.memory_space<hbm>>
      %dma_wait3A_979 = tpu.memref_squeeze %dma_wait3A_978 : memref<1x1x128x64xf32, #tpu.memory_space<hbm>> -> memref<128x64xf32, #tpu.memory_space<hbm>>
      tpu.wait_dma2 semaphore(%arg30 : memref<!tpu.dma_semaphore, #tpu.memory_space<semaphore_mem>>) src(%arg10 : memref<128x64xf32, #tpu.memory_space<vmem>>) dst(%dma_wait3A_979 : memref<128x64xf32, #tpu.memory_space<hbm>>)
      %dma_start3A_980 = arith.constant 0 : i32
      %dma_start3A_981 = tpu.memref_slice %arg5[%add3A_969, %dma_start3A_980] : memref<100x128xi32, #tpu.memory_space<vmem>> -> memref<1x128xi32, #tpu.memory_space<vmem>>
      %dma_start3A_982 = tpu.memref_squeeze %dma_start3A_981 : memref<1x128xi32, #tpu.memory_space<vmem>> -> memref<128xi32, #tpu.memory_space<vmem>>
      %dma_start3A_983 = arith.constant 0 : i32
      %dma_start3A_984 = arith.constant 0 : i32
      %dma_start3A_985 = tpu.memref_slice %arg3[%dma_start3A_983, %dma_start3A_984] : memref<1000000x64xf32, #tpu.memory_space<hbm>> -> memref<1000000x64xf32, #tpu.memory_space<hbm>>
      tpu.enqueue_indirect_dma source(%dma_start3A_985 : memref<1000000x64xf32, #tpu.memory_space<hbm>>) target(%arg10 : memref<128x64xf32, #tpu.memory_space<vmem>>) offsets(%dma_start3A_982 : memref<128xi32, #tpu.memory_space<vmem>>) semaphore(%arg20 : memref<!tpu.dma_semaphore, #tpu.memory_space<semaphore_mem>>)
    }
    %scan3A_313 = arith.constant 8 : i32
    %dma_wait3A_314 = arith.constant 90 : i32
    %dma_wait3A_315 = arith.constant 0 : i32
    %dma_wait3A_316 = tpu.memref_slice %arg5[%dma_wait3A_314, %dma_wait3A_315] : memref<100x128xi32, #tpu.memory_space<vmem>> -> memref<1x128xi32, #tpu.memory_space<vmem>>
    %dma_wait3A_317 = tpu.memref_squeeze %dma_wait3A_316 : memref<1x128xi32, #tpu.memory_space<vmem>> -> memref<128xi32, #tpu.memory_space<vmem>>
    %dma_wait3A_318 = arith.constant 0 : i32
    %dma_wait3A_319 = arith.constant 0 : i32
    %dma_wait3A_320 = tpu.memref_slice %arg3[%dma_wait3A_318, %dma_wait3A_319] : memref<1000000x64xf32, #tpu.memory_space<hbm>> -> memref<1000000x64xf32, #tpu.memory_space<hbm>>
    tpu.wait_indirect_dma semaphore(%arg16 : memref<!tpu.dma_semaphore, #tpu.memory_space<semaphore_mem>>) src(%dma_wait3A_320 : memref<1000000x64xf32, #tpu.memory_space<hbm>>) dst(%arg6 : memref<128x64xf32, #tpu.memory_space<vmem>>)
    %dma_start3A_321 = arith.constant 90 : i32
    %dma_start3A_322 = arith.constant 0 : i32
    %dma_start3A_323 = arith.constant 0 : i32
    %dma_start3A_324 = tpu.memref_slice %arg4[%add3A, %dma_start3A_321, %dma_start3A_322, %dma_start3A_323] : memref<32x100x128x64xf32, #tpu.memory_space<hbm>> -> memref<1x1x128x64xf32, #tpu.memory_space<hbm>>
    %dma_start3A_325 = tpu.memref_squeeze %dma_start3A_324 : memref<1x1x128x64xf32, #tpu.memory_space<hbm>> -> memref<128x64xf32, #tpu.memory_space<hbm>>
    %dma_start3A_326 = arith.constant 0 : i32
    %dma_start3A_327 = arith.constant 0 : i32
    %dma_start3A_328 = tpu.memref_slice %arg4[%add3A, %dma_start3A_321, %dma_start3A_326, %dma_start3A_327] : memref<32x100x128x64xf32, #tpu.memory_space<hbm>> -> memref<1x1x128x64xf32, #tpu.memory_space<hbm>>
    %dma_start3A_329 = tpu.memref_squeeze %dma_start3A_328 : memref<1x1x128x64xf32, #tpu.memory_space<hbm>> -> memref<128x64xf32, #tpu.memory_space<hbm>>
    tpu.enqueue_dma source(%arg6 : memref<128x64xf32, #tpu.memory_space<vmem>>) target(%dma_start3A_329 : memref<128x64xf32, #tpu.memory_space<hbm>>) target_semaphore(%arg26 : memref<!tpu.dma_semaphore, #tpu.memory_space<semaphore_mem>>)
    %dma_wait3A_330 = arith.constant 85 : i32
    %dma_wait3A_331 = arith.constant 0 : i32
    %dma_wait3A_332 = arith.constant 0 : i32
    %dma_wait3A_333 = tpu.memref_slice %arg4[%add3A, %dma_wait3A_330, %dma_wait3A_331, %dma_wait3A_332] : memref<32x100x128x64xf32, #tpu.memory_space<hbm>> -> memref<1x1x128x64xf32, #tpu.memory_space<hbm>>
    %dma_wait3A_334 = tpu.memref_squeeze %dma_wait3A_333 : memref<1x1x128x64xf32, #tpu.memory_space<hbm>> -> memref<128x64xf32, #tpu.memory_space<hbm>>
    %dma_wait3A_335 = arith.constant 0 : i32
    %dma_wait3A_336 = arith.constant 0 : i32
    %dma_wait3A_337 = tpu.memref_slice %arg4[%add3A, %dma_wait3A_330, %dma_wait3A_335, %dma_wait3A_336] : memref<32x100x128x64xf32, #tpu.memory_space<hbm>> -> memref<1x1x128x64xf32, #tpu.memory_space<hbm>>
    %dma_wait3A_338 = tpu.memref_squeeze %dma_wait3A_337 : memref<1x1x128x64xf32, #tpu.memory_space<hbm>> -> memref<128x64xf32, #tpu.memory_space<hbm>>
    tpu.wait_dma2 semaphore(%arg31 : memref<!tpu.dma_semaphore, #tpu.memory_space<semaphore_mem>>) src(%arg11 : memref<128x64xf32, #tpu.memory_space<vmem>>) dst(%dma_wait3A_338 : memref<128x64xf32, #tpu.memory_space<hbm>>)
    %dma_start3A_339 = arith.constant 95 : i32
    %dma_start3A_340 = arith.constant 0 : i32
    %dma_start3A_341 = tpu.memref_slice %arg5[%dma_start3A_339, %dma_start3A_340] : memref<100x128xi32, #tpu.memory_space<vmem>> -> memref<1x128xi32, #tpu.memory_space<vmem>>
    %dma_start3A_342 = tpu.memref_squeeze %dma_start3A_341 : memref<1x128xi32, #tpu.memory_space<vmem>> -> memref<128xi32, #tpu.memory_space<vmem>>
    %dma_start3A_343 = arith.constant 0 : i32
    %dma_start3A_344 = arith.constant 0 : i32
    %dma_start3A_345 = tpu.memref_slice %arg3[%dma_start3A_343, %dma_start3A_344] : memref<1000000x64xf32, #tpu.memory_space<hbm>> -> memref<1000000x64xf32, #tpu.memory_space<hbm>>
    tpu.enqueue_indirect_dma source(%dma_start3A_345 : memref<1000000x64xf32, #tpu.memory_space<hbm>>) target(%arg11 : memref<128x64xf32, #tpu.memory_space<vmem>>) offsets(%dma_start3A_342 : memref<128xi32, #tpu.memory_space<vmem>>) semaphore(%arg21 : memref<!tpu.dma_semaphore, #tpu.memory_space<semaphore_mem>>)
    %dma_wait3A_346 = arith.constant 91 : i32
    %dma_wait3A_347 = arith.constant 0 : i32
    %dma_wait3A_348 = tpu.memref_slice %arg5[%dma_wait3A_346, %dma_wait3A_347] : memref<100x128xi32, #tpu.memory_space<vmem>> -> memref<1x128xi32, #tpu.memory_space<vmem>>
    %dma_wait3A_349 = tpu.memref_squeeze %dma_wait3A_348 : memref<1x128xi32, #tpu.memory_space<vmem>> -> memref<128xi32, #tpu.memory_space<vmem>>
    %dma_wait3A_350 = arith.constant 0 : i32
    %dma_wait3A_351 = arith.constant 0 : i32
    %dma_wait3A_352 = tpu.memref_slice %arg3[%dma_wait3A_350, %dma_wait3A_351] : memref<1000000x64xf32, #tpu.memory_space<hbm>> -> memref<1000000x64xf32, #tpu.memory_space<hbm>>
    tpu.wait_indirect_dma semaphore(%arg17 : memref<!tpu.dma_semaphore, #tpu.memory_space<semaphore_mem>>) src(%dma_wait3A_352 : memref<1000000x64xf32, #tpu.memory_space<hbm>>) dst(%arg7 : memref<128x64xf32, #tpu.memory_space<vmem>>)
    %dma_start3A_353 = arith.constant 91 : i32
    %dma_start3A_354 = arith.constant 0 : i32
    %dma_start3A_355 = arith.constant 0 : i32
    %dma_start3A_356 = tpu.memref_slice %arg4[%add3A, %dma_start3A_353, %dma_start3A_354, %dma_start3A_355] : memref<32x100x128x64xf32, #tpu.memory_space<hbm>> -> memref<1x1x128x64xf32, #tpu.memory_space<hbm>>
    %dma_start3A_357 = tpu.memref_squeeze %dma_start3A_356 : memref<1x1x128x64xf32, #tpu.memory_space<hbm>> -> memref<128x64xf32, #tpu.memory_space<hbm>>
    %dma_start3A_358 = arith.constant 0 : i32
    %dma_start3A_359 = arith.constant 0 : i32
    %dma_start3A_360 = tpu.memref_slice %arg4[%add3A, %dma_start3A_353, %dma_start3A_358, %dma_start3A_359] : memref<32x100x128x64xf32, #tpu.memory_space<hbm>> -> memref<1x1x128x64xf32, #tpu.memory_space<hbm>>
    %dma_start3A_361 = tpu.memref_squeeze %dma_start3A_360 : memref<1x1x128x64xf32, #tpu.memory_space<hbm>> -> memref<128x64xf32, #tpu.memory_space<hbm>>
    tpu.enqueue_dma source(%arg7 : memref<128x64xf32, #tpu.memory_space<vmem>>) target(%dma_start3A_361 : memref<128x64xf32, #tpu.memory_space<hbm>>) target_semaphore(%arg27 : memref<!tpu.dma_semaphore, #tpu.memory_space<semaphore_mem>>)
    %dma_wait3A_362 = arith.constant 86 : i32
    %dma_wait3A_363 = arith.constant 0 : i32
    %dma_wait3A_364 = arith.constant 0 : i32
    %dma_wait3A_365 = tpu.memref_slice %arg4[%add3A, %dma_wait3A_362, %dma_wait3A_363, %dma_wait3A_364] : memref<32x100x128x64xf32, #tpu.memory_space<hbm>> -> memref<1x1x128x64xf32, #tpu.memory_space<hbm>>
    %dma_wait3A_366 = tpu.memref_squeeze %dma_wait3A_365 : memref<1x1x128x64xf32, #tpu.memory_space<hbm>> -> memref<128x64xf32, #tpu.memory_space<hbm>>
    %dma_wait3A_367 = arith.constant 0 : i32
    %dma_wait3A_368 = arith.constant 0 : i32
    %dma_wait3A_369 = tpu.memref_slice %arg4[%add3A, %dma_wait3A_362, %dma_wait3A_367, %dma_wait3A_368] : memref<32x100x128x64xf32, #tpu.memory_space<hbm>> -> memref<1x1x128x64xf32, #tpu.memory_space<hbm>>
    %dma_wait3A_370 = tpu.memref_squeeze %dma_wait3A_369 : memref<1x1x128x64xf32, #tpu.memory_space<hbm>> -> memref<128x64xf32, #tpu.memory_space<hbm>>
    tpu.wait_dma2 semaphore(%arg32 : memref<!tpu.dma_semaphore, #tpu.memory_space<semaphore_mem>>) src(%arg12 : memref<128x64xf32, #tpu.memory_space<vmem>>) dst(%dma_wait3A_370 : memref<128x64xf32, #tpu.memory_space<hbm>>)
    %dma_start3A_371 = arith.constant 96 : i32
    %dma_start3A_372 = arith.constant 0 : i32
    %dma_start3A_373 = tpu.memref_slice %arg5[%dma_start3A_371, %dma_start3A_372] : memref<100x128xi32, #tpu.memory_space<vmem>> -> memref<1x128xi32, #tpu.memory_space<vmem>>
    %dma_start3A_374 = tpu.memref_squeeze %dma_start3A_373 : memref<1x128xi32, #tpu.memory_space<vmem>> -> memref<128xi32, #tpu.memory_space<vmem>>
    %dma_start3A_375 = arith.constant 0 : i32
    %dma_start3A_376 = arith.constant 0 : i32
    %dma_start3A_377 = tpu.memref_slice %arg3[%dma_start3A_375, %dma_start3A_376] : memref<1000000x64xf32, #tpu.memory_space<hbm>> -> memref<1000000x64xf32, #tpu.memory_space<hbm>>
    tpu.enqueue_indirect_dma source(%dma_start3A_377 : memref<1000000x64xf32, #tpu.memory_space<hbm>>) target(%arg12 : memref<128x64xf32, #tpu.memory_space<vmem>>) offsets(%dma_start3A_374 : memref<128xi32, #tpu.memory_space<vmem>>) semaphore(%arg22 : memref<!tpu.dma_semaphore, #tpu.memory_space<semaphore_mem>>)
    %dma_wait3A_378 = arith.constant 92 : i32
    %dma_wait3A_379 = arith.constant 0 : i32
    %dma_wait3A_380 = tpu.memref_slice %arg5[%dma_wait3A_378, %dma_wait3A_379] : memref<100x128xi32, #tpu.memory_space<vmem>> -> memref<1x128xi32, #tpu.memory_space<vmem>>
    %dma_wait3A_381 = tpu.memref_squeeze %dma_wait3A_380 : memref<1x128xi32, #tpu.memory_space<vmem>> -> memref<128xi32, #tpu.memory_space<vmem>>
    %dma_wait3A_382 = arith.constant 0 : i32
    %dma_wait3A_383 = arith.constant 0 : i32
    %dma_wait3A_384 = tpu.memref_slice %arg3[%dma_wait3A_382, %dma_wait3A_383] : memref<1000000x64xf32, #tpu.memory_space<hbm>> -> memref<1000000x64xf32, #tpu.memory_space<hbm>>
    tpu.wait_indirect_dma semaphore(%arg18 : memref<!tpu.dma_semaphore, #tpu.memory_space<semaphore_mem>>) src(%dma_wait3A_384 : memref<1000000x64xf32, #tpu.memory_space<hbm>>) dst(%arg8 : memref<128x64xf32, #tpu.memory_space<vmem>>)
    %dma_start3A_385 = arith.constant 92 : i32
    %dma_start3A_386 = arith.constant 0 : i32
    %dma_start3A_387 = arith.constant 0 : i32
    %dma_start3A_388 = tpu.memref_slice %arg4[%add3A, %dma_start3A_385, %dma_start3A_386, %dma_start3A_387] : memref<32x100x128x64xf32, #tpu.memory_space<hbm>> -> memref<1x1x128x64xf32, #tpu.memory_space<hbm>>
    %dma_start3A_389 = tpu.memref_squeeze %dma_start3A_388 : memref<1x1x128x64xf32, #tpu.memory_space<hbm>> -> memref<128x64xf32, #tpu.memory_space<hbm>>
    %dma_start3A_390 = arith.constant 0 : i32
    %dma_start3A_391 = arith.constant 0 : i32
    %dma_start3A_392 = tpu.memref_slice %arg4[%add3A, %dma_start3A_385, %dma_start3A_390, %dma_start3A_391] : memref<32x100x128x64xf32, #tpu.memory_space<hbm>> -> memref<1x1x128x64xf32, #tpu.memory_space<hbm>>
    %dma_start3A_393 = tpu.memref_squeeze %dma_start3A_392 : memref<1x1x128x64xf32, #tpu.memory_space<hbm>> -> memref<128x64xf32, #tpu.memory_space<hbm>>
    tpu.enqueue_dma source(%arg8 : memref<128x64xf32, #tpu.memory_space<vmem>>) target(%dma_start3A_393 : memref<128x64xf32, #tpu.memory_space<hbm>>) target_semaphore(%arg28 : memref<!tpu.dma_semaphore, #tpu.memory_space<semaphore_mem>>)
    %dma_wait3A_394 = arith.constant 87 : i32
    %dma_wait3A_395 = arith.constant 0 : i32
    %dma_wait3A_396 = arith.constant 0 : i32
    %dma_wait3A_397 = tpu.memref_slice %arg4[%add3A, %dma_wait3A_394, %dma_wait3A_395, %dma_wait3A_396] : memref<32x100x128x64xf32, #tpu.memory_space<hbm>> -> memref<1x1x128x64xf32, #tpu.memory_space<hbm>>
    %dma_wait3A_398 = tpu.memref_squeeze %dma_wait3A_397 : memref<1x1x128x64xf32, #tpu.memory_space<hbm>> -> memref<128x64xf32, #tpu.memory_space<hbm>>
    %dma_wait3A_399 = arith.constant 0 : i32
    %dma_wait3A_400 = arith.constant 0 : i32
    %dma_wait3A_401 = tpu.memref_slice %arg4[%add3A, %dma_wait3A_394, %dma_wait3A_399, %dma_wait3A_400] : memref<32x100x128x64xf32, #tpu.memory_space<hbm>> -> memref<1x1x128x64xf32, #tpu.memory_space<hbm>>
    %dma_wait3A_402 = tpu.memref_squeeze %dma_wait3A_401 : memref<1x1x128x64xf32, #tpu.memory_space<hbm>> -> memref<128x64xf32, #tpu.memory_space<hbm>>
    tpu.wait_dma2 semaphore(%arg33 : memref<!tpu.dma_semaphore, #tpu.memory_space<semaphore_mem>>) src(%arg13 : memref<128x64xf32, #tpu.memory_space<vmem>>) dst(%dma_wait3A_402 : memref<128x64xf32, #tpu.memory_space<hbm>>)
    %dma_start3A_403 = arith.constant 97 : i32
    %dma_start3A_404 = arith.constant 0 : i32
    %dma_start3A_405 = tpu.memref_slice %arg5[%dma_start3A_403, %dma_start3A_404] : memref<100x128xi32, #tpu.memory_space<vmem>> -> memref<1x128xi32, #tpu.memory_space<vmem>>
    %dma_start3A_406 = tpu.memref_squeeze %dma_start3A_405 : memref<1x128xi32, #tpu.memory_space<vmem>> -> memref<128xi32, #tpu.memory_space<vmem>>
    %dma_start3A_407 = arith.constant 0 : i32
    %dma_start3A_408 = arith.constant 0 : i32
    %dma_start3A_409 = tpu.memref_slice %arg3[%dma_start3A_407, %dma_start3A_408] : memref<1000000x64xf32, #tpu.memory_space<hbm>> -> memref<1000000x64xf32, #tpu.memory_space<hbm>>
    tpu.enqueue_indirect_dma source(%dma_start3A_409 : memref<1000000x64xf32, #tpu.memory_space<hbm>>) target(%arg13 : memref<128x64xf32, #tpu.memory_space<vmem>>) offsets(%dma_start3A_406 : memref<128xi32, #tpu.memory_space<vmem>>) semaphore(%arg23 : memref<!tpu.dma_semaphore, #tpu.memory_space<semaphore_mem>>)
    %dma_wait3A_410 = arith.constant 93 : i32
    %dma_wait3A_411 = arith.constant 0 : i32
    %dma_wait3A_412 = tpu.memref_slice %arg5[%dma_wait3A_410, %dma_wait3A_411] : memref<100x128xi32, #tpu.memory_space<vmem>> -> memref<1x128xi32, #tpu.memory_space<vmem>>
    %dma_wait3A_413 = tpu.memref_squeeze %dma_wait3A_412 : memref<1x128xi32, #tpu.memory_space<vmem>> -> memref<128xi32, #tpu.memory_space<vmem>>
    %dma_wait3A_414 = arith.constant 0 : i32
    %dma_wait3A_415 = arith.constant 0 : i32
    %dma_wait3A_416 = tpu.memref_slice %arg3[%dma_wait3A_414, %dma_wait3A_415] : memref<1000000x64xf32, #tpu.memory_space<hbm>> -> memref<1000000x64xf32, #tpu.memory_space<hbm>>
    tpu.wait_indirect_dma semaphore(%arg19 : memref<!tpu.dma_semaphore, #tpu.memory_space<semaphore_mem>>) src(%dma_wait3A_416 : memref<1000000x64xf32, #tpu.memory_space<hbm>>) dst(%arg9 : memref<128x64xf32, #tpu.memory_space<vmem>>)
    %dma_start3A_417 = arith.constant 93 : i32
    %dma_start3A_418 = arith.constant 0 : i32
    %dma_start3A_419 = arith.constant 0 : i32
    %dma_start3A_420 = tpu.memref_slice %arg4[%add3A, %dma_start3A_417, %dma_start3A_418, %dma_start3A_419] : memref<32x100x128x64xf32, #tpu.memory_space<hbm>> -> memref<1x1x128x64xf32, #tpu.memory_space<hbm>>
    %dma_start3A_421 = tpu.memref_squeeze %dma_start3A_420 : memref<1x1x128x64xf32, #tpu.memory_space<hbm>> -> memref<128x64xf32, #tpu.memory_space<hbm>>
    %dma_start3A_422 = arith.constant 0 : i32
    %dma_start3A_423 = arith.constant 0 : i32
    %dma_start3A_424 = tpu.memref_slice %arg4[%add3A, %dma_start3A_417, %dma_start3A_422, %dma_start3A_423] : memref<32x100x128x64xf32, #tpu.memory_space<hbm>> -> memref<1x1x128x64xf32, #tpu.memory_space<hbm>>
    %dma_start3A_425 = tpu.memref_squeeze %dma_start3A_424 : memref<1x1x128x64xf32, #tpu.memory_space<hbm>> -> memref<128x64xf32, #tpu.memory_space<hbm>>
    tpu.enqueue_dma source(%arg9 : memref<128x64xf32, #tpu.memory_space<vmem>>) target(%dma_start3A_425 : memref<128x64xf32, #tpu.memory_space<hbm>>) target_semaphore(%arg29 : memref<!tpu.dma_semaphore, #tpu.memory_space<semaphore_mem>>)
    %dma_wait3A_426 = arith.constant 88 : i32
    %dma_wait3A_427 = arith.constant 0 : i32
    %dma_wait3A_428 = arith.constant 0 : i32
    %dma_wait3A_429 = tpu.memref_slice %arg4[%add3A, %dma_wait3A_426, %dma_wait3A_427, %dma_wait3A_428] : memref<32x100x128x64xf32, #tpu.memory_space<hbm>> -> memref<1x1x128x64xf32, #tpu.memory_space<hbm>>
    %dma_wait3A_430 = tpu.memref_squeeze %dma_wait3A_429 : memref<1x1x128x64xf32, #tpu.memory_space<hbm>> -> memref<128x64xf32, #tpu.memory_space<hbm>>
    %dma_wait3A_431 = arith.constant 0 : i32
    %dma_wait3A_432 = arith.constant 0 : i32
    %dma_wait3A_433 = tpu.memref_slice %arg4[%add3A, %dma_wait3A_426, %dma_wait3A_431, %dma_wait3A_432] : memref<32x100x128x64xf32, #tpu.memory_space<hbm>> -> memref<1x1x128x64xf32, #tpu.memory_space<hbm>>
    %dma_wait3A_434 = tpu.memref_squeeze %dma_wait3A_433 : memref<1x1x128x64xf32, #tpu.memory_space<hbm>> -> memref<128x64xf32, #tpu.memory_space<hbm>>
    tpu.wait_dma2 semaphore(%arg34 : memref<!tpu.dma_semaphore, #tpu.memory_space<semaphore_mem>>) src(%arg14 : memref<128x64xf32, #tpu.memory_space<vmem>>) dst(%dma_wait3A_434 : memref<128x64xf32, #tpu.memory_space<hbm>>)
    %dma_start3A_435 = arith.constant 98 : i32
    %dma_start3A_436 = arith.constant 0 : i32
    %dma_start3A_437 = tpu.memref_slice %arg5[%dma_start3A_435, %dma_start3A_436] : memref<100x128xi32, #tpu.memory_space<vmem>> -> memref<1x128xi32, #tpu.memory_space<vmem>>
    %dma_start3A_438 = tpu.memref_squeeze %dma_start3A_437 : memref<1x128xi32, #tpu.memory_space<vmem>> -> memref<128xi32, #tpu.memory_space<vmem>>
    %dma_start3A_439 = arith.constant 0 : i32
    %dma_start3A_440 = arith.constant 0 : i32
    %dma_start3A_441 = tpu.memref_slice %arg3[%dma_start3A_439, %dma_start3A_440] : memref<1000000x64xf32, #tpu.memory_space<hbm>> -> memref<1000000x64xf32, #tpu.memory_space<hbm>>
    tpu.enqueue_indirect_dma source(%dma_start3A_441 : memref<1000000x64xf32, #tpu.memory_space<hbm>>) target(%arg14 : memref<128x64xf32, #tpu.memory_space<vmem>>) offsets(%dma_start3A_438 : memref<128xi32, #tpu.memory_space<vmem>>) semaphore(%arg24 : memref<!tpu.dma_semaphore, #tpu.memory_space<semaphore_mem>>)
    %dma_wait3A_442 = arith.constant 94 : i32
    %dma_wait3A_443 = arith.constant 0 : i32
    %dma_wait3A_444 = tpu.memref_slice %arg5[%dma_wait3A_442, %dma_wait3A_443] : memref<100x128xi32, #tpu.memory_space<vmem>> -> memref<1x128xi32, #tpu.memory_space<vmem>>
    %dma_wait3A_445 = tpu.memref_squeeze %dma_wait3A_444 : memref<1x128xi32, #tpu.memory_space<vmem>> -> memref<128xi32, #tpu.memory_space<vmem>>
    %dma_wait3A_446 = arith.constant 0 : i32
    %dma_wait3A_447 = arith.constant 0 : i32
    %dma_wait3A_448 = tpu.memref_slice %arg3[%dma_wait3A_446, %dma_wait3A_447] : memref<1000000x64xf32, #tpu.memory_space<hbm>> -> memref<1000000x64xf32, #tpu.memory_space<hbm>>
    tpu.wait_indirect_dma semaphore(%arg20 : memref<!tpu.dma_semaphore, #tpu.memory_space<semaphore_mem>>) src(%dma_wait3A_448 : memref<1000000x64xf32, #tpu.memory_space<hbm>>) dst(%arg10 : memref<128x64xf32, #tpu.memory_space<vmem>>)
    %dma_start3A_449 = arith.constant 94 : i32
    %dma_start3A_450 = arith.constant 0 : i32
    %dma_start3A_451 = arith.constant 0 : i32
    %dma_start3A_452 = tpu.memref_slice %arg4[%add3A, %dma_start3A_449, %dma_start3A_450, %dma_start3A_451] : memref<32x100x128x64xf32, #tpu.memory_space<hbm>> -> memref<1x1x128x64xf32, #tpu.memory_space<hbm>>
    %dma_start3A_453 = tpu.memref_squeeze %dma_start3A_452 : memref<1x1x128x64xf32, #tpu.memory_space<hbm>> -> memref<128x64xf32, #tpu.memory_space<hbm>>
    %dma_start3A_454 = arith.constant 0 : i32
    %dma_start3A_455 = arith.constant 0 : i32
    %dma_start3A_456 = tpu.memref_slice %arg4[%add3A, %dma_start3A_449, %dma_start3A_454, %dma_start3A_455] : memref<32x100x128x64xf32, #tpu.memory_space<hbm>> -> memref<1x1x128x64xf32, #tpu.memory_space<hbm>>
    %dma_start3A_457 = tpu.memref_squeeze %dma_start3A_456 : memref<1x1x128x64xf32, #tpu.memory_space<hbm>> -> memref<128x64xf32, #tpu.memory_space<hbm>>
    tpu.enqueue_dma source(%arg10 : memref<128x64xf32, #tpu.memory_space<vmem>>) target(%dma_start3A_457 : memref<128x64xf32, #tpu.memory_space<hbm>>) target_semaphore(%arg30 : memref<!tpu.dma_semaphore, #tpu.memory_space<semaphore_mem>>)
    %dma_wait3A_458 = arith.constant 89 : i32
    %dma_wait3A_459 = arith.constant 0 : i32
    %dma_wait3A_460 = arith.constant 0 : i32
    %dma_wait3A_461 = tpu.memref_slice %arg4[%add3A, %dma_wait3A_458, %dma_wait3A_459, %dma_wait3A_460] : memref<32x100x128x64xf32, #tpu.memory_space<hbm>> -> memref<1x1x128x64xf32, #tpu.memory_space<hbm>>
    %dma_wait3A_462 = tpu.memref_squeeze %dma_wait3A_461 : memref<1x1x128x64xf32, #tpu.memory_space<hbm>> -> memref<128x64xf32, #tpu.memory_space<hbm>>
    %dma_wait3A_463 = arith.constant 0 : i32
    %dma_wait3A_464 = arith.constant 0 : i32
    %dma_wait3A_465 = tpu.memref_slice %arg4[%add3A, %dma_wait3A_458, %dma_wait3A_463, %dma_wait3A_464] : memref<32x100x128x64xf32, #tpu.memory_space<hbm>> -> memref<1x1x128x64xf32, #tpu.memory_space<hbm>>
    %dma_wait3A_466 = tpu.memref_squeeze %dma_wait3A_465 : memref<1x1x128x64xf32, #tpu.memory_space<hbm>> -> memref<128x64xf32, #tpu.memory_space<hbm>>
    tpu.wait_dma2 semaphore(%arg35 : memref<!tpu.dma_semaphore, #tpu.memory_space<semaphore_mem>>) src(%arg15 : memref<128x64xf32, #tpu.memory_space<vmem>>) dst(%dma_wait3A_466 : memref<128x64xf32, #tpu.memory_space<hbm>>)
    %dma_start3A_467 = arith.constant 99 : i32
    %dma_start3A_468 = arith.constant 0 : i32
    %dma_start3A_469 = tpu.memref_slice %arg5[%dma_start3A_467, %dma_start3A_468] : memref<100x128xi32, #tpu.memory_space<vmem>> -> memref<1x128xi32, #tpu.memory_space<vmem>>
    %dma_start3A_470 = tpu.memref_squeeze %dma_start3A_469 : memref<1x128xi32, #tpu.memory_space<vmem>> -> memref<128xi32, #tpu.memory_space<vmem>>
    %dma_start3A_471 = arith.constant 0 : i32
    %dma_start3A_472 = arith.constant 0 : i32
    %dma_start3A_473 = tpu.memref_slice %arg3[%dma_start3A_471, %dma_start3A_472] : memref<1000000x64xf32, #tpu.memory_space<hbm>> -> memref<1000000x64xf32, #tpu.memory_space<hbm>>
    tpu.enqueue_indirect_dma source(%dma_start3A_473 : memref<1000000x64xf32, #tpu.memory_space<hbm>>) target(%arg15 : memref<128x64xf32, #tpu.memory_space<vmem>>) offsets(%dma_start3A_470 : memref<128xi32, #tpu.memory_space<vmem>>) semaphore(%arg25 : memref<!tpu.dma_semaphore, #tpu.memory_space<semaphore_mem>>)
    %dma_wait3A_474 = arith.constant 95 : i32
    %dma_wait3A_475 = arith.constant 0 : i32
    %dma_wait3A_476 = tpu.memref_slice %arg5[%dma_wait3A_474, %dma_wait3A_475] : memref<100x128xi32, #tpu.memory_space<vmem>> -> memref<1x128xi32, #tpu.memory_space<vmem>>
    %dma_wait3A_477 = tpu.memref_squeeze %dma_wait3A_476 : memref<1x128xi32, #tpu.memory_space<vmem>> -> memref<128xi32, #tpu.memory_space<vmem>>
    %dma_wait3A_478 = arith.constant 0 : i32
    %dma_wait3A_479 = arith.constant 0 : i32
    %dma_wait3A_480 = tpu.memref_slice %arg3[%dma_wait3A_478, %dma_wait3A_479] : memref<1000000x64xf32, #tpu.memory_space<hbm>> -> memref<1000000x64xf32, #tpu.memory_space<hbm>>
    tpu.wait_indirect_dma semaphore(%arg21 : memref<!tpu.dma_semaphore, #tpu.memory_space<semaphore_mem>>) src(%dma_wait3A_480 : memref<1000000x64xf32, #tpu.memory_space<hbm>>) dst(%arg11 : memref<128x64xf32, #tpu.memory_space<vmem>>)
    %dma_start3A_481 = arith.constant 95 : i32
    %dma_start3A_482 = arith.constant 0 : i32
    %dma_start3A_483 = arith.constant 0 : i32
    %dma_start3A_484 = tpu.memref_slice %arg4[%add3A, %dma_start3A_481, %dma_start3A_482, %dma_start3A_483] : memref<32x100x128x64xf32, #tpu.memory_space<hbm>> -> memref<1x1x128x64xf32, #tpu.memory_space<hbm>>
    %dma_start3A_485 = tpu.memref_squeeze %dma_start3A_484 : memref<1x1x128x64xf32, #tpu.memory_space<hbm>> -> memref<128x64xf32, #tpu.memory_space<hbm>>
    %dma_start3A_486 = arith.constant 0 : i32
    %dma_start3A_487 = arith.constant 0 : i32
    %dma_start3A_488 = tpu.memref_slice %arg4[%add3A, %dma_start3A_481, %dma_start3A_486, %dma_start3A_487] : memref<32x100x128x64xf32, #tpu.memory_space<hbm>> -> memref<1x1x128x64xf32, #tpu.memory_space<hbm>>
    %dma_start3A_489 = tpu.memref_squeeze %dma_start3A_488 : memref<1x1x128x64xf32, #tpu.memory_space<hbm>> -> memref<128x64xf32, #tpu.memory_space<hbm>>
    tpu.enqueue_dma source(%arg11 : memref<128x64xf32, #tpu.memory_space<vmem>>) target(%dma_start3A_489 : memref<128x64xf32, #tpu.memory_space<hbm>>) target_semaphore(%arg31 : memref<!tpu.dma_semaphore, #tpu.memory_space<semaphore_mem>>)
    %dma_wait3A_490 = arith.constant 96 : i32
    %dma_wait3A_491 = arith.constant 0 : i32
    %dma_wait3A_492 = tpu.memref_slice %arg5[%dma_wait3A_490, %dma_wait3A_491] : memref<100x128xi32, #tpu.memory_space<vmem>> -> memref<1x128xi32, #tpu.memory_space<vmem>>
    %dma_wait3A_493 = tpu.memref_squeeze %dma_wait3A_492 : memref<1x128xi32, #tpu.memory_space<vmem>> -> memref<128xi32, #tpu.memory_space<vmem>>
    %dma_wait3A_494 = arith.constant 0 : i32
    %dma_wait3A_495 = arith.constant 0 : i32
    %dma_wait3A_496 = tpu.memref_slice %arg3[%dma_wait3A_494, %dma_wait3A_495] : memref<1000000x64xf32, #tpu.memory_space<hbm>> -> memref<1000000x64xf32, #tpu.memory_space<hbm>>
    tpu.wait_indirect_dma semaphore(%arg22 : memref<!tpu.dma_semaphore, #tpu.memory_space<semaphore_mem>>) src(%dma_wait3A_496 : memref<1000000x64xf32, #tpu.memory_space<hbm>>) dst(%arg12 : memref<128x64xf32, #tpu.memory_space<vmem>>)
    %dma_start3A_497 = arith.constant 96 : i32
    %dma_start3A_498 = arith.constant 0 : i32
    %dma_start3A_499 = arith.constant 0 : i32
    %dma_start3A_500 = tpu.memref_slice %arg4[%add3A, %dma_start3A_497, %dma_start3A_498, %dma_start3A_499] : memref<32x100x128x64xf32, #tpu.memory_space<hbm>> -> memref<1x1x128x64xf32, #tpu.memory_space<hbm>>
    %dma_start3A_501 = tpu.memref_squeeze %dma_start3A_500 : memref<1x1x128x64xf32, #tpu.memory_space<hbm>> -> memref<128x64xf32, #tpu.memory_space<hbm>>
    %dma_start3A_502 = arith.constant 0 : i32
    %dma_start3A_503 = arith.constant 0 : i32
    %dma_start3A_504 = tpu.memref_slice %arg4[%add3A, %dma_start3A_497, %dma_start3A_502, %dma_start3A_503] : memref<32x100x128x64xf32, #tpu.memory_space<hbm>> -> memref<1x1x128x64xf32, #tpu.memory_space<hbm>>
    %dma_start3A_505 = tpu.memref_squeeze %dma_start3A_504 : memref<1x1x128x64xf32, #tpu.memory_space<hbm>> -> memref<128x64xf32, #tpu.memory_space<hbm>>
    tpu.enqueue_dma source(%arg12 : memref<128x64xf32, #tpu.memory_space<vmem>>) target(%dma_start3A_505 : memref<128x64xf32, #tpu.memory_space<hbm>>) target_semaphore(%arg32 : memref<!tpu.dma_semaphore, #tpu.memory_space<semaphore_mem>>)
    %dma_wait3A_506 = arith.constant 97 : i32
    %dma_wait3A_507 = arith.constant 0 : i32
    %dma_wait3A_508 = tpu.memref_slice %arg5[%dma_wait3A_506, %dma_wait3A_507] : memref<100x128xi32, #tpu.memory_space<vmem>> -> memref<1x128xi32, #tpu.memory_space<vmem>>
    %dma_wait3A_509 = tpu.memref_squeeze %dma_wait3A_508 : memref<1x128xi32, #tpu.memory_space<vmem>> -> memref<128xi32, #tpu.memory_space<vmem>>
    %dma_wait3A_510 = arith.constant 0 : i32
    %dma_wait3A_511 = arith.constant 0 : i32
    %dma_wait3A_512 = tpu.memref_slice %arg3[%dma_wait3A_510, %dma_wait3A_511] : memref<1000000x64xf32, #tpu.memory_space<hbm>> -> memref<1000000x64xf32, #tpu.memory_space<hbm>>
    tpu.wait_indirect_dma semaphore(%arg23 : memref<!tpu.dma_semaphore, #tpu.memory_space<semaphore_mem>>) src(%dma_wait3A_512 : memref<1000000x64xf32, #tpu.memory_space<hbm>>) dst(%arg13 : memref<128x64xf32, #tpu.memory_space<vmem>>)
    %dma_start3A_513 = arith.constant 97 : i32
    %dma_start3A_514 = arith.constant 0 : i32
    %dma_start3A_515 = arith.constant 0 : i32
    %dma_start3A_516 = tpu.memref_slice %arg4[%add3A, %dma_start3A_513, %dma_start3A_514, %dma_start3A_515] : memref<32x100x128x64xf32, #tpu.memory_space<hbm>> -> memref<1x1x128x64xf32, #tpu.memory_space<hbm>>
    %dma_start3A_517 = tpu.memref_squeeze %dma_start3A_516 : memref<1x1x128x64xf32, #tpu.memory_space<hbm>> -> memref<128x64xf32, #tpu.memory_space<hbm>>
    %dma_start3A_518 = arith.constant 0 : i32
    %dma_start3A_519 = arith.constant 0 : i32
    %dma_start3A_520 = tpu.memref_slice %arg4[%add3A, %dma_start3A_513, %dma_start3A_518, %dma_start3A_519] : memref<32x100x128x64xf32, #tpu.memory_space<hbm>> -> memref<1x1x128x64xf32, #tpu.memory_space<hbm>>
    %dma_start3A_521 = tpu.memref_squeeze %dma_start3A_520 : memref<1x1x128x64xf32, #tpu.memory_space<hbm>> -> memref<128x64xf32, #tpu.memory_space<hbm>>
    tpu.enqueue_dma source(%arg13 : memref<128x64xf32, #tpu.memory_space<vmem>>) target(%dma_start3A_521 : memref<128x64xf32, #tpu.memory_space<hbm>>) target_semaphore(%arg33 : memref<!tpu.dma_semaphore, #tpu.memory_space<semaphore_mem>>)
    %dma_wait3A_522 = arith.constant 98 : i32
    %dma_wait3A_523 = arith.constant 0 : i32
    %dma_wait3A_524 = tpu.memref_slice %arg5[%dma_wait3A_522, %dma_wait3A_523] : memref<100x128xi32, #tpu.memory_space<vmem>> -> memref<1x128xi32, #tpu.memory_space<vmem>>
    %dma_wait3A_525 = tpu.memref_squeeze %dma_wait3A_524 : memref<1x128xi32, #tpu.memory_space<vmem>> -> memref<128xi32, #tpu.memory_space<vmem>>
    %dma_wait3A_526 = arith.constant 0 : i32
    %dma_wait3A_527 = arith.constant 0 : i32
    %dma_wait3A_528 = tpu.memref_slice %arg3[%dma_wait3A_526, %dma_wait3A_527] : memref<1000000x64xf32, #tpu.memory_space<hbm>> -> memref<1000000x64xf32, #tpu.memory_space<hbm>>
    tpu.wait_indirect_dma semaphore(%arg24 : memref<!tpu.dma_semaphore, #tpu.memory_space<semaphore_mem>>) src(%dma_wait3A_528 : memref<1000000x64xf32, #tpu.memory_space<hbm>>) dst(%arg14 : memref<128x64xf32, #tpu.memory_space<vmem>>)
    %dma_start3A_529 = arith.constant 98 : i32
    %dma_start3A_530 = arith.constant 0 : i32
    %dma_start3A_531 = arith.constant 0 : i32
    %dma_start3A_532 = tpu.memref_slice %arg4[%add3A, %dma_start3A_529, %dma_start3A_530, %dma_start3A_531] : memref<32x100x128x64xf32, #tpu.memory_space<hbm>> -> memref<1x1x128x64xf32, #tpu.memory_space<hbm>>
    %dma_start3A_533 = tpu.memref_squeeze %dma_start3A_532 : memref<1x1x128x64xf32, #tpu.memory_space<hbm>> -> memref<128x64xf32, #tpu.memory_space<hbm>>
    %dma_start3A_534 = arith.constant 0 : i32
    %dma_start3A_535 = arith.constant 0 : i32
    %dma_start3A_536 = tpu.memref_slice %arg4[%add3A, %dma_start3A_529, %dma_start3A_534, %dma_start3A_535] : memref<32x100x128x64xf32, #tpu.memory_space<hbm>> -> memref<1x1x128x64xf32, #tpu.memory_space<hbm>>
    %dma_start3A_537 = tpu.memref_squeeze %dma_start3A_536 : memref<1x1x128x64xf32, #tpu.memory_space<hbm>> -> memref<128x64xf32, #tpu.memory_space<hbm>>
    tpu.enqueue_dma source(%arg14 : memref<128x64xf32, #tpu.memory_space<vmem>>) target(%dma_start3A_537 : memref<128x64xf32, #tpu.memory_space<hbm>>) target_semaphore(%arg34 : memref<!tpu.dma_semaphore, #tpu.memory_space<semaphore_mem>>)
    %dma_wait3A_538 = arith.constant 99 : i32
    %dma_wait3A_539 = arith.constant 0 : i32
    %dma_wait3A_540 = tpu.memref_slice %arg5[%dma_wait3A_538, %dma_wait3A_539] : memref<100x128xi32, #tpu.memory_space<vmem>> -> memref<1x128xi32, #tpu.memory_space<vmem>>
    %dma_wait3A_541 = tpu.memref_squeeze %dma_wait3A_540 : memref<1x128xi32, #tpu.memory_space<vmem>> -> memref<128xi32, #tpu.memory_space<vmem>>
    %dma_wait3A_542 = arith.constant 0 : i32
    %dma_wait3A_543 = arith.constant 0 : i32
    %dma_wait3A_544 = tpu.memref_slice %arg3[%dma_wait3A_542, %dma_wait3A_543] : memref<1000000x64xf32, #tpu.memory_space<hbm>> -> memref<1000000x64xf32, #tpu.memory_space<hbm>>
    tpu.wait_indirect_dma semaphore(%arg25 : memref<!tpu.dma_semaphore, #tpu.memory_space<semaphore_mem>>) src(%dma_wait3A_544 : memref<1000000x64xf32, #tpu.memory_space<hbm>>) dst(%arg15 : memref<128x64xf32, #tpu.memory_space<vmem>>)
    %dma_start3A_545 = arith.constant 99 : i32
    %dma_start3A_546 = arith.constant 0 : i32
    %dma_start3A_547 = arith.constant 0 : i32
    %dma_start3A_548 = tpu.memref_slice %arg4[%add3A, %dma_start3A_545, %dma_start3A_546, %dma_start3A_547] : memref<32x100x128x64xf32, #tpu.memory_space<hbm>> -> memref<1x1x128x64xf32, #tpu.memory_space<hbm>>
    %dma_start3A_549 = tpu.memref_squeeze %dma_start3A_548 : memref<1x1x128x64xf32, #tpu.memory_space<hbm>> -> memref<128x64xf32, #tpu.memory_space<hbm>>
    %dma_start3A_550 = arith.constant 0 : i32
    %dma_start3A_551 = arith.constant 0 : i32
    %dma_start3A_552 = tpu.memref_slice %arg4[%add3A, %dma_start3A_545, %dma_start3A_550, %dma_start3A_551] : memref<32x100x128x64xf32, #tpu.memory_space<hbm>> -> memref<1x1x128x64xf32, #tpu.memory_space<hbm>>
    %dma_start3A_553 = tpu.memref_squeeze %dma_start3A_552 : memref<1x1x128x64xf32, #tpu.memory_space<hbm>> -> memref<128x64xf32, #tpu.memory_space<hbm>>
    tpu.enqueue_dma source(%arg15 : memref<128x64xf32, #tpu.memory_space<vmem>>) target(%dma_start3A_553 : memref<128x64xf32, #tpu.memory_space<hbm>>) target_semaphore(%arg35 : memref<!tpu.dma_semaphore, #tpu.memory_space<semaphore_mem>>)
    %dma_wait3A_554 = arith.constant 90 : i32
    %dma_wait3A_555 = arith.constant 0 : i32
    %dma_wait3A_556 = arith.constant 0 : i32
    %dma_wait3A_557 = tpu.memref_slice %arg4[%add3A, %dma_wait3A_554, %dma_wait3A_555, %dma_wait3A_556] : memref<32x100x128x64xf32, #tpu.memory_space<hbm>> -> memref<1x1x128x64xf32, #tpu.memory_space<hbm>>
    %dma_wait3A_558 = tpu.memref_squeeze %dma_wait3A_557 : memref<1x1x128x64xf32, #tpu.memory_space<hbm>> -> memref<128x64xf32, #tpu.memory_space<hbm>>
    %dma_wait3A_559 = arith.constant 0 : i32
    %dma_wait3A_560 = arith.constant 0 : i32
    %dma_wait3A_561 = tpu.memref_slice %arg4[%add3A, %dma_wait3A_554, %dma_wait3A_559, %dma_wait3A_560] : memref<32x100x128x64xf32, #tpu.memory_space<hbm>> -> memref<1x1x128x64xf32, #tpu.memory_space<hbm>>
    %dma_wait3A_562 = tpu.memref_squeeze %dma_wait3A_561 : memref<1x1x128x64xf32, #tpu.memory_space<hbm>> -> memref<128x64xf32, #tpu.memory_space<hbm>>
    tpu.wait_dma2 semaphore(%arg26 : memref<!tpu.dma_semaphore, #tpu.memory_space<semaphore_mem>>) src(%arg6 : memref<128x64xf32, #tpu.memory_space<vmem>>) dst(%dma_wait3A_562 : memref<128x64xf32, #tpu.memory_space<hbm>>)
    %dma_wait3A_563 = arith.constant 91 : i32
    %dma_wait3A_564 = arith.constant 0 : i32
    %dma_wait3A_565 = arith.constant 0 : i32
    %dma_wait3A_566 = tpu.memref_slice %arg4[%add3A, %dma_wait3A_563, %dma_wait3A_564, %dma_wait3A_565] : memref<32x100x128x64xf32, #tpu.memory_space<hbm>> -> memref<1x1x128x64xf32, #tpu.memory_space<hbm>>
    %dma_wait3A_567 = tpu.memref_squeeze %dma_wait3A_566 : memref<1x1x128x64xf32, #tpu.memory_space<hbm>> -> memref<128x64xf32, #tpu.memory_space<hbm>>
    %dma_wait3A_568 = arith.constant 0 : i32
    %dma_wait3A_569 = arith.constant 0 : i32
    %dma_wait3A_570 = tpu.memref_slice %arg4[%add3A, %dma_wait3A_563, %dma_wait3A_568, %dma_wait3A_569] : memref<32x100x128x64xf32, #tpu.memory_space<hbm>> -> memref<1x1x128x64xf32, #tpu.memory_space<hbm>>
    %dma_wait3A_571 = tpu.memref_squeeze %dma_wait3A_570 : memref<1x1x128x64xf32, #tpu.memory_space<hbm>> -> memref<128x64xf32, #tpu.memory_space<hbm>>
    tpu.wait_dma2 semaphore(%arg27 : memref<!tpu.dma_semaphore, #tpu.memory_space<semaphore_mem>>) src(%arg7 : memref<128x64xf32, #tpu.memory_space<vmem>>) dst(%dma_wait3A_571 : memref<128x64xf32, #tpu.memory_space<hbm>>)
    %dma_wait3A_572 = arith.constant 92 : i32
    %dma_wait3A_573 = arith.constant 0 : i32
    %dma_wait3A_574 = arith.constant 0 : i32
    %dma_wait3A_575 = tpu.memref_slice %arg4[%add3A, %dma_wait3A_572, %dma_wait3A_573, %dma_wait3A_574] : memref<32x100x128x64xf32, #tpu.memory_space<hbm>> -> memref<1x1x128x64xf32, #tpu.memory_space<hbm>>
    %dma_wait3A_576 = tpu.memref_squeeze %dma_wait3A_575 : memref<1x1x128x64xf32, #tpu.memory_space<hbm>> -> memref<128x64xf32, #tpu.memory_space<hbm>>
    %dma_wait3A_577 = arith.constant 0 : i32
    %dma_wait3A_578 = arith.constant 0 : i32
    %dma_wait3A_579 = tpu.memref_slice %arg4[%add3A, %dma_wait3A_572, %dma_wait3A_577, %dma_wait3A_578] : memref<32x100x128x64xf32, #tpu.memory_space<hbm>> -> memref<1x1x128x64xf32, #tpu.memory_space<hbm>>
    %dma_wait3A_580 = tpu.memref_squeeze %dma_wait3A_579 : memref<1x1x128x64xf32, #tpu.memory_space<hbm>> -> memref<128x64xf32, #tpu.memory_space<hbm>>
    tpu.wait_dma2 semaphore(%arg28 : memref<!tpu.dma_semaphore, #tpu.memory_space<semaphore_mem>>) src(%arg8 : memref<128x64xf32, #tpu.memory_space<vmem>>) dst(%dma_wait3A_580 : memref<128x64xf32, #tpu.memory_space<hbm>>)
    %dma_wait3A_581 = arith.constant 93 : i32
    %dma_wait3A_582 = arith.constant 0 : i32
    %dma_wait3A_583 = arith.constant 0 : i32
    %dma_wait3A_584 = tpu.memref_slice %arg4[%add3A, %dma_wait3A_581, %dma_wait3A_582, %dma_wait3A_583] : memref<32x100x128x64xf32, #tpu.memory_space<hbm>> -> memref<1x1x128x64xf32, #tpu.memory_space<hbm>>
    %dma_wait3A_585 = tpu.memref_squeeze %dma_wait3A_584 : memref<1x1x128x64xf32, #tpu.memory_space<hbm>> -> memref<128x64xf32, #tpu.memory_space<hbm>>
    %dma_wait3A_586 = arith.constant 0 : i32
    %dma_wait3A_587 = arith.constant 0 : i32
    %dma_wait3A_588 = tpu.memref_slice %arg4[%add3A, %dma_wait3A_581, %dma_wait3A_586, %dma_wait3A_587] : memref<32x100x128x64xf32, #tpu.memory_space<hbm>> -> memref<1x1x128x64xf32, #tpu.memory_space<hbm>>
    %dma_wait3A_589 = tpu.memref_squeeze %dma_wait3A_588 : memref<1x1x128x64xf32, #tpu.memory_space<hbm>> -> memref<128x64xf32, #tpu.memory_space<hbm>>
    tpu.wait_dma2 semaphore(%arg29 : memref<!tpu.dma_semaphore, #tpu.memory_space<semaphore_mem>>) src(%arg9 : memref<128x64xf32, #tpu.memory_space<vmem>>) dst(%dma_wait3A_589 : memref<128x64xf32, #tpu.memory_space<hbm>>)
    %dma_wait3A_590 = arith.constant 94 : i32
    %dma_wait3A_591 = arith.constant 0 : i32
    %dma_wait3A_592 = arith.constant 0 : i32
    %dma_wait3A_593 = tpu.memref_slice %arg4[%add3A, %dma_wait3A_590, %dma_wait3A_591, %dma_wait3A_592] : memref<32x100x128x64xf32, #tpu.memory_space<hbm>> -> memref<1x1x128x64xf32, #tpu.memory_space<hbm>>
    %dma_wait3A_594 = tpu.memref_squeeze %dma_wait3A_593 : memref<1x1x128x64xf32, #tpu.memory_space<hbm>> -> memref<128x64xf32, #tpu.memory_space<hbm>>
    %dma_wait3A_595 = arith.constant 0 : i32
    %dma_wait3A_596 = arith.constant 0 : i32
    %dma_wait3A_597 = tpu.memref_slice %arg4[%add3A, %dma_wait3A_590, %dma_wait3A_595, %dma_wait3A_596] : memref<32x100x128x64xf32, #tpu.memory_space<hbm>> -> memref<1x1x128x64xf32, #tpu.memory_space<hbm>>
    %dma_wait3A_598 = tpu.memref_squeeze %dma_wait3A_597 : memref<1x1x128x64xf32, #tpu.memory_space<hbm>> -> memref<128x64xf32, #tpu.memory_space<hbm>>
    tpu.wait_dma2 semaphore(%arg30 : memref<!tpu.dma_semaphore, #tpu.memory_space<semaphore_mem>>) src(%arg10 : memref<128x64xf32, #tpu.memory_space<vmem>>) dst(%dma_wait3A_598 : memref<128x64xf32, #tpu.memory_space<hbm>>)
    %dma_wait3A_599 = arith.constant 95 : i32
    %dma_wait3A_600 = arith.constant 0 : i32
    %dma_wait3A_601 = arith.constant 0 : i32
    %dma_wait3A_602 = tpu.memref_slice %arg4[%add3A, %dma_wait3A_599, %dma_wait3A_600, %dma_wait3A_601] : memref<32x100x128x64xf32, #tpu.memory_space<hbm>> -> memref<1x1x128x64xf32, #tpu.memory_space<hbm>>
    %dma_wait3A_603 = tpu.memref_squeeze %dma_wait3A_602 : memref<1x1x128x64xf32, #tpu.memory_space<hbm>> -> memref<128x64xf32, #tpu.memory_space<hbm>>
    %dma_wait3A_604 = arith.constant 0 : i32
    %dma_wait3A_605 = arith.constant 0 : i32
    %dma_wait3A_606 = tpu.memref_slice %arg4[%add3A, %dma_wait3A_599, %dma_wait3A_604, %dma_wait3A_605] : memref<32x100x128x64xf32, #tpu.memory_space<hbm>> -> memref<1x1x128x64xf32, #tpu.memory_space<hbm>>
    %dma_wait3A_607 = tpu.memref_squeeze %dma_wait3A_606 : memref<1x1x128x64xf32, #tpu.memory_space<hbm>> -> memref<128x64xf32, #tpu.memory_space<hbm>>
    tpu.wait_dma2 semaphore(%arg31 : memref<!tpu.dma_semaphore, #tpu.memory_space<semaphore_mem>>) src(%arg11 : memref<128x64xf32, #tpu.memory_space<vmem>>) dst(%dma_wait3A_607 : memref<128x64xf32, #tpu.memory_space<hbm>>)
    %dma_wait3A_608 = arith.constant 96 : i32
    %dma_wait3A_609 = arith.constant 0 : i32
    %dma_wait3A_610 = arith.constant 0 : i32
    %dma_wait3A_611 = tpu.memref_slice %arg4[%add3A, %dma_wait3A_608, %dma_wait3A_609, %dma_wait3A_610] : memref<32x100x128x64xf32, #tpu.memory_space<hbm>> -> memref<1x1x128x64xf32, #tpu.memory_space<hbm>>
    %dma_wait3A_612 = tpu.memref_squeeze %dma_wait3A_611 : memref<1x1x128x64xf32, #tpu.memory_space<hbm>> -> memref<128x64xf32, #tpu.memory_space<hbm>>
    %dma_wait3A_613 = arith.constant 0 : i32
    %dma_wait3A_614 = arith.constant 0 : i32
    %dma_wait3A_615 = tpu.memref_slice %arg4[%add3A, %dma_wait3A_608, %dma_wait3A_613, %dma_wait3A_614] : memref<32x100x128x64xf32, #tpu.memory_space<hbm>> -> memref<1x1x128x64xf32, #tpu.memory_space<hbm>>
    %dma_wait3A_616 = tpu.memref_squeeze %dma_wait3A_615 : memref<1x1x128x64xf32, #tpu.memory_space<hbm>> -> memref<128x64xf32, #tpu.memory_space<hbm>>
    tpu.wait_dma2 semaphore(%arg32 : memref<!tpu.dma_semaphore, #tpu.memory_space<semaphore_mem>>) src(%arg12 : memref<128x64xf32, #tpu.memory_space<vmem>>) dst(%dma_wait3A_616 : memref<128x64xf32, #tpu.memory_space<hbm>>)
    %dma_wait3A_617 = arith.constant 97 : i32
    %dma_wait3A_618 = arith.constant 0 : i32
    %dma_wait3A_619 = arith.constant 0 : i32
    %dma_wait3A_620 = tpu.memref_slice %arg4[%add3A, %dma_wait3A_617, %dma_wait3A_618, %dma_wait3A_619] : memref<32x100x128x64xf32, #tpu.memory_space<hbm>> -> memref<1x1x128x64xf32, #tpu.memory_space<hbm>>
    %dma_wait3A_621 = tpu.memref_squeeze %dma_wait3A_620 : memref<1x1x128x64xf32, #tpu.memory_space<hbm>> -> memref<128x64xf32, #tpu.memory_space<hbm>>
    %dma_wait3A_622 = arith.constant 0 : i32
    %dma_wait3A_623 = arith.constant 0 : i32
    %dma_wait3A_624 = tpu.memref_slice %arg4[%add3A, %dma_wait3A_617, %dma_wait3A_622, %dma_wait3A_623] : memref<32x100x128x64xf32, #tpu.memory_space<hbm>> -> memref<1x1x128x64xf32, #tpu.memory_space<hbm>>
    %dma_wait3A_625 = tpu.memref_squeeze %dma_wait3A_624 : memref<1x1x128x64xf32, #tpu.memory_space<hbm>> -> memref<128x64xf32, #tpu.memory_space<hbm>>
    tpu.wait_dma2 semaphore(%arg33 : memref<!tpu.dma_semaphore, #tpu.memory_space<semaphore_mem>>) src(%arg13 : memref<128x64xf32, #tpu.memory_space<vmem>>) dst(%dma_wait3A_625 : memref<128x64xf32, #tpu.memory_space<hbm>>)
    %dma_wait3A_626 = arith.constant 98 : i32
    %dma_wait3A_627 = arith.constant 0 : i32
    %dma_wait3A_628 = arith.constant 0 : i32
    %dma_wait3A_629 = tpu.memref_slice %arg4[%add3A, %dma_wait3A_626, %dma_wait3A_627, %dma_wait3A_628] : memref<32x100x128x64xf32, #tpu.memory_space<hbm>> -> memref<1x1x128x64xf32, #tpu.memory_space<hbm>>
    %dma_wait3A_630 = tpu.memref_squeeze %dma_wait3A_629 : memref<1x1x128x64xf32, #tpu.memory_space<hbm>> -> memref<128x64xf32, #tpu.memory_space<hbm>>
    %dma_wait3A_631 = arith.constant 0 : i32
    %dma_wait3A_632 = arith.constant 0 : i32
    %dma_wait3A_633 = tpu.memref_slice %arg4[%add3A, %dma_wait3A_626, %dma_wait3A_631, %dma_wait3A_632] : memref<32x100x128x64xf32, #tpu.memory_space<hbm>> -> memref<1x1x128x64xf32, #tpu.memory_space<hbm>>
    %dma_wait3A_634 = tpu.memref_squeeze %dma_wait3A_633 : memref<1x1x128x64xf32, #tpu.memory_space<hbm>> -> memref<128x64xf32, #tpu.memory_space<hbm>>
    tpu.wait_dma2 semaphore(%arg34 : memref<!tpu.dma_semaphore, #tpu.memory_space<semaphore_mem>>) src(%arg14 : memref<128x64xf32, #tpu.memory_space<vmem>>) dst(%dma_wait3A_634 : memref<128x64xf32, #tpu.memory_space<hbm>>)
    %dma_wait3A_635 = arith.constant 99 : i32
    %dma_wait3A_636 = arith.constant 0 : i32
    %dma_wait3A_637 = arith.constant 0 : i32
    %dma_wait3A_638 = tpu.memref_slice %arg4[%add3A, %dma_wait3A_635, %dma_wait3A_636, %dma_wait3A_637] : memref<32x100x128x64xf32, #tpu.memory_space<hbm>> -> memref<1x1x128x64xf32, #tpu.memory_space<hbm>>
    %dma_wait3A_639 = tpu.memref_squeeze %dma_wait3A_638 : memref<1x1x128x64xf32, #tpu.memory_space<hbm>> -> memref<128x64xf32, #tpu.memory_space<hbm>>
    %dma_wait3A_640 = arith.constant 0 : i32
    %dma_wait3A_641 = arith.constant 0 : i32
    %dma_wait3A_642 = tpu.memref_slice %arg4[%add3A, %dma_wait3A_635, %dma_wait3A_640, %dma_wait3A_641] : memref<32x100x128x64xf32, #tpu.memory_space<hbm>> -> memref<1x1x128x64xf32, #tpu.memory_space<hbm>>
    %dma_wait3A_643 = tpu.memref_squeeze %dma_wait3A_642 : memref<1x1x128x64xf32, #tpu.memory_space<hbm>> -> memref<128x64xf32, #tpu.memory_space<hbm>>
    tpu.wait_dma2 semaphore(%arg35 : memref<!tpu.dma_semaphore, #tpu.memory_space<semaphore_mem>>) src(%arg15 : memref<128x64xf32, #tpu.memory_space<vmem>>) dst(%dma_wait3A_643 : memref<128x64xf32, #tpu.memory_space<hbm>>)
    return
  }
}

#map = affine_map<(d0, d1) -> (0, 0, 0)>
#map1 = affine_map<(d0, d1) -> (0, 0)>
#map2 = affine_map<(d0, d1) -> (0, 0, 0, 0)>
module attributes {stable_mosaic.version = 14 : i64} {
  func.func @gather_kernel(%arg0: i32, %arg1: i32, %arg2: memref<32x100x128xi32, #tpu.memory_space<hbm>>, %arg3: memref<1000000x64xf32, #tpu.memory_space<hbm>>, %arg4: memref<32x100x128x64xf32, #tpu.memory_space<hbm>>, %arg5: memref<100x128xi32, #tpu.memory_space<vmem>>, %arg6: memref<128x64xf32, #tpu.memory_space<vmem>>, %arg7: memref<128x64xf32, #tpu.memory_space<vmem>>, %arg8: memref<128x64xf32, #tpu.memory_space<vmem>>, %arg9: memref<128x64xf32, #tpu.memory_space<vmem>>, %arg10: memref<128x64xf32, #tpu.memory_space<vmem>>, %arg11: memref<128x64xf32, #tpu.memory_space<vmem>>, %arg12: memref<128x64xf32, #tpu.memory_space<vmem>>, %arg13: memref<128x64xf32, #tpu.memory_space<vmem>>, %arg14: memref<128x64xf32, #tpu.memory_space<vmem>>, %arg15: memref<128x64xf32, #tpu.memory_space<vmem>>, %arg16: memref<!tpu.dma_semaphore, #tpu.memory_space<semaphore_mem>>, %arg17: memref<!tpu.dma_semaphore, #tpu.memory_space<semaphore_mem>>, %arg18: memref<!tpu.dma_semaphore, #tpu.memory_space<semaphore_mem>>, %arg19: memref<!tpu.dma_semaphore, #tpu.memory_space<semaphore_mem>>, %arg20: memref<!tpu.dma_semaphore, #tpu.memory_space<semaphore_mem>>, %arg21: memref<!tpu.dma_semaphore, #tpu.memory_space<semaphore_mem>>, %arg22: memref<!tpu.dma_semaphore, #tpu.memory_space<semaphore_mem>>, %arg23: memref<!tpu.dma_semaphore, #tpu.memory_space<semaphore_mem>>, %arg24: memref<!tpu.dma_semaphore, #tpu.memory_space<semaphore_mem>>, %arg25: memref<!tpu.dma_semaphore, #tpu.memory_space<semaphore_mem>>, %arg26: memref<!tpu.dma_semaphore, #tpu.memory_space<semaphore_mem>>, %arg27: memref<!tpu.dma_semaphore, #tpu.memory_space<semaphore_mem>>, %arg28: memref<!tpu.dma_semaphore, #tpu.memory_space<semaphore_mem>>, %arg29: memref<!tpu.dma_semaphore, #tpu.memory_space<semaphore_mem>>, %arg30: memref<!tpu.dma_semaphore, #tpu.memory_space<semaphore_mem>>, %arg31: memref<!tpu.dma_semaphore, #tpu.memory_space<semaphore_mem>>, %arg32: memref<!tpu.dma_semaphore, #tpu.memory_space<semaphore_mem>>, %arg33: memref<!tpu.dma_semaphore, #tpu.memory_space<semaphore_mem>>, %arg34: memref<!tpu.dma_semaphore, #tpu.memory_space<semaphore_mem>>, %arg35: memref<!tpu.dma_semaphore, #tpu.memory_space<semaphore_mem>>) attributes {dimension_semantics = [#tpu.dimension_semantics<core_parallel>, #tpu.dimension_semantics<subcore_parallel>], iteration_bounds = array<i64: 2, 16>, scalar_prefetch = 0 : i64, scratch_operands = 31 : i64, tpu.core_type = #tpu.core_type<sc_vector_subcore>, window_params = [{transform_indices = #map}, {transform_indices = #map1}, {transform_indices = #map2}]} {
    %mul3A = arith.constant 2 : i32
    %mul3A_0 = arith.muli %arg1, %mul3A : i32
    %add3A = arith.addi %mul3A_0, %arg0 : i32
    "tpu.region"() ({
      %run_scoped3A = tpu.sem_alloc : memref<!tpu.dma_semaphore, #tpu.memory_space<semaphore_mem>>
      %dma_start3A_644 = arith.constant 0 : i32
      %dma_start3A_645 = arith.constant 0 : i32
      %dma_start3A_646 = tpu.memref_slice %arg2[%add3A, %dma_start3A_644, %dma_start3A_645] : memref<32x100x128xi32, #tpu.memory_space<hbm>> -> memref<1x100x128xi32, #tpu.memory_space<hbm>>
      %dma_start3A_647 = tpu.memref_squeeze %dma_start3A_646 : memref<1x100x128xi32, #tpu.memory_space<hbm>> -> memref<100x128xi32, #tpu.memory_space<hbm>>
      %dma_start3A_648 = arith.constant 0 : i32
      %dma_start3A_649 = arith.constant 0 : i32
      %dma_start3A_650 = tpu.memref_slice %arg2[%add3A, %dma_start3A_648, %dma_start3A_649] : memref<32x100x128xi32, #tpu.memory_space<hbm>> -> memref<1x100x128xi32, #tpu.memory_space<hbm>>
      %dma_start3A_651 = tpu.memref_squeeze %dma_start3A_650 : memref<1x100x128xi32, #tpu.memory_space<hbm>> -> memref<100x128xi32, #tpu.memory_space<hbm>>
      tpu.enqueue_dma source(%dma_start3A_651 : memref<100x128xi32, #tpu.memory_space<hbm>>) target(%arg5 : memref<100x128xi32, #tpu.memory_space<vmem>>) target_semaphore(%run_scoped3A : memref<!tpu.dma_semaphore, #tpu.memory_space<semaphore_mem>>)
      %dma_wait3A_652 = arith.constant 0 : i32
      %dma_wait3A_653 = arith.constant 0 : i32
      %dma_wait3A_654 = tpu.memref_slice %arg2[%add3A, %dma_wait3A_652, %dma_wait3A_653] : memref<32x100x128xi32, #tpu.memory_space<hbm>> -> memref<1x100x128xi32, #tpu.memory_space<hbm>>
      %dma_wait3A_655 = tpu.memref_squeeze %dma_wait3A_654 : memref<1x100x128xi32, #tpu.memory_space<hbm>> -> memref<100x128xi32, #tpu.memory_space<hbm>>
      %dma_wait3A_656 = arith.constant 0 : i32
      %dma_wait3A_657 = arith.constant 0 : i32
      %dma_wait3A_658 = tpu.memref_slice %arg2[%add3A, %dma_wait3A_656, %dma_wait3A_657] : memref<32x100x128xi32, #tpu.memory_space<hbm>> -> memref<1x100x128xi32, #tpu.memory_space<hbm>>
      %dma_wait3A_659 = tpu.memref_squeeze %dma_wait3A_658 : memref<1x100x128xi32, #tpu.memory_space<hbm>> -> memref<100x128xi32, #tpu.memory_space<hbm>>
      tpu.wait_dma2 semaphore(%run_scoped3A : memref<!tpu.dma_semaphore, #tpu.memory_space<semaphore_mem>>) src(%dma_wait3A_659 : memref<100x128xi32, #tpu.memory_space<hbm>>) dst(%arg5 : memref<100x128xi32, #tpu.memory_space<vmem>>)
      tpu.yield
    }) : () -> ()
    %dma_start3A = arith.constant 0 : i32
    %dma_start3A_1 = arith.constant 0 : i32
    %dma_start3A_2 = tpu.memref_slice %arg5[%dma_start3A, %dma_start3A_1] : memref<100x128xi32, #tpu.memory_space<vmem>> -> memref<1x128xi32, #tpu.memory_space<vmem>>
    %dma_start3A_3 = tpu.memref_squeeze %dma_start3A_2 : memref<1x128xi32, #tpu.memory_space<vmem>> -> memref<128xi32, #tpu.memory_space<vmem>>
    %dma_start3A_4 = arith.constant 0 : i32
    %dma_start3A_5 = arith.constant 0 : i32
    %dma_start3A_6 = tpu.memref_slice %arg3[%dma_start3A_4, %dma_start3A_5] : memref<1000000x64xf32, #tpu.memory_space<hbm>> -> memref<1000000x64xf32, #tpu.memory_space<hbm>>
    tpu.enqueue_indirect_dma source(%dma_start3A_6 : memref<1000000x64xf32, #tpu.memory_space<hbm>>) target(%arg6 : memref<128x64xf32, #tpu.memory_space<vmem>>) offsets(%dma_start3A_3 : memref<128xi32, #tpu.memory_space<vmem>>) semaphore(%arg16 : memref<!tpu.dma_semaphore, #tpu.memory_space<semaphore_mem>>)
    %dma_start3A_7 = arith.constant 1 : i32
    %dma_start3A_8 = arith.constant 0 : i32
    %dma_start3A_9 = tpu.memref_slice %arg5[%dma_start3A_7, %dma_start3A_8] : memref<100x128xi32, #tpu.memory_space<vmem>> -> memref<1x128xi32, #tpu.memory_space<vmem>>
    %dma_start3A_10 = tpu.memref_squeeze %dma_start3A_9 : memref<1x128xi32, #tpu.memory_space<vmem>> -> memref<128xi32, #tpu.memory_space<vmem>>
    %dma_start3A_11 = arith.constant 0 : i32
    %dma_start3A_12 = arith.constant 0 : i32
    %dma_start3A_13 = tpu.memref_slice %arg3[%dma_start3A_11, %dma_start3A_12] : memref<1000000x64xf32, #tpu.memory_space<hbm>> -> memref<1000000x64xf32, #tpu.memory_space<hbm>>
    tpu.enqueue_indirect_dma source(%dma_start3A_13 : memref<1000000x64xf32, #tpu.memory_space<hbm>>) target(%arg7 : memref<128x64xf32, #tpu.memory_space<vmem>>) offsets(%dma_start3A_10 : memref<128xi32, #tpu.memory_space<vmem>>) semaphore(%arg17 : memref<!tpu.dma_semaphore, #tpu.memory_space<semaphore_mem>>)
    %dma_start3A_14 = arith.constant 2 : i32
    %dma_start3A_15 = arith.constant 0 : i32
    %dma_start3A_16 = tpu.memref_slice %arg5[%dma_start3A_14, %dma_start3A_15] : memref<100x128xi32, #tpu.memory_space<vmem>> -> memref<1x128xi32, #tpu.memory_space<vmem>>
    %dma_start3A_17 = tpu.memref_squeeze %dma_start3A_16 : memref<1x128xi32, #tpu.memory_space<vmem>> -> memref<128xi32, #tpu.memory_space<vmem>>
    %dma_start3A_18 = arith.constant 0 : i32
    %dma_start3A_19 = arith.constant 0 : i32
    %dma_start3A_20 = tpu.memref_slice %arg3[%dma_start3A_18, %dma_start3A_19] : memref<1000000x64xf32, #tpu.memory_space<hbm>> -> memref<1000000x64xf32, #tpu.memory_space<hbm>>
    tpu.enqueue_indirect_dma source(%dma_start3A_20 : memref<1000000x64xf32, #tpu.memory_space<hbm>>) target(%arg8 : memref<128x64xf32, #tpu.memory_space<vmem>>) offsets(%dma_start3A_17 : memref<128xi32, #tpu.memory_space<vmem>>) semaphore(%arg18 : memref<!tpu.dma_semaphore, #tpu.memory_space<semaphore_mem>>)
    %dma_start3A_21 = arith.constant 3 : i32
    %dma_start3A_22 = arith.constant 0 : i32
    %dma_start3A_23 = tpu.memref_slice %arg5[%dma_start3A_21, %dma_start3A_22] : memref<100x128xi32, #tpu.memory_space<vmem>> -> memref<1x128xi32, #tpu.memory_space<vmem>>
    %dma_start3A_24 = tpu.memref_squeeze %dma_start3A_23 : memref<1x128xi32, #tpu.memory_space<vmem>> -> memref<128xi32, #tpu.memory_space<vmem>>
    %dma_start3A_25 = arith.constant 0 : i32
    %dma_start3A_26 = arith.constant 0 : i32
    %dma_start3A_27 = tpu.memref_slice %arg3[%dma_start3A_25, %dma_start3A_26] : memref<1000000x64xf32, #tpu.memory_space<hbm>> -> memref<1000000x64xf32, #tpu.memory_space<hbm>>
    tpu.enqueue_indirect_dma source(%dma_start3A_27 : memref<1000000x64xf32, #tpu.memory_space<hbm>>) target(%arg9 : memref<128x64xf32, #tpu.memory_space<vmem>>) offsets(%dma_start3A_24 : memref<128xi32, #tpu.memory_space<vmem>>) semaphore(%arg19 : memref<!tpu.dma_semaphore, #tpu.memory_space<semaphore_mem>>)
    %dma_start3A_28 = arith.constant 4 : i32
    %dma_start3A_29 = arith.constant 0 : i32
    %dma_start3A_30 = tpu.memref_slice %arg5[%dma_start3A_28, %dma_start3A_29] : memref<100x128xi32, #tpu.memory_space<vmem>> -> memref<1x128xi32, #tpu.memory_space<vmem>>
    %dma_start3A_31 = tpu.memref_squeeze %dma_start3A_30 : memref<1x128xi32, #tpu.memory_space<vmem>> -> memref<128xi32, #tpu.memory_space<vmem>>
    %dma_start3A_32 = arith.constant 0 : i32
    %dma_start3A_33 = arith.constant 0 : i32
    %dma_start3A_34 = tpu.memref_slice %arg3[%dma_start3A_32, %dma_start3A_33] : memref<1000000x64xf32, #tpu.memory_space<hbm>> -> memref<1000000x64xf32, #tpu.memory_space<hbm>>
    tpu.enqueue_indirect_dma source(%dma_start3A_34 : memref<1000000x64xf32, #tpu.memory_space<hbm>>) target(%arg10 : memref<128x64xf32, #tpu.memory_space<vmem>>) offsets(%dma_start3A_31 : memref<128xi32, #tpu.memory_space<vmem>>) semaphore(%arg20 : memref<!tpu.dma_semaphore, #tpu.memory_space<semaphore_mem>>)
    %dma_wait3A = arith.constant 0 : i32
    %dma_wait3A_35 = arith.constant 0 : i32
    %dma_wait3A_36 = tpu.memref_slice %arg5[%dma_wait3A, %dma_wait3A_35] : memref<100x128xi32, #tpu.memory_space<vmem>> -> memref<1x128xi32, #tpu.memory_space<vmem>>
    %dma_wait3A_37 = tpu.memref_squeeze %dma_wait3A_36 : memref<1x128xi32, #tpu.memory_space<vmem>> -> memref<128xi32, #tpu.memory_space<vmem>>
    %dma_wait3A_38 = arith.constant 0 : i32
    %dma_wait3A_39 = arith.constant 0 : i32
    %dma_wait3A_40 = tpu.memref_slice %arg3[%dma_wait3A_38, %dma_wait3A_39] : memref<1000000x64xf32, #tpu.memory_space<hbm>> -> memref<1000000x64xf32, #tpu.memory_space<hbm>>
    tpu.wait_indirect_dma semaphore(%arg16 : memref<!tpu.dma_semaphore, #tpu.memory_space<semaphore_mem>>) src(%dma_wait3A_40 : memref<1000000x64xf32, #tpu.memory_space<hbm>>) dst(%arg6 : memref<128x64xf32, #tpu.memory_space<vmem>>)
    %dma_start3A_41 = arith.constant 0 : i32
    %dma_start3A_42 = arith.constant 0 : i32
    %dma_start3A_43 = arith.constant 0 : i32
    %dma_start3A_44 = tpu.memref_slice %arg4[%add3A, %dma_start3A_41, %dma_start3A_42, %dma_start3A_43] : memref<32x100x128x64xf32, #tpu.memory_space<hbm>> -> memref<1x1x128x64xf32, #tpu.memory_space<hbm>>
    %dma_start3A_45 = tpu.memref_squeeze %dma_start3A_44 : memref<1x1x128x64xf32, #tpu.memory_space<hbm>> -> memref<128x64xf32, #tpu.memory_space<hbm>>
    %dma_start3A_46 = arith.constant 0 : i32
    %dma_start3A_47 = arith.constant 0 : i32
    %dma_start3A_48 = tpu.memref_slice %arg4[%add3A, %dma_start3A_41, %dma_start3A_46, %dma_start3A_47] : memref<32x100x128x64xf32, #tpu.memory_space<hbm>> -> memref<1x1x128x64xf32, #tpu.memory_space<hbm>>
    %dma_start3A_49 = tpu.memref_squeeze %dma_start3A_48 : memref<1x1x128x64xf32, #tpu.memory_space<hbm>> -> memref<128x64xf32, #tpu.memory_space<hbm>>
    tpu.enqueue_dma source(%arg6 : memref<128x64xf32, #tpu.memory_space<vmem>>) target(%dma_start3A_49 : memref<128x64xf32, #tpu.memory_space<hbm>>) target_semaphore(%arg26 : memref<!tpu.dma_semaphore, #tpu.memory_space<semaphore_mem>>)
    %dma_start3A_50 = arith.constant 5 : i32
    %dma_start3A_51 = arith.constant 0 : i32
    %dma_start3A_52 = tpu.memref_slice %arg5[%dma_start3A_50, %dma_start3A_51] : memref<100x128xi32, #tpu.memory_space<vmem>> -> memref<1x128xi32, #tpu.memory_space<vmem>>
    %dma_start3A_53 = tpu.memref_squeeze %dma_start3A_52 : memref<1x128xi32, #tpu.memory_space<vmem>> -> memref<128xi32, #tpu.memory_space<vmem>>
    %dma_start3A_54 = arith.constant 0 : i32
    %dma_start3A_55 = arith.constant 0 : i32
    %dma_start3A_56 = tpu.memref_slice %arg3[%dma_start3A_54, %dma_start3A_55] : memref<1000000x64xf32, #tpu.memory_space<hbm>> -> memref<1000000x64xf32, #tpu.memory_space<hbm>>
    tpu.enqueue_indirect_dma source(%dma_start3A_56 : memref<1000000x64xf32, #tpu.memory_space<hbm>>) target(%arg11 : memref<128x64xf32, #tpu.memory_space<vmem>>) offsets(%dma_start3A_53 : memref<128xi32, #tpu.memory_space<vmem>>) semaphore(%arg21 : memref<!tpu.dma_semaphore, #tpu.memory_space<semaphore_mem>>)
    %dma_wait3A_57 = arith.constant 1 : i32
    %dma_wait3A_58 = arith.constant 0 : i32
    %dma_wait3A_59 = tpu.memref_slice %arg5[%dma_wait3A_57, %dma_wait3A_58] : memref<100x128xi32, #tpu.memory_space<vmem>> -> memref<1x128xi32, #tpu.memory_space<vmem>>
    %dma_wait3A_60 = tpu.memref_squeeze %dma_wait3A_59 : memref<1x128xi32, #tpu.memory_space<vmem>> -> memref<128xi32, #tpu.memory_space<vmem>>
    %dma_wait3A_61 = arith.constant 0 : i32
    %dma_wait3A_62 = arith.constant 0 : i32
    %dma_wait3A_63 = tpu.memref_slice %arg3[%dma_wait3A_61, %dma_wait3A_62] : memref<1000000x64xf32, #tpu.memory_space<hbm>> -> memref<1000000x64xf32, #tpu.memory_space<hbm>>
    tpu.wait_indirect_dma semaphore(%arg17 : memref<!tpu.dma_semaphore, #tpu.memory_space<semaphore_mem>>) src(%dma_wait3A_63 : memref<1000000x64xf32, #tpu.memory_space<hbm>>) dst(%arg7 : memref<128x64xf32, #tpu.memory_space<vmem>>)
    %dma_start3A_64 = arith.constant 1 : i32
    %dma_start3A_65 = arith.constant 0 : i32
    %dma_start3A_66 = arith.constant 0 : i32
    %dma_start3A_67 = tpu.memref_slice %arg4[%add3A, %dma_start3A_64, %dma_start3A_65, %dma_start3A_66] : memref<32x100x128x64xf32, #tpu.memory_space<hbm>> -> memref<1x1x128x64xf32, #tpu.memory_space<hbm>>
    %dma_start3A_68 = tpu.memref_squeeze %dma_start3A_67 : memref<1x1x128x64xf32, #tpu.memory_space<hbm>> -> memref<128x64xf32, #tpu.memory_space<hbm>>
    %dma_start3A_69 = arith.constant 0 : i32
    %dma_start3A_70 = arith.constant 0 : i32
    %dma_start3A_71 = tpu.memref_slice %arg4[%add3A, %dma_start3A_64, %dma_start3A_69, %dma_start3A_70] : memref<32x100x128x64xf32, #tpu.memory_space<hbm>> -> memref<1x1x128x64xf32, #tpu.memory_space<hbm>>
    %dma_start3A_72 = tpu.memref_squeeze %dma_start3A_71 : memref<1x1x128x64xf32, #tpu.memory_space<hbm>> -> memref<128x64xf32, #tpu.memory_space<hbm>>
    tpu.enqueue_dma source(%arg7 : memref<128x64xf32, #tpu.memory_space<vmem>>) target(%dma_start3A_72 : memref<128x64xf32, #tpu.memory_space<hbm>>) target_semaphore(%arg27 : memref<!tpu.dma_semaphore, #tpu.memory_space<semaphore_mem>>)
    %dma_start3A_73 = arith.constant 6 : i32
    %dma_start3A_74 = arith.constant 0 : i32
    %dma_start3A_75 = tpu.memref_slice %arg5[%dma_start3A_73, %dma_start3A_74] : memref<100x128xi32, #tpu.memory_space<vmem>> -> memref<1x128xi32, #tpu.memory_space<vmem>>
    %dma_start3A_76 = tpu.memref_squeeze %dma_start3A_75 : memref<1x128xi32, #tpu.memory_space<vmem>> -> memref<128xi32, #tpu.memory_space<vmem>>
    %dma_start3A_77 = arith.constant 0 : i32
    %dma_start3A_78 = arith.constant 0 : i32
    %dma_start3A_79 = tpu.memref_slice %arg3[%dma_start3A_77, %dma_start3A_78] : memref<1000000x64xf32, #tpu.memory_space<hbm>> -> memref<1000000x64xf32, #tpu.memory_space<hbm>>
    tpu.enqueue_indirect_dma source(%dma_start3A_79 : memref<1000000x64xf32, #tpu.memory_space<hbm>>) target(%arg12 : memref<128x64xf32, #tpu.memory_space<vmem>>) offsets(%dma_start3A_76 : memref<128xi32, #tpu.memory_space<vmem>>) semaphore(%arg22 : memref<!tpu.dma_semaphore, #tpu.memory_space<semaphore_mem>>)
    %dma_wait3A_80 = arith.constant 2 : i32
    %dma_wait3A_81 = arith.constant 0 : i32
    %dma_wait3A_82 = tpu.memref_slice %arg5[%dma_wait3A_80, %dma_wait3A_81] : memref<100x128xi32, #tpu.memory_space<vmem>> -> memref<1x128xi32, #tpu.memory_space<vmem>>
    %dma_wait3A_83 = tpu.memref_squeeze %dma_wait3A_82 : memref<1x128xi32, #tpu.memory_space<vmem>> -> memref<128xi32, #tpu.memory_space<vmem>>
    %dma_wait3A_84 = arith.constant 0 : i32
    %dma_wait3A_85 = arith.constant 0 : i32
    %dma_wait3A_86 = tpu.memref_slice %arg3[%dma_wait3A_84, %dma_wait3A_85] : memref<1000000x64xf32, #tpu.memory_space<hbm>> -> memref<1000000x64xf32, #tpu.memory_space<hbm>>
    tpu.wait_indirect_dma semaphore(%arg18 : memref<!tpu.dma_semaphore, #tpu.memory_space<semaphore_mem>>) src(%dma_wait3A_86 : memref<1000000x64xf32, #tpu.memory_space<hbm>>) dst(%arg8 : memref<128x64xf32, #tpu.memory_space<vmem>>)
    %dma_start3A_87 = arith.constant 2 : i32
    %dma_start3A_88 = arith.constant 0 : i32
    %dma_start3A_89 = arith.constant 0 : i32
    %dma_start3A_90 = tpu.memref_slice %arg4[%add3A, %dma_start3A_87, %dma_start3A_88, %dma_start3A_89] : memref<32x100x128x64xf32, #tpu.memory_space<hbm>> -> memref<1x1x128x64xf32, #tpu.memory_space<hbm>>
    %dma_start3A_91 = tpu.memref_squeeze %dma_start3A_90 : memref<1x1x128x64xf32, #tpu.memory_space<hbm>> -> memref<128x64xf32, #tpu.memory_space<hbm>>
    %dma_start3A_92 = arith.constant 0 : i32
    %dma_start3A_93 = arith.constant 0 : i32
    %dma_start3A_94 = tpu.memref_slice %arg4[%add3A, %dma_start3A_87, %dma_start3A_92, %dma_start3A_93] : memref<32x100x128x64xf32, #tpu.memory_space<hbm>> -> memref<1x1x128x64xf32, #tpu.memory_space<hbm>>
    %dma_start3A_95 = tpu.memref_squeeze %dma_start3A_94 : memref<1x1x128x64xf32, #tpu.memory_space<hbm>> -> memref<128x64xf32, #tpu.memory_space<hbm>>
    tpu.enqueue_dma source(%arg8 : memref<128x64xf32, #tpu.memory_space<vmem>>) target(%dma_start3A_95 : memref<128x64xf32, #tpu.memory_space<hbm>>) target_semaphore(%arg28 : memref<!tpu.dma_semaphore, #tpu.memory_space<semaphore_mem>>)
    %dma_start3A_96 = arith.constant 7 : i32
    %dma_start3A_97 = arith.constant 0 : i32
    %dma_start3A_98 = tpu.memref_slice %arg5[%dma_start3A_96, %dma_start3A_97] : memref<100x128xi32, #tpu.memory_space<vmem>> -> memref<1x128xi32, #tpu.memory_space<vmem>>
    %dma_start3A_99 = tpu.memref_squeeze %dma_start3A_98 : memref<1x128xi32, #tpu.memory_space<vmem>> -> memref<128xi32, #tpu.memory_space<vmem>>
    %dma_start3A_100 = arith.constant 0 : i32
    %dma_start3A_101 = arith.constant 0 : i32
    %dma_start3A_102 = tpu.memref_slice %arg3[%dma_start3A_100, %dma_start3A_101] : memref<1000000x64xf32, #tpu.memory_space<hbm>> -> memref<1000000x64xf32, #tpu.memory_space<hbm>>
    tpu.enqueue_indirect_dma source(%dma_start3A_102 : memref<1000000x64xf32, #tpu.memory_space<hbm>>) target(%arg13 : memref<128x64xf32, #tpu.memory_space<vmem>>) offsets(%dma_start3A_99 : memref<128xi32, #tpu.memory_space<vmem>>) semaphore(%arg23 : memref<!tpu.dma_semaphore, #tpu.memory_space<semaphore_mem>>)
    %dma_wait3A_103 = arith.constant 3 : i32
    %dma_wait3A_104 = arith.constant 0 : i32
    %dma_wait3A_105 = tpu.memref_slice %arg5[%dma_wait3A_103, %dma_wait3A_104] : memref<100x128xi32, #tpu.memory_space<vmem>> -> memref<1x128xi32, #tpu.memory_space<vmem>>
    %dma_wait3A_106 = tpu.memref_squeeze %dma_wait3A_105 : memref<1x128xi32, #tpu.memory_space<vmem>> -> memref<128xi32, #tpu.memory_space<vmem>>
    %dma_wait3A_107 = arith.constant 0 : i32
    %dma_wait3A_108 = arith.constant 0 : i32
    %dma_wait3A_109 = tpu.memref_slice %arg3[%dma_wait3A_107, %dma_wait3A_108] : memref<1000000x64xf32, #tpu.memory_space<hbm>> -> memref<1000000x64xf32, #tpu.memory_space<hbm>>
    tpu.wait_indirect_dma semaphore(%arg19 : memref<!tpu.dma_semaphore, #tpu.memory_space<semaphore_mem>>) src(%dma_wait3A_109 : memref<1000000x64xf32, #tpu.memory_space<hbm>>) dst(%arg9 : memref<128x64xf32, #tpu.memory_space<vmem>>)
    %dma_start3A_110 = arith.constant 3 : i32
    %dma_start3A_111 = arith.constant 0 : i32
    %dma_start3A_112 = arith.constant 0 : i32
    %dma_start3A_113 = tpu.memref_slice %arg4[%add3A, %dma_start3A_110, %dma_start3A_111, %dma_start3A_112] : memref<32x100x128x64xf32, #tpu.memory_space<hbm>> -> memref<1x1x128x64xf32, #tpu.memory_space<hbm>>
    %dma_start3A_114 = tpu.memref_squeeze %dma_start3A_113 : memref<1x1x128x64xf32, #tpu.memory_space<hbm>> -> memref<128x64xf32, #tpu.memory_space<hbm>>
    %dma_start3A_115 = arith.constant 0 : i32
    %dma_start3A_116 = arith.constant 0 : i32
    %dma_start3A_117 = tpu.memref_slice %arg4[%add3A, %dma_start3A_110, %dma_start3A_115, %dma_start3A_116] : memref<32x100x128x64xf32, #tpu.memory_space<hbm>> -> memref<1x1x128x64xf32, #tpu.memory_space<hbm>>
    %dma_start3A_118 = tpu.memref_squeeze %dma_start3A_117 : memref<1x1x128x64xf32, #tpu.memory_space<hbm>> -> memref<128x64xf32, #tpu.memory_space<hbm>>
    tpu.enqueue_dma source(%arg9 : memref<128x64xf32, #tpu.memory_space<vmem>>) target(%dma_start3A_118 : memref<128x64xf32, #tpu.memory_space<hbm>>) target_semaphore(%arg29 : memref<!tpu.dma_semaphore, #tpu.memory_space<semaphore_mem>>)
    %dma_start3A_119 = arith.constant 8 : i32
    %dma_start3A_120 = arith.constant 0 : i32
    %dma_start3A_121 = tpu.memref_slice %arg5[%dma_start3A_119, %dma_start3A_120] : memref<100x128xi32, #tpu.memory_space<vmem>> -> memref<1x128xi32, #tpu.memory_space<vmem>>
    %dma_start3A_122 = tpu.memref_squeeze %dma_start3A_121 : memref<1x128xi32, #tpu.memory_space<vmem>> -> memref<128xi32, #tpu.memory_space<vmem>>
    %dma_start3A_123 = arith.constant 0 : i32
    %dma_start3A_124 = arith.constant 0 : i32
    %dma_start3A_125 = tpu.memref_slice %arg3[%dma_start3A_123, %dma_start3A_124] : memref<1000000x64xf32, #tpu.memory_space<hbm>> -> memref<1000000x64xf32, #tpu.memory_space<hbm>>
    tpu.enqueue_indirect_dma source(%dma_start3A_125 : memref<1000000x64xf32, #tpu.memory_space<hbm>>) target(%arg14 : memref<128x64xf32, #tpu.memory_space<vmem>>) offsets(%dma_start3A_122 : memref<128xi32, #tpu.memory_space<vmem>>) semaphore(%arg24 : memref<!tpu.dma_semaphore, #tpu.memory_space<semaphore_mem>>)
    %dma_wait3A_126 = arith.constant 4 : i32
    %dma_wait3A_127 = arith.constant 0 : i32
    %dma_wait3A_128 = tpu.memref_slice %arg5[%dma_wait3A_126, %dma_wait3A_127] : memref<100x128xi32, #tpu.memory_space<vmem>> -> memref<1x128xi32, #tpu.memory_space<vmem>>
    %dma_wait3A_129 = tpu.memref_squeeze %dma_wait3A_128 : memref<1x128xi32, #tpu.memory_space<vmem>> -> memref<128xi32, #tpu.memory_space<vmem>>
    %dma_wait3A_130 = arith.constant 0 : i32
    %dma_wait3A_131 = arith.constant 0 : i32
    %dma_wait3A_132 = tpu.memref_slice %arg3[%dma_wait3A_130, %dma_wait3A_131] : memref<1000000x64xf32, #tpu.memory_space<hbm>> -> memref<1000000x64xf32, #tpu.memory_space<hbm>>
    tpu.wait_indirect_dma semaphore(%arg20 : memref<!tpu.dma_semaphore, #tpu.memory_space<semaphore_mem>>) src(%dma_wait3A_132 : memref<1000000x64xf32, #tpu.memory_space<hbm>>) dst(%arg10 : memref<128x64xf32, #tpu.memory_space<vmem>>)
    %dma_start3A_133 = arith.constant 4 : i32
    %dma_start3A_134 = arith.constant 0 : i32
    %dma_start3A_135 = arith.constant 0 : i32
    %dma_start3A_136 = tpu.memref_slice %arg4[%add3A, %dma_start3A_133, %dma_start3A_134, %dma_start3A_135] : memref<32x100x128x64xf32, #tpu.memory_space<hbm>> -> memref<1x1x128x64xf32, #tpu.memory_space<hbm>>
    %dma_start3A_137 = tpu.memref_squeeze %dma_start3A_136 : memref<1x1x128x64xf32, #tpu.memory_space<hbm>> -> memref<128x64xf32, #tpu.memory_space<hbm>>
    %dma_start3A_138 = arith.constant 0 : i32
    %dma_start3A_139 = arith.constant 0 : i32
    %dma_start3A_140 = tpu.memref_slice %arg4[%add3A, %dma_start3A_133, %dma_start3A_138, %dma_start3A_139] : memref<32x100x128x64xf32, #tpu.memory_space<hbm>> -> memref<1x1x128x64xf32, #tpu.memory_space<hbm>>
    %dma_start3A_141 = tpu.memref_squeeze %dma_start3A_140 : memref<1x1x128x64xf32, #tpu.memory_space<hbm>> -> memref<128x64xf32, #tpu.memory_space<hbm>>
    tpu.enqueue_dma source(%arg10 : memref<128x64xf32, #tpu.memory_space<vmem>>) target(%dma_start3A_141 : memref<128x64xf32, #tpu.memory_space<hbm>>) target_semaphore(%arg30 : memref<!tpu.dma_semaphore, #tpu.memory_space<semaphore_mem>>)
    %dma_start3A_142 = arith.constant 9 : i32
    %dma_start3A_143 = arith.constant 0 : i32
    %dma_start3A_144 = tpu.memref_slice %arg5[%dma_start3A_142, %dma_start3A_143] : memref<100x128xi32, #tpu.memory_space<vmem>> -> memref<1x128xi32, #tpu.memory_space<vmem>>
    %dma_start3A_145 = tpu.memref_squeeze %dma_start3A_144 : memref<1x128xi32, #tpu.memory_space<vmem>> -> memref<128xi32, #tpu.memory_space<vmem>>
    %dma_start3A_146 = arith.constant 0 : i32
    %dma_start3A_147 = arith.constant 0 : i32
    %dma_start3A_148 = tpu.memref_slice %arg3[%dma_start3A_146, %dma_start3A_147] : memref<1000000x64xf32, #tpu.memory_space<hbm>> -> memref<1000000x64xf32, #tpu.memory_space<hbm>>
    tpu.enqueue_indirect_dma source(%dma_start3A_148 : memref<1000000x64xf32, #tpu.memory_space<hbm>>) target(%arg15 : memref<128x64xf32, #tpu.memory_space<vmem>>) offsets(%dma_start3A_145 : memref<128xi32, #tpu.memory_space<vmem>>) semaphore(%arg25 : memref<!tpu.dma_semaphore, #tpu.memory_space<semaphore_mem>>)
    %dma_wait3A_149 = arith.constant 5 : i32
    %dma_wait3A_150 = arith.constant 0 : i32
    %dma_wait3A_151 = tpu.memref_slice %arg5[%dma_wait3A_149, %dma_wait3A_150] : memref<100x128xi32, #tpu.memory_space<vmem>> -> memref<1x128xi32, #tpu.memory_space<vmem>>
    %dma_wait3A_152 = tpu.memref_squeeze %dma_wait3A_151 : memref<1x128xi32, #tpu.memory_space<vmem>> -> memref<128xi32, #tpu.memory_space<vmem>>
    %dma_wait3A_153 = arith.constant 0 : i32
    %dma_wait3A_154 = arith.constant 0 : i32
    %dma_wait3A_155 = tpu.memref_slice %arg3[%dma_wait3A_153, %dma_wait3A_154] : memref<1000000x64xf32, #tpu.memory_space<hbm>> -> memref<1000000x64xf32, #tpu.memory_space<hbm>>
    tpu.wait_indirect_dma semaphore(%arg21 : memref<!tpu.dma_semaphore, #tpu.memory_space<semaphore_mem>>) src(%dma_wait3A_155 : memref<1000000x64xf32, #tpu.memory_space<hbm>>) dst(%arg11 : memref<128x64xf32, #tpu.memory_space<vmem>>)
    %dma_start3A_156 = arith.constant 5 : i32
    %dma_start3A_157 = arith.constant 0 : i32
    %dma_start3A_158 = arith.constant 0 : i32
    %dma_start3A_159 = tpu.memref_slice %arg4[%add3A, %dma_start3A_156, %dma_start3A_157, %dma_start3A_158] : memref<32x100x128x64xf32, #tpu.memory_space<hbm>> -> memref<1x1x128x64xf32, #tpu.memory_space<hbm>>
    %dma_start3A_160 = tpu.memref_squeeze %dma_start3A_159 : memref<1x1x128x64xf32, #tpu.memory_space<hbm>> -> memref<128x64xf32, #tpu.memory_space<hbm>>
    %dma_start3A_161 = arith.constant 0 : i32
    %dma_start3A_162 = arith.constant 0 : i32
    %dma_start3A_163 = tpu.memref_slice %arg4[%add3A, %dma_start3A_156, %dma_start3A_161, %dma_start3A_162] : memref<32x100x128x64xf32, #tpu.memory_space<hbm>> -> memref<1x1x128x64xf32, #tpu.memory_space<hbm>>
    %dma_start3A_164 = tpu.memref_squeeze %dma_start3A_163 : memref<1x1x128x64xf32, #tpu.memory_space<hbm>> -> memref<128x64xf32, #tpu.memory_space<hbm>>
    tpu.enqueue_dma source(%arg11 : memref<128x64xf32, #tpu.memory_space<vmem>>) target(%dma_start3A_164 : memref<128x64xf32, #tpu.memory_space<hbm>>) target_semaphore(%arg31 : memref<!tpu.dma_semaphore, #tpu.memory_space<semaphore_mem>>)
    %dma_wait3A_165 = arith.constant 0 : i32
    %dma_wait3A_166 = arith.constant 0 : i32
    %dma_wait3A_167 = arith.constant 0 : i32
    %dma_wait3A_168 = tpu.memref_slice %arg4[%add3A, %dma_wait3A_165, %dma_wait3A_166, %dma_wait3A_167] : memref<32x100x128x64xf32, #tpu.memory_space<hbm>> -> memref<1x1x128x64xf32, #tpu.memory_space<hbm>>
    %dma_wait3A_169 = tpu.memref_squeeze %dma_wait3A_168 : memref<1x1x128x64xf32, #tpu.memory_space<hbm>> -> memref<128x64xf32, #tpu.memory_space<hbm>>
    %dma_wait3A_170 = arith.constant 0 : i32
    %dma_wait3A_171 = arith.constant 0 : i32
    %dma_wait3A_172 = tpu.memref_slice %arg4[%add3A, %dma_wait3A_165, %dma_wait3A_170, %dma_wait3A_171] : memref<32x100x128x64xf32, #tpu.memory_space<hbm>> -> memref<1x1x128x64xf32, #tpu.memory_space<hbm>>
    %dma_wait3A_173 = tpu.memref_squeeze %dma_wait3A_172 : memref<1x1x128x64xf32, #tpu.memory_space<hbm>> -> memref<128x64xf32, #tpu.memory_space<hbm>>
    tpu.wait_dma2 semaphore(%arg26 : memref<!tpu.dma_semaphore, #tpu.memory_space<semaphore_mem>>) src(%arg6 : memref<128x64xf32, #tpu.memory_space<vmem>>) dst(%dma_wait3A_173 : memref<128x64xf32, #tpu.memory_space<hbm>>)
    %dma_start3A_174 = arith.constant 10 : i32
    %dma_start3A_175 = arith.constant 0 : i32
    %dma_start3A_176 = tpu.memref_slice %arg5[%dma_start3A_174, %dma_start3A_175] : memref<100x128xi32, #tpu.memory_space<vmem>> -> memref<1x128xi32, #tpu.memory_space<vmem>>
    %dma_start3A_177 = tpu.memref_squeeze %dma_start3A_176 : memref<1x128xi32, #tpu.memory_space<vmem>> -> memref<128xi32, #tpu.memory_space<vmem>>
    %dma_start3A_178 = arith.constant 0 : i32
    %dma_start3A_179 = arith.constant 0 : i32
    %dma_start3A_180 = tpu.memref_slice %arg3[%dma_start3A_178, %dma_start3A_179] : memref<1000000x64xf32, #tpu.memory_space<hbm>> -> memref<1000000x64xf32, #tpu.memory_space<hbm>>
    tpu.enqueue_indirect_dma source(%dma_start3A_180 : memref<1000000x64xf32, #tpu.memory_space<hbm>>) target(%arg6 : memref<128x64xf32, #tpu.memory_space<vmem>>) offsets(%dma_start3A_177 : memref<128xi32, #tpu.memory_space<vmem>>) semaphore(%arg16 : memref<!tpu.dma_semaphore, #tpu.memory_space<semaphore_mem>>)
    %dma_wait3A_181 = arith.constant 6 : i32
    %dma_wait3A_182 = arith.constant 0 : i32
    %dma_wait3A_183 = tpu.memref_slice %arg5[%dma_wait3A_181, %dma_wait3A_182] : memref<100x128xi32, #tpu.memory_space<vmem>> -> memref<1x128xi32, #tpu.memory_space<vmem>>
    %dma_wait3A_184 = tpu.memref_squeeze %dma_wait3A_183 : memref<1x128xi32, #tpu.memory_space<vmem>> -> memref<128xi32, #tpu.memory_space<vmem>>
    %dma_wait3A_185 = arith.constant 0 : i32
    %dma_wait3A_186 = arith.constant 0 : i32
    %dma_wait3A_187 = tpu.memref_slice %arg3[%dma_wait3A_185, %dma_wait3A_186] : memref<1000000x64xf32, #tpu.memory_space<hbm>> -> memref<1000000x64xf32, #tpu.memory_space<hbm>>
    tpu.wait_indirect_dma semaphore(%arg22 : memref<!tpu.dma_semaphore, #tpu.memory_space<semaphore_mem>>) src(%dma_wait3A_187 : memref<1000000x64xf32, #tpu.memory_space<hbm>>) dst(%arg12 : memref<128x64xf32, #tpu.memory_space<vmem>>)
    %dma_start3A_188 = arith.constant 6 : i32
    %dma_start3A_189 = arith.constant 0 : i32
    %dma_start3A_190 = arith.constant 0 : i32
    %dma_start3A_191 = tpu.memref_slice %arg4[%add3A, %dma_start3A_188, %dma_start3A_189, %dma_start3A_190] : memref<32x100x128x64xf32, #tpu.memory_space<hbm>> -> memref<1x1x128x64xf32, #tpu.memory_space<hbm>>
    %dma_start3A_192 = tpu.memref_squeeze %dma_start3A_191 : memref<1x1x128x64xf32, #tpu.memory_space<hbm>> -> memref<128x64xf32, #tpu.memory_space<hbm>>
    %dma_start3A_193 = arith.constant 0 : i32
    %dma_start3A_194 = arith.constant 0 : i32
    %dma_start3A_195 = tpu.memref_slice %arg4[%add3A, %dma_start3A_188, %dma_start3A_193, %dma_start3A_194] : memref<32x100x128x64xf32, #tpu.memory_space<hbm>> -> memref<1x1x128x64xf32, #tpu.memory_space<hbm>>
    %dma_start3A_196 = tpu.memref_squeeze %dma_start3A_195 : memref<1x1x128x64xf32, #tpu.memory_space<hbm>> -> memref<128x64xf32, #tpu.memory_space<hbm>>
    tpu.enqueue_dma source(%arg12 : memref<128x64xf32, #tpu.memory_space<vmem>>) target(%dma_start3A_196 : memref<128x64xf32, #tpu.memory_space<hbm>>) target_semaphore(%arg32 : memref<!tpu.dma_semaphore, #tpu.memory_space<semaphore_mem>>)
    %dma_wait3A_197 = arith.constant 1 : i32
    %dma_wait3A_198 = arith.constant 0 : i32
    %dma_wait3A_199 = arith.constant 0 : i32
    %dma_wait3A_200 = tpu.memref_slice %arg4[%add3A, %dma_wait3A_197, %dma_wait3A_198, %dma_wait3A_199] : memref<32x100x128x64xf32, #tpu.memory_space<hbm>> -> memref<1x1x128x64xf32, #tpu.memory_space<hbm>>
    %dma_wait3A_201 = tpu.memref_squeeze %dma_wait3A_200 : memref<1x1x128x64xf32, #tpu.memory_space<hbm>> -> memref<128x64xf32, #tpu.memory_space<hbm>>
    %dma_wait3A_202 = arith.constant 0 : i32
    %dma_wait3A_203 = arith.constant 0 : i32
    %dma_wait3A_204 = tpu.memref_slice %arg4[%add3A, %dma_wait3A_197, %dma_wait3A_202, %dma_wait3A_203] : memref<32x100x128x64xf32, #tpu.memory_space<hbm>> -> memref<1x1x128x64xf32, #tpu.memory_space<hbm>>
    %dma_wait3A_205 = tpu.memref_squeeze %dma_wait3A_204 : memref<1x1x128x64xf32, #tpu.memory_space<hbm>> -> memref<128x64xf32, #tpu.memory_space<hbm>>
    tpu.wait_dma2 semaphore(%arg27 : memref<!tpu.dma_semaphore, #tpu.memory_space<semaphore_mem>>) src(%arg7 : memref<128x64xf32, #tpu.memory_space<vmem>>) dst(%dma_wait3A_205 : memref<128x64xf32, #tpu.memory_space<hbm>>)
    %dma_start3A_206 = arith.constant 11 : i32
    %dma_start3A_207 = arith.constant 0 : i32
    %dma_start3A_208 = tpu.memref_slice %arg5[%dma_start3A_206, %dma_start3A_207] : memref<100x128xi32, #tpu.memory_space<vmem>> -> memref<1x128xi32, #tpu.memory_space<vmem>>
    %dma_start3A_209 = tpu.memref_squeeze %dma_start3A_208 : memref<1x128xi32, #tpu.memory_space<vmem>> -> memref<128xi32, #tpu.memory_space<vmem>>
    %dma_start3A_210 = arith.constant 0 : i32
    %dma_start3A_211 = arith.constant 0 : i32
    %dma_start3A_212 = tpu.memref_slice %arg3[%dma_start3A_210, %dma_start3A_211] : memref<1000000x64xf32, #tpu.memory_space<hbm>> -> memref<1000000x64xf32, #tpu.memory_space<hbm>>
    tpu.enqueue_indirect_dma source(%dma_start3A_212 : memref<1000000x64xf32, #tpu.memory_space<hbm>>) target(%arg7 : memref<128x64xf32, #tpu.memory_space<vmem>>) offsets(%dma_start3A_209 : memref<128xi32, #tpu.memory_space<vmem>>) semaphore(%arg17 : memref<!tpu.dma_semaphore, #tpu.memory_space<semaphore_mem>>)
    %dma_wait3A_213 = arith.constant 7 : i32
    %dma_wait3A_214 = arith.constant 0 : i32
    %dma_wait3A_215 = tpu.memref_slice %arg5[%dma_wait3A_213, %dma_wait3A_214] : memref<100x128xi32, #tpu.memory_space<vmem>> -> memref<1x128xi32, #tpu.memory_space<vmem>>
    %dma_wait3A_216 = tpu.memref_squeeze %dma_wait3A_215 : memref<1x128xi32, #tpu.memory_space<vmem>> -> memref<128xi32, #tpu.memory_space<vmem>>
    %dma_wait3A_217 = arith.constant 0 : i32
    %dma_wait3A_218 = arith.constant 0 : i32
    %dma_wait3A_219 = tpu.memref_slice %arg3[%dma_wait3A_217, %dma_wait3A_218] : memref<1000000x64xf32, #tpu.memory_space<hbm>> -> memref<1000000x64xf32, #tpu.memory_space<hbm>>
    tpu.wait_indirect_dma semaphore(%arg23 : memref<!tpu.dma_semaphore, #tpu.memory_space<semaphore_mem>>) src(%dma_wait3A_219 : memref<1000000x64xf32, #tpu.memory_space<hbm>>) dst(%arg13 : memref<128x64xf32, #tpu.memory_space<vmem>>)
    %dma_start3A_220 = arith.constant 7 : i32
    %dma_start3A_221 = arith.constant 0 : i32
    %dma_start3A_222 = arith.constant 0 : i32
    %dma_start3A_223 = tpu.memref_slice %arg4[%add3A, %dma_start3A_220, %dma_start3A_221, %dma_start3A_222] : memref<32x100x128x64xf32, #tpu.memory_space<hbm>> -> memref<1x1x128x64xf32, #tpu.memory_space<hbm>>
    %dma_start3A_224 = tpu.memref_squeeze %dma_start3A_223 : memref<1x1x128x64xf32, #tpu.memory_space<hbm>> -> memref<128x64xf32, #tpu.memory_space<hbm>>
    %dma_start3A_225 = arith.constant 0 : i32
    %dma_start3A_226 = arith.constant 0 : i32
    %dma_start3A_227 = tpu.memref_slice %arg4[%add3A, %dma_start3A_220, %dma_start3A_225, %dma_start3A_226] : memref<32x100x128x64xf32, #tpu.memory_space<hbm>> -> memref<1x1x128x64xf32, #tpu.memory_space<hbm>>
    %dma_start3A_228 = tpu.memref_squeeze %dma_start3A_227 : memref<1x1x128x64xf32, #tpu.memory_space<hbm>> -> memref<128x64xf32, #tpu.memory_space<hbm>>
    tpu.enqueue_dma source(%arg13 : memref<128x64xf32, #tpu.memory_space<vmem>>) target(%dma_start3A_228 : memref<128x64xf32, #tpu.memory_space<hbm>>) target_semaphore(%arg33 : memref<!tpu.dma_semaphore, #tpu.memory_space<semaphore_mem>>)
    %dma_wait3A_229 = arith.constant 2 : i32
    %dma_wait3A_230 = arith.constant 0 : i32
    %dma_wait3A_231 = arith.constant 0 : i32
    %dma_wait3A_232 = tpu.memref_slice %arg4[%add3A, %dma_wait3A_229, %dma_wait3A_230, %dma_wait3A_231] : memref<32x100x128x64xf32, #tpu.memory_space<hbm>> -> memref<1x1x128x64xf32, #tpu.memory_space<hbm>>
    %dma_wait3A_233 = tpu.memref_squeeze %dma_wait3A_232 : memref<1x1x128x64xf32, #tpu.memory_space<hbm>> -> memref<128x64xf32, #tpu.memory_space<hbm>>
    %dma_wait3A_234 = arith.constant 0 : i32
    %dma_wait3A_235 = arith.constant 0 : i32
    %dma_wait3A_236 = tpu.memref_slice %arg4[%add3A, %dma_wait3A_229, %dma_wait3A_234, %dma_wait3A_235] : memref<32x100x128x64xf32, #tpu.memory_space<hbm>> -> memref<1x1x128x64xf32, #tpu.memory_space<hbm>>
    %dma_wait3A_237 = tpu.memref_squeeze %dma_wait3A_236 : memref<1x1x128x64xf32, #tpu.memory_space<hbm>> -> memref<128x64xf32, #tpu.memory_space<hbm>>
    tpu.wait_dma2 semaphore(%arg28 : memref<!tpu.dma_semaphore, #tpu.memory_space<semaphore_mem>>) src(%arg8 : memref<128x64xf32, #tpu.memory_space<vmem>>) dst(%dma_wait3A_237 : memref<128x64xf32, #tpu.memory_space<hbm>>)
    %dma_start3A_238 = arith.constant 12 : i32
    %dma_start3A_239 = arith.constant 0 : i32
    %dma_start3A_240 = tpu.memref_slice %arg5[%dma_start3A_238, %dma_start3A_239] : memref<100x128xi32, #tpu.memory_space<vmem>> -> memref<1x128xi32, #tpu.memory_space<vmem>>
    %dma_start3A_241 = tpu.memref_squeeze %dma_start3A_240 : memref<1x128xi32, #tpu.memory_space<vmem>> -> memref<128xi32, #tpu.memory_space<vmem>>
    %dma_start3A_242 = arith.constant 0 : i32
    %dma_start3A_243 = arith.constant 0 : i32
    %dma_start3A_244 = tpu.memref_slice %arg3[%dma_start3A_242, %dma_start3A_243] : memref<1000000x64xf32, #tpu.memory_space<hbm>> -> memref<1000000x64xf32, #tpu.memory_space<hbm>>
    tpu.enqueue_indirect_dma source(%dma_start3A_244 : memref<1000000x64xf32, #tpu.memory_space<hbm>>) target(%arg8 : memref<128x64xf32, #tpu.memory_space<vmem>>) offsets(%dma_start3A_241 : memref<128xi32, #tpu.memory_space<vmem>>) semaphore(%arg18 : memref<!tpu.dma_semaphore, #tpu.memory_space<semaphore_mem>>)
    %dma_wait3A_245 = arith.constant 8 : i32
    %dma_wait3A_246 = arith.constant 0 : i32
    %dma_wait3A_247 = tpu.memref_slice %arg5[%dma_wait3A_245, %dma_wait3A_246] : memref<100x128xi32, #tpu.memory_space<vmem>> -> memref<1x128xi32, #tpu.memory_space<vmem>>
    %dma_wait3A_248 = tpu.memref_squeeze %dma_wait3A_247 : memref<1x128xi32, #tpu.memory_space<vmem>> -> memref<128xi32, #tpu.memory_space<vmem>>
    %dma_wait3A_249 = arith.constant 0 : i32
    %dma_wait3A_250 = arith.constant 0 : i32
    %dma_wait3A_251 = tpu.memref_slice %arg3[%dma_wait3A_249, %dma_wait3A_250] : memref<1000000x64xf32, #tpu.memory_space<hbm>> -> memref<1000000x64xf32, #tpu.memory_space<hbm>>
    tpu.wait_indirect_dma semaphore(%arg24 : memref<!tpu.dma_semaphore, #tpu.memory_space<semaphore_mem>>) src(%dma_wait3A_251 : memref<1000000x64xf32, #tpu.memory_space<hbm>>) dst(%arg14 : memref<128x64xf32, #tpu.memory_space<vmem>>)
    %dma_start3A_252 = arith.constant 8 : i32
    %dma_start3A_253 = arith.constant 0 : i32
    %dma_start3A_254 = arith.constant 0 : i32
    %dma_start3A_255 = tpu.memref_slice %arg4[%add3A, %dma_start3A_252, %dma_start3A_253, %dma_start3A_254] : memref<32x100x128x64xf32, #tpu.memory_space<hbm>> -> memref<1x1x128x64xf32, #tpu.memory_space<hbm>>
    %dma_start3A_256 = tpu.memref_squeeze %dma_start3A_255 : memref<1x1x128x64xf32, #tpu.memory_space<hbm>> -> memref<128x64xf32, #tpu.memory_space<hbm>>
    %dma_start3A_257 = arith.constant 0 : i32
    %dma_start3A_258 = arith.constant 0 : i32
    %dma_start3A_259 = tpu.memref_slice %arg4[%add3A, %dma_start3A_252, %dma_start3A_257, %dma_start3A_258] : memref<32x100x128x64xf32, #tpu.memory_space<hbm>> -> memref<1x1x128x64xf32, #tpu.memory_space<hbm>>
    %dma_start3A_260 = tpu.memref_squeeze %dma_start3A_259 : memref<1x1x128x64xf32, #tpu.memory_space<hbm>> -> memref<128x64xf32, #tpu.memory_space<hbm>>
    tpu.enqueue_dma source(%arg14 : memref<128x64xf32, #tpu.memory_space<vmem>>) target(%dma_start3A_260 : memref<128x64xf32, #tpu.memory_space<hbm>>) target_semaphore(%arg34 : memref<!tpu.dma_semaphore, #tpu.memory_space<semaphore_mem>>)
    %dma_wait3A_261 = arith.constant 3 : i32
    %dma_wait3A_262 = arith.constant 0 : i32
    %dma_wait3A_263 = arith.constant 0 : i32
    %dma_wait3A_264 = tpu.memref_slice %arg4[%add3A, %dma_wait3A_261, %dma_wait3A_262, %dma_wait3A_263] : memref<32x100x128x64xf32, #tpu.memory_space<hbm>> -> memref<1x1x128x64xf32, #tpu.memory_space<hbm>>
    %dma_wait3A_265 = tpu.memref_squeeze %dma_wait3A_264 : memref<1x1x128x64xf32, #tpu.memory_space<hbm>> -> memref<128x64xf32, #tpu.memory_space<hbm>>
    %dma_wait3A_266 = arith.constant 0 : i32
    %dma_wait3A_267 = arith.constant 0 : i32
    %dma_wait3A_268 = tpu.memref_slice %arg4[%add3A, %dma_wait3A_261, %dma_wait3A_266, %dma_wait3A_267] : memref<32x100x128x64xf32, #tpu.memory_space<hbm>> -> memref<1x1x128x64xf32, #tpu.memory_space<hbm>>
    %dma_wait3A_269 = tpu.memref_squeeze %dma_wait3A_268 : memref<1x1x128x64xf32, #tpu.memory_space<hbm>> -> memref<128x64xf32, #tpu.memory_space<hbm>>
    tpu.wait_dma2 semaphore(%arg29 : memref<!tpu.dma_semaphore, #tpu.memory_space<semaphore_mem>>) src(%arg9 : memref<128x64xf32, #tpu.memory_space<vmem>>) dst(%dma_wait3A_269 : memref<128x64xf32, #tpu.memory_space<hbm>>)
    %dma_start3A_270 = arith.constant 13 : i32
    %dma_start3A_271 = arith.constant 0 : i32
    %dma_start3A_272 = tpu.memref_slice %arg5[%dma_start3A_270, %dma_start3A_271] : memref<100x128xi32, #tpu.memory_space<vmem>> -> memref<1x128xi32, #tpu.memory_space<vmem>>
    %dma_start3A_273 = tpu.memref_squeeze %dma_start3A_272 : memref<1x128xi32, #tpu.memory_space<vmem>> -> memref<128xi32, #tpu.memory_space<vmem>>
    %dma_start3A_274 = arith.constant 0 : i32
    %dma_start3A_275 = arith.constant 0 : i32
    %dma_start3A_276 = tpu.memref_slice %arg3[%dma_start3A_274, %dma_start3A_275] : memref<1000000x64xf32, #tpu.memory_space<hbm>> -> memref<1000000x64xf32, #tpu.memory_space<hbm>>
    tpu.enqueue_indirect_dma source(%dma_start3A_276 : memref<1000000x64xf32, #tpu.memory_space<hbm>>) target(%arg9 : memref<128x64xf32, #tpu.memory_space<vmem>>) offsets(%dma_start3A_273 : memref<128xi32, #tpu.memory_space<vmem>>) semaphore(%arg19 : memref<!tpu.dma_semaphore, #tpu.memory_space<semaphore_mem>>)
    %dma_wait3A_277 = arith.constant 9 : i32
    %dma_wait3A_278 = arith.constant 0 : i32
    %dma_wait3A_279 = tpu.memref_slice %arg5[%dma_wait3A_277, %dma_wait3A_278] : memref<100x128xi32, #tpu.memory_space<vmem>> -> memref<1x128xi32, #tpu.memory_space<vmem>>
    %dma_wait3A_280 = tpu.memref_squeeze %dma_wait3A_279 : memref<1x128xi32, #tpu.memory_space<vmem>> -> memref<128xi32, #tpu.memory_space<vmem>>
    %dma_wait3A_281 = arith.constant 0 : i32
    %dma_wait3A_282 = arith.constant 0 : i32
    %dma_wait3A_283 = tpu.memref_slice %arg3[%dma_wait3A_281, %dma_wait3A_282] : memref<1000000x64xf32, #tpu.memory_space<hbm>> -> memref<1000000x64xf32, #tpu.memory_space<hbm>>
    tpu.wait_indirect_dma semaphore(%arg25 : memref<!tpu.dma_semaphore, #tpu.memory_space<semaphore_mem>>) src(%dma_wait3A_283 : memref<1000000x64xf32, #tpu.memory_space<hbm>>) dst(%arg15 : memref<128x64xf32, #tpu.memory_space<vmem>>)
    %dma_start3A_284 = arith.constant 9 : i32
    %dma_start3A_285 = arith.constant 0 : i32
    %dma_start3A_286 = arith.constant 0 : i32
    %dma_start3A_287 = tpu.memref_slice %arg4[%add3A, %dma_start3A_284, %dma_start3A_285, %dma_start3A_286] : memref<32x100x128x64xf32, #tpu.memory_space<hbm>> -> memref<1x1x128x64xf32, #tpu.memory_space<hbm>>
    %dma_start3A_288 = tpu.memref_squeeze %dma_start3A_287 : memref<1x1x128x64xf32, #tpu.memory_space<hbm>> -> memref<128x64xf32, #tpu.memory_space<hbm>>
    %dma_start3A_289 = arith.constant 0 : i32
    %dma_start3A_290 = arith.constant 0 : i32
    %dma_start3A_291 = tpu.memref_slice %arg4[%add3A, %dma_start3A_284, %dma_start3A_289, %dma_start3A_290] : memref<32x100x128x64xf32, #tpu.memory_space<hbm>> -> memref<1x1x128x64xf32, #tpu.memory_space<hbm>>
    %dma_start3A_292 = tpu.memref_squeeze %dma_start3A_291 : memref<1x1x128x64xf32, #tpu.memory_space<hbm>> -> memref<128x64xf32, #tpu.memory_space<hbm>>
    tpu.enqueue_dma source(%arg15 : memref<128x64xf32, #tpu.memory_space<vmem>>) target(%dma_start3A_292 : memref<128x64xf32, #tpu.memory_space<hbm>>) target_semaphore(%arg35 : memref<!tpu.dma_semaphore, #tpu.memory_space<semaphore_mem>>)
    %dma_wait3A_293 = arith.constant 4 : i32
    %dma_wait3A_294 = arith.constant 0 : i32
    %dma_wait3A_295 = arith.constant 0 : i32
    %dma_wait3A_296 = tpu.memref_slice %arg4[%add3A, %dma_wait3A_293, %dma_wait3A_294, %dma_wait3A_295] : memref<32x100x128x64xf32, #tpu.memory_space<hbm>> -> memref<1x1x128x64xf32, #tpu.memory_space<hbm>>
    %dma_wait3A_297 = tpu.memref_squeeze %dma_wait3A_296 : memref<1x1x128x64xf32, #tpu.memory_space<hbm>> -> memref<128x64xf32, #tpu.memory_space<hbm>>
    %dma_wait3A_298 = arith.constant 0 : i32
    %dma_wait3A_299 = arith.constant 0 : i32
    %dma_wait3A_300 = tpu.memref_slice %arg4[%add3A, %dma_wait3A_293, %dma_wait3A_298, %dma_wait3A_299] : memref<32x100x128x64xf32, #tpu.memory_space<hbm>> -> memref<1x1x128x64xf32, #tpu.memory_space<hbm>>
    %dma_wait3A_301 = tpu.memref_squeeze %dma_wait3A_300 : memref<1x1x128x64xf32, #tpu.memory_space<hbm>> -> memref<128x64xf32, #tpu.memory_space<hbm>>
    tpu.wait_dma2 semaphore(%arg30 : memref<!tpu.dma_semaphore, #tpu.memory_space<semaphore_mem>>) src(%arg10 : memref<128x64xf32, #tpu.memory_space<vmem>>) dst(%dma_wait3A_301 : memref<128x64xf32, #tpu.memory_space<hbm>>)
    %dma_start3A_302 = arith.constant 14 : i32
    %dma_start3A_303 = arith.constant 0 : i32
    %dma_start3A_304 = tpu.memref_slice %arg5[%dma_start3A_302, %dma_start3A_303] : memref<100x128xi32, #tpu.memory_space<vmem>> -> memref<1x128xi32, #tpu.memory_space<vmem>>
    %dma_start3A_305 = tpu.memref_squeeze %dma_start3A_304 : memref<1x128xi32, #tpu.memory_space<vmem>> -> memref<128xi32, #tpu.memory_space<vmem>>
    %dma_start3A_306 = arith.constant 0 : i32
    %dma_start3A_307 = arith.constant 0 : i32
    %dma_start3A_308 = tpu.memref_slice %arg3[%dma_start3A_306, %dma_start3A_307] : memref<1000000x64xf32, #tpu.memory_space<hbm>> -> memref<1000000x64xf32, #tpu.memory_space<hbm>>
    tpu.enqueue_indirect_dma source(%dma_start3A_308 : memref<1000000x64xf32, #tpu.memory_space<hbm>>) target(%arg10 : memref<128x64xf32, #tpu.memory_space<vmem>>) offsets(%dma_start3A_305 : memref<128xi32, #tpu.memory_space<vmem>>) semaphore(%arg20 : memref<!tpu.dma_semaphore, #tpu.memory_space<semaphore_mem>>)
    %scan3A = arith.constant 0 : i32
    %scan3A_309 = arith.constant 1 : i32
    %scan3A_310 = arith.constant 8 : i32
    %scan3A_311 = arith.addi %scan3A_309, %scan3A_310 : i32
    %scan3A_312 = arith.constant 1 : i32
    scf.for %scan3A_644 = %scan3A_309 to %scan3A_311 step %scan3A_312  : i32 {
      %mul3A_645 = arith.constant 10 : i32
      %mul3A_646 = arith.muli %scan3A_644, %mul3A_645 : i32
      %add3A_647 = arith.constant 0 : i32
      %add3A_648 = arith.addi %mul3A_646, %add3A_647 : i32
      %dma_wait3A_649 = arith.constant 0 : i32
      %dma_wait3A_650 = tpu.memref_slice %arg5[%add3A_648, %dma_wait3A_649] : memref<100x128xi32, #tpu.memory_space<vmem>> -> memref<1x128xi32, #tpu.memory_space<vmem>>
      %dma_wait3A_651 = tpu.memref_squeeze %dma_wait3A_650 : memref<1x128xi32, #tpu.memory_space<vmem>> -> memref<128xi32, #tpu.memory_space<vmem>>
      %dma_wait3A_652 = arith.constant 0 : i32
      %dma_wait3A_653 = arith.constant 0 : i32
      %dma_wait3A_654 = tpu.memref_slice %arg3[%dma_wait3A_652, %dma_wait3A_653] : memref<1000000x64xf32, #tpu.memory_space<hbm>> -> memref<1000000x64xf32, #tpu.memory_space<hbm>>
      tpu.wait_indirect_dma semaphore(%arg16 : memref<!tpu.dma_semaphore, #tpu.memory_space<semaphore_mem>>) src(%dma_wait3A_654 : memref<1000000x64xf32, #tpu.memory_space<hbm>>) dst(%arg6 : memref<128x64xf32, #tpu.memory_space<vmem>>)
      %dma_start3A_655 = arith.constant 0 : i32
      %dma_start3A_656 = arith.constant 0 : i32
      %dma_start3A_657 = tpu.memref_slice %arg4[%add3A, %add3A_648, %dma_start3A_655, %dma_start3A_656] : memref<32x100x128x64xf32, #tpu.memory_space<hbm>> -> memref<1x1x128x64xf32, #tpu.memory_space<hbm>>
      %dma_start3A_658 = tpu.memref_squeeze %dma_start3A_657 : memref<1x1x128x64xf32, #tpu.memory_space<hbm>> -> memref<128x64xf32, #tpu.memory_space<hbm>>
      %dma_start3A_659 = arith.constant 0 : i32
      %dma_start3A_660 = arith.constant 0 : i32
      %dma_start3A_661 = tpu.memref_slice %arg4[%add3A, %add3A_648, %dma_start3A_659, %dma_start3A_660] : memref<32x100x128x64xf32, #tpu.memory_space<hbm>> -> memref<1x1x128x64xf32, #tpu.memory_space<hbm>>
      %dma_start3A_662 = tpu.memref_squeeze %dma_start3A_661 : memref<1x1x128x64xf32, #tpu.memory_space<hbm>> -> memref<128x64xf32, #tpu.memory_space<hbm>>
      tpu.enqueue_dma source(%arg6 : memref<128x64xf32, #tpu.memory_space<vmem>>) target(%dma_start3A_662 : memref<128x64xf32, #tpu.memory_space<hbm>>) target_semaphore(%arg26 : memref<!tpu.dma_semaphore, #tpu.memory_space<semaphore_mem>>)
      %add3A_663 = arith.constant 5 : i32
      %add3A_664 = arith.addi %add3A_648, %add3A_663 : i32
      %sub3A = arith.constant 10 : i32
      %sub3A_665 = arith.subi %add3A_664, %sub3A : i32
      %dma_wait3A_666 = arith.constant 0 : i32
      %dma_wait3A_667 = arith.constant 0 : i32
      %dma_wait3A_668 = tpu.memref_slice %arg4[%add3A, %sub3A_665, %dma_wait3A_666, %dma_wait3A_667] : memref<32x100x128x64xf32, #tpu.memory_space<hbm>> -> memref<1x1x128x64xf32, #tpu.memory_space<hbm>>
      %dma_wait3A_669 = tpu.memref_squeeze %dma_wait3A_668 : memref<1x1x128x64xf32, #tpu.memory_space<hbm>> -> memref<128x64xf32, #tpu.memory_space<hbm>>
      %dma_wait3A_670 = arith.constant 0 : i32
      %dma_wait3A_671 = arith.constant 0 : i32
      %dma_wait3A_672 = tpu.memref_slice %arg4[%add3A, %sub3A_665, %dma_wait3A_670, %dma_wait3A_671] : memref<32x100x128x64xf32, #tpu.memory_space<hbm>> -> memref<1x1x128x64xf32, #tpu.memory_space<hbm>>
      %dma_wait3A_673 = tpu.memref_squeeze %dma_wait3A_672 : memref<1x1x128x64xf32, #tpu.memory_space<hbm>> -> memref<128x64xf32, #tpu.memory_space<hbm>>
      tpu.wait_dma2 semaphore(%arg31 : memref<!tpu.dma_semaphore, #tpu.memory_space<semaphore_mem>>) src(%arg11 : memref<128x64xf32, #tpu.memory_space<vmem>>) dst(%dma_wait3A_673 : memref<128x64xf32, #tpu.memory_space<hbm>>)
      %dma_start3A_674 = arith.constant 0 : i32
      %dma_start3A_675 = tpu.memref_slice %arg5[%add3A_664, %dma_start3A_674] : memref<100x128xi32, #tpu.memory_space<vmem>> -> memref<1x128xi32, #tpu.memory_space<vmem>>
      %dma_start3A_676 = tpu.memref_squeeze %dma_start3A_675 : memref<1x128xi32, #tpu.memory_space<vmem>> -> memref<128xi32, #tpu.memory_space<vmem>>
      %dma_start3A_677 = arith.constant 0 : i32
      %dma_start3A_678 = arith.constant 0 : i32
      %dma_start3A_679 = tpu.memref_slice %arg3[%dma_start3A_677, %dma_start3A_678] : memref<1000000x64xf32, #tpu.memory_space<hbm>> -> memref<1000000x64xf32, #tpu.memory_space<hbm>>
      tpu.enqueue_indirect_dma source(%dma_start3A_679 : memref<1000000x64xf32, #tpu.memory_space<hbm>>) target(%arg11 : memref<128x64xf32, #tpu.memory_space<vmem>>) offsets(%dma_start3A_676 : memref<128xi32, #tpu.memory_space<vmem>>) semaphore(%arg21 : memref<!tpu.dma_semaphore, #tpu.memory_space<semaphore_mem>>)
      %add3A_680 = arith.constant 1 : i32
      %add3A_681 = arith.addi %mul3A_646, %add3A_680 : i32
      %dma_wait3A_682 = arith.constant 0 : i32
      %dma_wait3A_683 = tpu.memref_slice %arg5[%add3A_681, %dma_wait3A_682] : memref<100x128xi32, #tpu.memory_space<vmem>> -> memref<1x128xi32, #tpu.memory_space<vmem>>
      %dma_wait3A_684 = tpu.memref_squeeze %dma_wait3A_683 : memref<1x128xi32, #tpu.memory_space<vmem>> -> memref<128xi32, #tpu.memory_space<vmem>>
      %dma_wait3A_685 = arith.constant 0 : i32
      %dma_wait3A_686 = arith.constant 0 : i32
      %dma_wait3A_687 = tpu.memref_slice %arg3[%dma_wait3A_685, %dma_wait3A_686] : memref<1000000x64xf32, #tpu.memory_space<hbm>> -> memref<1000000x64xf32, #tpu.memory_space<hbm>>
      tpu.wait_indirect_dma semaphore(%arg17 : memref<!tpu.dma_semaphore, #tpu.memory_space<semaphore_mem>>) src(%dma_wait3A_687 : memref<1000000x64xf32, #tpu.memory_space<hbm>>) dst(%arg7 : memref<128x64xf32, #tpu.memory_space<vmem>>)
      %dma_start3A_688 = arith.constant 0 : i32
      %dma_start3A_689 = arith.constant 0 : i32
      %dma_start3A_690 = tpu.memref_slice %arg4[%add3A, %add3A_681, %dma_start3A_688, %dma_start3A_689] : memref<32x100x128x64xf32, #tpu.memory_space<hbm>> -> memref<1x1x128x64xf32, #tpu.memory_space<hbm>>
      %dma_start3A_691 = tpu.memref_squeeze %dma_start3A_690 : memref<1x1x128x64xf32, #tpu.memory_space<hbm>> -> memref<128x64xf32, #tpu.memory_space<hbm>>
      %dma_start3A_692 = arith.constant 0 : i32
      %dma_start3A_693 = arith.constant 0 : i32
      %dma_start3A_694 = tpu.memref_slice %arg4[%add3A, %add3A_681, %dma_start3A_692, %dma_start3A_693] : memref<32x100x128x64xf32, #tpu.memory_space<hbm>> -> memref<1x1x128x64xf32, #tpu.memory_space<hbm>>
      %dma_start3A_695 = tpu.memref_squeeze %dma_start3A_694 : memref<1x1x128x64xf32, #tpu.memory_space<hbm>> -> memref<128x64xf32, #tpu.memory_space<hbm>>
      tpu.enqueue_dma source(%arg7 : memref<128x64xf32, #tpu.memory_space<vmem>>) target(%dma_start3A_695 : memref<128x64xf32, #tpu.memory_space<hbm>>) target_semaphore(%arg27 : memref<!tpu.dma_semaphore, #tpu.memory_space<semaphore_mem>>)
      %add3A_696 = arith.constant 5 : i32
      %add3A_697 = arith.addi %add3A_681, %add3A_696 : i32
      %sub3A_698 = arith.constant 10 : i32
      %sub3A_699 = arith.subi %add3A_697, %sub3A_698 : i32
      %dma_wait3A_700 = arith.constant 0 : i32
      %dma_wait3A_701 = arith.constant 0 : i32
      %dma_wait3A_702 = tpu.memref_slice %arg4[%add3A, %sub3A_699, %dma_wait3A_700, %dma_wait3A_701] : memref<32x100x128x64xf32, #tpu.memory_space<hbm>> -> memref<1x1x128x64xf32, #tpu.memory_space<hbm>>
      %dma_wait3A_703 = tpu.memref_squeeze %dma_wait3A_702 : memref<1x1x128x64xf32, #tpu.memory_space<hbm>> -> memref<128x64xf32, #tpu.memory_space<hbm>>
      %dma_wait3A_704 = arith.constant 0 : i32
      %dma_wait3A_705 = arith.constant 0 : i32
      %dma_wait3A_706 = tpu.memref_slice %arg4[%add3A, %sub3A_699, %dma_wait3A_704, %dma_wait3A_705] : memref<32x100x128x64xf32, #tpu.memory_space<hbm>> -> memref<1x1x128x64xf32, #tpu.memory_space<hbm>>
      %dma_wait3A_707 = tpu.memref_squeeze %dma_wait3A_706 : memref<1x1x128x64xf32, #tpu.memory_space<hbm>> -> memref<128x64xf32, #tpu.memory_space<hbm>>
      tpu.wait_dma2 semaphore(%arg32 : memref<!tpu.dma_semaphore, #tpu.memory_space<semaphore_mem>>) src(%arg12 : memref<128x64xf32, #tpu.memory_space<vmem>>) dst(%dma_wait3A_707 : memref<128x64xf32, #tpu.memory_space<hbm>>)
      %dma_start3A_708 = arith.constant 0 : i32
      %dma_start3A_709 = tpu.memref_slice %arg5[%add3A_697, %dma_start3A_708] : memref<100x128xi32, #tpu.memory_space<vmem>> -> memref<1x128xi32, #tpu.memory_space<vmem>>
      %dma_start3A_710 = tpu.memref_squeeze %dma_start3A_709 : memref<1x128xi32, #tpu.memory_space<vmem>> -> memref<128xi32, #tpu.memory_space<vmem>>
      %dma_start3A_711 = arith.constant 0 : i32
      %dma_start3A_712 = arith.constant 0 : i32
      %dma_start3A_713 = tpu.memref_slice %arg3[%dma_start3A_711, %dma_start3A_712] : memref<1000000x64xf32, #tpu.memory_space<hbm>> -> memref<1000000x64xf32, #tpu.memory_space<hbm>>
      tpu.enqueue_indirect_dma source(%dma_start3A_713 : memref<1000000x64xf32, #tpu.memory_space<hbm>>) target(%arg12 : memref<128x64xf32, #tpu.memory_space<vmem>>) offsets(%dma_start3A_710 : memref<128xi32, #tpu.memory_space<vmem>>) semaphore(%arg22 : memref<!tpu.dma_semaphore, #tpu.memory_space<semaphore_mem>>)
      %add3A_714 = arith.constant 2 : i32
      %add3A_715 = arith.addi %mul3A_646, %add3A_714 : i32
      %dma_wait3A_716 = arith.constant 0 : i32
      %dma_wait3A_717 = tpu.memref_slice %arg5[%add3A_715, %dma_wait3A_716] : memref<100x128xi32, #tpu.memory_space<vmem>> -> memref<1x128xi32, #tpu.memory_space<vmem>>
      %dma_wait3A_718 = tpu.memref_squeeze %dma_wait3A_717 : memref<1x128xi32, #tpu.memory_space<vmem>> -> memref<128xi32, #tpu.memory_space<vmem>>
      %dma_wait3A_719 = arith.constant 0 : i32
      %dma_wait3A_720 = arith.constant 0 : i32
      %dma_wait3A_721 = tpu.memref_slice %arg3[%dma_wait3A_719, %dma_wait3A_720] : memref<1000000x64xf32, #tpu.memory_space<hbm>> -> memref<1000000x64xf32, #tpu.memory_space<hbm>>
      tpu.wait_indirect_dma semaphore(%arg18 : memref<!tpu.dma_semaphore, #tpu.memory_space<semaphore_mem>>) src(%dma_wait3A_721 : memref<1000000x64xf32, #tpu.memory_space<hbm>>) dst(%arg8 : memref<128x64xf32, #tpu.memory_space<vmem>>)
      %dma_start3A_722 = arith.constant 0 : i32
      %dma_start3A_723 = arith.constant 0 : i32
      %dma_start3A_724 = tpu.memref_slice %arg4[%add3A, %add3A_715, %dma_start3A_722, %dma_start3A_723] : memref<32x100x128x64xf32, #tpu.memory_space<hbm>> -> memref<1x1x128x64xf32, #tpu.memory_space<hbm>>
      %dma_start3A_725 = tpu.memref_squeeze %dma_start3A_724 : memref<1x1x128x64xf32, #tpu.memory_space<hbm>> -> memref<128x64xf32, #tpu.memory_space<hbm>>
      %dma_start3A_726 = arith.constant 0 : i32
      %dma_start3A_727 = arith.constant 0 : i32
      %dma_start3A_728 = tpu.memref_slice %arg4[%add3A, %add3A_715, %dma_start3A_726, %dma_start3A_727] : memref<32x100x128x64xf32, #tpu.memory_space<hbm>> -> memref<1x1x128x64xf32, #tpu.memory_space<hbm>>
      %dma_start3A_729 = tpu.memref_squeeze %dma_start3A_728 : memref<1x1x128x64xf32, #tpu.memory_space<hbm>> -> memref<128x64xf32, #tpu.memory_space<hbm>>
      tpu.enqueue_dma source(%arg8 : memref<128x64xf32, #tpu.memory_space<vmem>>) target(%dma_start3A_729 : memref<128x64xf32, #tpu.memory_space<hbm>>) target_semaphore(%arg28 : memref<!tpu.dma_semaphore, #tpu.memory_space<semaphore_mem>>)
      %add3A_730 = arith.constant 5 : i32
      %add3A_731 = arith.addi %add3A_715, %add3A_730 : i32
      %sub3A_732 = arith.constant 10 : i32
      %sub3A_733 = arith.subi %add3A_731, %sub3A_732 : i32
      %dma_wait3A_734 = arith.constant 0 : i32
      %dma_wait3A_735 = arith.constant 0 : i32
      %dma_wait3A_736 = tpu.memref_slice %arg4[%add3A, %sub3A_733, %dma_wait3A_734, %dma_wait3A_735] : memref<32x100x128x64xf32, #tpu.memory_space<hbm>> -> memref<1x1x128x64xf32, #tpu.memory_space<hbm>>
      %dma_wait3A_737 = tpu.memref_squeeze %dma_wait3A_736 : memref<1x1x128x64xf32, #tpu.memory_space<hbm>> -> memref<128x64xf32, #tpu.memory_space<hbm>>
      %dma_wait3A_738 = arith.constant 0 : i32
      %dma_wait3A_739 = arith.constant 0 : i32
      %dma_wait3A_740 = tpu.memref_slice %arg4[%add3A, %sub3A_733, %dma_wait3A_738, %dma_wait3A_739] : memref<32x100x128x64xf32, #tpu.memory_space<hbm>> -> memref<1x1x128x64xf32, #tpu.memory_space<hbm>>
      %dma_wait3A_741 = tpu.memref_squeeze %dma_wait3A_740 : memref<1x1x128x64xf32, #tpu.memory_space<hbm>> -> memref<128x64xf32, #tpu.memory_space<hbm>>
      tpu.wait_dma2 semaphore(%arg33 : memref<!tpu.dma_semaphore, #tpu.memory_space<semaphore_mem>>) src(%arg13 : memref<128x64xf32, #tpu.memory_space<vmem>>) dst(%dma_wait3A_741 : memref<128x64xf32, #tpu.memory_space<hbm>>)
      %dma_start3A_742 = arith.constant 0 : i32
      %dma_start3A_743 = tpu.memref_slice %arg5[%add3A_731, %dma_start3A_742] : memref<100x128xi32, #tpu.memory_space<vmem>> -> memref<1x128xi32, #tpu.memory_space<vmem>>
      %dma_start3A_744 = tpu.memref_squeeze %dma_start3A_743 : memref<1x128xi32, #tpu.memory_space<vmem>> -> memref<128xi32, #tpu.memory_space<vmem>>
      %dma_start3A_745 = arith.constant 0 : i32
      %dma_start3A_746 = arith.constant 0 : i32
      %dma_start3A_747 = tpu.memref_slice %arg3[%dma_start3A_745, %dma_start3A_746] : memref<1000000x64xf32, #tpu.memory_space<hbm>> -> memref<1000000x64xf32, #tpu.memory_space<hbm>>
      tpu.enqueue_indirect_dma source(%dma_start3A_747 : memref<1000000x64xf32, #tpu.memory_space<hbm>>) target(%arg13 : memref<128x64xf32, #tpu.memory_space<vmem>>) offsets(%dma_start3A_744 : memref<128xi32, #tpu.memory_space<vmem>>) semaphore(%arg23 : memref<!tpu.dma_semaphore, #tpu.memory_space<semaphore_mem>>)
      %add3A_748 = arith.constant 3 : i32
      %add3A_749 = arith.addi %mul3A_646, %add3A_748 : i32
      %dma_wait3A_750 = arith.constant 0 : i32
      %dma_wait3A_751 = tpu.memref_slice %arg5[%add3A_749, %dma_wait3A_750] : memref<100x128xi32, #tpu.memory_space<vmem>> -> memref<1x128xi32, #tpu.memory_space<vmem>>
      %dma_wait3A_752 = tpu.memref_squeeze %dma_wait3A_751 : memref<1x128xi32, #tpu.memory_space<vmem>> -> memref<128xi32, #tpu.memory_space<vmem>>
      %dma_wait3A_753 = arith.constant 0 : i32
      %dma_wait3A_754 = arith.constant 0 : i32
      %dma_wait3A_755 = tpu.memref_slice %arg3[%dma_wait3A_753, %dma_wait3A_754] : memref<1000000x64xf32, #tpu.memory_space<hbm>> -> memref<1000000x64xf32, #tpu.memory_space<hbm>>
      tpu.wait_indirect_dma semaphore(%arg19 : memref<!tpu.dma_semaphore, #tpu.memory_space<semaphore_mem>>) src(%dma_wait3A_755 : memref<1000000x64xf32, #tpu.memory_space<hbm>>) dst(%arg9 : memref<128x64xf32, #tpu.memory_space<vmem>>)
      %dma_start3A_756 = arith.constant 0 : i32
      %dma_start3A_757 = arith.constant 0 : i32
      %dma_start3A_758 = tpu.memref_slice %arg4[%add3A, %add3A_749, %dma_start3A_756, %dma_start3A_757] : memref<32x100x128x64xf32, #tpu.memory_space<hbm>> -> memref<1x1x128x64xf32, #tpu.memory_space<hbm>>
      %dma_start3A_759 = tpu.memref_squeeze %dma_start3A_758 : memref<1x1x128x64xf32, #tpu.memory_space<hbm>> -> memref<128x64xf32, #tpu.memory_space<hbm>>
      %dma_start3A_760 = arith.constant 0 : i32
      %dma_start3A_761 = arith.constant 0 : i32
      %dma_start3A_762 = tpu.memref_slice %arg4[%add3A, %add3A_749, %dma_start3A_760, %dma_start3A_761] : memref<32x100x128x64xf32, #tpu.memory_space<hbm>> -> memref<1x1x128x64xf32, #tpu.memory_space<hbm>>
      %dma_start3A_763 = tpu.memref_squeeze %dma_start3A_762 : memref<1x1x128x64xf32, #tpu.memory_space<hbm>> -> memref<128x64xf32, #tpu.memory_space<hbm>>
      tpu.enqueue_dma source(%arg9 : memref<128x64xf32, #tpu.memory_space<vmem>>) target(%dma_start3A_763 : memref<128x64xf32, #tpu.memory_space<hbm>>) target_semaphore(%arg29 : memref<!tpu.dma_semaphore, #tpu.memory_space<semaphore_mem>>)
      %add3A_764 = arith.constant 5 : i32
      %add3A_765 = arith.addi %add3A_749, %add3A_764 : i32
      %sub3A_766 = arith.constant 10 : i32
      %sub3A_767 = arith.subi %add3A_765, %sub3A_766 : i32
      %dma_wait3A_768 = arith.constant 0 : i32
      %dma_wait3A_769 = arith.constant 0 : i32
      %dma_wait3A_770 = tpu.memref_slice %arg4[%add3A, %sub3A_767, %dma_wait3A_768, %dma_wait3A_769] : memref<32x100x128x64xf32, #tpu.memory_space<hbm>> -> memref<1x1x128x64xf32, #tpu.memory_space<hbm>>
      %dma_wait3A_771 = tpu.memref_squeeze %dma_wait3A_770 : memref<1x1x128x64xf32, #tpu.memory_space<hbm>> -> memref<128x64xf32, #tpu.memory_space<hbm>>
      %dma_wait3A_772 = arith.constant 0 : i32
      %dma_wait3A_773 = arith.constant 0 : i32
      %dma_wait3A_774 = tpu.memref_slice %arg4[%add3A, %sub3A_767, %dma_wait3A_772, %dma_wait3A_773] : memref<32x100x128x64xf32, #tpu.memory_space<hbm>> -> memref<1x1x128x64xf32, #tpu.memory_space<hbm>>
      %dma_wait3A_775 = tpu.memref_squeeze %dma_wait3A_774 : memref<1x1x128x64xf32, #tpu.memory_space<hbm>> -> memref<128x64xf32, #tpu.memory_space<hbm>>
      tpu.wait_dma2 semaphore(%arg34 : memref<!tpu.dma_semaphore, #tpu.memory_space<semaphore_mem>>) src(%arg14 : memref<128x64xf32, #tpu.memory_space<vmem>>) dst(%dma_wait3A_775 : memref<128x64xf32, #tpu.memory_space<hbm>>)
      %dma_start3A_776 = arith.constant 0 : i32
      %dma_start3A_777 = tpu.memref_slice %arg5[%add3A_765, %dma_start3A_776] : memref<100x128xi32, #tpu.memory_space<vmem>> -> memref<1x128xi32, #tpu.memory_space<vmem>>
      %dma_start3A_778 = tpu.memref_squeeze %dma_start3A_777 : memref<1x128xi32, #tpu.memory_space<vmem>> -> memref<128xi32, #tpu.memory_space<vmem>>
      %dma_start3A_779 = arith.constant 0 : i32
      %dma_start3A_780 = arith.constant 0 : i32
      %dma_start3A_781 = tpu.memref_slice %arg3[%dma_start3A_779, %dma_start3A_780] : memref<1000000x64xf32, #tpu.memory_space<hbm>> -> memref<1000000x64xf32, #tpu.memory_space<hbm>>
      tpu.enqueue_indirect_dma source(%dma_start3A_781 : memref<1000000x64xf32, #tpu.memory_space<hbm>>) target(%arg14 : memref<128x64xf32, #tpu.memory_space<vmem>>) offsets(%dma_start3A_778 : memref<128xi32, #tpu.memory_space<vmem>>) semaphore(%arg24 : memref<!tpu.dma_semaphore, #tpu.memory_space<semaphore_mem>>)
      %add3A_782 = arith.constant 4 : i32
      %add3A_783 = arith.addi %mul3A_646, %add3A_782 : i32
      %dma_wait3A_784 = arith.constant 0 : i32
      %dma_wait3A_785 = tpu.memref_slice %arg5[%add3A_783, %dma_wait3A_784] : memref<100x128xi32, #tpu.memory_space<vmem>> -> memref<1x128xi32, #tpu.memory_space<vmem>>
      %dma_wait3A_786 = tpu.memref_squeeze %dma_wait3A_785 : memref<1x128xi32, #tpu.memory_space<vmem>> -> memref<128xi32, #tpu.memory_space<vmem>>
      %dma_wait3A_787 = arith.constant 0 : i32
      %dma_wait3A_788 = arith.constant 0 : i32
      %dma_wait3A_789 = tpu.memref_slice %arg3[%dma_wait3A_787, %dma_wait3A_788] : memref<1000000x64xf32, #tpu.memory_space<hbm>> -> memref<1000000x64xf32, #tpu.memory_space<hbm>>
      tpu.wait_indirect_dma semaphore(%arg20 : memref<!tpu.dma_semaphore, #tpu.memory_space<semaphore_mem>>) src(%dma_wait3A_789 : memref<1000000x64xf32, #tpu.memory_space<hbm>>) dst(%arg10 : memref<128x64xf32, #tpu.memory_space<vmem>>)
      %dma_start3A_790 = arith.constant 0 : i32
      %dma_start3A_791 = arith.constant 0 : i32
      %dma_start3A_792 = tpu.memref_slice %arg4[%add3A, %add3A_783, %dma_start3A_790, %dma_start3A_791] : memref<32x100x128x64xf32, #tpu.memory_space<hbm>> -> memref<1x1x128x64xf32, #tpu.memory_space<hbm>>
      %dma_start3A_793 = tpu.memref_squeeze %dma_start3A_792 : memref<1x1x128x64xf32, #tpu.memory_space<hbm>> -> memref<128x64xf32, #tpu.memory_space<hbm>>
      %dma_start3A_794 = arith.constant 0 : i32
      %dma_start3A_795 = arith.constant 0 : i32
      %dma_start3A_796 = tpu.memref_slice %arg4[%add3A, %add3A_783, %dma_start3A_794, %dma_start3A_795] : memref<32x100x128x64xf32, #tpu.memory_space<hbm>> -> memref<1x1x128x64xf32, #tpu.memory_space<hbm>>
      %dma_start3A_797 = tpu.memref_squeeze %dma_start3A_796 : memref<1x1x128x64xf32, #tpu.memory_space<hbm>> -> memref<128x64xf32, #tpu.memory_space<hbm>>
      tpu.enqueue_dma source(%arg10 : memref<128x64xf32, #tpu.memory_space<vmem>>) target(%dma_start3A_797 : memref<128x64xf32, #tpu.memory_space<hbm>>) target_semaphore(%arg30 : memref<!tpu.dma_semaphore, #tpu.memory_space<semaphore_mem>>)
      %add3A_798 = arith.constant 5 : i32
      %add3A_799 = arith.addi %add3A_783, %add3A_798 : i32
      %sub3A_800 = arith.constant 10 : i32
      %sub3A_801 = arith.subi %add3A_799, %sub3A_800 : i32
      %dma_wait3A_802 = arith.constant 0 : i32
      %dma_wait3A_803 = arith.constant 0 : i32
      %dma_wait3A_804 = tpu.memref_slice %arg4[%add3A, %sub3A_801, %dma_wait3A_802, %dma_wait3A_803] : memref<32x100x128x64xf32, #tpu.memory_space<hbm>> -> memref<1x1x128x64xf32, #tpu.memory_space<hbm>>
      %dma_wait3A_805 = tpu.memref_squeeze %dma_wait3A_804 : memref<1x1x128x64xf32, #tpu.memory_space<hbm>> -> memref<128x64xf32, #tpu.memory_space<hbm>>
      %dma_wait3A_806 = arith.constant 0 : i32
      %dma_wait3A_807 = arith.constant 0 : i32
      %dma_wait3A_808 = tpu.memref_slice %arg4[%add3A, %sub3A_801, %dma_wait3A_806, %dma_wait3A_807] : memref<32x100x128x64xf32, #tpu.memory_space<hbm>> -> memref<1x1x128x64xf32, #tpu.memory_space<hbm>>
      %dma_wait3A_809 = tpu.memref_squeeze %dma_wait3A_808 : memref<1x1x128x64xf32, #tpu.memory_space<hbm>> -> memref<128x64xf32, #tpu.memory_space<hbm>>
      tpu.wait_dma2 semaphore(%arg35 : memref<!tpu.dma_semaphore, #tpu.memory_space<semaphore_mem>>) src(%arg15 : memref<128x64xf32, #tpu.memory_space<vmem>>) dst(%dma_wait3A_809 : memref<128x64xf32, #tpu.memory_space<hbm>>)
      %dma_start3A_810 = arith.constant 0 : i32
      %dma_start3A_811 = tpu.memref_slice %arg5[%add3A_799, %dma_start3A_810] : memref<100x128xi32, #tpu.memory_space<vmem>> -> memref<1x128xi32, #tpu.memory_space<vmem>>
      %dma_start3A_812 = tpu.memref_squeeze %dma_start3A_811 : memref<1x128xi32, #tpu.memory_space<vmem>> -> memref<128xi32, #tpu.memory_space<vmem>>
      %dma_start3A_813 = arith.constant 0 : i32
      %dma_start3A_814 = arith.constant 0 : i32
      %dma_start3A_815 = tpu.memref_slice %arg3[%dma_start3A_813, %dma_start3A_814] : memref<1000000x64xf32, #tpu.memory_space<hbm>> -> memref<1000000x64xf32, #tpu.memory_space<hbm>>
      tpu.enqueue_indirect_dma source(%dma_start3A_815 : memref<1000000x64xf32, #tpu.memory_space<hbm>>) target(%arg15 : memref<128x64xf32, #tpu.memory_space<vmem>>) offsets(%dma_start3A_812 : memref<128xi32, #tpu.memory_space<vmem>>) semaphore(%arg25 : memref<!tpu.dma_semaphore, #tpu.memory_space<semaphore_mem>>)
      %add3A_816 = arith.constant 5 : i32
      %add3A_817 = arith.addi %mul3A_646, %add3A_816 : i32
      %dma_wait3A_818 = arith.constant 0 : i32
      %dma_wait3A_819 = tpu.memref_slice %arg5[%add3A_817, %dma_wait3A_818] : memref<100x128xi32, #tpu.memory_space<vmem>> -> memref<1x128xi32, #tpu.memory_space<vmem>>
      %dma_wait3A_820 = tpu.memref_squeeze %dma_wait3A_819 : memref<1x128xi32, #tpu.memory_space<vmem>> -> memref<128xi32, #tpu.memory_space<vmem>>
      %dma_wait3A_821 = arith.constant 0 : i32
      %dma_wait3A_822 = arith.constant 0 : i32
      %dma_wait3A_823 = tpu.memref_slice %arg3[%dma_wait3A_821, %dma_wait3A_822] : memref<1000000x64xf32, #tpu.memory_space<hbm>> -> memref<1000000x64xf32, #tpu.memory_space<hbm>>
      tpu.wait_indirect_dma semaphore(%arg21 : memref<!tpu.dma_semaphore, #tpu.memory_space<semaphore_mem>>) src(%dma_wait3A_823 : memref<1000000x64xf32, #tpu.memory_space<hbm>>) dst(%arg11 : memref<128x64xf32, #tpu.memory_space<vmem>>)
      %dma_start3A_824 = arith.constant 0 : i32
      %dma_start3A_825 = arith.constant 0 : i32
      %dma_start3A_826 = tpu.memref_slice %arg4[%add3A, %add3A_817, %dma_start3A_824, %dma_start3A_825] : memref<32x100x128x64xf32, #tpu.memory_space<hbm>> -> memref<1x1x128x64xf32, #tpu.memory_space<hbm>>
      %dma_start3A_827 = tpu.memref_squeeze %dma_start3A_826 : memref<1x1x128x64xf32, #tpu.memory_space<hbm>> -> memref<128x64xf32, #tpu.memory_space<hbm>>
      %dma_start3A_828 = arith.constant 0 : i32
      %dma_start3A_829 = arith.constant 0 : i32
      %dma_start3A_830 = tpu.memref_slice %arg4[%add3A, %add3A_817, %dma_start3A_828, %dma_start3A_829] : memref<32x100x128x64xf32, #tpu.memory_space<hbm>> -> memref<1x1x128x64xf32, #tpu.memory_space<hbm>>
      %dma_start3A_831 = tpu.memref_squeeze %dma_start3A_830 : memref<1x1x128x64xf32, #tpu.memory_space<hbm>> -> memref<128x64xf32, #tpu.memory_space<hbm>>
      tpu.enqueue_dma source(%arg11 : memref<128x64xf32, #tpu.memory_space<vmem>>) target(%dma_start3A_831 : memref<128x64xf32, #tpu.memory_space<hbm>>) target_semaphore(%arg31 : memref<!tpu.dma_semaphore, #tpu.memory_space<semaphore_mem>>)
      %add3A_832 = arith.constant 5 : i32
      %add3A_833 = arith.addi %add3A_817, %add3A_832 : i32
      %sub3A_834 = arith.constant 10 : i32
      %sub3A_835 = arith.subi %add3A_833, %sub3A_834 : i32
      %dma_wait3A_836 = arith.constant 0 : i32
      %dma_wait3A_837 = arith.constant 0 : i32
      %dma_wait3A_838 = tpu.memref_slice %arg4[%add3A, %sub3A_835, %dma_wait3A_836, %dma_wait3A_837] : memref<32x100x128x64xf32, #tpu.memory_space<hbm>> -> memref<1x1x128x64xf32, #tpu.memory_space<hbm>>
      %dma_wait3A_839 = tpu.memref_squeeze %dma_wait3A_838 : memref<1x1x128x64xf32, #tpu.memory_space<hbm>> -> memref<128x64xf32, #tpu.memory_space<hbm>>
      %dma_wait3A_840 = arith.constant 0 : i32
      %dma_wait3A_841 = arith.constant 0 : i32
      %dma_wait3A_842 = tpu.memref_slice %arg4[%add3A, %sub3A_835, %dma_wait3A_840, %dma_wait3A_841] : memref<32x100x128x64xf32, #tpu.memory_space<hbm>> -> memref<1x1x128x64xf32, #tpu.memory_space<hbm>>
      %dma_wait3A_843 = tpu.memref_squeeze %dma_wait3A_842 : memref<1x1x128x64xf32, #tpu.memory_space<hbm>> -> memref<128x64xf32, #tpu.memory_space<hbm>>
      tpu.wait_dma2 semaphore(%arg26 : memref<!tpu.dma_semaphore, #tpu.memory_space<semaphore_mem>>) src(%arg6 : memref<128x64xf32, #tpu.memory_space<vmem>>) dst(%dma_wait3A_843 : memref<128x64xf32, #tpu.memory_space<hbm>>)
      %dma_start3A_844 = arith.constant 0 : i32
      %dma_start3A_845 = tpu.memref_slice %arg5[%add3A_833, %dma_start3A_844] : memref<100x128xi32, #tpu.memory_space<vmem>> -> memref<1x128xi32, #tpu.memory_space<vmem>>
      %dma_start3A_846 = tpu.memref_squeeze %dma_start3A_845 : memref<1x128xi32, #tpu.memory_space<vmem>> -> memref<128xi32, #tpu.memory_space<vmem>>
      %dma_start3A_847 = arith.constant 0 : i32
      %dma_start3A_848 = arith.constant 0 : i32
      %dma_start3A_849 = tpu.memref_slice %arg3[%dma_start3A_847, %dma_start3A_848] : memref<1000000x64xf32, #tpu.memory_space<hbm>> -> memref<1000000x64xf32, #tpu.memory_space<hbm>>
      tpu.enqueue_indirect_dma source(%dma_start3A_849 : memref<1000000x64xf32, #tpu.memory_space<hbm>>) target(%arg6 : memref<128x64xf32, #tpu.memory_space<vmem>>) offsets(%dma_start3A_846 : memref<128xi32, #tpu.memory_space<vmem>>) semaphore(%arg16 : memref<!tpu.dma_semaphore, #tpu.memory_space<semaphore_mem>>)
      %add3A_850 = arith.constant 6 : i32
      %add3A_851 = arith.addi %mul3A_646, %add3A_850 : i32
      %dma_wait3A_852 = arith.constant 0 : i32
      %dma_wait3A_853 = tpu.memref_slice %arg5[%add3A_851, %dma_wait3A_852] : memref<100x128xi32, #tpu.memory_space<vmem>> -> memref<1x128xi32, #tpu.memory_space<vmem>>
      %dma_wait3A_854 = tpu.memref_squeeze %dma_wait3A_853 : memref<1x128xi32, #tpu.memory_space<vmem>> -> memref<128xi32, #tpu.memory_space<vmem>>
      %dma_wait3A_855 = arith.constant 0 : i32
      %dma_wait3A_856 = arith.constant 0 : i32
      %dma_wait3A_857 = tpu.memref_slice %arg3[%dma_wait3A_855, %dma_wait3A_856] : memref<1000000x64xf32, #tpu.memory_space<hbm>> -> memref<1000000x64xf32, #tpu.memory_space<hbm>>
      tpu.wait_indirect_dma semaphore(%arg22 : memref<!tpu.dma_semaphore, #tpu.memory_space<semaphore_mem>>) src(%dma_wait3A_857 : memref<1000000x64xf32, #tpu.memory_space<hbm>>) dst(%arg12 : memref<128x64xf32, #tpu.memory_space<vmem>>)
      %dma_start3A_858 = arith.constant 0 : i32
      %dma_start3A_859 = arith.constant 0 : i32
      %dma_start3A_860 = tpu.memref_slice %arg4[%add3A, %add3A_851, %dma_start3A_858, %dma_start3A_859] : memref<32x100x128x64xf32, #tpu.memory_space<hbm>> -> memref<1x1x128x64xf32, #tpu.memory_space<hbm>>
      %dma_start3A_861 = tpu.memref_squeeze %dma_start3A_860 : memref<1x1x128x64xf32, #tpu.memory_space<hbm>> -> memref<128x64xf32, #tpu.memory_space<hbm>>
      %dma_start3A_862 = arith.constant 0 : i32
      %dma_start3A_863 = arith.constant 0 : i32
      %dma_start3A_864 = tpu.memref_slice %arg4[%add3A, %add3A_851, %dma_start3A_862, %dma_start3A_863] : memref<32x100x128x64xf32, #tpu.memory_space<hbm>> -> memref<1x1x128x64xf32, #tpu.memory_space<hbm>>
      %dma_start3A_865 = tpu.memref_squeeze %dma_start3A_864 : memref<1x1x128x64xf32, #tpu.memory_space<hbm>> -> memref<128x64xf32, #tpu.memory_space<hbm>>
      tpu.enqueue_dma source(%arg12 : memref<128x64xf32, #tpu.memory_space<vmem>>) target(%dma_start3A_865 : memref<128x64xf32, #tpu.memory_space<hbm>>) target_semaphore(%arg32 : memref<!tpu.dma_semaphore, #tpu.memory_space<semaphore_mem>>)
      %add3A_866 = arith.constant 5 : i32
      %add3A_867 = arith.addi %add3A_851, %add3A_866 : i32
      %sub3A_868 = arith.constant 10 : i32
      %sub3A_869 = arith.subi %add3A_867, %sub3A_868 : i32
      %dma_wait3A_870 = arith.constant 0 : i32
      %dma_wait3A_871 = arith.constant 0 : i32
      %dma_wait3A_872 = tpu.memref_slice %arg4[%add3A, %sub3A_869, %dma_wait3A_870, %dma_wait3A_871] : memref<32x100x128x64xf32, #tpu.memory_space<hbm>> -> memref<1x1x128x64xf32, #tpu.memory_space<hbm>>
      %dma_wait3A_873 = tpu.memref_squeeze %dma_wait3A_872 : memref<1x1x128x64xf32, #tpu.memory_space<hbm>> -> memref<128x64xf32, #tpu.memory_space<hbm>>
      %dma_wait3A_874 = arith.constant 0 : i32
      %dma_wait3A_875 = arith.constant 0 : i32
      %dma_wait3A_876 = tpu.memref_slice %arg4[%add3A, %sub3A_869, %dma_wait3A_874, %dma_wait3A_875] : memref<32x100x128x64xf32, #tpu.memory_space<hbm>> -> memref<1x1x128x64xf32, #tpu.memory_space<hbm>>
      %dma_wait3A_877 = tpu.memref_squeeze %dma_wait3A_876 : memref<1x1x128x64xf32, #tpu.memory_space<hbm>> -> memref<128x64xf32, #tpu.memory_space<hbm>>
      tpu.wait_dma2 semaphore(%arg27 : memref<!tpu.dma_semaphore, #tpu.memory_space<semaphore_mem>>) src(%arg7 : memref<128x64xf32, #tpu.memory_space<vmem>>) dst(%dma_wait3A_877 : memref<128x64xf32, #tpu.memory_space<hbm>>)
      %dma_start3A_878 = arith.constant 0 : i32
      %dma_start3A_879 = tpu.memref_slice %arg5[%add3A_867, %dma_start3A_878] : memref<100x128xi32, #tpu.memory_space<vmem>> -> memref<1x128xi32, #tpu.memory_space<vmem>>
      %dma_start3A_880 = tpu.memref_squeeze %dma_start3A_879 : memref<1x128xi32, #tpu.memory_space<vmem>> -> memref<128xi32, #tpu.memory_space<vmem>>
      %dma_start3A_881 = arith.constant 0 : i32
      %dma_start3A_882 = arith.constant 0 : i32
      %dma_start3A_883 = tpu.memref_slice %arg3[%dma_start3A_881, %dma_start3A_882] : memref<1000000x64xf32, #tpu.memory_space<hbm>> -> memref<1000000x64xf32, #tpu.memory_space<hbm>>
      tpu.enqueue_indirect_dma source(%dma_start3A_883 : memref<1000000x64xf32, #tpu.memory_space<hbm>>) target(%arg7 : memref<128x64xf32, #tpu.memory_space<vmem>>) offsets(%dma_start3A_880 : memref<128xi32, #tpu.memory_space<vmem>>) semaphore(%arg17 : memref<!tpu.dma_semaphore, #tpu.memory_space<semaphore_mem>>)
      %add3A_884 = arith.constant 7 : i32
      %add3A_885 = arith.addi %mul3A_646, %add3A_884 : i32
      %dma_wait3A_886 = arith.constant 0 : i32
      %dma_wait3A_887 = tpu.memref_slice %arg5[%add3A_885, %dma_wait3A_886] : memref<100x128xi32, #tpu.memory_space<vmem>> -> memref<1x128xi32, #tpu.memory_space<vmem>>
      %dma_wait3A_888 = tpu.memref_squeeze %dma_wait3A_887 : memref<1x128xi32, #tpu.memory_space<vmem>> -> memref<128xi32, #tpu.memory_space<vmem>>
      %dma_wait3A_889 = arith.constant 0 : i32
      %dma_wait3A_890 = arith.constant 0 : i32
      %dma_wait3A_891 = tpu.memref_slice %arg3[%dma_wait3A_889, %dma_wait3A_890] : memref<1000000x64xf32, #tpu.memory_space<hbm>> -> memref<1000000x64xf32, #tpu.memory_space<hbm>>
      tpu.wait_indirect_dma semaphore(%arg23 : memref<!tpu.dma_semaphore, #tpu.memory_space<semaphore_mem>>) src(%dma_wait3A_891 : memref<1000000x64xf32, #tpu.memory_space<hbm>>) dst(%arg13 : memref<128x64xf32, #tpu.memory_space<vmem>>)
      %dma_start3A_892 = arith.constant 0 : i32
      %dma_start3A_893 = arith.constant 0 : i32
      %dma_start3A_894 = tpu.memref_slice %arg4[%add3A, %add3A_885, %dma_start3A_892, %dma_start3A_893] : memref<32x100x128x64xf32, #tpu.memory_space<hbm>> -> memref<1x1x128x64xf32, #tpu.memory_space<hbm>>
      %dma_start3A_895 = tpu.memref_squeeze %dma_start3A_894 : memref<1x1x128x64xf32, #tpu.memory_space<hbm>> -> memref<128x64xf32, #tpu.memory_space<hbm>>
      %dma_start3A_896 = arith.constant 0 : i32
      %dma_start3A_897 = arith.constant 0 : i32
      %dma_start3A_898 = tpu.memref_slice %arg4[%add3A, %add3A_885, %dma_start3A_896, %dma_start3A_897] : memref<32x100x128x64xf32, #tpu.memory_space<hbm>> -> memref<1x1x128x64xf32, #tpu.memory_space<hbm>>
      %dma_start3A_899 = tpu.memref_squeeze %dma_start3A_898 : memref<1x1x128x64xf32, #tpu.memory_space<hbm>> -> memref<128x64xf32, #tpu.memory_space<hbm>>
      tpu.enqueue_dma source(%arg13 : memref<128x64xf32, #tpu.memory_space<vmem>>) target(%dma_start3A_899 : memref<128x64xf32, #tpu.memory_space<hbm>>) target_semaphore(%arg33 : memref<!tpu.dma_semaphore, #tpu.memory_space<semaphore_mem>>)
      %add3A_900 = arith.constant 5 : i32
      %add3A_901 = arith.addi %add3A_885, %add3A_900 : i32
      %sub3A_902 = arith.constant 10 : i32
      %sub3A_903 = arith.subi %add3A_901, %sub3A_902 : i32
      %dma_wait3A_904 = arith.constant 0 : i32
      %dma_wait3A_905 = arith.constant 0 : i32
      %dma_wait3A_906 = tpu.memref_slice %arg4[%add3A, %sub3A_903, %dma_wait3A_904, %dma_wait3A_905] : memref<32x100x128x64xf32, #tpu.memory_space<hbm>> -> memref<1x1x128x64xf32, #tpu.memory_space<hbm>>
      %dma_wait3A_907 = tpu.memref_squeeze %dma_wait3A_906 : memref<1x1x128x64xf32, #tpu.memory_space<hbm>> -> memref<128x64xf32, #tpu.memory_space<hbm>>
      %dma_wait3A_908 = arith.constant 0 : i32
      %dma_wait3A_909 = arith.constant 0 : i32
      %dma_wait3A_910 = tpu.memref_slice %arg4[%add3A, %sub3A_903, %dma_wait3A_908, %dma_wait3A_909] : memref<32x100x128x64xf32, #tpu.memory_space<hbm>> -> memref<1x1x128x64xf32, #tpu.memory_space<hbm>>
      %dma_wait3A_911 = tpu.memref_squeeze %dma_wait3A_910 : memref<1x1x128x64xf32, #tpu.memory_space<hbm>> -> memref<128x64xf32, #tpu.memory_space<hbm>>
      tpu.wait_dma2 semaphore(%arg28 : memref<!tpu.dma_semaphore, #tpu.memory_space<semaphore_mem>>) src(%arg8 : memref<128x64xf32, #tpu.memory_space<vmem>>) dst(%dma_wait3A_911 : memref<128x64xf32, #tpu.memory_space<hbm>>)
      %dma_start3A_912 = arith.constant 0 : i32
      %dma_start3A_913 = tpu.memref_slice %arg5[%add3A_901, %dma_start3A_912] : memref<100x128xi32, #tpu.memory_space<vmem>> -> memref<1x128xi32, #tpu.memory_space<vmem>>
      %dma_start3A_914 = tpu.memref_squeeze %dma_start3A_913 : memref<1x128xi32, #tpu.memory_space<vmem>> -> memref<128xi32, #tpu.memory_space<vmem>>
      %dma_start3A_915 = arith.constant 0 : i32
      %dma_start3A_916 = arith.constant 0 : i32
      %dma_start3A_917 = tpu.memref_slice %arg3[%dma_start3A_915, %dma_start3A_916] : memref<1000000x64xf32, #tpu.memory_space<hbm>> -> memref<1000000x64xf32, #tpu.memory_space<hbm>>
      tpu.enqueue_indirect_dma source(%dma_start3A_917 : memref<1000000x64xf32, #tpu.memory_space<hbm>>) target(%arg8 : memref<128x64xf32, #tpu.memory_space<vmem>>) offsets(%dma_start3A_914 : memref<128xi32, #tpu.memory_space<vmem>>) semaphore(%arg18 : memref<!tpu.dma_semaphore, #tpu.memory_space<semaphore_mem>>)
      %add3A_918 = arith.constant 8 : i32
      %add3A_919 = arith.addi %mul3A_646, %add3A_918 : i32
      %dma_wait3A_920 = arith.constant 0 : i32
      %dma_wait3A_921 = tpu.memref_slice %arg5[%add3A_919, %dma_wait3A_920] : memref<100x128xi32, #tpu.memory_space<vmem>> -> memref<1x128xi32, #tpu.memory_space<vmem>>
      %dma_wait3A_922 = tpu.memref_squeeze %dma_wait3A_921 : memref<1x128xi32, #tpu.memory_space<vmem>> -> memref<128xi32, #tpu.memory_space<vmem>>
      %dma_wait3A_923 = arith.constant 0 : i32
      %dma_wait3A_924 = arith.constant 0 : i32
      %dma_wait3A_925 = tpu.memref_slice %arg3[%dma_wait3A_923, %dma_wait3A_924] : memref<1000000x64xf32, #tpu.memory_space<hbm>> -> memref<1000000x64xf32, #tpu.memory_space<hbm>>
      tpu.wait_indirect_dma semaphore(%arg24 : memref<!tpu.dma_semaphore, #tpu.memory_space<semaphore_mem>>) src(%dma_wait3A_925 : memref<1000000x64xf32, #tpu.memory_space<hbm>>) dst(%arg14 : memref<128x64xf32, #tpu.memory_space<vmem>>)
      %dma_start3A_926 = arith.constant 0 : i32
      %dma_start3A_927 = arith.constant 0 : i32
      %dma_start3A_928 = tpu.memref_slice %arg4[%add3A, %add3A_919, %dma_start3A_926, %dma_start3A_927] : memref<32x100x128x64xf32, #tpu.memory_space<hbm>> -> memref<1x1x128x64xf32, #tpu.memory_space<hbm>>
      %dma_start3A_929 = tpu.memref_squeeze %dma_start3A_928 : memref<1x1x128x64xf32, #tpu.memory_space<hbm>> -> memref<128x64xf32, #tpu.memory_space<hbm>>
      %dma_start3A_930 = arith.constant 0 : i32
      %dma_start3A_931 = arith.constant 0 : i32
      %dma_start3A_932 = tpu.memref_slice %arg4[%add3A, %add3A_919, %dma_start3A_930, %dma_start3A_931] : memref<32x100x128x64xf32, #tpu.memory_space<hbm>> -> memref<1x1x128x64xf32, #tpu.memory_space<hbm>>
      %dma_start3A_933 = tpu.memref_squeeze %dma_start3A_932 : memref<1x1x128x64xf32, #tpu.memory_space<hbm>> -> memref<128x64xf32, #tpu.memory_space<hbm>>
      tpu.enqueue_dma source(%arg14 : memref<128x64xf32, #tpu.memory_space<vmem>>) target(%dma_start3A_933 : memref<128x64xf32, #tpu.memory_space<hbm>>) target_semaphore(%arg34 : memref<!tpu.dma_semaphore, #tpu.memory_space<semaphore_mem>>)
      %add3A_934 = arith.constant 5 : i32
      %add3A_935 = arith.addi %add3A_919, %add3A_934 : i32
      %sub3A_936 = arith.constant 10 : i32
      %sub3A_937 = arith.subi %add3A_935, %sub3A_936 : i32
      %dma_wait3A_938 = arith.constant 0 : i32
      %dma_wait3A_939 = arith.constant 0 : i32
      %dma_wait3A_940 = tpu.memref_slice %arg4[%add3A, %sub3A_937, %dma_wait3A_938, %dma_wait3A_939] : memref<32x100x128x64xf32, #tpu.memory_space<hbm>> -> memref<1x1x128x64xf32, #tpu.memory_space<hbm>>
      %dma_wait3A_941 = tpu.memref_squeeze %dma_wait3A_940 : memref<1x1x128x64xf32, #tpu.memory_space<hbm>> -> memref<128x64xf32, #tpu.memory_space<hbm>>
      %dma_wait3A_942 = arith.constant 0 : i32
      %dma_wait3A_943 = arith.constant 0 : i32
      %dma_wait3A_944 = tpu.memref_slice %arg4[%add3A, %sub3A_937, %dma_wait3A_942, %dma_wait3A_943] : memref<32x100x128x64xf32, #tpu.memory_space<hbm>> -> memref<1x1x128x64xf32, #tpu.memory_space<hbm>>
      %dma_wait3A_945 = tpu.memref_squeeze %dma_wait3A_944 : memref<1x1x128x64xf32, #tpu.memory_space<hbm>> -> memref<128x64xf32, #tpu.memory_space<hbm>>
      tpu.wait_dma2 semaphore(%arg29 : memref<!tpu.dma_semaphore, #tpu.memory_space<semaphore_mem>>) src(%arg9 : memref<128x64xf32, #tpu.memory_space<vmem>>) dst(%dma_wait3A_945 : memref<128x64xf32, #tpu.memory_space<hbm>>)
      %dma_start3A_946 = arith.constant 0 : i32
      %dma_start3A_947 = tpu.memref_slice %arg5[%add3A_935, %dma_start3A_946] : memref<100x128xi32, #tpu.memory_space<vmem>> -> memref<1x128xi32, #tpu.memory_space<vmem>>
      %dma_start3A_948 = tpu.memref_squeeze %dma_start3A_947 : memref<1x128xi32, #tpu.memory_space<vmem>> -> memref<128xi32, #tpu.memory_space<vmem>>
      %dma_start3A_949 = arith.constant 0 : i32
      %dma_start3A_950 = arith.constant 0 : i32
      %dma_start3A_951 = tpu.memref_slice %arg3[%dma_start3A_949, %dma_start3A_950] : memref<1000000x64xf32, #tpu.memory_space<hbm>> -> memref<1000000x64xf32, #tpu.memory_space<hbm>>
      tpu.enqueue_indirect_dma source(%dma_start3A_951 : memref<1000000x64xf32, #tpu.memory_space<hbm>>) target(%arg9 : memref<128x64xf32, #tpu.memory_space<vmem>>) offsets(%dma_start3A_948 : memref<128xi32, #tpu.memory_space<vmem>>) semaphore(%arg19 : memref<!tpu.dma_semaphore, #tpu.memory_space<semaphore_mem>>)
      %add3A_952 = arith.constant 9 : i32
      %add3A_953 = arith.addi %mul3A_646, %add3A_952 : i32
      %dma_wait3A_954 = arith.constant 0 : i32
      %dma_wait3A_955 = tpu.memref_slice %arg5[%add3A_953, %dma_wait3A_954] : memref<100x128xi32, #tpu.memory_space<vmem>> -> memref<1x128xi32, #tpu.memory_space<vmem>>
      %dma_wait3A_956 = tpu.memref_squeeze %dma_wait3A_955 : memref<1x128xi32, #tpu.memory_space<vmem>> -> memref<128xi32, #tpu.memory_space<vmem>>
      %dma_wait3A_957 = arith.constant 0 : i32
      %dma_wait3A_958 = arith.constant 0 : i32
      %dma_wait3A_959 = tpu.memref_slice %arg3[%dma_wait3A_957, %dma_wait3A_958] : memref<1000000x64xf32, #tpu.memory_space<hbm>> -> memref<1000000x64xf32, #tpu.memory_space<hbm>>
      tpu.wait_indirect_dma semaphore(%arg25 : memref<!tpu.dma_semaphore, #tpu.memory_space<semaphore_mem>>) src(%dma_wait3A_959 : memref<1000000x64xf32, #tpu.memory_space<hbm>>) dst(%arg15 : memref<128x64xf32, #tpu.memory_space<vmem>>)
      %dma_start3A_960 = arith.constant 0 : i32
      %dma_start3A_961 = arith.constant 0 : i32
      %dma_start3A_962 = tpu.memref_slice %arg4[%add3A, %add3A_953, %dma_start3A_960, %dma_start3A_961] : memref<32x100x128x64xf32, #tpu.memory_space<hbm>> -> memref<1x1x128x64xf32, #tpu.memory_space<hbm>>
      %dma_start3A_963 = tpu.memref_squeeze %dma_start3A_962 : memref<1x1x128x64xf32, #tpu.memory_space<hbm>> -> memref<128x64xf32, #tpu.memory_space<hbm>>
      %dma_start3A_964 = arith.constant 0 : i32
      %dma_start3A_965 = arith.constant 0 : i32
      %dma_start3A_966 = tpu.memref_slice %arg4[%add3A, %add3A_953, %dma_start3A_964, %dma_start3A_965] : memref<32x100x128x64xf32, #tpu.memory_space<hbm>> -> memref<1x1x128x64xf32, #tpu.memory_space<hbm>>
      %dma_start3A_967 = tpu.memref_squeeze %dma_start3A_966 : memref<1x1x128x64xf32, #tpu.memory_space<hbm>> -> memref<128x64xf32, #tpu.memory_space<hbm>>
      tpu.enqueue_dma source(%arg15 : memref<128x64xf32, #tpu.memory_space<vmem>>) target(%dma_start3A_967 : memref<128x64xf32, #tpu.memory_space<hbm>>) target_semaphore(%arg35 : memref<!tpu.dma_semaphore, #tpu.memory_space<semaphore_mem>>)
      %add3A_968 = arith.constant 5 : i32
      %add3A_969 = arith.addi %add3A_953, %add3A_968 : i32
      %sub3A_970 = arith.constant 10 : i32
      %sub3A_971 = arith.subi %add3A_969, %sub3A_970 : i32
      %dma_wait3A_972 = arith.constant 0 : i32
      %dma_wait3A_973 = arith.constant 0 : i32
      %dma_wait3A_974 = tpu.memref_slice %arg4[%add3A, %sub3A_971, %dma_wait3A_972, %dma_wait3A_973] : memref<32x100x128x64xf32, #tpu.memory_space<hbm>> -> memref<1x1x128x64xf32, #tpu.memory_space<hbm>>
      %dma_wait3A_975 = tpu.memref_squeeze %dma_wait3A_974 : memref<1x1x128x64xf32, #tpu.memory_space<hbm>> -> memref<128x64xf32, #tpu.memory_space<hbm>>
      %dma_wait3A_976 = arith.constant 0 : i32
      %dma_wait3A_977 = arith.constant 0 : i32
      %dma_wait3A_978 = tpu.memref_slice %arg4[%add3A, %sub3A_971, %dma_wait3A_976, %dma_wait3A_977] : memref<32x100x128x64xf32, #tpu.memory_space<hbm>> -> memref<1x1x128x64xf32, #tpu.memory_space<hbm>>
      %dma_wait3A_979 = tpu.memref_squeeze %dma_wait3A_978 : memref<1x1x128x64xf32, #tpu.memory_space<hbm>> -> memref<128x64xf32, #tpu.memory_space<hbm>>
      tpu.wait_dma2 semaphore(%arg30 : memref<!tpu.dma_semaphore, #tpu.memory_space<semaphore_mem>>) src(%arg10 : memref<128x64xf32, #tpu.memory_space<vmem>>) dst(%dma_wait3A_979 : memref<128x64xf32, #tpu.memory_space<hbm>>)
      %dma_start3A_980 = arith.constant 0 : i32
      %dma_start3A_981 = tpu.memref_slice %arg5[%add3A_969, %dma_start3A_980] : memref<100x128xi32, #tpu.memory_space<vmem>> -> memref<1x128xi32, #tpu.memory_space<vmem>>
      %dma_start3A_982 = tpu.memref_squeeze %dma_start3A_981 : memref<1x128xi32, #tpu.memory_space<vmem>> -> memref<128xi32, #tpu.memory_space<vmem>>
      %dma_start3A_983 = arith.constant 0 : i32
      %dma_start3A_984 = arith.constant 0 : i32
      %dma_start3A_985 = tpu.memref_slice %arg3[%dma_start3A_983, %dma_start3A_984] : memref<1000000x64xf32, #tpu.memory_space<hbm>> -> memref<1000000x64xf32, #tpu.memory_space<hbm>>
      tpu.enqueue_indirect_dma source(%dma_start3A_985 : memref<1000000x64xf32, #tpu.memory_space<hbm>>) target(%arg10 : memref<128x64xf32, #tpu.memory_space<vmem>>) offsets(%dma_start3A_982 : memref<128xi32, #tpu.memory_space<vmem>>) semaphore(%arg20 : memref<!tpu.dma_semaphore, #tpu.memory_space<semaphore_mem>>)
    }
    %scan3A_313 = arith.constant 8 : i32
    %dma_wait3A_314 = arith.constant 90 : i32
    %dma_wait3A_315 = arith.constant 0 : i32
    %dma_wait3A_316 = tpu.memref_slice %arg5[%dma_wait3A_314, %dma_wait3A_315] : memref<100x128xi32, #tpu.memory_space<vmem>> -> memref<1x128xi32, #tpu.memory_space<vmem>>
    %dma_wait3A_317 = tpu.memref_squeeze %dma_wait3A_316 : memref<1x128xi32, #tpu.memory_space<vmem>> -> memref<128xi32, #tpu.memory_space<vmem>>
    %dma_wait3A_318 = arith.constant 0 : i32
    %dma_wait3A_319 = arith.constant 0 : i32
    %dma_wait3A_320 = tpu.memref_slice %arg3[%dma_wait3A_318, %dma_wait3A_319] : memref<1000000x64xf32, #tpu.memory_space<hbm>> -> memref<1000000x64xf32, #tpu.memory_space<hbm>>
    tpu.wait_indirect_dma semaphore(%arg16 : memref<!tpu.dma_semaphore, #tpu.memory_space<semaphore_mem>>) src(%dma_wait3A_320 : memref<1000000x64xf32, #tpu.memory_space<hbm>>) dst(%arg6 : memref<128x64xf32, #tpu.memory_space<vmem>>)
    %dma_start3A_321 = arith.constant 90 : i32
    %dma_start3A_322 = arith.constant 0 : i32
    %dma_start3A_323 = arith.constant 0 : i32
    %dma_start3A_324 = tpu.memref_slice %arg4[%add3A, %dma_start3A_321, %dma_start3A_322, %dma_start3A_323] : memref<32x100x128x64xf32, #tpu.memory_space<hbm>> -> memref<1x1x128x64xf32, #tpu.memory_space<hbm>>
    %dma_start3A_325 = tpu.memref_squeeze %dma_start3A_324 : memref<1x1x128x64xf32, #tpu.memory_space<hbm>> -> memref<128x64xf32, #tpu.memory_space<hbm>>
    %dma_start3A_326 = arith.constant 0 : i32
    %dma_start3A_327 = arith.constant 0 : i32
    %dma_start3A_328 = tpu.memref_slice %arg4[%add3A, %dma_start3A_321, %dma_start3A_326, %dma_start3A_327] : memref<32x100x128x64xf32, #tpu.memory_space<hbm>> -> memref<1x1x128x64xf32, #tpu.memory_space<hbm>>
    %dma_start3A_329 = tpu.memref_squeeze %dma_start3A_328 : memref<1x1x128x64xf32, #tpu.memory_space<hbm>> -> memref<128x64xf32, #tpu.memory_space<hbm>>
    tpu.enqueue_dma source(%arg6 : memref<128x64xf32, #tpu.memory_space<vmem>>) target(%dma_start3A_329 : memref<128x64xf32, #tpu.memory_space<hbm>>) target_semaphore(%arg26 : memref<!tpu.dma_semaphore, #tpu.memory_space<semaphore_mem>>)
    %dma_wait3A_330 = arith.constant 85 : i32
    %dma_wait3A_331 = arith.constant 0 : i32
    %dma_wait3A_332 = arith.constant 0 : i32
    %dma_wait3A_333 = tpu.memref_slice %arg4[%add3A, %dma_wait3A_330, %dma_wait3A_331, %dma_wait3A_332] : memref<32x100x128x64xf32, #tpu.memory_space<hbm>> -> memref<1x1x128x64xf32, #tpu.memory_space<hbm>>
    %dma_wait3A_334 = tpu.memref_squeeze %dma_wait3A_333 : memref<1x1x128x64xf32, #tpu.memory_space<hbm>> -> memref<128x64xf32, #tpu.memory_space<hbm>>
    %dma_wait3A_335 = arith.constant 0 : i32
    %dma_wait3A_336 = arith.constant 0 : i32
    %dma_wait3A_337 = tpu.memref_slice %arg4[%add3A, %dma_wait3A_330, %dma_wait3A_335, %dma_wait3A_336] : memref<32x100x128x64xf32, #tpu.memory_space<hbm>> -> memref<1x1x128x64xf32, #tpu.memory_space<hbm>>
    %dma_wait3A_338 = tpu.memref_squeeze %dma_wait3A_337 : memref<1x1x128x64xf32, #tpu.memory_space<hbm>> -> memref<128x64xf32, #tpu.memory_space<hbm>>
    tpu.wait_dma2 semaphore(%arg31 : memref<!tpu.dma_semaphore, #tpu.memory_space<semaphore_mem>>) src(%arg11 : memref<128x64xf32, #tpu.memory_space<vmem>>) dst(%dma_wait3A_338 : memref<128x64xf32, #tpu.memory_space<hbm>>)
    %dma_start3A_339 = arith.constant 95 : i32
    %dma_start3A_340 = arith.constant 0 : i32
    %dma_start3A_341 = tpu.memref_slice %arg5[%dma_start3A_339, %dma_start3A_340] : memref<100x128xi32, #tpu.memory_space<vmem>> -> memref<1x128xi32, #tpu.memory_space<vmem>>
    %dma_start3A_342 = tpu.memref_squeeze %dma_start3A_341 : memref<1x128xi32, #tpu.memory_space<vmem>> -> memref<128xi32, #tpu.memory_space<vmem>>
    %dma_start3A_343 = arith.constant 0 : i32
    %dma_start3A_344 = arith.constant 0 : i32
    %dma_start3A_345 = tpu.memref_slice %arg3[%dma_start3A_343, %dma_start3A_344] : memref<1000000x64xf32, #tpu.memory_space<hbm>> -> memref<1000000x64xf32, #tpu.memory_space<hbm>>
    tpu.enqueue_indirect_dma source(%dma_start3A_345 : memref<1000000x64xf32, #tpu.memory_space<hbm>>) target(%arg11 : memref<128x64xf32, #tpu.memory_space<vmem>>) offsets(%dma_start3A_342 : memref<128xi32, #tpu.memory_space<vmem>>) semaphore(%arg21 : memref<!tpu.dma_semaphore, #tpu.memory_space<semaphore_mem>>)
    %dma_wait3A_346 = arith.constant 91 : i32
    %dma_wait3A_347 = arith.constant 0 : i32
    %dma_wait3A_348 = tpu.memref_slice %arg5[%dma_wait3A_346, %dma_wait3A_347] : memref<100x128xi32, #tpu.memory_space<vmem>> -> memref<1x128xi32, #tpu.memory_space<vmem>>
    %dma_wait3A_349 = tpu.memref_squeeze %dma_wait3A_348 : memref<1x128xi32, #tpu.memory_space<vmem>> -> memref<128xi32, #tpu.memory_space<vmem>>
    %dma_wait3A_350 = arith.constant 0 : i32
    %dma_wait3A_351 = arith.constant 0 : i32
    %dma_wait3A_352 = tpu.memref_slice %arg3[%dma_wait3A_350, %dma_wait3A_351] : memref<1000000x64xf32, #tpu.memory_space<hbm>> -> memref<1000000x64xf32, #tpu.memory_space<hbm>>
    tpu.wait_indirect_dma semaphore(%arg17 : memref<!tpu.dma_semaphore, #tpu.memory_space<semaphore_mem>>) src(%dma_wait3A_352 : memref<1000000x64xf32, #tpu.memory_space<hbm>>) dst(%arg7 : memref<128x64xf32, #tpu.memory_space<vmem>>)
    %dma_start3A_353 = arith.constant 91 : i32
    %dma_start3A_354 = arith.constant 0 : i32
    %dma_start3A_355 = arith.constant 0 : i32
    %dma_start3A_356 = tpu.memref_slice %arg4[%add3A, %dma_start3A_353, %dma_start3A_354, %dma_start3A_355] : memref<32x100x128x64xf32, #tpu.memory_space<hbm>> -> memref<1x1x128x64xf32, #tpu.memory_space<hbm>>
    %dma_start3A_357 = tpu.memref_squeeze %dma_start3A_356 : memref<1x1x128x64xf32, #tpu.memory_space<hbm>> -> memref<128x64xf32, #tpu.memory_space<hbm>>
    %dma_start3A_358 = arith.constant 0 : i32
    %dma_start3A_359 = arith.constant 0 : i32
    %dma_start3A_360 = tpu.memref_slice %arg4[%add3A, %dma_start3A_353, %dma_start3A_358, %dma_start3A_359] : memref<32x100x128x64xf32, #tpu.memory_space<hbm>> -> memref<1x1x128x64xf32, #tpu.memory_space<hbm>>
    %dma_start3A_361 = tpu.memref_squeeze %dma_start3A_360 : memref<1x1x128x64xf32, #tpu.memory_space<hbm>> -> memref<128x64xf32, #tpu.memory_space<hbm>>
    tpu.enqueue_dma source(%arg7 : memref<128x64xf32, #tpu.memory_space<vmem>>) target(%dma_start3A_361 : memref<128x64xf32, #tpu.memory_space<hbm>>) target_semaphore(%arg27 : memref<!tpu.dma_semaphore, #tpu.memory_space<semaphore_mem>>)
    %dma_wait3A_362 = arith.constant 86 : i32
    %dma_wait3A_363 = arith.constant 0 : i32
    %dma_wait3A_364 = arith.constant 0 : i32
    %dma_wait3A_365 = tpu.memref_slice %arg4[%add3A, %dma_wait3A_362, %dma_wait3A_363, %dma_wait3A_364] : memref<32x100x128x64xf32, #tpu.memory_space<hbm>> -> memref<1x1x128x64xf32, #tpu.memory_space<hbm>>
    %dma_wait3A_366 = tpu.memref_squeeze %dma_wait3A_365 : memref<1x1x128x64xf32, #tpu.memory_space<hbm>> -> memref<128x64xf32, #tpu.memory_space<hbm>>
    %dma_wait3A_367 = arith.constant 0 : i32
    %dma_wait3A_368 = arith.constant 0 : i32
    %dma_wait3A_369 = tpu.memref_slice %arg4[%add3A, %dma_wait3A_362, %dma_wait3A_367, %dma_wait3A_368] : memref<32x100x128x64xf32, #tpu.memory_space<hbm>> -> memref<1x1x128x64xf32, #tpu.memory_space<hbm>>
    %dma_wait3A_370 = tpu.memref_squeeze %dma_wait3A_369 : memref<1x1x128x64xf32, #tpu.memory_space<hbm>> -> memref<128x64xf32, #tpu.memory_space<hbm>>
    tpu.wait_dma2 semaphore(%arg32 : memref<!tpu.dma_semaphore, #tpu.memory_space<semaphore_mem>>) src(%arg12 : memref<128x64xf32, #tpu.memory_space<vmem>>) dst(%dma_wait3A_370 : memref<128x64xf32, #tpu.memory_space<hbm>>)
    %dma_start3A_371 = arith.constant 96 : i32
    %dma_start3A_372 = arith.constant 0 : i32
    %dma_start3A_373 = tpu.memref_slice %arg5[%dma_start3A_371, %dma_start3A_372] : memref<100x128xi32, #tpu.memory_space<vmem>> -> memref<1x128xi32, #tpu.memory_space<vmem>>
    %dma_start3A_374 = tpu.memref_squeeze %dma_start3A_373 : memref<1x128xi32, #tpu.memory_space<vmem>> -> memref<128xi32, #tpu.memory_space<vmem>>
    %dma_start3A_375 = arith.constant 0 : i32
    %dma_start3A_376 = arith.constant 0 : i32
    %dma_start3A_377 = tpu.memref_slice %arg3[%dma_start3A_375, %dma_start3A_376] : memref<1000000x64xf32, #tpu.memory_space<hbm>> -> memref<1000000x64xf32, #tpu.memory_space<hbm>>
    tpu.enqueue_indirect_dma source(%dma_start3A_377 : memref<1000000x64xf32, #tpu.memory_space<hbm>>) target(%arg12 : memref<128x64xf32, #tpu.memory_space<vmem>>) offsets(%dma_start3A_374 : memref<128xi32, #tpu.memory_space<vmem>>) semaphore(%arg22 : memref<!tpu.dma_semaphore, #tpu.memory_space<semaphore_mem>>)
    %dma_wait3A_378 = arith.constant 92 : i32
    %dma_wait3A_379 = arith.constant 0 : i32
    %dma_wait3A_380 = tpu.memref_slice %arg5[%dma_wait3A_378, %dma_wait3A_379] : memref<100x128xi32, #tpu.memory_space<vmem>> -> memref<1x128xi32, #tpu.memory_space<vmem>>
    %dma_wait3A_381 = tpu.memref_squeeze %dma_wait3A_380 : memref<1x128xi32, #tpu.memory_space<vmem>> -> memref<128xi32, #tpu.memory_space<vmem>>
    %dma_wait3A_382 = arith.constant 0 : i32
    %dma_wait3A_383 = arith.constant 0 : i32
    %dma_wait3A_384 = tpu.memref_slice %arg3[%dma_wait3A_382, %dma_wait3A_383] : memref<1000000x64xf32, #tpu.memory_space<hbm>> -> memref<1000000x64xf32, #tpu.memory_space<hbm>>
    tpu.wait_indirect_dma semaphore(%arg18 : memref<!tpu.dma_semaphore, #tpu.memory_space<semaphore_mem>>) src(%dma_wait3A_384 : memref<1000000x64xf32, #tpu.memory_space<hbm>>) dst(%arg8 : memref<128x64xf32, #tpu.memory_space<vmem>>)
    %dma_start3A_385 = arith.constant 92 : i32
    %dma_start3A_386 = arith.constant 0 : i32
    %dma_start3A_387 = arith.constant 0 : i32
    %dma_start3A_388 = tpu.memref_slice %arg4[%add3A, %dma_start3A_385, %dma_start3A_386, %dma_start3A_387] : memref<32x100x128x64xf32, #tpu.memory_space<hbm>> -> memref<1x1x128x64xf32, #tpu.memory_space<hbm>>
    %dma_start3A_389 = tpu.memref_squeeze %dma_start3A_388 : memref<1x1x128x64xf32, #tpu.memory_space<hbm>> -> memref<128x64xf32, #tpu.memory_space<hbm>>
    %dma_start3A_390 = arith.constant 0 : i32
    %dma_start3A_391 = arith.constant 0 : i32
    %dma_start3A_392 = tpu.memref_slice %arg4[%add3A, %dma_start3A_385, %dma_start3A_390, %dma_start3A_391] : memref<32x100x128x64xf32, #tpu.memory_space<hbm>> -> memref<1x1x128x64xf32, #tpu.memory_space<hbm>>
    %dma_start3A_393 = tpu.memref_squeeze %dma_start3A_392 : memref<1x1x128x64xf32, #tpu.memory_space<hbm>> -> memref<128x64xf32, #tpu.memory_space<hbm>>
    tpu.enqueue_dma source(%arg8 : memref<128x64xf32, #tpu.memory_space<vmem>>) target(%dma_start3A_393 : memref<128x64xf32, #tpu.memory_space<hbm>>) target_semaphore(%arg28 : memref<!tpu.dma_semaphore, #tpu.memory_space<semaphore_mem>>)
    %dma_wait3A_394 = arith.constant 87 : i32
    %dma_wait3A_395 = arith.constant 0 : i32
    %dma_wait3A_396 = arith.constant 0 : i32
    %dma_wait3A_397 = tpu.memref_slice %arg4[%add3A, %dma_wait3A_394, %dma_wait3A_395, %dma_wait3A_396] : memref<32x100x128x64xf32, #tpu.memory_space<hbm>> -> memref<1x1x128x64xf32, #tpu.memory_space<hbm>>
    %dma_wait3A_398 = tpu.memref_squeeze %dma_wait3A_397 : memref<1x1x128x64xf32, #tpu.memory_space<hbm>> -> memref<128x64xf32, #tpu.memory_space<hbm>>
    %dma_wait3A_399 = arith.constant 0 : i32
    %dma_wait3A_400 = arith.constant 0 : i32
    %dma_wait3A_401 = tpu.memref_slice %arg4[%add3A, %dma_wait3A_394, %dma_wait3A_399, %dma_wait3A_400] : memref<32x100x128x64xf32, #tpu.memory_space<hbm>> -> memref<1x1x128x64xf32, #tpu.memory_space<hbm>>
    %dma_wait3A_402 = tpu.memref_squeeze %dma_wait3A_401 : memref<1x1x128x64xf32, #tpu.memory_space<hbm>> -> memref<128x64xf32, #tpu.memory_space<hbm>>
    tpu.wait_dma2 semaphore(%arg33 : memref<!tpu.dma_semaphore, #tpu.memory_space<semaphore_mem>>) src(%arg13 : memref<128x64xf32, #tpu.memory_space<vmem>>) dst(%dma_wait3A_402 : memref<128x64xf32, #tpu.memory_space<hbm>>)
    %dma_start3A_403 = arith.constant 97 : i32
    %dma_start3A_404 = arith.constant 0 : i32
    %dma_start3A_405 = tpu.memref_slice %arg5[%dma_start3A_403, %dma_start3A_404] : memref<100x128xi32, #tpu.memory_space<vmem>> -> memref<1x128xi32, #tpu.memory_space<vmem>>
    %dma_start3A_406 = tpu.memref_squeeze %dma_start3A_405 : memref<1x128xi32, #tpu.memory_space<vmem>> -> memref<128xi32, #tpu.memory_space<vmem>>
    %dma_start3A_407 = arith.constant 0 : i32
    %dma_start3A_408 = arith.constant 0 : i32
    %dma_start3A_409 = tpu.memref_slice %arg3[%dma_start3A_407, %dma_start3A_408] : memref<1000000x64xf32, #tpu.memory_space<hbm>> -> memref<1000000x64xf32, #tpu.memory_space<hbm>>
    tpu.enqueue_indirect_dma source(%dma_start3A_409 : memref<1000000x64xf32, #tpu.memory_space<hbm>>) target(%arg13 : memref<128x64xf32, #tpu.memory_space<vmem>>) offsets(%dma_start3A_406 : memref<128xi32, #tpu.memory_space<vmem>>) semaphore(%arg23 : memref<!tpu.dma_semaphore, #tpu.memory_space<semaphore_mem>>)
    %dma_wait3A_410 = arith.constant 93 : i32
    %dma_wait3A_411 = arith.constant 0 : i32
    %dma_wait3A_412 = tpu.memref_slice %arg5[%dma_wait3A_410, %dma_wait3A_411] : memref<100x128xi32, #tpu.memory_space<vmem>> -> memref<1x128xi32, #tpu.memory_space<vmem>>
    %dma_wait3A_413 = tpu.memref_squeeze %dma_wait3A_412 : memref<1x128xi32, #tpu.memory_space<vmem>> -> memref<128xi32, #tpu.memory_space<vmem>>
    %dma_wait3A_414 = arith.constant 0 : i32
    %dma_wait3A_415 = arith.constant 0 : i32
    %dma_wait3A_416 = tpu.memref_slice %arg3[%dma_wait3A_414, %dma_wait3A_415] : memref<1000000x64xf32, #tpu.memory_space<hbm>> -> memref<1000000x64xf32, #tpu.memory_space<hbm>>
    tpu.wait_indirect_dma semaphore(%arg19 : memref<!tpu.dma_semaphore, #tpu.memory_space<semaphore_mem>>) src(%dma_wait3A_416 : memref<1000000x64xf32, #tpu.memory_space<hbm>>) dst(%arg9 : memref<128x64xf32, #tpu.memory_space<vmem>>)
    %dma_start3A_417 = arith.constant 93 : i32
    %dma_start3A_418 = arith.constant 0 : i32
    %dma_start3A_419 = arith.constant 0 : i32
    %dma_start3A_420 = tpu.memref_slice %arg4[%add3A, %dma_start3A_417, %dma_start3A_418, %dma_start3A_419] : memref<32x100x128x64xf32, #tpu.memory_space<hbm>> -> memref<1x1x128x64xf32, #tpu.memory_space<hbm>>
    %dma_start3A_421 = tpu.memref_squeeze %dma_start3A_420 : memref<1x1x128x64xf32, #tpu.memory_space<hbm>> -> memref<128x64xf32, #tpu.memory_space<hbm>>
    %dma_start3A_422 = arith.constant 0 : i32
    %dma_start3A_423 = arith.constant 0 : i32
    %dma_start3A_424 = tpu.memref_slice %arg4[%add3A, %dma_start3A_417, %dma_start3A_422, %dma_start3A_423] : memref<32x100x128x64xf32, #tpu.memory_space<hbm>> -> memref<1x1x128x64xf32, #tpu.memory_space<hbm>>
    %dma_start3A_425 = tpu.memref_squeeze %dma_start3A_424 : memref<1x1x128x64xf32, #tpu.memory_space<hbm>> -> memref<128x64xf32, #tpu.memory_space<hbm>>
    tpu.enqueue_dma source(%arg9 : memref<128x64xf32, #tpu.memory_space<vmem>>) target(%dma_start3A_425 : memref<128x64xf32, #tpu.memory_space<hbm>>) target_semaphore(%arg29 : memref<!tpu.dma_semaphore, #tpu.memory_space<semaphore_mem>>)
    %dma_wait3A_426 = arith.constant 88 : i32
    %dma_wait3A_427 = arith.constant 0 : i32
    %dma_wait3A_428 = arith.constant 0 : i32
    %dma_wait3A_429 = tpu.memref_slice %arg4[%add3A, %dma_wait3A_426, %dma_wait3A_427, %dma_wait3A_428] : memref<32x100x128x64xf32, #tpu.memory_space<hbm>> -> memref<1x1x128x64xf32, #tpu.memory_space<hbm>>
    %dma_wait3A_430 = tpu.memref_squeeze %dma_wait3A_429 : memref<1x1x128x64xf32, #tpu.memory_space<hbm>> -> memref<128x64xf32, #tpu.memory_space<hbm>>
    %dma_wait3A_431 = arith.constant 0 : i32
    %dma_wait3A_432 = arith.constant 0 : i32
    %dma_wait3A_433 = tpu.memref_slice %arg4[%add3A, %dma_wait3A_426, %dma_wait3A_431, %dma_wait3A_432] : memref<32x100x128x64xf32, #tpu.memory_space<hbm>> -> memref<1x1x128x64xf32, #tpu.memory_space<hbm>>
    %dma_wait3A_434 = tpu.memref_squeeze %dma_wait3A_433 : memref<1x1x128x64xf32, #tpu.memory_space<hbm>> -> memref<128x64xf32, #tpu.memory_space<hbm>>
    tpu.wait_dma2 semaphore(%arg34 : memref<!tpu.dma_semaphore, #tpu.memory_space<semaphore_mem>>) src(%arg14 : memref<128x64xf32, #tpu.memory_space<vmem>>) dst(%dma_wait3A_434 : memref<128x64xf32, #tpu.memory_space<hbm>>)
    %dma_start3A_435 = arith.constant 98 : i32
    %dma_start3A_436 = arith.constant 0 : i32
    %dma_start3A_437 = tpu.memref_slice %arg5[%dma_start3A_435, %dma_start3A_436] : memref<100x128xi32, #tpu.memory_space<vmem>> -> memref<1x128xi32, #tpu.memory_space<vmem>>
    %dma_start3A_438 = tpu.memref_squeeze %dma_start3A_437 : memref<1x128xi32, #tpu.memory_space<vmem>> -> memref<128xi32, #tpu.memory_space<vmem>>
    %dma_start3A_439 = arith.constant 0 : i32
    %dma_start3A_440 = arith.constant 0 : i32
    %dma_start3A_441 = tpu.memref_slice %arg3[%dma_start3A_439, %dma_start3A_440] : memref<1000000x64xf32, #tpu.memory_space<hbm>> -> memref<1000000x64xf32, #tpu.memory_space<hbm>>
    tpu.enqueue_indirect_dma source(%dma_start3A_441 : memref<1000000x64xf32, #tpu.memory_space<hbm>>) target(%arg14 : memref<128x64xf32, #tpu.memory_space<vmem>>) offsets(%dma_start3A_438 : memref<128xi32, #tpu.memory_space<vmem>>) semaphore(%arg24 : memref<!tpu.dma_semaphore, #tpu.memory_space<semaphore_mem>>)
    %dma_wait3A_442 = arith.constant 94 : i32
    %dma_wait3A_443 = arith.constant 0 : i32
    %dma_wait3A_444 = tpu.memref_slice %arg5[%dma_wait3A_442, %dma_wait3A_443] : memref<100x128xi32, #tpu.memory_space<vmem>> -> memref<1x128xi32, #tpu.memory_space<vmem>>
    %dma_wait3A_445 = tpu.memref_squeeze %dma_wait3A_444 : memref<1x128xi32, #tpu.memory_space<vmem>> -> memref<128xi32, #tpu.memory_space<vmem>>
    %dma_wait3A_446 = arith.constant 0 : i32
    %dma_wait3A_447 = arith.constant 0 : i32
    %dma_wait3A_448 = tpu.memref_slice %arg3[%dma_wait3A_446, %dma_wait3A_447] : memref<1000000x64xf32, #tpu.memory_space<hbm>> -> memref<1000000x64xf32, #tpu.memory_space<hbm>>
    tpu.wait_indirect_dma semaphore(%arg20 : memref<!tpu.dma_semaphore, #tpu.memory_space<semaphore_mem>>) src(%dma_wait3A_448 : memref<1000000x64xf32, #tpu.memory_space<hbm>>) dst(%arg10 : memref<128x64xf32, #tpu.memory_space<vmem>>)
    %dma_start3A_449 = arith.constant 94 : i32
    %dma_start3A_450 = arith.constant 0 : i32
    %dma_start3A_451 = arith.constant 0 : i32
    %dma_start3A_452 = tpu.memref_slice %arg4[%add3A, %dma_start3A_449, %dma_start3A_450, %dma_start3A_451] : memref<32x100x128x64xf32, #tpu.memory_space<hbm>> -> memref<1x1x128x64xf32, #tpu.memory_space<hbm>>
    %dma_start3A_453 = tpu.memref_squeeze %dma_start3A_452 : memref<1x1x128x64xf32, #tpu.memory_space<hbm>> -> memref<128x64xf32, #tpu.memory_space<hbm>>
    %dma_start3A_454 = arith.constant 0 : i32
    %dma_start3A_455 = arith.constant 0 : i32
    %dma_start3A_456 = tpu.memref_slice %arg4[%add3A, %dma_start3A_449, %dma_start3A_454, %dma_start3A_455] : memref<32x100x128x64xf32, #tpu.memory_space<hbm>> -> memref<1x1x128x64xf32, #tpu.memory_space<hbm>>
    %dma_start3A_457 = tpu.memref_squeeze %dma_start3A_456 : memref<1x1x128x64xf32, #tpu.memory_space<hbm>> -> memref<128x64xf32, #tpu.memory_space<hbm>>
    tpu.enqueue_dma source(%arg10 : memref<128x64xf32, #tpu.memory_space<vmem>>) target(%dma_start3A_457 : memref<128x64xf32, #tpu.memory_space<hbm>>) target_semaphore(%arg30 : memref<!tpu.dma_semaphore, #tpu.memory_space<semaphore_mem>>)
    %dma_wait3A_458 = arith.constant 89 : i32
    %dma_wait3A_459 = arith.constant 0 : i32
    %dma_wait3A_460 = arith.constant 0 : i32
    %dma_wait3A_461 = tpu.memref_slice %arg4[%add3A, %dma_wait3A_458, %dma_wait3A_459, %dma_wait3A_460] : memref<32x100x128x64xf32, #tpu.memory_space<hbm>> -> memref<1x1x128x64xf32, #tpu.memory_space<hbm>>
    %dma_wait3A_462 = tpu.memref_squeeze %dma_wait3A_461 : memref<1x1x128x64xf32, #tpu.memory_space<hbm>> -> memref<128x64xf32, #tpu.memory_space<hbm>>
    %dma_wait3A_463 = arith.constant 0 : i32
    %dma_wait3A_464 = arith.constant 0 : i32
    %dma_wait3A_465 = tpu.memref_slice %arg4[%add3A, %dma_wait3A_458, %dma_wait3A_463, %dma_wait3A_464] : memref<32x100x128x64xf32, #tpu.memory_space<hbm>> -> memref<1x1x128x64xf32, #tpu.memory_space<hbm>>
    %dma_wait3A_466 = tpu.memref_squeeze %dma_wait3A_465 : memref<1x1x128x64xf32, #tpu.memory_space<hbm>> -> memref<128x64xf32, #tpu.memory_space<hbm>>
    tpu.wait_dma2 semaphore(%arg35 : memref<!tpu.dma_semaphore, #tpu.memory_space<semaphore_mem>>) src(%arg15 : memref<128x64xf32, #tpu.memory_space<vmem>>) dst(%dma_wait3A_466 : memref<128x64xf32, #tpu.memory_space<hbm>>)
    %dma_start3A_467 = arith.constant 99 : i32
    %dma_start3A_468 = arith.constant 0 : i32
    %dma_start3A_469 = tpu.memref_slice %arg5[%dma_start3A_467, %dma_start3A_468] : memref<100x128xi32, #tpu.memory_space<vmem>> -> memref<1x128xi32, #tpu.memory_space<vmem>>
    %dma_start3A_470 = tpu.memref_squeeze %dma_start3A_469 : memref<1x128xi32, #tpu.memory_space<vmem>> -> memref<128xi32, #tpu.memory_space<vmem>>
    %dma_start3A_471 = arith.constant 0 : i32
    %dma_start3A_472 = arith.constant 0 : i32
    %dma_start3A_473 = tpu.memref_slice %arg3[%dma_start3A_471, %dma_start3A_472] : memref<1000000x64xf32, #tpu.memory_space<hbm>> -> memref<1000000x64xf32, #tpu.memory_space<hbm>>
    tpu.enqueue_indirect_dma source(%dma_start3A_473 : memref<1000000x64xf32, #tpu.memory_space<hbm>>) target(%arg15 : memref<128x64xf32, #tpu.memory_space<vmem>>) offsets(%dma_start3A_470 : memref<128xi32, #tpu.memory_space<vmem>>) semaphore(%arg25 : memref<!tpu.dma_semaphore, #tpu.memory_space<semaphore_mem>>)
    %dma_wait3A_474 = arith.constant 95 : i32
    %dma_wait3A_475 = arith.constant 0 : i32
    %dma_wait3A_476 = tpu.memref_slice %arg5[%dma_wait3A_474, %dma_wait3A_475] : memref<100x128xi32, #tpu.memory_space<vmem>> -> memref<1x128xi32, #tpu.memory_space<vmem>>
    %dma_wait3A_477 = tpu.memref_squeeze %dma_wait3A_476 : memref<1x128xi32, #tpu.memory_space<vmem>> -> memref<128xi32, #tpu.memory_space<vmem>>
    %dma_wait3A_478 = arith.constant 0 : i32
    %dma_wait3A_479 = arith.constant 0 : i32
    %dma_wait3A_480 = tpu.memref_slice %arg3[%dma_wait3A_478, %dma_wait3A_479] : memref<1000000x64xf32, #tpu.memory_space<hbm>> -> memref<1000000x64xf32, #tpu.memory_space<hbm>>
    tpu.wait_indirect_dma semaphore(%arg21 : memref<!tpu.dma_semaphore, #tpu.memory_space<semaphore_mem>>) src(%dma_wait3A_480 : memref<1000000x64xf32, #tpu.memory_space<hbm>>) dst(%arg11 : memref<128x64xf32, #tpu.memory_space<vmem>>)
    %dma_start3A_481 = arith.constant 95 : i32
    %dma_start3A_482 = arith.constant 0 : i32
    %dma_start3A_483 = arith.constant 0 : i32
    %dma_start3A_484 = tpu.memref_slice %arg4[%add3A, %dma_start3A_481, %dma_start3A_482, %dma_start3A_483] : memref<32x100x128x64xf32, #tpu.memory_space<hbm>> -> memref<1x1x128x64xf32, #tpu.memory_space<hbm>>
    %dma_start3A_485 = tpu.memref_squeeze %dma_start3A_484 : memref<1x1x128x64xf32, #tpu.memory_space<hbm>> -> memref<128x64xf32, #tpu.memory_space<hbm>>
    %dma_start3A_486 = arith.constant 0 : i32
    %dma_start3A_487 = arith.constant 0 : i32
    %dma_start3A_488 = tpu.memref_slice %arg4[%add3A, %dma_start3A_481, %dma_start3A_486, %dma_start3A_487] : memref<32x100x128x64xf32, #tpu.memory_space<hbm>> -> memref<1x1x128x64xf32, #tpu.memory_space<hbm>>
    %dma_start3A_489 = tpu.memref_squeeze %dma_start3A_488 : memref<1x1x128x64xf32, #tpu.memory_space<hbm>> -> memref<128x64xf32, #tpu.memory_space<hbm>>
    tpu.enqueue_dma source(%arg11 : memref<128x64xf32, #tpu.memory_space<vmem>>) target(%dma_start3A_489 : memref<128x64xf32, #tpu.memory_space<hbm>>) target_semaphore(%arg31 : memref<!tpu.dma_semaphore, #tpu.memory_space<semaphore_mem>>)
    %dma_wait3A_490 = arith.constant 96 : i32
    %dma_wait3A_491 = arith.constant 0 : i32
    %dma_wait3A_492 = tpu.memref_slice %arg5[%dma_wait3A_490, %dma_wait3A_491] : memref<100x128xi32, #tpu.memory_space<vmem>> -> memref<1x128xi32, #tpu.memory_space<vmem>>
    %dma_wait3A_493 = tpu.memref_squeeze %dma_wait3A_492 : memref<1x128xi32, #tpu.memory_space<vmem>> -> memref<128xi32, #tpu.memory_space<vmem>>
    %dma_wait3A_494 = arith.constant 0 : i32
    %dma_wait3A_495 = arith.constant 0 : i32
    %dma_wait3A_496 = tpu.memref_slice %arg3[%dma_wait3A_494, %dma_wait3A_495] : memref<1000000x64xf32, #tpu.memory_space<hbm>> -> memref<1000000x64xf32, #tpu.memory_space<hbm>>
    tpu.wait_indirect_dma semaphore(%arg22 : memref<!tpu.dma_semaphore, #tpu.memory_space<semaphore_mem>>) src(%dma_wait3A_496 : memref<1000000x64xf32, #tpu.memory_space<hbm>>) dst(%arg12 : memref<128x64xf32, #tpu.memory_space<vmem>>)
    %dma_start3A_497 = arith.constant 96 : i32
    %dma_start3A_498 = arith.constant 0 : i32
    %dma_start3A_499 = arith.constant 0 : i32
    %dma_start3A_500 = tpu.memref_slice %arg4[%add3A, %dma_start3A_497, %dma_start3A_498, %dma_start3A_499] : memref<32x100x128x64xf32, #tpu.memory_space<hbm>> -> memref<1x1x128x64xf32, #tpu.memory_space<hbm>>
    %dma_start3A_501 = tpu.memref_squeeze %dma_start3A_500 : memref<1x1x128x64xf32, #tpu.memory_space<hbm>> -> memref<128x64xf32, #tpu.memory_space<hbm>>
    %dma_start3A_502 = arith.constant 0 : i32
    %dma_start3A_503 = arith.constant 0 : i32
    %dma_start3A_504 = tpu.memref_slice %arg4[%add3A, %dma_start3A_497, %dma_start3A_502, %dma_start3A_503] : memref<32x100x128x64xf32, #tpu.memory_space<hbm>> -> memref<1x1x128x64xf32, #tpu.memory_space<hbm>>
    %dma_start3A_505 = tpu.memref_squeeze %dma_start3A_504 : memref<1x1x128x64xf32, #tpu.memory_space<hbm>> -> memref<128x64xf32, #tpu.memory_space<hbm>>
    tpu.enqueue_dma source(%arg12 : memref<128x64xf32, #tpu.memory_space<vmem>>) target(%dma_start3A_505 : memref<128x64xf32, #tpu.memory_space<hbm>>) target_semaphore(%arg32 : memref<!tpu.dma_semaphore, #tpu.memory_space<semaphore_mem>>)
    %dma_wait3A_506 = arith.constant 97 : i32
    %dma_wait3A_507 = arith.constant 0 : i32
    %dma_wait3A_508 = tpu.memref_slice %arg5[%dma_wait3A_506, %dma_wait3A_507] : memref<100x128xi32, #tpu.memory_space<vmem>> -> memref<1x128xi32, #tpu.memory_space<vmem>>
    %dma_wait3A_509 = tpu.memref_squeeze %dma_wait3A_508 : memref<1x128xi32, #tpu.memory_space<vmem>> -> memref<128xi32, #tpu.memory_space<vmem>>
    %dma_wait3A_510 = arith.constant 0 : i32
    %dma_wait3A_511 = arith.constant 0 : i32
    %dma_wait3A_512 = tpu.memref_slice %arg3[%dma_wait3A_510, %dma_wait3A_511] : memref<1000000x64xf32, #tpu.memory_space<hbm>> -> memref<1000000x64xf32, #tpu.memory_space<hbm>>
    tpu.wait_indirect_dma semaphore(%arg23 : memref<!tpu.dma_semaphore, #tpu.memory_space<semaphore_mem>>) src(%dma_wait3A_512 : memref<1000000x64xf32, #tpu.memory_space<hbm>>) dst(%arg13 : memref<128x64xf32, #tpu.memory_space<vmem>>)
    %dma_start3A_513 = arith.constant 97 : i32
    %dma_start3A_514 = arith.constant 0 : i32
    %dma_start3A_515 = arith.constant 0 : i32
    %dma_start3A_516 = tpu.memref_slice %arg4[%add3A, %dma_start3A_513, %dma_start3A_514, %dma_start3A_515] : memref<32x100x128x64xf32, #tpu.memory_space<hbm>> -> memref<1x1x128x64xf32, #tpu.memory_space<hbm>>
    %dma_start3A_517 = tpu.memref_squeeze %dma_start3A_516 : memref<1x1x128x64xf32, #tpu.memory_space<hbm>> -> memref<128x64xf32, #tpu.memory_space<hbm>>
    %dma_start3A_518 = arith.constant 0 : i32
    %dma_start3A_519 = arith.constant 0 : i32
    %dma_start3A_520 = tpu.memref_slice %arg4[%add3A, %dma_start3A_513, %dma_start3A_518, %dma_start3A_519] : memref<32x100x128x64xf32, #tpu.memory_space<hbm>> -> memref<1x1x128x64xf32, #tpu.memory_space<hbm>>
    %dma_start3A_521 = tpu.memref_squeeze %dma_start3A_520 : memref<1x1x128x64xf32, #tpu.memory_space<hbm>> -> memref<128x64xf32, #tpu.memory_space<hbm>>
    tpu.enqueue_dma source(%arg13 : memref<128x64xf32, #tpu.memory_space<vmem>>) target(%dma_start3A_521 : memref<128x64xf32, #tpu.memory_space<hbm>>) target_semaphore(%arg33 : memref<!tpu.dma_semaphore, #tpu.memory_space<semaphore_mem>>)
    %dma_wait3A_522 = arith.constant 98 : i32
    %dma_wait3A_523 = arith.constant 0 : i32
    %dma_wait3A_524 = tpu.memref_slice %arg5[%dma_wait3A_522, %dma_wait3A_523] : memref<100x128xi32, #tpu.memory_space<vmem>> -> memref<1x128xi32, #tpu.memory_space<vmem>>
    %dma_wait3A_525 = tpu.memref_squeeze %dma_wait3A_524 : memref<1x128xi32, #tpu.memory_space<vmem>> -> memref<128xi32, #tpu.memory_space<vmem>>
    %dma_wait3A_526 = arith.constant 0 : i32
    %dma_wait3A_527 = arith.constant 0 : i32
    %dma_wait3A_528 = tpu.memref_slice %arg3[%dma_wait3A_526, %dma_wait3A_527] : memref<1000000x64xf32, #tpu.memory_space<hbm>> -> memref<1000000x64xf32, #tpu.memory_space<hbm>>
    tpu.wait_indirect_dma semaphore(%arg24 : memref<!tpu.dma_semaphore, #tpu.memory_space<semaphore_mem>>) src(%dma_wait3A_528 : memref<1000000x64xf32, #tpu.memory_space<hbm>>) dst(%arg14 : memref<128x64xf32, #tpu.memory_space<vmem>>)
    %dma_start3A_529 = arith.constant 98 : i32
    %dma_start3A_530 = arith.constant 0 : i32
    %dma_start3A_531 = arith.constant 0 : i32
    %dma_start3A_532 = tpu.memref_slice %arg4[%add3A, %dma_start3A_529, %dma_start3A_530, %dma_start3A_531] : memref<32x100x128x64xf32, #tpu.memory_space<hbm>> -> memref<1x1x128x64xf32, #tpu.memory_space<hbm>>
    %dma_start3A_533 = tpu.memref_squeeze %dma_start3A_532 : memref<1x1x128x64xf32, #tpu.memory_space<hbm>> -> memref<128x64xf32, #tpu.memory_space<hbm>>
    %dma_start3A_534 = arith.constant 0 : i32
    %dma_start3A_535 = arith.constant 0 : i32
    %dma_start3A_536 = tpu.memref_slice %arg4[%add3A, %dma_start3A_529, %dma_start3A_534, %dma_start3A_535] : memref<32x100x128x64xf32, #tpu.memory_space<hbm>> -> memref<1x1x128x64xf32, #tpu.memory_space<hbm>>
    %dma_start3A_537 = tpu.memref_squeeze %dma_start3A_536 : memref<1x1x128x64xf32, #tpu.memory_space<hbm>> -> memref<128x64xf32, #tpu.memory_space<hbm>>
    tpu.enqueue_dma source(%arg14 : memref<128x64xf32, #tpu.memory_space<vmem>>) target(%dma_start3A_537 : memref<128x64xf32, #tpu.memory_space<hbm>>) target_semaphore(%arg34 : memref<!tpu.dma_semaphore, #tpu.memory_space<semaphore_mem>>)
    %dma_wait3A_538 = arith.constant 99 : i32
    %dma_wait3A_539 = arith.constant 0 : i32
    %dma_wait3A_540 = tpu.memref_slice %arg5[%dma_wait3A_538, %dma_wait3A_539] : memref<100x128xi32, #tpu.memory_space<vmem>> -> memref<1x128xi32, #tpu.memory_space<vmem>>
    %dma_wait3A_541 = tpu.memref_squeeze %dma_wait3A_540 : memref<1x128xi32, #tpu.memory_space<vmem>> -> memref<128xi32, #tpu.memory_space<vmem>>
    %dma_wait3A_542 = arith.constant 0 : i32
    %dma_wait3A_543 = arith.constant 0 : i32
    %dma_wait3A_544 = tpu.memref_slice %arg3[%dma_wait3A_542, %dma_wait3A_543] : memref<1000000x64xf32, #tpu.memory_space<hbm>> -> memref<1000000x64xf32, #tpu.memory_space<hbm>>
    tpu.wait_indirect_dma semaphore(%arg25 : memref<!tpu.dma_semaphore, #tpu.memory_space<semaphore_mem>>) src(%dma_wait3A_544 : memref<1000000x64xf32, #tpu.memory_space<hbm>>) dst(%arg15 : memref<128x64xf32, #tpu.memory_space<vmem>>)
    %dma_start3A_545 = arith.constant 99 : i32
    %dma_start3A_546 = arith.constant 0 : i32
    %dma_start3A_547 = arith.constant 0 : i32
    %dma_start3A_548 = tpu.memref_slice %arg4[%add3A, %dma_start3A_545, %dma_start3A_546, %dma_start3A_547] : memref<32x100x128x64xf32, #tpu.memory_space<hbm>> -> memref<1x1x128x64xf32, #tpu.memory_space<hbm>>
    %dma_start3A_549 = tpu.memref_squeeze %dma_start3A_548 : memref<1x1x128x64xf32, #tpu.memory_space<hbm>> -> memref<128x64xf32, #tpu.memory_space<hbm>>
    %dma_start3A_550 = arith.constant 0 : i32
    %dma_start3A_551 = arith.constant 0 : i32
    %dma_start3A_552 = tpu.memref_slice %arg4[%add3A, %dma_start3A_545, %dma_start3A_550, %dma_start3A_551] : memref<32x100x128x64xf32, #tpu.memory_space<hbm>> -> memref<1x1x128x64xf32, #tpu.memory_space<hbm>>
    %dma_start3A_553 = tpu.memref_squeeze %dma_start3A_552 : memref<1x1x128x64xf32, #tpu.memory_space<hbm>> -> memref<128x64xf32, #tpu.memory_space<hbm>>
    tpu.enqueue_dma source(%arg15 : memref<128x64xf32, #tpu.memory_space<vmem>>) target(%dma_start3A_553 : memref<128x64xf32, #tpu.memory_space<hbm>>) target_semaphore(%arg35 : memref<!tpu.dma_semaphore, #tpu.memory_space<semaphore_mem>>)
    %dma_wait3A_554 = arith.constant 90 : i32
    %dma_wait3A_555 = arith.constant 0 : i32
    %dma_wait3A_556 = arith.constant 0 : i32
    %dma_wait3A_557 = tpu.memref_slice %arg4[%add3A, %dma_wait3A_554, %dma_wait3A_555, %dma_wait3A_556] : memref<32x100x128x64xf32, #tpu.memory_space<hbm>> -> memref<1x1x128x64xf32, #tpu.memory_space<hbm>>
    %dma_wait3A_558 = tpu.memref_squeeze %dma_wait3A_557 : memref<1x1x128x64xf32, #tpu.memory_space<hbm>> -> memref<128x64xf32, #tpu.memory_space<hbm>>
    %dma_wait3A_559 = arith.constant 0 : i32
    %dma_wait3A_560 = arith.constant 0 : i32
    %dma_wait3A_561 = tpu.memref_slice %arg4[%add3A, %dma_wait3A_554, %dma_wait3A_559, %dma_wait3A_560] : memref<32x100x128x64xf32, #tpu.memory_space<hbm>> -> memref<1x1x128x64xf32, #tpu.memory_space<hbm>>
    %dma_wait3A_562 = tpu.memref_squeeze %dma_wait3A_561 : memref<1x1x128x64xf32, #tpu.memory_space<hbm>> -> memref<128x64xf32, #tpu.memory_space<hbm>>
    tpu.wait_dma2 semaphore(%arg26 : memref<!tpu.dma_semaphore, #tpu.memory_space<semaphore_mem>>) src(%arg6 : memref<128x64xf32, #tpu.memory_space<vmem>>) dst(%dma_wait3A_562 : memref<128x64xf32, #tpu.memory_space<hbm>>)
    %dma_wait3A_563 = arith.constant 91 : i32
    %dma_wait3A_564 = arith.constant 0 : i32
    %dma_wait3A_565 = arith.constant 0 : i32
    %dma_wait3A_566 = tpu.memref_slice %arg4[%add3A, %dma_wait3A_563, %dma_wait3A_564, %dma_wait3A_565] : memref<32x100x128x64xf32, #tpu.memory_space<hbm>> -> memref<1x1x128x64xf32, #tpu.memory_space<hbm>>
    %dma_wait3A_567 = tpu.memref_squeeze %dma_wait3A_566 : memref<1x1x128x64xf32, #tpu.memory_space<hbm>> -> memref<128x64xf32, #tpu.memory_space<hbm>>
    %dma_wait3A_568 = arith.constant 0 : i32
    %dma_wait3A_569 = arith.constant 0 : i32
    %dma_wait3A_570 = tpu.memref_slice %arg4[%add3A, %dma_wait3A_563, %dma_wait3A_568, %dma_wait3A_569] : memref<32x100x128x64xf32, #tpu.memory_space<hbm>> -> memref<1x1x128x64xf32, #tpu.memory_space<hbm>>
    %dma_wait3A_571 = tpu.memref_squeeze %dma_wait3A_570 : memref<1x1x128x64xf32, #tpu.memory_space<hbm>> -> memref<128x64xf32, #tpu.memory_space<hbm>>
    tpu.wait_dma2 semaphore(%arg27 : memref<!tpu.dma_semaphore, #tpu.memory_space<semaphore_mem>>) src(%arg7 : memref<128x64xf32, #tpu.memory_space<vmem>>) dst(%dma_wait3A_571 : memref<128x64xf32, #tpu.memory_space<hbm>>)
    %dma_wait3A_572 = arith.constant 92 : i32
    %dma_wait3A_573 = arith.constant 0 : i32
    %dma_wait3A_574 = arith.constant 0 : i32
    %dma_wait3A_575 = tpu.memref_slice %arg4[%add3A, %dma_wait3A_572, %dma_wait3A_573, %dma_wait3A_574] : memref<32x100x128x64xf32, #tpu.memory_space<hbm>> -> memref<1x1x128x64xf32, #tpu.memory_space<hbm>>
    %dma_wait3A_576 = tpu.memref_squeeze %dma_wait3A_575 : memref<1x1x128x64xf32, #tpu.memory_space<hbm>> -> memref<128x64xf32, #tpu.memory_space<hbm>>
    %dma_wait3A_577 = arith.constant 0 : i32
    %dma_wait3A_578 = arith.constant 0 : i32
    %dma_wait3A_579 = tpu.memref_slice %arg4[%add3A, %dma_wait3A_572, %dma_wait3A_577, %dma_wait3A_578] : memref<32x100x128x64xf32, #tpu.memory_space<hbm>> -> memref<1x1x128x64xf32, #tpu.memory_space<hbm>>
    %dma_wait3A_580 = tpu.memref_squeeze %dma_wait3A_579 : memref<1x1x128x64xf32, #tpu.memory_space<hbm>> -> memref<128x64xf32, #tpu.memory_space<hbm>>
    tpu.wait_dma2 semaphore(%arg28 : memref<!tpu.dma_semaphore, #tpu.memory_space<semaphore_mem>>) src(%arg8 : memref<128x64xf32, #tpu.memory_space<vmem>>) dst(%dma_wait3A_580 : memref<128x64xf32, #tpu.memory_space<hbm>>)
    %dma_wait3A_581 = arith.constant 93 : i32
    %dma_wait3A_582 = arith.constant 0 : i32
    %dma_wait3A_583 = arith.constant 0 : i32
    %dma_wait3A_584 = tpu.memref_slice %arg4[%add3A, %dma_wait3A_581, %dma_wait3A_582, %dma_wait3A_583] : memref<32x100x128x64xf32, #tpu.memory_space<hbm>> -> memref<1x1x128x64xf32, #tpu.memory_space<hbm>>
    %dma_wait3A_585 = tpu.memref_squeeze %dma_wait3A_584 : memref<1x1x128x64xf32, #tpu.memory_space<hbm>> -> memref<128x64xf32, #tpu.memory_space<hbm>>
    %dma_wait3A_586 = arith.constant 0 : i32
    %dma_wait3A_587 = arith.constant 0 : i32
    %dma_wait3A_588 = tpu.memref_slice %arg4[%add3A, %dma_wait3A_581, %dma_wait3A_586, %dma_wait3A_587] : memref<32x100x128x64xf32, #tpu.memory_space<hbm>> -> memref<1x1x128x64xf32, #tpu.memory_space<hbm>>
    %dma_wait3A_589 = tpu.memref_squeeze %dma_wait3A_588 : memref<1x1x128x64xf32, #tpu.memory_space<hbm>> -> memref<128x64xf32, #tpu.memory_space<hbm>>
    tpu.wait_dma2 semaphore(%arg29 : memref<!tpu.dma_semaphore, #tpu.memory_space<semaphore_mem>>) src(%arg9 : memref<128x64xf32, #tpu.memory_space<vmem>>) dst(%dma_wait3A_589 : memref<128x64xf32, #tpu.memory_space<hbm>>)
    %dma_wait3A_590 = arith.constant 94 : i32
    %dma_wait3A_591 = arith.constant 0 : i32
    %dma_wait3A_592 = arith.constant 0 : i32
    %dma_wait3A_593 = tpu.memref_slice %arg4[%add3A, %dma_wait3A_590, %dma_wait3A_591, %dma_wait3A_592] : memref<32x100x128x64xf32, #tpu.memory_space<hbm>> -> memref<1x1x128x64xf32, #tpu.memory_space<hbm>>
    %dma_wait3A_594 = tpu.memref_squeeze %dma_wait3A_593 : memref<1x1x128x64xf32, #tpu.memory_space<hbm>> -> memref<128x64xf32, #tpu.memory_space<hbm>>
    %dma_wait3A_595 = arith.constant 0 : i32
    %dma_wait3A_596 = arith.constant 0 : i32
    %dma_wait3A_597 = tpu.memref_slice %arg4[%add3A, %dma_wait3A_590, %dma_wait3A_595, %dma_wait3A_596] : memref<32x100x128x64xf32, #tpu.memory_space<hbm>> -> memref<1x1x128x64xf32, #tpu.memory_space<hbm>>
    %dma_wait3A_598 = tpu.memref_squeeze %dma_wait3A_597 : memref<1x1x128x64xf32, #tpu.memory_space<hbm>> -> memref<128x64xf32, #tpu.memory_space<hbm>>
    tpu.wait_dma2 semaphore(%arg30 : memref<!tpu.dma_semaphore, #tpu.memory_space<semaphore_mem>>) src(%arg10 : memref<128x64xf32, #tpu.memory_space<vmem>>) dst(%dma_wait3A_598 : memref<128x64xf32, #tpu.memory_space<hbm>>)
    %dma_wait3A_599 = arith.constant 95 : i32
    %dma_wait3A_600 = arith.constant 0 : i32
    %dma_wait3A_601 = arith.constant 0 : i32
    %dma_wait3A_602 = tpu.memref_slice %arg4[%add3A, %dma_wait3A_599, %dma_wait3A_600, %dma_wait3A_601] : memref<32x100x128x64xf32, #tpu.memory_space<hbm>> -> memref<1x1x128x64xf32, #tpu.memory_space<hbm>>
    %dma_wait3A_603 = tpu.memref_squeeze %dma_wait3A_602 : memref<1x1x128x64xf32, #tpu.memory_space<hbm>> -> memref<128x64xf32, #tpu.memory_space<hbm>>
    %dma_wait3A_604 = arith.constant 0 : i32
    %dma_wait3A_605 = arith.constant 0 : i32
    %dma_wait3A_606 = tpu.memref_slice %arg4[%add3A, %dma_wait3A_599, %dma_wait3A_604, %dma_wait3A_605] : memref<32x100x128x64xf32, #tpu.memory_space<hbm>> -> memref<1x1x128x64xf32, #tpu.memory_space<hbm>>
    %dma_wait3A_607 = tpu.memref_squeeze %dma_wait3A_606 : memref<1x1x128x64xf32, #tpu.memory_space<hbm>> -> memref<128x64xf32, #tpu.memory_space<hbm>>
    tpu.wait_dma2 semaphore(%arg31 : memref<!tpu.dma_semaphore, #tpu.memory_space<semaphore_mem>>) src(%arg11 : memref<128x64xf32, #tpu.memory_space<vmem>>) dst(%dma_wait3A_607 : memref<128x64xf32, #tpu.memory_space<hbm>>)
    %dma_wait3A_608 = arith.constant 96 : i32
    %dma_wait3A_609 = arith.constant 0 : i32
    %dma_wait3A_610 = arith.constant 0 : i32
    %dma_wait3A_611 = tpu.memref_slice %arg4[%add3A, %dma_wait3A_608, %dma_wait3A_609, %dma_wait3A_610] : memref<32x100x128x64xf32, #tpu.memory_space<hbm>> -> memref<1x1x128x64xf32, #tpu.memory_space<hbm>>
    %dma_wait3A_612 = tpu.memref_squeeze %dma_wait3A_611 : memref<1x1x128x64xf32, #tpu.memory_space<hbm>> -> memref<128x64xf32, #tpu.memory_space<hbm>>
    %dma_wait3A_613 = arith.constant 0 : i32
    %dma_wait3A_614 = arith.constant 0 : i32
    %dma_wait3A_615 = tpu.memref_slice %arg4[%add3A, %dma_wait3A_608, %dma_wait3A_613, %dma_wait3A_614] : memref<32x100x128x64xf32, #tpu.memory_space<hbm>> -> memref<1x1x128x64xf32, #tpu.memory_space<hbm>>
    %dma_wait3A_616 = tpu.memref_squeeze %dma_wait3A_615 : memref<1x1x128x64xf32, #tpu.memory_space<hbm>> -> memref<128x64xf32, #tpu.memory_space<hbm>>
    tpu.wait_dma2 semaphore(%arg32 : memref<!tpu.dma_semaphore, #tpu.memory_space<semaphore_mem>>) src(%arg12 : memref<128x64xf32, #tpu.memory_space<vmem>>) dst(%dma_wait3A_616 : memref<128x64xf32, #tpu.memory_space<hbm>>)
    %dma_wait3A_617 = arith.constant 97 : i32
    %dma_wait3A_618 = arith.constant 0 : i32
    %dma_wait3A_619 = arith.constant 0 : i32
    %dma_wait3A_620 = tpu.memref_slice %arg4[%add3A, %dma_wait3A_617, %dma_wait3A_618, %dma_wait3A_619] : memref<32x100x128x64xf32, #tpu.memory_space<hbm>> -> memref<1x1x128x64xf32, #tpu.memory_space<hbm>>
    %dma_wait3A_621 = tpu.memref_squeeze %dma_wait3A_620 : memref<1x1x128x64xf32, #tpu.memory_space<hbm>> -> memref<128x64xf32, #tpu.memory_space<hbm>>
    %dma_wait3A_622 = arith.constant 0 : i32
    %dma_wait3A_623 = arith.constant 0 : i32
    %dma_wait3A_624 = tpu.memref_slice %arg4[%add3A, %dma_wait3A_617, %dma_wait3A_622, %dma_wait3A_623] : memref<32x100x128x64xf32, #tpu.memory_space<hbm>> -> memref<1x1x128x64xf32, #tpu.memory_space<hbm>>
    %dma_wait3A_625 = tpu.memref_squeeze %dma_wait3A_624 : memref<1x1x128x64xf32, #tpu.memory_space<hbm>> -> memref<128x64xf32, #tpu.memory_space<hbm>>
    tpu.wait_dma2 semaphore(%arg33 : memref<!tpu.dma_semaphore, #tpu.memory_space<semaphore_mem>>) src(%arg13 : memref<128x64xf32, #tpu.memory_space<vmem>>) dst(%dma_wait3A_625 : memref<128x64xf32, #tpu.memory_space<hbm>>)
    %dma_wait3A_626 = arith.constant 98 : i32
    %dma_wait3A_627 = arith.constant 0 : i32
    %dma_wait3A_628 = arith.constant 0 : i32
    %dma_wait3A_629 = tpu.memref_slice %arg4[%add3A, %dma_wait3A_626, %dma_wait3A_627, %dma_wait3A_628] : memref<32x100x128x64xf32, #tpu.memory_space<hbm>> -> memref<1x1x128x64xf32, #tpu.memory_space<hbm>>
    %dma_wait3A_630 = tpu.memref_squeeze %dma_wait3A_629 : memref<1x1x128x64xf32, #tpu.memory_space<hbm>> -> memref<128x64xf32, #tpu.memory_space<hbm>>
    %dma_wait3A_631 = arith.constant 0 : i32
    %dma_wait3A_632 = arith.constant 0 : i32
    %dma_wait3A_633 = tpu.memref_slice %arg4[%add3A, %dma_wait3A_626, %dma_wait3A_631, %dma_wait3A_632] : memref<32x100x128x64xf32, #tpu.memory_space<hbm>> -> memref<1x1x128x64xf32, #tpu.memory_space<hbm>>
    %dma_wait3A_634 = tpu.memref_squeeze %dma_wait3A_633 : memref<1x1x128x64xf32, #tpu.memory_space<hbm>> -> memref<128x64xf32, #tpu.memory_space<hbm>>
    tpu.wait_dma2 semaphore(%arg34 : memref<!tpu.dma_semaphore, #tpu.memory_space<semaphore_mem>>) src(%arg14 : memref<128x64xf32, #tpu.memory_space<vmem>>) dst(%dma_wait3A_634 : memref<128x64xf32, #tpu.memory_space<hbm>>)
    %dma_wait3A_635 = arith.constant 99 : i32
    %dma_wait3A_636 = arith.constant 0 : i32
    %dma_wait3A_637 = arith.constant 0 : i32
    %dma_wait3A_638 = tpu.memref_slice %arg4[%add3A, %dma_wait3A_635, %dma_wait3A_636, %dma_wait3A_637] : memref<32x100x128x64xf32, #tpu.memory_space<hbm>> -> memref<1x1x128x64xf32, #tpu.memory_space<hbm>>
    %dma_wait3A_639 = tpu.memref_squeeze %dma_wait3A_638 : memref<1x1x128x64xf32, #tpu.memory_space<hbm>> -> memref<128x64xf32, #tpu.memory_space<hbm>>
    %dma_wait3A_640 = arith.constant 0 : i32
    %dma_wait3A_641 = arith.constant 0 : i32
    %dma_wait3A_642 = tpu.memref_slice %arg4[%add3A, %dma_wait3A_635, %dma_wait3A_640, %dma_wait3A_641] : memref<32x100x128x64xf32, #tpu.memory_space<hbm>> -> memref<1x1x128x64xf32, #tpu.memory_space<hbm>>
    %dma_wait3A_643 = tpu.memref_squeeze %dma_wait3A_642 : memref<1x1x128x64xf32, #tpu.memory_space<hbm>> -> memref<128x64xf32, #tpu.memory_space<hbm>>
    tpu.wait_dma2 semaphore(%arg35 : memref<!tpu.dma_semaphore, #tpu.memory_space<semaphore_mem>>) src(%arg15 : memref<128x64xf32, #tpu.memory_space<vmem>>) dst(%dma_wait3A_643 : memref<128x64xf32, #tpu.memory_space<hbm>>)
    return
  }
}

</mosaic_0001>

<sc_bundles>
// kernel: kernel.4.cloned.1.call-start
scs
__scs_entry_jumppad:
0x0: {  	(pc) =	sbr.rel $0x88, $3  }
0x1: {  	(tag) =	ssettag $0x0;
	lr =	simm.s32 $0x1  }
0x2: {  	[smem:$0x3F9F] =	sst lr;
	_ =	strace $0xD0000000  }
0x3: {  	_ = 	snop  }
0x4: {  	_ = 	snop  }
0x5: {  	_ = 	snop  }
0x6: {  	_ = 	snop  }
0x7: {  	_ = 	snop  }
__scs_overlays_trampoline_lowered:
0x8: {  	[smem:$0x3FAE] =	sst s0  }
0x9: {  	[smem:$0x3FAF] =	sst s1  }
0xa: {  	[smem:$0x3FB0] =	sst s2  }
0xb: {  	[smem:$0x3FB1] =	sst s3  }
0xc: {  	[smem:$0x3FB2] =	sst s4  }
0xd: {  	[smem:$0x3FB3] =	sst s5  }
0xe: {  	[smem:$0x3FB4] =	sst s6  }
0xf: {  	[smem:$0x3FB5] =	sst s7  }
0x10: {  	[smem:$0x3FB6] =	sst s8  }
0x11: {  	[smem:$0x3FB7] =	sst s9;
	s0 =	simm.s32 @!p0 $0x0  }
0x12: {  	s1 =	sld [smem:$0x3F9D];
	s0 =	simm.s32 @p0 $0x1  }
0x13: {  	[smem:$0x3FB8] =	sst s0;
	s0 =	simm.s32 @!p1 $0x0  }
0x14: {  	s2 =	sld [smem:$0x3F9C];
	s0 =	simm.s32 @p1 $0x1  }
0x15: {  	[smem:$0x3FB9] =	sst s0;
	s0 =	simm.s32 @!p2 $0x0  }
0x16: {  	s3 =	sld [smem:$0x3FDB];
	s0 =	simm.s32 @p2 $0x1  }
0x17: {  	s4 =	simm.s32 $0x1BF5;
	[smem:$0x3FBB] =	sst s0  }
0x18: {  	s0 =	sld [smem:$0x3F9E];
	_ =	swait.ge [sflag:s4], $0x0  }
0x19: {  	s7 =	sld [smem:$0x3F9F]  }
0x1a: {  	s8 =	sadd.s32 $0xFFFFE003, lr  }
0x1b: {  	s9 =	sadd.s32 $0xFFFFFEF7, lr;
	s5 =	simm.s32 $0xFFFFFFFF;
	p2 =	slt.u32 s8, $0xFFFFF086  }
0x1c: {  	p1 =	slt.u32 s9, $0xF7A;
	s5 =	simm.s32 @!p2 $0x0  }
0x1d: {  	s5 =	simm.s32 @p1 $0x1;
	p0 =	seq.s32 s7, s2  }
0x1e: {  	s7 =	smul.u32 @!p0 $0xF7A, s2;
	p2 =	seq.s32 @!p0 s5, $0x0  }
0x1f: {  	s9 =	smul.u32 $0xF7A, s1;
	s8 =	simm.s32 @!p0 $0x1BF5;
	p2 =	por !p2, p0  }
0x20: {  	[sflag:s8] =	ssyncset.s32 @!p0 $0xFFFFF086;
	s6 =	sadd.s32 @!p0 s3, s7;
	s7 =	simm.s32 @!p0 $0x108  }
0x21: {  	s3 =	sadd.s32 s3, s9;
	s6 =	sadd.s32 @!p0 $0x88, s6;
	s7 =	simm.s32 @p2 $0x1082  }
0x22: {  	[simem:s7], [sflag:s8] =	dma.local @!p0 [hbm:s6], $0xF7A  }
0x23: {  	s9 =	sor.u32 $0xD0000000, s2;
	s6 =	simm.s32 $0x108;
	_ =	swait.ge @!p0 [sflag:s8], $0x0  }
0x24: {  	s3 =	sadd.s32 $0x88, s3;
	s6 =	simm.s32 @!p1 $0x1082;
	[sflag:s4] =	ssyncset.s32 $0xFFFFF086  }
0x25: {  	[simem:s6], [sflag:s4] =	dma.local [hbm:s3], $0xF7A  }
0x26: {  	[smem:$0x3F9F] =	sst s1;
	(tag) =	ssettag s2;
	_ =	strace s9  }
0x27: {  	s1 =	sld [smem:$0x3FAF]  }
0x28: {  	s2 =	sld [smem:$0x3FB0]  }
0x29: {  	s4 =	sld [smem:$0x3FB2]  }
0x2a: {  	p0 =	seq.s32 s5, $0x0;
	s5 =	sld [smem:$0x3FB3]  }
0x2b: {  	s6 =	sld [smem:$0x3FB4]  }
0x2c: {  	s7 =	sld [smem:$0x3FB5]  }
0x2d: {  	s3 =	simm.s32 $0x108;
	s8 =	sld [smem:$0x3FB6]  }
0x2e: {  	s3 =	simm.s32 @!p0 $0x1082;
	s9 =	sld [smem:$0x3FB7]  }
0x2f: {  	lr =	sadd.s32 s0, s3;
	s0 =	sld [smem:$0x3FAE]  }
0x30: {  	s3 =	sld [smem:$0x3FB1]  }
0x31: {  	[smem:$0x3FBA] =	sst s10  }
0x32: {  	s10 =	sld [smem:$0x3FB8];
	_ =	sdelay $0x3  }
0x33: {  	p0 =	seq.s32 s10, $0x1;
	s10 =	sld [smem:$0x3FBA];
	_ =	sdelay $0x3  }
0x34: {  	[smem:$0x3FBA] =	sst s10  }
0x35: {  	s10 =	sld [smem:$0x3FB9];
	_ =	sdelay $0x3  }
0x36: {  	p1 =	seq.s32 s10, $0x1;
	s10 =	sld [smem:$0x3FBA];
	_ =	sdelay $0x3  }
0x37: {  	[smem:$0x3FBA] =	sst s10  }
0x38: {  	s10 =	sld [smem:$0x3FBB]  }
0x39: {  	_ = 	snop;
	(pc) =	sbr.ind lr, $3  }
0x3a: {  	_ = 	snop  }
0x3b: {  	_ = 	snop  }
0x3c: {  	p2 =	seq.s32 s10, $0x1;
	s10 =	sld [smem:$0x3FBA]  }
0x3d: {  	_ =	shalt  }
0x3e: {  	_ =	shalt  }
0x3f: {  	_ =	shalt  }
0x40: {  	_ =	shalt  }
0x41: {  	_ =	shalt  }
0x42: {  	_ =	shalt  }
0x43: {  	_ =	shalt  }
0x44: {  	_ =	shalt  }
0x45: {  	_ =	shalt  }
0x46: {  	_ =	shalt  }
0x47: {  	_ =	shalt  }
0x48: {  	_ =	shalt  }
0x49: {  	_ =	shalt  }
0x4a: {  	_ =	shalt  }
0x4b: {  	_ =	shalt  }
0x4c: {  	_ =	shalt  }
0x4d: {  	_ =	shalt  }
0x4e: {  	_ =	shalt  }
0x4f: {  	_ =	shalt  }
0x50: {  	_ =	shalt  }
0x51: {  	_ =	shalt  }
0x52: {  	_ =	shalt  }
0x53: {  	_ =	shalt  }
0x54: {  	_ =	shalt  }
0x55: {  	_ =	shalt  }
0x56: {  	_ =	shalt  }
0x57: {  	_ =	shalt  }
0x58: {  	_ =	shalt  }
0x59: {  	_ =	shalt  }
0x5a: {  	_ =	shalt  }
0x5b: {  	_ =	shalt  }
0x5c: {  	_ =	shalt  }
0x5d: {  	_ =	shalt  }
0x5e: {  	_ =	shalt  }
0x5f: {  	_ =	shalt  }
0x60: {  	_ =	shalt  }
0x61: {  	_ =	shalt  }
0x62: {  	_ =	shalt  }
0x63: {  	_ =	shalt  }
0x64: {  	_ =	shalt  }
0x65: {  	_ =	shalt  }
0x66: {  	_ =	shalt  }
0x67: {  	_ =	shalt  }
0x68: {  	_ =	shalt  }
0x69: {  	_ =	shalt  }
0x6a: {  	_ =	shalt  }
0x6b: {  	_ =	shalt  }
0x6c: {  	_ =	shalt  }
0x6d: {  	_ =	shalt  }
0x6e: {  	_ =	shalt  }
0x6f: {  	_ =	shalt  }
0x70: {  	_ =	shalt  }
0x71: {  	_ =	shalt  }
0x72: {  	_ =	shalt  }
0x73: {  	_ =	shalt  }
0x74: {  	_ =	shalt  }
0x75: {  	_ =	shalt  }
0x76: {  	_ =	shalt  }
0x77: {  	_ =	shalt  }
0x78: {  	_ =	shalt  }
0x79: {  	_ =	shalt  }
0x7a: {  	_ =	shalt  }
0x7b: {  	_ =	shalt  }
0x7c: {  	_ =	shalt  }
0x7d: {  	_ =	shalt  }
0x7e: {  	_ =	shalt  }
0x7f: {  	_ =	shalt  }
0x80: {  	_ =	shalt  }
0x81: {  	_ =	shalt  }
0x82: {  	_ =	shalt  }
0x83: {  	_ =	shalt  }
0x84: {  	_ =	shalt  }
0x85: {  	_ =	shalt  }
0x86: {  	_ =	shalt  }
0x87: {  	_ =	shalt  }
.Lfunc_end0:
.L_simem_size_0:
called_computation.2_lowered:
.L_overlay_start_0:
0x88: {  	s2 =	sld [smem:$0x3FD9]  }
0x89: {  	s3 =	sld [smem:$0x3FFE];
	_ =	sdelay $0x1  }
0x8a: {  	s1 =	srdreg.scid  }
0x8b: {  	s0 =	sand.u32 $0x1, s1  }
0x8c: {  	s17 =	sshll.u32 s0, $0xA;
	s2 =	sadd.s32 s3, s2  }
0x8d: {  	s2 =	sadd.s32 s2, s17  }
0x8e: {  	[smem:$0x3FC6] =	sst s2  }
0x8f: {  	_ = 	snop  }
0x90: {  	s18 =	sld [smem:$0x3FD0];
	(tm) =	ssettm $0x1  }
0x91: {  	s19 =	sld [smem:$0x3FFB];
	_ =	sdelay $0x3  }
0x92: {  	_ =	strace s19  }
0x93: {  	s2 =	sld [smem:$0x3FFC];
	_ =	sdelay $0x3  }
0x94: {  	_ =	strace s2  }
0x95: {  	s2 =	sld [smem:$0x3FFD];
	_ =	sdelay $0x3  }
0x96: {  	_ =	strace s2  }
0x97: {  	_ =	strace $0x8FFFFFFF  }
0x98: {  	s20 =	sld [smem:$0x3FDB];
	_ =	sdelay $0x1  }
0x99: {  	s4 =	simm.s32 $_scs_section_size  }
0x9a: {  	s5 =	simm.s32 $_size__tile_overlayer_lowered;
	s6 =	simm.s32 $_tile_overlayer_lowered  }
0x9b: {  	s7 =	simm.s32 $0x1BFF;
	s21 =	sshll.u32 s6, $0x1;
	s4 =	sadd.s32 s4, s20  }
0x9c: {  	s22 =	simm.s32 $0x0;
	s5 =	sshll.u32 s5, $0x1;
	s6 =	sadd.s32 s21, s4  }
0x9d: {  	[timem:s22], [sflag:s7] =	dma.local [hbm:s6], s5  }
0x9e: {  	_ =	swait.ge [sflag:s7], s5  }
0x9f: {  	s5 =	ssub.s32 $0x0, s5;
	[sflag:s7] =	ssyncset.done $0x0  }
0xa0: {  	[sflag:s7] =	ssyncadd.s32 s5;
	_ =	sdelay $0x1  }
0xa1: {  	s23 =	simm.s32 $0x1B8B  }
0xa2: {  	_ =	swait.ge [sflag:s23], $0x1  }
0xa3: {  	[sflag:s23] =	ssyncset.done $0x0  }
0xa4: {  	[sflag:s23] =	ssyncadd.s32 $0xFFFFFFFF  }
0xa5: {  	s5 =	sld [smem:$0x0]  }
0xa6: {  	s6 =	sand.u32 $0xFFFFFFFE, s1  }
0xa7: {  	p0 =	sne.s32 s1, s6  }
0xa8: {  	s6 =	sshll.u32 @p0 s6, $0xE  }
0xa9: {  	s6 =	sadd.s32 @p0 $0x11B8D, s6;
	s7 =	sshll.u32 @p0 s5, $0x11  }
0xaa: {  	s6 =	sor.u32 @p0 s7, s6  }
0xab: {  	[sflag:s6] =	ssyncadd.remote.s32 @p0 $0x1;
	_ =	sdelay $0x1  }
0xac: {  	s6 =	simm.s32 @p0 $0x1B8D  }
0xad: {  	_ =	swait.eq @p0 [sflag:s6], $0x1  }
0xae: {  	[sflag:s6] =	ssyncadd.s32 @p0 $0xFFFFFFFF  }
0xaf: {  	s7 =	sshll.u32 @!p0 s1, $0xE  }
0xb0: {  	s7 =	sor.u32 @!p0 $0x4000, s7;
	s6 =	simm.s32 @!p0 $0x1B8D  }
0xb1: {  	s5 =	sshll.u32 @!p0 s5, $0x11;
	s7 =	sadd.s32 @!p0 $0x11B8D, s7;
	_ =	swait.eq @!p0 [sflag:s6], $0x1  }
0xb2: {  	s5 =	sor.u32 @!p0 s5, s7;
	[sflag:s6] =	ssyncadd.s32 @!p0 $0xFFFFFFFF  }
0xb3: {  	s25 =	simm.s32 $0x1B8E;
	s24 =	sld [smem:$0x3FFE];
	[sflag:s5] =	ssyncadd.remote.s32 @!p0 $0x1  }
0xb4: {  	s26 =	simm.s32 $execute0_lowered;
	[smem:$0x3FD2] =	sst s25  }
0xb5: {  	s6 =	sshll.u32 s26, $0x1;
	_ =	strace $0x80000049;
	[dreg:$0x1] =	wrdreg $0xFFFFFFFF  }
0xb6: {  	s28 =	simm.s32 $_size_execute0_lowered;
	s4 =	sadd.s32 s4, s6;
	[dreg:$0x0] =	wrdreg $0x0  }
0xb7: {  	s6 =	sshll.u32 s28, $0x1;
	[dreg:$0x2] =	wrdreg s4  }
0xb8: {  	[dreg:$0x3] =	wrdreg s6  }
0xb9: {  	[dreg:$0x4] =	wrdreg $0xC0  }
0xba: {  	_ =	task [dreg:s22], $0x5FFFF  }
0xbb: {  	[dreg:$0x1] =	wrdreg $0xFFFFFFFF  }
0xbc: {  	[dreg:$0x0] =	wrdreg $0x60  }
0xbd: {  	[dreg:$0x2] =	wrdreg s24  }
0xbe: {  	[dreg:$0x3] =	wrdreg s18  }
0xbf: {  	[dreg:$0x4] =	wrdreg $0xA  }
0xc0: {  	_ =	task.clear_ibuf [dreg:s22], $0x5FFFF;
	_ =	strace $0x90000049  }
0xc1: {  	s29 =	simm.s32 $0xA;
	_ =	strace $0x8000004B  }
0xc2: {  	_ =	swait.ge [sflag:s29], $0x1  }
0xc3: {  	[sflag:s29] =	ssyncadd.s32 $0xFFFFFFFF  }
0xc4: {  	_ =	strace $0x9000004B  }
0xc5: {  	_ =	sfence  }
0xc6: {  	s30 =	sld [smem:$0x0];
	_ =	sdelay $0x2  }
0xc7: {  	s31 =	sshll.u32 s1, $0xD;
	s1 =	sshrl.u32 s1, $0x2  }
0xc8: {  	s4 =	sand.u32 $0x4000, s31;
	s1 =	sadd.s32 s1, s30  }
0xc9: {  	s0 =	sor.u32 s4, s0;
	s1 =	sshll.u32 s1, $0x11  }
0xca: {  	s0 =	sor.u32 s1, s0  }
0xcb: {  	s0 =	sadd.s32 $0x8F2B, s0  }
0xcc: {  	[sflag:s0] =	ssyncadd.remote.s32 $0x1  }
0xcd: {  	_ =	sfence.sel $0xFFFF  }
0xce: {  	[dreg:$0x0] =	wrdreg $0xFFFFFFFF;
	(pc) =	sbr.abs _section_cstart, $3  }
0xcf: {  	[dreg:$0x1] =	wrdreg $0xFFFFFFFF  }
0xd0: {  	_ =	task.clear_ibuf [dreg:s22], $0x2FFFF;
	_ =	strace $0x9FFFFFFF  }
0xd1: {  	(tm) =	ssettm $0x7FFFFFFF  }
tec
execute0_lowered:
.L_overlay_start_1:
0x0: {  	(tag) =	ssettag $0x1  }
0x1: {  	s0 =	srdreg.scid  }
0x2: {  	s7 =	stileid.u32;
	s1 =	rddreg [dreg:$0x0];
	s3 =	simm.s32 $0x0  }
0x3: {  	s0 =	sand.u32 $0x1, s0;
	s2 =	sshll.u32 s7, $0x1;
	s14 =	smul.u32 $0x190000, s7  }
0x4: {  	s2 =	sor.u32 s0, s2;
	s6 =	ssub.s32 $0x2, s0;
	s0 =	smul.u32 $0xC8000, s0  }
0x5: {  	[smem:$0x7FF] =	sst s3;
	s4 =	smul.u32 $0x640, s2  }
0x6: {  	s13 =	rddreg [dreg:$0x1];
	_ =	strace $0x8000004A;
	s2 =	smul.u32 $0xC8000, s2  }
0x7: {  	s0 =	sadd.s32 s0, s14;
	s5 =	sadd.s32 s4, s1;
	s4 =	sadd.s32 $0xF43A00, s1  }
0x8: {  	s8 =	sshrl.u32 s6, $0x1;
	s26 =	sadd.s32 $0x1A000, s0;
	s5 =	sadd.s32 $0x32DE00, s5  }
0x9: {  	s1 =	ssub.s32 s6, s8;
	s7 =	sshrl.u32 s26, $0x3;
	[dreg:$0xc] =	wrdreg s5  }
0xa: {  	s2 =	sshrl.u32 s2, $0x3;
	s1 =	smax.u32 s1, $0x1;
	[dreg:$0x4] =	wrdreg s7  }
0xb: {  	s6 =	sadd.s32 s13, s2;
	[dreg:$0x1f] =	wrdreg s1  }
0xc: {  	s2 =	sadd.s32 $0x400, s6;
	[dreg:$0xd] =	wrdreg s6  }
0xd: {  	s9 =	sadd.s32 $0x800, s6;
	[dreg:$0xe] =	wrdreg s2  }
0xe: {  	s10 =	sadd.s32 $0xC00, s6;
	[dreg:$0xf] =	wrdreg s9  }
0xf: {  	s11 =	sadd.s32 $0x1000, s6;
	[dreg:$0x10] =	wrdreg s10  }
0x10: {  	s12 =	sadd.s32 $0x1400, s6;
	[dreg:$0x11] =	wrdreg s11  }
0x11: {  	s15 =	sadd.s32 $0x1800, s6;
	[dreg:$0x12] =	wrdreg s12  }
0x12: {  	s16 =	sadd.s32 $0x1C00, s6;
	[dreg:$0x13] =	wrdreg s15  }
0x13: {  	s17 =	sadd.s32 $0x2000, s6;
	[dreg:$0x14] =	wrdreg s16  }
0x14: {  	s30 =	simm.s32 $0x80;
	s18 =	sadd.s32 $0x2400, s6;
	[dreg:$0x15] =	wrdreg s17  }
0x15: {  	s28 =	simm.s32 $0xA;
	s19 =	sadd.s32 $0x16800, s6;
	[dreg:$0x16] =	wrdreg s18  }
0x16: {  	s29 =	simm.s32 $0x10;
	s20 =	sadd.s32 $0x16C00, s6;
	[dreg:$0x17] =	wrdreg s19  }
0x17: {  	s31 =	simm.s32 $0x13;
	s21 =	sadd.s32 $0x17000, s6;
	[dreg:$0x18] =	wrdreg s20  }
0x18: {  	s24 =	sadd.s32 $0x1C000, s0;
	s22 =	sadd.s32 $0x17400, s6;
	[dreg:$0x19] =	wrdreg s21  }
0x19: {  	s8 =	sadd.s32 $0x18000, s0;
	s23 =	sadd.s32 $0x17800, s6;
	[dreg:$0x1a] =	wrdreg s22  }
0x1a: {  	s25 =	sadd.s32 $0x17C00, s6;
	s26 =	sadd.s32 $0x18C00, s6;
	[dreg:$0x1b] =	wrdreg s23  }
0x1b: {  	s1 =	simm.s32 $0x14;
	[dreg:$0x1c] =	wrdreg s25;
	s2 =	sshrl.u32 s24, $0x3  }
0x1c: {  	s9 =	sshrl.u32 s8, $0x3;
	s10 =	sadd.s32 $0x16000, s0;
	[smem:$0x7FD] =	sst s26  }
0x1d: {  	s12 =	sadd.s32 $0x26000, s0;
	s15 =	sadd.s32 $0x24000, s0;
	[dreg:$0x3] =	wrdreg s2  }
0x1e: {  	s17 =	sadd.s32 $0x22000, s0;
	s22 =	sadd.s32 $0x18000, s6;
	[dreg:$0x5] =	wrdreg s9  }
0x1f: {  	s19 =	sadd.s32 $0x20000, s0;
	s24 =	sadd.s32 $0x18400, s6;
	[dreg:$0x1d] =	wrdreg s22  }
0x20: {  	s21 =	sadd.s32 $0x1E000, s0;
	s0 =	sadd.s32 $0x14000, s0;
	[dreg:$0x1e] =	wrdreg s24  }
0x21: {  	s5 =	simm.s32 $0x0;
	s25 =	sadd.s32 $0x18800, s6;
	[smem:$0x7FB] =	sst s0  }
0x22: {  	s26 =	simm.s32 $0xE;
	s11 =	sshrl.u32 s10, $0x3;
	[smem:$0x7FC] =	sst s25  }
0x23: {  	s6 =	simm.s32 $0xF;
	s14 =	sshrl.u32 s12, $0x3;
	[dreg:$0x6] =	wrdreg s11  }
0x24: {  	s16 =	sshrl.u32 s15, $0x3;
	s18 =	sshrl.u32 s17, $0x3;
	[dreg:$0x7] =	wrdreg s14  }
0x25: {  	s20 =	sshrl.u32 s19, $0x3;
	s23 =	sshrl.u32 s21, $0x3;
	[dreg:$0x8] =	wrdreg s16  }
0x26: {  	s21 =	simm.s32 $0xC;
	s22 =	simm.s32 $0x8;
	[dreg:$0x9] =	wrdreg s18  }
0x27: {  	s24 =	simm.s32 $0x9;
	s25 =	simm.s32 $0x11;
	[dreg:$0xa] =	wrdreg s20  }
0x28: {  	s2 =	simm.s32 $0x12;
	[dreg:$0xb] =	wrdreg s23;
	s23 =	simm.s32 $0xD  }
.LBB2_1:
0x29: {  	[smem:$0x7FA] =	sst s5  }
0x2a: {  	s0 =	rddreg [dreg:$0xc];
	s8 =	simm.s32 $0x15  }
0x2b: {  	[tilespmem:s3], [sflag:$0x15] =	stream.linear.gather [hbm4b:s0+s3], $0x3200, $0x38;
	[tilespmem:$0x17200] =	vst v63  }
0x2c: {  	_ =	swait.ge [sflag:s8], $0x3200  }
0x2d: {  	[sflag:s8] =	ssyncset.done $0x0  }
0x2e: {  	s15 =	simm.s32 $0x3200;
	[sflag:s8] =	ssyncadd.s32 $0xFFFFCE00  }
0x2f: {  	[tilespmem:s15], [sflag:$0x1] =	stream.indirect.gather [hbm4b:s4+s30], $0x40, s3, s30, $0xb8;
	[tilespmem:$0x17200] =	vst v63  }
0x30: {  	s20 =	simm.s32 $0x5200  }
0x31: {  	[tilespmem:s20], [sflag:$0x2] =	stream.indirect.gather [hbm4b:s4+s30], $0x40, s30, s30, $0xb8;
	[tilespmem:$0x17200] =	vst v63  }
0x32: {  	s9 =	simm.s32 $0x100;
	s10 =	simm.s32 $0x7200  }
0x33: {  	[tilespmem:s10], [sflag:$0x3] =	stream.indirect.gather [hbm4b:s4+s30], $0x40, s9, s30, $0xb8;
	[tilespmem:$0x17200] =	vst v63  }
0x34: {  	s11 =	simm.s32 $0x180;
	s12 =	simm.s32 $0x9200  }
0x35: {  	[tilespmem:s12], [sflag:$0x4] =	stream.indirect.gather [hbm4b:s4+s30], $0x40, s11, s30, $0xb8;
	[tilespmem:$0x17200] =	vst v63  }
0x36: {  	s14 =	simm.s32 $0x200;
	s17 =	simm.s32 $0xB200;
	s12 =	simm.s32 $0x1  }
0x37: {  	[tilespmem:s17], [sflag:$0x5] =	stream.indirect.gather [hbm4b:s4+s30], $0x40, s14, s30, $0xb8;
	[tilespmem:$0x17200] =	vst v63  }
0x38: {  	_ =	swait.ge [sflag:s12], $0x2000  }
0x39: {  	[sflag:s12] =	ssyncset.done $0x0  }
0x3a: {  	s16 =	rddreg [dreg:$0xd];
	[sflag:s12] =	ssyncadd.s32 $0xFFFFE000  }
0x3b: {  	[hbm4b:s16+s3] =	stream.linear.scatter [tilespmem:s15], [sflag:$0xB], $0x2000, $0x38;
	[tilespmem:$0x17200] =	vst v63  }
0x3c: {  	s18 =	simm.s32 $0x280;
	s8 =	simm.s32 $0xD200;
	s14 =	simm.s32 $0x2  }
0x3d: {  	[tilespmem:s8], [sflag:$0x6] =	stream.indirect.gather [hbm4b:s4+s30], $0x40, s18, s30, $0xb8;
	[tilespmem:$0x17200] =	vst v63  }
0x3e: {  	_ =	swait.ge [sflag:s14], $0x2000  }
0x3f: {  	[sflag:s14] =	ssyncset.done $0x0  }
0x40: {  	s19 =	rddreg [dreg:$0xe];
	[sflag:s14] =	ssyncadd.s32 $0xFFFFE000  }
0x41: {  	[hbm4b:s19+s3] =	stream.linear.scatter [tilespmem:s20], [sflag:$0xC], $0x2000, $0x38;
	[tilespmem:$0x17200] =	vst v63  }
0x42: {  	s10 =	simm.s32 $0xF200;
	s16 =	simm.s32 $0x3;
	s8 =	simm.s32 $0x300  }
0x43: {  	[tilespmem:s10], [sflag:$0x7] =	stream.indirect.gather [hbm4b:s4+s30], $0x40, s8, s30, $0xb8;
	[tilespmem:$0x17200] =	vst v63  }
0x44: {  	_ =	swait.ge [sflag:s16], $0x2000  }
0x45: {  	[sflag:s16] =	ssyncset.done $0x0  }
0x46: {  	s7 =	simm.s32 $0x7200;
	s11 =	rddreg [dreg:$0xf];
	[sflag:s16] =	ssyncadd.s32 $0xFFFFE000  }
0x47: {  	[hbm4b:s11+s3] =	stream.linear.scatter [tilespmem:s7], [sflag:$0xD], $0x2000, $0x38;
	[tilespmem:$0x17200] =	vst v63  }
0x48: {  	s18 =	simm.s32 $0x380;
	s19 =	simm.s32 $0x11200  }
0x49: {  	[tilespmem:s19], [sflag:$0x8] =	stream.indirect.gather [hbm4b:s4+s30], $0x40, s18, s30, $0xb8;
	[tilespmem:$0x17200] =	vst v63  }
0x4a: {  	s18 =	simm.s32 $0x4  }
0x4b: {  	_ =	swait.ge [sflag:s18], $0x2000  }
0x4c: {  	[sflag:s18] =	ssyncset.done $0x0  }
0x4d: {  	s5 =	simm.s32 $0x9200;
	s7 =	rddreg [dreg:$0x10];
	[sflag:s18] =	ssyncadd.s32 $0xFFFFE000  }
0x4e: {  	[hbm4b:s7+s3] =	stream.linear.scatter [tilespmem:s5], [sflag:$0xE], $0x2000, $0x38;
	[tilespmem:$0x17200] =	vst v63  }
0x4f: {  	s8 =	simm.s32 $0x400;
	s19 =	simm.s32 $0x13200  }
0x50: {  	[tilespmem:s19], [sflag:$0x9] =	stream.indirect.gather [hbm4b:s4+s30], $0x40, s8, s30, $0xb8;
	[tilespmem:$0x17200] =	vst v63  }
0x51: {  	s19 =	simm.s32 $0x5  }
0x52: {  	_ =	swait.ge [sflag:s19], $0x2000  }
0x53: {  	[sflag:s19] =	ssyncset.done $0x0  }
0x54: {  	s5 =	rddreg [dreg:$0x11];
	[sflag:s19] =	ssyncadd.s32 $0xFFFFE000  }
0x55: {  	[hbm4b:s5+s3] =	stream.linear.scatter [tilespmem:s17], [sflag:$0xF], $0x2000, $0x38;
	[tilespmem:$0x17200] =	vst v63  }
0x56: {  	s7 =	simm.s32 $0x480;
	s8 =	simm.s32 $0x15200;
	s5 =	simm.s32 $0x6  }
0x57: {  	[tilespmem:s8], [sflag:$0xA] =	stream.indirect.gather [hbm4b:s4+s30], $0x40, s7, s30, $0xb8;
	[tilespmem:$0x17200] =	vst v63  }
0x58: {  	_ =	swait.ge [sflag:s5], $0x2000  }
0x59: {  	[sflag:s5] =	ssyncset.done $0x0  }
0x5a: {  	s9 =	simm.s32 $0xD200;
	s7 =	rddreg [dreg:$0x12];
	[sflag:s5] =	ssyncadd.s32 $0xFFFFE000  }
0x5b: {  	[hbm4b:s7+s3] =	stream.linear.scatter [tilespmem:s9], [sflag:$0x10], $0x2000, $0x38;
	[tilespmem:$0x17200] =	vst v63  }
0x5c: {  	s7 =	simm.s32 $0xB  }
0x5d: {  	_ =	swait.ge [sflag:s7], $0x2000  }
0x5e: {  	[sflag:s7] =	ssyncset.done $0x0  }
0x5f: {  	s8 =	simm.s32 $0x500;
	[sflag:s7] =	ssyncadd.s32 $0xFFFFE000  }
0x60: {  	[tilespmem:s15], [sflag:$0x1] =	stream.indirect.gather [hbm4b:s4+s30], $0x40, s8, s30, $0xb8;
	[tilespmem:$0x17200] =	vst v63  }
0x61: {  	s8 =	simm.s32 $0x7  }
0x62: {  	_ =	swait.ge [sflag:s8], $0x2000  }
0x63: {  	[sflag:s8] =	ssyncset.done $0x0  }
0x64: {  	s10 =	simm.s32 $0xF200;
	s9 =	rddreg [dreg:$0x13];
	[sflag:s8] =	ssyncadd.s32 $0xFFFFE000  }
0x65: {  	[hbm4b:s9+s3] =	stream.linear.scatter [tilespmem:s10], [sflag:$0x11], $0x2000, $0x38;
	[tilespmem:$0x17200] =	vst v63  }
0x66: {  	_ =	swait.ge [sflag:s21], $0x2000  }
0x67: {  	[sflag:s21] =	ssyncset.done $0x0  }
0x68: {  	s10 =	simm.s32 $0x580;
	[sflag:s21] =	ssyncadd.s32 $0xFFFFE000  }
0x69: {  	[tilespmem:s20], [sflag:$0x2] =	stream.indirect.gather [hbm4b:s4+s30], $0x40, s10, s30, $0xb8;
	[tilespmem:$0x17200] =	vst v63  }
0x6a: {  	_ =	swait.ge [sflag:s22], $0x2000  }
0x6b: {  	[sflag:s22] =	ssyncset.done $0x0  }
0x6c: {  	s11 =	simm.s32 $0x11200;
	s9 =	rddreg [dreg:$0x14];
	[sflag:s22] =	ssyncadd.s32 $0xFFFFE000  }
0x6d: {  	[hbm4b:s9+s3] =	stream.linear.scatter [tilespmem:s11], [sflag:$0x12], $0x2000, $0x38;
	[tilespmem:$0x17200] =	vst v63  }
0x6e: {  	_ =	swait.ge [sflag:s23], $0x2000  }
0x6f: {  	[sflag:s23] =	ssyncset.done $0x0  }
0x70: {  	s10 =	simm.s32 $0x600;
	s11 =	simm.s32 $0x7200;
	[sflag:s23] =	ssyncadd.s32 $0xFFFFE000  }
0x71: {  	[tilespmem:s11], [sflag:$0x3] =	stream.indirect.gather [hbm4b:s4+s30], $0x40, s10, s30, $0xb8;
	[tilespmem:$0x17200] =	vst v63  }
0x72: {  	_ =	swait.ge [sflag:s24], $0x2000  }
0x73: {  	[sflag:s24] =	ssyncset.done $0x0  }
0x74: {  	s10 =	simm.s32 $0x13200;
	s9 =	rddreg [dreg:$0x15];
	[sflag:s24] =	ssyncadd.s32 $0xFFFFE000  }
0x75: {  	[hbm4b:s9+s3] =	stream.linear.scatter [tilespmem:s10], [sflag:$0x13], $0x2000, $0x38;
	[tilespmem:$0x17200] =	vst v63  }
0x76: {  	_ =	swait.ge [sflag:s26], $0x2000  }
0x77: {  	[sflag:s26] =	ssyncset.done $0x0  }
0x78: {  	s9 =	simm.s32 $0x680;
	s10 =	simm.s32 $0x9200;
	[sflag:s26] =	ssyncadd.s32 $0xFFFFE000  }
0x79: {  	[tilespmem:s10], [sflag:$0x4] =	stream.indirect.gather [hbm4b:s4+s30], $0x40, s9, s30, $0xb8;
	[tilespmem:$0x17200] =	vst v63  }
0x7a: {  	_ =	swait.ge [sflag:s28], $0x2000  }
0x7b: {  	[sflag:s28] =	ssyncset.done $0x0  }
0x7c: {  	s9 =	simm.s32 $0x15200;
	s0 =	rddreg [dreg:$0x16];
	[sflag:s28] =	ssyncadd.s32 $0xFFFFE000  }
0x7d: {  	[hbm4b:s0+s3] =	stream.linear.scatter [tilespmem:s9], [sflag:$0x14], $0x2000, $0x38;
	[tilespmem:$0x17200] =	vst v63  }
0x7e: {  	_ =	swait.ge [sflag:s6], $0x2000  }
0x7f: {  	[sflag:s6] =	ssyncset.done $0x0  }
0x80: {  	s9 =	simm.s32 $0x700;
	[sflag:s6] =	ssyncadd.s32 $0xFFFFE000  }
0x81: {  	[tilespmem:s17], [sflag:$0x5] =	stream.indirect.gather [hbm4b:s4+s30], $0x40, s9, s30, $0xb8;
	[tilespmem:$0x17200] =	vst v63  }
0x82: {  	_ =	swait.ge [sflag:s12], $0x2000  }
0x83: {  	s9 =	sld [smem:$0x7FB];
	_ =	sdelay $0x2  }
0x84: {  	[sflag:s12] =	ssyncset.done $0x0;
	s0 =	sshrl.u32 s9, $0x3  }
0x85: {  	[sflag:s12] =	ssyncadd.s32 $0xFFFFE000;
	s0 =	sadd.s32 s13, s0  }
0x86: {  	[hbm4b:s0+s3] =	stream.linear.scatter [tilespmem:s15], [sflag:$0xB], $0x2000, $0x38;
	[tilespmem:$0x17200] =	vst v63  }
0x87: {  	_ =	swait.ge [sflag:s29], $0x2000  }
0x88: {  	[sflag:s29] =	ssyncset.done $0x0  }
0x89: {  	s12 =	simm.s32 $0xD200;
	s0 =	simm.s32 $0x780;
	[sflag:s29] =	ssyncadd.s32 $0xFFFFE000  }
0x8a: {  	[tilespmem:s12], [sflag:$0x6] =	stream.indirect.gather [hbm4b:s4+s30], $0x40, s0, s30, $0xb8;
	[tilespmem:$0x17200] =	vst v63  }
0x8b: {  	_ =	swait.ge [sflag:s14], $0x2000  }
0x8c: {  	s12 =	rddreg [dreg:$0x6];
	[sflag:s14] =	ssyncset.done $0x0  }
0x8d: {  	[sflag:s14] =	ssyncadd.s32 $0xFFFFE000;
	s0 =	sadd.s32 s13, s12  }
0x8e: {  	[hbm4b:s0+s3] =	stream.linear.scatter [tilespmem:s20], [sflag:$0xC], $0x2000, $0x38;
	[tilespmem:$0x17200] =	vst v63  }
0x8f: {  	_ =	swait.ge [sflag:s25], $0x2000  }
0x90: {  	[sflag:s25] =	ssyncset.done $0x0  }
0x91: {  	s12 =	simm.s32 $0x800;
	s14 =	simm.s32 $0xF200;
	[sflag:s25] =	ssyncadd.s32 $0xFFFFE000  }
0x92: {  	[tilespmem:s14], [sflag:$0x7] =	stream.indirect.gather [hbm4b:s4+s30], $0x40, s12, s30, $0xb8;
	[tilespmem:$0x17200] =	vst v63  }
0x93: {  	_ =	swait.ge [sflag:s16], $0x2000  }
0x94: {  	s12 =	rddreg [dreg:$0x5];
	[sflag:s16] =	ssyncset.done $0x0  }
0x95: {  	s11 =	simm.s32 $0x7200;
	[sflag:s16] =	ssyncadd.s32 $0xFFFFE000;
	s0 =	sadd.s32 s13, s12  }
0x96: {  	[hbm4b:s0+s3] =	stream.linear.scatter [tilespmem:s11], [sflag:$0xD], $0x2000, $0x38;
	[tilespmem:$0x17200] =	vst v63  }
0x97: {  	_ =	swait.ge [sflag:s2], $0x2000  }
0x98: {  	[sflag:s2] =	ssyncset.done $0x0  }
0x99: {  	s12 =	simm.s32 $0x880;
	s16 =	simm.s32 $0x11200;
	[sflag:s2] =	ssyncadd.s32 $0xFFFFE000  }
0x9a: {  	[tilespmem:s16], [sflag:$0x8] =	stream.indirect.gather [hbm4b:s4+s30], $0x40, s12, s30, $0xb8;
	[tilespmem:$0x17200] =	vst v63  }
0x9b: {  	_ =	swait.ge [sflag:s18], $0x2000  }
0x9c: {  	s12 =	rddreg [dreg:$0x4];
	[sflag:s18] =	ssyncset.done $0x0  }
0x9d: {  	s10 =	simm.s32 $0x9200;
	[sflag:s18] =	ssyncadd.s32 $0xFFFFE000;
	s0 =	sadd.s32 s13, s12  }
0x9e: {  	[hbm4b:s0+s3] =	stream.linear.scatter [tilespmem:s10], [sflag:$0xE], $0x2000, $0x38;
	[tilespmem:$0x17200] =	vst v63  }
0x9f: {  	_ =	swait.ge [sflag:s31], $0x2000  }
0xa0: {  	[sflag:s31] =	ssyncset.done $0x0  }
0xa1: {  	s18 =	simm.s32 $0x900;
	s12 =	simm.s32 $0x13200;
	[sflag:s31] =	ssyncadd.s32 $0xFFFFE000  }
0xa2: {  	[tilespmem:s12], [sflag:$0x9] =	stream.indirect.gather [hbm4b:s4+s30], $0x40, s18, s30, $0xb8;
	[tilespmem:$0x17200] =	vst v63  }
0xa3: {  	_ =	swait.ge [sflag:s19], $0x2000  }
0xa4: {  	s11 =	rddreg [dreg:$0x3];
	[sflag:s19] =	ssyncset.done $0x0  }
0xa5: {  	[sflag:s19] =	ssyncadd.s32 $0xFFFFE000;
	s0 =	sadd.s32 s13, s11  }
0xa6: {  	[hbm4b:s0+s3] =	stream.linear.scatter [tilespmem:s17], [sflag:$0xF], $0x2000, $0x38;
	[tilespmem:$0x17200] =	vst v63  }
0xa7: {  	_ =	swait.ge [sflag:s1], $0x2000  }
0xa8: {  	[sflag:s1] =	ssyncset.done $0x0  }
0xa9: {  	s11 =	simm.s32 $0x15200;
	s17 =	simm.s32 $0x980;
	[sflag:s1] =	ssyncadd.s32 $0xFFFFE000  }
0xaa: {  	[tilespmem:s11], [sflag:$0xA] =	stream.indirect.gather [hbm4b:s4+s30], $0x40, s17, s30, $0xb8;
	[tilespmem:$0x17200] =	vst v63  }
0xab: {  	_ =	swait.ge [sflag:s5], $0x2000  }
0xac: {  	s18 =	rddreg [dreg:$0xb];
	[sflag:s5] =	ssyncset.done $0x0  }
0xad: {  	s19 =	simm.s32 $0xD200;
	[sflag:s5] =	ssyncadd.s32 $0xFFFFE000;
	s0 =	sadd.s32 s13, s18  }
0xae: {  	[hbm4b:s0+s3] =	stream.linear.scatter [tilespmem:s19], [sflag:$0x10], $0x2000, $0x38;
	[tilespmem:$0x17200] =	vst v63  }
0xaf: {  	_ =	swait.ge [sflag:s7], $0x2000  }
0xb0: {  	[sflag:s7] =	ssyncset.done $0x0  }
0xb1: {  	s5 =	simm.s32 $0xA00;
	[sflag:s7] =	ssyncadd.s32 $0xFFFFE000  }
0xb2: {  	[tilespmem:s15], [sflag:$0x1] =	stream.indirect.gather [hbm4b:s4+s30], $0x40, s5, s30, $0xb8;
	[tilespmem:$0x17200] =	vst v63  }
0xb3: {  	_ =	swait.ge [sflag:s8], $0x2000  }
0xb4: {  	s7 =	rddreg [dreg:$0xa];
	[sflag:s8] =	ssyncset.done $0x0  }
0xb5: {  	s14 =	simm.s32 $0xF200;
	[sflag:s8] =	ssyncadd.s32 $0xFFFFE000;
	s0 =	sadd.s32 s13, s7  }
0xb6: {  	[hbm4b:s0+s3] =	stream.linear.scatter [tilespmem:s14], [sflag:$0x11], $0x2000, $0x38;
	[tilespmem:$0x17200] =	vst v63  }
0xb7: {  	_ =	swait.ge [sflag:s21], $0x2000  }
0xb8: {  	[sflag:s21] =	ssyncset.done $0x0  }
0xb9: {  	s14 =	simm.s32 $0xA80;
	[sflag:s21] =	ssyncadd.s32 $0xFFFFE000  }
0xba: {  	[tilespmem:s20], [sflag:$0x2] =	stream.indirect.gather [hbm4b:s4+s30], $0x40, s14, s30, $0xb8;
	[tilespmem:$0x17200] =	vst v63  }
0xbb: {  	_ =	swait.ge [sflag:s22], $0x2000  }
0xbc: {  	s15 =	rddreg [dreg:$0x9];
	[sflag:s22] =	ssyncset.done $0x0  }
0xbd: {  	s16 =	simm.s32 $0x11200;
	[sflag:s22] =	ssyncadd.s32 $0xFFFFE000;
	s0 =	sadd.s32 s13, s15  }
0xbe: {  	[hbm4b:s0+s3] =	stream.linear.scatter [tilespmem:s16], [sflag:$0x12], $0x2000, $0x38;
	[tilespmem:$0x17200] =	vst v63  }
0xbf: {  	_ =	swait.ge [sflag:s23], $0x2000  }
0xc0: {  	[sflag:s23] =	ssyncset.done $0x0  }
0xc1: {  	s17 =	simm.s32 $0x7200;
	s16 =	simm.s32 $0xB00;
	[sflag:s23] =	ssyncadd.s32 $0xFFFFE000  }
0xc2: {  	[tilespmem:s17], [sflag:$0x3] =	stream.indirect.gather [hbm4b:s4+s30], $0x40, s16, s30, $0xb8;
	[tilespmem:$0x17200] =	vst v63  }
0xc3: {  	_ =	swait.ge [sflag:s24], $0x2000  }
0xc4: {  	s18 =	rddreg [dreg:$0x8];
	[sflag:s24] =	ssyncset.done $0x0  }
0xc5: {  	[sflag:s24] =	ssyncadd.s32 $0xFFFFE000;
	s0 =	sadd.s32 s13, s18  }
0xc6: {  	[hbm4b:s0+s3] =	stream.linear.scatter [tilespmem:s12], [sflag:$0x13], $0x2000, $0x38;
	[tilespmem:$0x17200] =	vst v63  }
0xc7: {  	_ =	swait.ge [sflag:s26], $0x2000  }
0xc8: {  	[sflag:s26] =	ssyncset.done $0x0  }
0xc9: {  	s10 =	simm.s32 $0x9200;
	s19 =	simm.s32 $0xB80;
	[sflag:s26] =	ssyncadd.s32 $0xFFFFE000  }
0xca: {  	[tilespmem:s10], [sflag:$0x4] =	stream.indirect.gather [hbm4b:s4+s30], $0x40, s19, s30, $0xb8;
	[tilespmem:$0x17200] =	vst v63  }
0xcb: {  	_ =	swait.ge [sflag:s28], $0x2000  }
0xcc: {  	s20 =	rddreg [dreg:$0x7];
	[sflag:s28] =	ssyncset.done $0x0  }
0xcd: {  	[sflag:s28] =	ssyncadd.s32 $0xFFFFE000;
	s0 =	sadd.s32 s13, s20  }
0xce: {  	[hbm4b:s0+s3] =	stream.linear.scatter [tilespmem:s11], [sflag:$0x14], $0x2000, $0x38;
	[tilespmem:$0x17200] =	vst v63  }
0xcf: {  	_ =	swait.ge [sflag:s6], $0x2000  }
0xd0: {  	s5 =	sadd.s32 $0x14000, s9;
	s9 =	simm.s32 $0xC00;
	[sflag:s6] =	ssyncset.done $0x0  }
0xd1: {  	s7 =	sadd.s32 $0x2800, s13;
	s0 =	simm.s32 $0x1400;
	[sflag:s6] =	ssyncadd.s32 $0xFFFFE000  }
.LBB2_2:
0xd2: {  	s17 =	simm.s32 $0xB200;
	s8 =	simm.s32 $0x1  }
0xd3: {  	[tilespmem:s17], [sflag:$0x5] =	stream.indirect.gather [hbm4b:s4+s30], $0x40, s9, s30, $0xb8;
	[tilespmem:$0x17200] =	vst v63  }
0xd4: {  	_ =	swait.ge [sflag:s8], $0x2000  }
0xd5: {  	s11 =	sshrl.u32 s5, $0x3;
	[sflag:s8] =	ssyncset.done $0x0  }
0xd6: {  	s15 =	simm.s32 $0x3200;
	s11 =	sadd.s32 s13, s11;
	[sflag:s8] =	ssyncadd.s32 $0xFFFFE000  }
0xd7: {  	[hbm4b:s11+s3] =	stream.linear.scatter [tilespmem:s15], [sflag:$0xB], $0x2000, $0x38;
	[tilespmem:$0x17200] =	vst v63  }
0xd8: {  	s10 =	smov.u32 s0;
	_ =	swait.ge [sflag:s29], $0x2000  }
0xd9: {  	s14 =	simm.s32 $0xD200;
	s9 =	sshra.s32 s10, $0x2;
	[sflag:s29] =	ssyncset.done $0x0  }
0xda: {  	s16 =	simm.s32 $0x2;
	s12 =	sadd.s32 $0x780, s9;
	[sflag:s29] =	ssyncadd.s32 $0xFFFFE000  }
0xdb: {  	[tilespmem:s14], [sflag:$0x6] =	stream.indirect.gather [hbm4b:s4+s30], $0x40, s12, s30, $0xb8;
	[tilespmem:$0x17200] =	vst v63  }
0xdc: {  	_ =	swait.ge [sflag:s16], $0x2000  }
0xdd: {  	s18 =	rddreg [dreg:$0x6];
	[sflag:s16] =	ssyncset.done $0x0  }
0xde: {  	s8 =	simm.s32 $0x5200;
	[sflag:s16] =	ssyncadd.s32 $0xFFFFE000;
	s11 =	sadd.s32 s7, s18  }
0xdf: {  	[hbm4b:s11+s3] =	stream.linear.scatter [tilespmem:s8], [sflag:$0xC], $0x2000, $0x38;
	[tilespmem:$0x17200] =	vst v63  }
0xe0: {  	_ =	swait.ge [sflag:s25], $0x2000  }
0xe1: {  	s10 =	simm.s32 $0x3;
	[sflag:s25] =	ssyncset.done $0x0  }
0xe2: {  	s19 =	sadd.s32 $0x800, s9;
	s16 =	simm.s32 $0xF200;
	[sflag:s25] =	ssyncadd.s32 $0xFFFFE000  }
0xe3: {  	[tilespmem:s16], [sflag:$0x7] =	stream.indirect.gather [hbm4b:s4+s30], $0x40, s19, s30, $0xb8;
	[tilespmem:$0x17200] =	vst v63  }
0xe4: {  	_ =	swait.ge [sflag:s10], $0x2000  }
0xe5: {  	s20 =	rddreg [dreg:$0x5];
	[sflag:s10] =	ssyncset.done $0x0  }
0xe6: {  	[sflag:s10] =	ssyncadd.s32 $0xFFFFE000;
	s11 =	sadd.s32 s7, s20;
	s10 =	simm.s32 $0x7200  }
0xe7: {  	[hbm4b:s11+s3] =	stream.linear.scatter [tilespmem:s10], [sflag:$0xD], $0x2000, $0x38;
	[tilespmem:$0x17200] =	vst v63  }
0xe8: {  	_ =	swait.ge [sflag:s2], $0x2000  }
0xe9: {  	[sflag:s2] =	ssyncset.done $0x0  }
0xea: {  	s12 =	sadd.s32 $0x880, s9;
	s18 =	simm.s32 $0x11200;
	[sflag:s2] =	ssyncadd.s32 $0xFFFFE000  }
0xeb: {  	[tilespmem:s18], [sflag:$0x8] =	stream.indirect.gather [hbm4b:s4+s30], $0x40, s12, s30, $0xb8;
	[tilespmem:$0x17200] =	vst v63  }
0xec: {  	s12 =	simm.s32 $0x4  }
0xed: {  	_ =	swait.ge [sflag:s12], $0x2000  }
0xee: {  	s19 =	rddreg [dreg:$0x4];
	[sflag:s12] =	ssyncset.done $0x0  }
0xef: {  	[sflag:s12] =	ssyncadd.s32 $0xFFFFE000;
	s11 =	sadd.s32 s7, s19;
	s12 =	simm.s32 $0x9200  }
0xf0: {  	[hbm4b:s11+s3] =	stream.linear.scatter [tilespmem:s12], [sflag:$0xE], $0x2000, $0x38;
	[tilespmem:$0x17200] =	vst v63  }
0xf1: {  	_ =	swait.ge [sflag:s31], $0x2000  }
0xf2: {  	[sflag:s31] =	ssyncset.done $0x0  }
0xf3: {  	s20 =	sadd.s32 $0x900, s9;
	s19 =	simm.s32 $0x13200;
	[sflag:s31] =	ssyncadd.s32 $0xFFFFE000  }
0xf4: {  	[tilespmem:s19], [sflag:$0x9] =	stream.indirect.gather [hbm4b:s4+s30], $0x40, s20, s30, $0xb8;
	[tilespmem:$0x17200] =	vst v63  }
0xf5: {  	s20 =	simm.s32 $0x5  }
0xf6: {  	_ =	swait.ge [sflag:s20], $0x2000  }
0xf7: {  	s11 =	rddreg [dreg:$0x3];
	[sflag:s20] =	ssyncset.done $0x0  }
0xf8: {  	[sflag:s20] =	ssyncadd.s32 $0xFFFFE000;
	s11 =	sadd.s32 s7, s11  }
0xf9: {  	[hbm4b:s11+s3] =	stream.linear.scatter [tilespmem:s17], [sflag:$0xF], $0x2000, $0x38;
	[tilespmem:$0x17200] =	vst v63  }
0xfa: {  	_ =	swait.ge [sflag:s1], $0x2000  }
0xfb: {  	[sflag:s1] =	ssyncset.done $0x0  }
0xfc: {  	s20 =	simm.s32 $0x15200;
	s17 =	sadd.s32 $0x980, s9;
	[sflag:s1] =	ssyncadd.s32 $0xFFFFE000  }
0xfd: {  	[tilespmem:s20], [sflag:$0xA] =	stream.indirect.gather [hbm4b:s4+s30], $0x40, s17, s30, $0xb8;
	[tilespmem:$0x17200] =	vst v63  }
0xfe: {  	s17 =	simm.s32 $0x6  }
0xff: {  	_ =	swait.ge [sflag:s17], $0x2000  }
0x100: {  	s11 =	rddreg [dreg:$0xb];
	[sflag:s17] =	ssyncset.done $0x0  }
0x101: {  	[sflag:s17] =	ssyncadd.s32 $0xFFFFE000;
	s11 =	sadd.s32 s7, s11;
	s17 =	simm.s32 $0xB  }
0x102: {  	[hbm4b:s11+s3] =	stream.linear.scatter [tilespmem:s14], [sflag:$0x10], $0x2000, $0x38;
	[tilespmem:$0x17200] =	vst v63  }
0x103: {  	_ =	swait.ge [sflag:s17], $0x2000  }
0x104: {  	[sflag:s17] =	ssyncset.done $0x0  }
0x105: {  	s14 =	sadd.s32 $0xA00, s9;
	s11 =	simm.s32 $0x7;
	[sflag:s17] =	ssyncadd.s32 $0xFFFFE000  }
0x106: {  	[tilespmem:s15], [sflag:$0x1] =	stream.indirect.gather [hbm4b:s4+s30], $0x40, s14, s30, $0xb8;
	[tilespmem:$0x17200] =	vst v63  }
0x107: {  	_ =	swait.ge [sflag:s11], $0x2000  }
0x108: {  	s15 =	rddreg [dreg:$0xa];
	[sflag:s11] =	ssyncset.done $0x0  }
0x109: {  	[sflag:s11] =	ssyncadd.s32 $0xFFFFE000;
	s11 =	sadd.s32 s7, s15  }
0x10a: {  	[hbm4b:s11+s3] =	stream.linear.scatter [tilespmem:s16], [sflag:$0x11], $0x2000, $0x38;
	[tilespmem:$0x17200] =	vst v63  }
0x10b: {  	_ =	swait.ge [sflag:s21], $0x2000  }
0x10c: {  	[sflag:s21] =	ssyncset.done $0x0  }
0x10d: {  	s16 =	sadd.s32 $0xA80, s9;
	[sflag:s21] =	ssyncadd.s32 $0xFFFFE000  }
0x10e: {  	[tilespmem:s8], [sflag:$0x2] =	stream.indirect.gather [hbm4b:s4+s30], $0x40, s16, s30, $0xb8;
	[tilespmem:$0x17200] =	vst v63  }
0x10f: {  	_ =	swait.ge [sflag:s22], $0x2000  }
0x110: {  	s8 =	rddreg [dreg:$0x9];
	[sflag:s22] =	ssyncset.done $0x0  }
0x111: {  	[sflag:s22] =	ssyncadd.s32 $0xFFFFE000;
	s11 =	sadd.s32 s7, s8  }
0x112: {  	[hbm4b:s11+s3] =	stream.linear.scatter [tilespmem:s18], [sflag:$0x12], $0x2000, $0x38;
	[tilespmem:$0x17200] =	vst v63  }
0x113: {  	_ =	swait.ge [sflag:s23], $0x2000  }
0x114: {  	[sflag:s23] =	ssyncset.done $0x0  }
0x115: {  	s14 =	sadd.s32 $0xB00, s9;
	[sflag:s23] =	ssyncadd.s32 $0xFFFFE000  }
0x116: {  	[tilespmem:s10], [sflag:$0x3] =	stream.indirect.gather [hbm4b:s4+s30], $0x40, s14, s30, $0xb8;
	[tilespmem:$0x17200] =	vst v63  }
0x117: {  	_ =	swait.ge [sflag:s24], $0x2000  }
0x118: {  	s16 =	rddreg [dreg:$0x8];
	[sflag:s24] =	ssyncset.done $0x0  }
0x119: {  	[sflag:s24] =	ssyncadd.s32 $0xFFFFE000;
	s11 =	sadd.s32 s7, s16  }
0x11a: {  	[hbm4b:s11+s3] =	stream.linear.scatter [tilespmem:s19], [sflag:$0x13], $0x2000, $0x38;
	[tilespmem:$0x17200] =	vst v63  }
0x11b: {  	_ =	swait.ge [sflag:s26], $0x2000  }
0x11c: {  	[sflag:s26] =	ssyncset.done $0x0  }
0x11d: {  	s18 =	sadd.s32 $0xB80, s9;
	[sflag:s26] =	ssyncadd.s32 $0xFFFFE000  }
0x11e: {  	[tilespmem:s12], [sflag:$0x4] =	stream.indirect.gather [hbm4b:s4+s30], $0x40, s18, s30, $0xb8;
	[tilespmem:$0x17200] =	vst v63  }
0x11f: {  	p0 =	sne.s32 s0, $0x8C00;
	s0 =	sadd.s32 $0x1400, s0;
	_ =	swait.ge [sflag:s28], $0x2000  }
0x120: {  	s5 =	sadd.s32 $0x14000, s5;
	s19 =	rddreg [dreg:$0x7];
	[sflag:s28] =	ssyncset.done $0x0  }
.Ltmp0:
0x121: {  	[sflag:s28] =	ssyncadd.s32 $0xFFFFE000;
	s11 =	sadd.s32 s7, s19;
	(pc) =	sbr.rel @p0 .LBB2_2-.Ltmp0, $4  }
0x122: {  	[hbm4b:s11+s3] =	stream.linear.scatter [tilespmem:s20], [sflag:$0x14], $0x2000, $0x38;
	[tilespmem:$0x17200] =	vst v63  }
0x123: {  	s17 =	simm.s32 $0x3200;
	s15 =	simm.s32 $0x5200;
	_ =	swait.ge [sflag:s6], $0x2000  }
0x124: {  	s8 =	simm.s32 $0x7200;
	s9 =	sadd.s32 $0xC00, s9;
	[sflag:s6] =	ssyncset.done $0x0  }
0x125: {  	s10 =	simm.s32 $0x9200;
	s7 =	sadd.s32 $0x2800, s7;
	[sflag:s6] =	ssyncadd.s32 $0xFFFFE000  }
0x126: {  	s5 =	simm.s32 $0xB200;
	s0 =	simm.s32 $0x1  }
0x127: {  	[tilespmem:s5], [sflag:$0x5] =	stream.indirect.gather [hbm4b:s4+s30], $0x40, s9, s30, $0xb8;
	[tilespmem:$0x17200] =	vst v63  }
0x128: {  	_ =	swait.ge [sflag:s0], $0x2000  }
0x129: {  	[sflag:s0] =	ssyncset.done $0x0  }
0x12a: {  	s12 =	rddreg [dreg:$0x17];
	[sflag:s0] =	ssyncadd.s32 $0xFFFFE000  }
0x12b: {  	[hbm4b:s12+s3] =	stream.linear.scatter [tilespmem:s17], [sflag:$0xB], $0x2000, $0x38;
	[tilespmem:$0x17200] =	vst v63  }
0x12c: {  	_ =	swait.ge [sflag:s29], $0x2000  }
0x12d: {  	s7 =	simm.s32 $0xD200;
	[sflag:s29] =	ssyncset.done $0x0  }
0x12e: {  	s14 =	simm.s32 $0x2F80;
	s16 =	simm.s32 $0x2;
	[sflag:s29] =	ssyncadd.s32 $0xFFFFE000  }
0x12f: {  	[tilespmem:s7], [sflag:$0x6] =	stream.indirect.gather [hbm4b:s4+s30], $0x40, s14, s30, $0xb8;
	[tilespmem:$0x17200] =	vst v63  }
0x130: {  	_ =	swait.ge [sflag:s16], $0x2000  }
0x131: {  	[sflag:s16] =	ssyncset.done $0x0  }
0x132: {  	s17 =	rddreg [dreg:$0x18];
	[sflag:s16] =	ssyncadd.s32 $0xFFFFE000  }
0x133: {  	[hbm4b:s17+s3] =	stream.linear.scatter [tilespmem:s15], [sflag:$0xC], $0x2000, $0x38;
	[tilespmem:$0x17200] =	vst v63  }
0x134: {  	_ =	swait.ge [sflag:s25], $0x2000  }
0x135: {  	s18 =	simm.s32 $0x3000;
	[sflag:s25] =	ssyncset.done $0x0  }
0x136: {  	s19 =	simm.s32 $0x3;
	s9 =	simm.s32 $0xF200;
	[sflag:s25] =	ssyncadd.s32 $0xFFFFE000  }
0x137: {  	[tilespmem:s9], [sflag:$0x7] =	stream.indirect.gather [hbm4b:s4+s30], $0x40, s18, s30, $0xb8;
	[tilespmem:$0x17200] =	vst v63  }
0x138: {  	_ =	swait.ge [sflag:s19], $0x2000  }
0x139: {  	[sflag:s19] =	ssyncset.done $0x0  }
0x13a: {  	s20 =	rddreg [dreg:$0x19];
	[sflag:s19] =	ssyncadd.s32 $0xFFFFE000  }
0x13b: {  	[hbm4b:s20+s3] =	stream.linear.scatter [tilespmem:s8], [sflag:$0xD], $0x2000, $0x38;
	[tilespmem:$0x17200] =	vst v63  }
0x13c: {  	_ =	swait.ge [sflag:s2], $0x2000  }
0x13d: {  	s11 =	simm.s32 $0x3080;
	[sflag:s2] =	ssyncset.done $0x0  }
0x13e: {  	s12 =	simm.s32 $0x4;
	s8 =	simm.s32 $0x11200;
	[sflag:s2] =	ssyncadd.s32 $0xFFFFE000  }
0x13f: {  	[tilespmem:s8], [sflag:$0x8] =	stream.indirect.gather [hbm4b:s4+s30], $0x40, s11, s30, $0xb8;
	[tilespmem:$0x17200] =	vst v63  }
0x140: {  	_ =	swait.ge [sflag:s12], $0x2000  }
0x141: {  	[sflag:s12] =	ssyncset.done $0x0  }
0x142: {  	s14 =	rddreg [dreg:$0x1a];
	[sflag:s12] =	ssyncadd.s32 $0xFFFFE000  }
0x143: {  	[hbm4b:s14+s3] =	stream.linear.scatter [tilespmem:s10], [sflag:$0xE], $0x2000, $0x38;
	[tilespmem:$0x17200] =	vst v63  }
0x144: {  	_ =	swait.ge [sflag:s31], $0x2000  }
0x145: {  	s16 =	simm.s32 $0x5;
	[sflag:s31] =	ssyncset.done $0x0  }
0x146: {  	s15 =	simm.s32 $0x3100;
	s10 =	simm.s32 $0x13200;
	[sflag:s31] =	ssyncadd.s32 $0xFFFFE000  }
0x147: {  	[tilespmem:s10], [sflag:$0x9] =	stream.indirect.gather [hbm4b:s4+s30], $0x40, s15, s30, $0xb8;
	[tilespmem:$0x17200] =	vst v63  }
0x148: {  	_ =	swait.ge [sflag:s16], $0x2000  }
0x149: {  	[sflag:s16] =	ssyncset.done $0x0  }
0x14a: {  	s17 =	rddreg [dreg:$0x1b];
	[sflag:s16] =	ssyncadd.s32 $0xFFFFE000  }
0x14b: {  	[hbm4b:s17+s3] =	stream.linear.scatter [tilespmem:s5], [sflag:$0xF], $0x2000, $0x38;
	[tilespmem:$0x17200] =	vst v63  }
0x14c: {  	_ =	swait.ge [sflag:s1], $0x2000  }
0x14d: {  	s18 =	simm.s32 $0x15200;
	[sflag:s1] =	ssyncset.done $0x0  }
0x14e: {  	s19 =	simm.s32 $0x3180;
	s20 =	simm.s32 $0x6;
	[sflag:s1] =	ssyncadd.s32 $0xFFFFE000  }
0x14f: {  	[tilespmem:s18], [sflag:$0xA] =	stream.indirect.gather [hbm4b:s4+s30], $0x40, s19, s30, $0xb8;
	[tilespmem:$0x17200] =	vst v63  }
0x150: {  	_ =	swait.ge [sflag:s20], $0x2000  }
0x151: {  	[sflag:s20] =	ssyncset.done $0x0  }
0x152: {  	s12 =	simm.s32 $0x7;
	s11 =	rddreg [dreg:$0x1c];
	[sflag:s20] =	ssyncadd.s32 $0xFFFFE000  }
0x153: {  	[hbm4b:s11+s3] =	stream.linear.scatter [tilespmem:s7], [sflag:$0x10], $0x2000, $0x38;
	[tilespmem:$0x17200] =	vst v63  }
0x154: {  	_ =	swait.ge [sflag:s12], $0x2000  }
0x155: {  	[sflag:s12] =	ssyncset.done $0x0  }
0x156: {  	s14 =	rddreg [dreg:$0x1d];
	[sflag:s12] =	ssyncadd.s32 $0xFFFFE000  }
0x157: {  	[hbm4b:s14+s3] =	stream.linear.scatter [tilespmem:s9], [sflag:$0x11], $0x2000, $0x38;
	[tilespmem:$0x17200] =	vst v63  }
0x158: {  	_ =	swait.ge [sflag:s22], $0x2000  }
0x159: {  	[sflag:s22] =	ssyncset.done $0x0  }
0x15a: {  	s15 =	rddreg [dreg:$0x1e];
	[sflag:s22] =	ssyncadd.s32 $0xFFFFE000  }
0x15b: {  	[hbm4b:s15+s3] =	stream.linear.scatter [tilespmem:s8], [sflag:$0x12], $0x2000, $0x38;
	[tilespmem:$0x17200] =	vst v63  }
0x15c: {  	_ =	swait.ge [sflag:s24], $0x2000  }
0x15d: {  	s16 =	sld [smem:$0x7FC]  }
0x15e: {  	[sflag:s24] =	ssyncset.done $0x0  }
0x15f: {  	[sflag:s24] =	ssyncadd.s32 $0xFFFFE000  }
0x160: {  	[hbm4b:s16+s3] =	stream.linear.scatter [tilespmem:s10], [sflag:$0x13], $0x2000, $0x38;
	[tilespmem:$0x17200] =	vst v63  }
0x161: {  	_ =	swait.ge [sflag:s28], $0x2000  }
0x162: {  	s17 =	sld [smem:$0x7FD]  }
0x163: {  	[sflag:s28] =	ssyncset.done $0x0  }
0x164: {  	[sflag:s28] =	ssyncadd.s32 $0xFFFFE000  }
0x165: {  	[hbm4b:s17+s3] =	stream.linear.scatter [tilespmem:s18], [sflag:$0x14], $0x2000, $0x38;
	[tilespmem:$0x17200] =	vst v63  }
0x166: {  	s18 =	simm.s32 $0xB  }
0x167: {  	_ =	swait.ge [sflag:s18], $0x2000  }
0x168: {  	[sflag:s18] =	ssyncset.done $0x0  }
0x169: {  	[sflag:s18] =	ssyncadd.s32 $0xFFFFE000  }
0x16a: {  	_ =	swait.ge [sflag:s21], $0x2000  }
0x16b: {  	[sflag:s21] =	ssyncset.done $0x0  }
0x16c: {  	[sflag:s21] =	ssyncadd.s32 $0xFFFFE000  }
0x16d: {  	_ =	swait.ge [sflag:s23], $0x2000  }
0x16e: {  	[sflag:s23] =	ssyncset.done $0x0  }
0x16f: {  	[sflag:s23] =	ssyncadd.s32 $0xFFFFE000  }
0x170: {  	_ =	swait.ge [sflag:s26], $0x2000  }
0x171: {  	[sflag:s26] =	ssyncset.done $0x0  }
0x172: {  	[sflag:s26] =	ssyncadd.s32 $0xFFFFE000  }
0x173: {  	_ =	swait.ge [sflag:s6], $0x2000  }
0x174: {  	[sflag:s6] =	ssyncset.done $0x0  }
0x175: {  	[sflag:s6] =	ssyncadd.s32 $0xFFFFE000  }
0x176: {  	_ =	swait.ge [sflag:s29], $0x2000  }
0x177: {  	[sflag:s29] =	ssyncset.done $0x0  }
0x178: {  	[sflag:s29] =	ssyncadd.s32 $0xFFFFE000  }
0x179: {  	_ =	swait.ge [sflag:s25], $0x2000  }
0x17a: {  	[sflag:s25] =	ssyncset.done $0x0  }
0x17b: {  	[sflag:s25] =	ssyncadd.s32 $0xFFFFE000  }
0x17c: {  	_ =	swait.ge [sflag:s2], $0x2000  }
0x17d: {  	[sflag:s2] =	ssyncset.done $0x0  }
0x17e: {  	[sflag:s2] =	ssyncadd.s32 $0xFFFFE000  }
0x17f: {  	_ =	swait.ge [sflag:s31], $0x2000  }
0x180: {  	[sflag:s31] =	ssyncset.done $0x0  }
0x181: {  	[sflag:s31] =	ssyncadd.s32 $0xFFFFE000  }
0x182: {  	_ =	swait.ge [sflag:s1], $0x2000  }
0x183: {  	s19 =	sld [smem:$0x7FA];
	_ =	sdelay $0x2  }
0x184: {  	s20 =	rddreg [dreg:$0x1f];
	s5 =	sadd.s32 $0x1, s19  }
0x185: {  	p0 =	sne.s32 s5, s20  }
.Ltmp1:
0x186: {  	_ = 	snop;
	(pc) =	sbr.rel @p0 .LBB2_1-.Ltmp1, $3  }
0x187: {  	_ =	sdelay $0x1  }
0x188: {  	[sflag:s1] =	ssyncset.done $0x0  }
0x189: {  	[sflag:s1] =	ssyncadd.s32 $0xFFFFE000  }
0x18a: {  	_ =	sfence.sel $0x180000  }
0x18b: {  	[bflag:$0x0] =	sbarrier.arrive $0xFFFF  }
0x18c: {  	_ =	strace $0x9000004A  }
0x18d: {  	s0 =	stileid.u32;
	[bflag:$0x2] =	sbarrier.arrive $0xFFFF  }
0x18e: {  	p0 =	sne.s32 s0, $0x0;
	s0 =	rddreg [dreg:$0x2]  }
0x18f: {  	s0 =	sadd.s32 @!p0 $0x100000, s0  }
0x190: {  	[sflag:s0] =	ssyncadd.tile.s32 @!p0 $0x1;
	_ =	shalt  }
.Lfunc_end2:
_tile_overlayer_lowered:
.L_overlay_start_2:
0x191: {  	(tag) =	ssettag $0x2  }
0x192: {  	s0 =	rddreg [dreg:$0x0];
	s2 =	stileid.u32  }
0x193: {  	s1 =	rddreg [dreg:$0x1];
	p0 =	sne.s32 s2, $0x0  }
0x194: {  	s3 =	rddreg [dreg:$0x2];
	[bflag:$0x3] =	sbarrier.arrive $0xFFFF;
	s2 =	simm.s32 @!p0 $0x1C15  }
0x195: {  	[timem:s3], [sflag:s2] =	dma.local @!p0 [hbm:s0], s1  }
0x196: {  	s0 =	simm.s32 @!p0 $0x15  }
0x197: {  	_ =	swait.ge @!p0 [sflag:s0], s1  }
0x198: {  	s1 =	ssub.s32 @!p0 $0x0, s1;
	[sflag:s0] =	ssyncset.done @!p0 $0x0  }
0x199: {  	[sflag:s0] =	ssyncadd.s32 @!p0 s1  }
0x19a: {  	[bflag:$0x3] =	sbarrier.arrive $0xFFFF  }
0x19b: {  	_ =	shalt  }

// kernel: kernel.7.cloned.1.call-start
scs
__scs_entry_jumppad:
0x0: {  	(pc) =	sbr.rel $0x88, $3  }
0x1: {  	(tag) =	ssettag $0x0;
	lr =	simm.s32 $0x1  }
0x2: {  	[smem:$0x3F9F] =	sst lr;
	_ =	strace $0xD0000000  }
0x3: {  	_ = 	snop  }
0x4: {  	_ = 	snop  }
0x5: {  	_ = 	snop  }
0x6: {  	_ = 	snop  }
0x7: {  	_ = 	snop  }
__scs_overlays_trampoline_lowered:
0x8: {  	[smem:$0x3FAE] =	sst s0  }
0x9: {  	[smem:$0x3FAF] =	sst s1  }
0xa: {  	[smem:$0x3FB0] =	sst s2  }
0xb: {  	[smem:$0x3FB1] =	sst s3  }
0xc: {  	[smem:$0x3FB2] =	sst s4  }
0xd: {  	[smem:$0x3FB3] =	sst s5  }
0xe: {  	[smem:$0x3FB4] =	sst s6  }
0xf: {  	[smem:$0x3FB5] =	sst s7  }
0x10: {  	[smem:$0x3FB6] =	sst s8  }
0x11: {  	[smem:$0x3FB7] =	sst s9;
	s0 =	simm.s32 @!p0 $0x0  }
0x12: {  	s1 =	sld [smem:$0x3F9D];
	s0 =	simm.s32 @p0 $0x1  }
0x13: {  	[smem:$0x3FB8] =	sst s0;
	s0 =	simm.s32 @!p1 $0x0  }
0x14: {  	s2 =	sld [smem:$0x3F9C];
	s0 =	simm.s32 @p1 $0x1  }
0x15: {  	[smem:$0x3FB9] =	sst s0;
	s0 =	simm.s32 @!p2 $0x0  }
0x16: {  	s3 =	sld [smem:$0x3FDB];
	s0 =	simm.s32 @p2 $0x1  }
0x17: {  	s4 =	simm.s32 $0x1BF5;
	[smem:$0x3FBB] =	sst s0  }
0x18: {  	s0 =	sld [smem:$0x3F9E];
	_ =	swait.ge [sflag:s4], $0x0  }
0x19: {  	s7 =	sld [smem:$0x3F9F]  }
0x1a: {  	s8 =	sadd.s32 $0xFFFFE003, lr  }
0x1b: {  	s9 =	sadd.s32 $0xFFFFFEF7, lr;
	s5 =	simm.s32 $0xFFFFFFFF;
	p2 =	slt.u32 s8, $0xFFFFF086  }
0x1c: {  	p1 =	slt.u32 s9, $0xF7A;
	s5 =	simm.s32 @!p2 $0x0  }
0x1d: {  	s5 =	simm.s32 @p1 $0x1;
	p0 =	seq.s32 s7, s2  }
0x1e: {  	s7 =	smul.u32 @!p0 $0xF7A, s2;
	p2 =	seq.s32 @!p0 s5, $0x0  }
0x1f: {  	s9 =	smul.u32 $0xF7A, s1;
	s8 =	simm.s32 @!p0 $0x1BF5;
	p2 =	por !p2, p0  }
0x20: {  	[sflag:s8] =	ssyncset.s32 @!p0 $0xFFFFF086;
	s6 =	sadd.s32 @!p0 s3, s7;
	s7 =	simm.s32 @!p0 $0x108  }
0x21: {  	s3 =	sadd.s32 s3, s9;
	s6 =	sadd.s32 @!p0 $0x88, s6;
	s7 =	simm.s32 @p2 $0x1082  }
0x22: {  	[simem:s7], [sflag:s8] =	dma.local @!p0 [hbm:s6], $0xF7A  }
0x23: {  	s9 =	sor.u32 $0xD0000000, s2;
	s6 =	simm.s32 $0x108;
	_ =	swait.ge @!p0 [sflag:s8], $0x0  }
0x24: {  	s3 =	sadd.s32 $0x88, s3;
	s6 =	simm.s32 @!p1 $0x1082;
	[sflag:s4] =	ssyncset.s32 $0xFFFFF086  }
0x25: {  	[simem:s6], [sflag:s4] =	dma.local [hbm:s3], $0xF7A  }
0x26: {  	[smem:$0x3F9F] =	sst s1;
	(tag) =	ssettag s2;
	_ =	strace s9  }
0x27: {  	s1 =	sld [smem:$0x3FAF]  }
0x28: {  	s2 =	sld [smem:$0x3FB0]  }
0x29: {  	s4 =	sld [smem:$0x3FB2]  }
0x2a: {  	p0 =	seq.s32 s5, $0x0;
	s5 =	sld [smem:$0x3FB3]  }
0x2b: {  	s6 =	sld [smem:$0x3FB4]  }
0x2c: {  	s7 =	sld [smem:$0x3FB5]  }
0x2d: {  	s3 =	simm.s32 $0x108;
	s8 =	sld [smem:$0x3FB6]  }
0x2e: {  	s3 =	simm.s32 @!p0 $0x1082;
	s9 =	sld [smem:$0x3FB7]  }
0x2f: {  	lr =	sadd.s32 s0, s3;
	s0 =	sld [smem:$0x3FAE]  }
0x30: {  	s3 =	sld [smem:$0x3FB1]  }
0x31: {  	[smem:$0x3FBA] =	sst s10  }
0x32: {  	s10 =	sld [smem:$0x3FB8];
	_ =	sdelay $0x3  }
0x33: {  	p0 =	seq.s32 s10, $0x1;
	s10 =	sld [smem:$0x3FBA];
	_ =	sdelay $0x3  }
0x34: {  	[smem:$0x3FBA] =	sst s10  }
0x35: {  	s10 =	sld [smem:$0x3FB9];
	_ =	sdelay $0x3  }
0x36: {  	p1 =	seq.s32 s10, $0x1;
	s10 =	sld [smem:$0x3FBA];
	_ =	sdelay $0x3  }
0x37: {  	[smem:$0x3FBA] =	sst s10  }
0x38: {  	s10 =	sld [smem:$0x3FBB]  }
0x39: {  	_ = 	snop;
	(pc) =	sbr.ind lr, $3  }
0x3a: {  	_ = 	snop  }
0x3b: {  	_ = 	snop  }
0x3c: {  	p2 =	seq.s32 s10, $0x1;
	s10 =	sld [smem:$0x3FBA]  }
0x3d: {  	_ =	shalt  }
0x3e: {  	_ =	shalt  }
0x3f: {  	_ =	shalt  }
0x40: {  	_ =	shalt  }
0x41: {  	_ =	shalt  }
0x42: {  	_ =	shalt  }
0x43: {  	_ =	shalt  }
0x44: {  	_ =	shalt  }
0x45: {  	_ =	shalt  }
0x46: {  	_ =	shalt  }
0x47: {  	_ =	shalt  }
0x48: {  	_ =	shalt  }
0x49: {  	_ =	shalt  }
0x4a: {  	_ =	shalt  }
0x4b: {  	_ =	shalt  }
0x4c: {  	_ =	shalt  }
0x4d: {  	_ =	shalt  }
0x4e: {  	_ =	shalt  }
0x4f: {  	_ =	shalt  }
0x50: {  	_ =	shalt  }
0x51: {  	_ =	shalt  }
0x52: {  	_ =	shalt  }
0x53: {  	_ =	shalt  }
0x54: {  	_ =	shalt  }
0x55: {  	_ =	shalt  }
0x56: {  	_ =	shalt  }
0x57: {  	_ =	shalt  }
0x58: {  	_ =	shalt  }
0x59: {  	_ =	shalt  }
0x5a: {  	_ =	shalt  }
0x5b: {  	_ =	shalt  }
0x5c: {  	_ =	shalt  }
0x5d: {  	_ =	shalt  }
0x5e: {  	_ =	shalt  }
0x5f: {  	_ =	shalt  }
0x60: {  	_ =	shalt  }
0x61: {  	_ =	shalt  }
0x62: {  	_ =	shalt  }
0x63: {  	_ =	shalt  }
0x64: {  	_ =	shalt  }
0x65: {  	_ =	shalt  }
0x66: {  	_ =	shalt  }
0x67: {  	_ =	shalt  }
0x68: {  	_ =	shalt  }
0x69: {  	_ =	shalt  }
0x6a: {  	_ =	shalt  }
0x6b: {  	_ =	shalt  }
0x6c: {  	_ =	shalt  }
0x6d: {  	_ =	shalt  }
0x6e: {  	_ =	shalt  }
0x6f: {  	_ =	shalt  }
0x70: {  	_ =	shalt  }
0x71: {  	_ =	shalt  }
0x72: {  	_ =	shalt  }
0x73: {  	_ =	shalt  }
0x74: {  	_ =	shalt  }
0x75: {  	_ =	shalt  }
0x76: {  	_ =	shalt  }
0x77: {  	_ =	shalt  }
0x78: {  	_ =	shalt  }
0x79: {  	_ =	shalt  }
0x7a: {  	_ =	shalt  }
0x7b: {  	_ =	shalt  }
0x7c: {  	_ =	shalt  }
0x7d: {  	_ =	shalt  }
0x7e: {  	_ =	shalt  }
0x7f: {  	_ =	shalt  }
0x80: {  	_ =	shalt  }
0x81: {  	_ =	shalt  }
0x82: {  	_ =	shalt  }
0x83: {  	_ =	shalt  }
0x84: {  	_ =	shalt  }
0x85: {  	_ =	shalt  }
0x86: {  	_ =	shalt  }
0x87: {  	_ =	shalt  }
.Lfunc_end0:
.L_simem_size_0:
called_computation.3_lowered:
.L_overlay_start_0:
0x88: {  	s2 =	sld [smem:$0x3FD9]  }
0x89: {  	s3 =	sld [smem:$0x3FFE];
	_ =	sdelay $0x1  }
0x8a: {  	s1 =	srdreg.scid  }
0x8b: {  	s0 =	sand.u32 $0x1, s1  }
0x8c: {  	s16 =	sshll.u32 s0, $0xA;
	s2 =	sadd.s32 s3, s2  }
0x8d: {  	s2 =	sadd.s32 s2, s16  }
0x8e: {  	[smem:$0x3FC6] =	sst s2  }
0x8f: {  	_ = 	snop  }
0x90: {  	(tm) =	ssettm $0x1  }
0x91: {  	s17 =	sld [smem:$0x3FFB];
	_ =	sdelay $0x3  }
0x92: {  	_ =	strace s17  }
0x93: {  	s2 =	sld [smem:$0x3FFC];
	_ =	sdelay $0x3  }
0x94: {  	_ =	strace s2  }
0x95: {  	s2 =	sld [smem:$0x3FFD];
	_ =	sdelay $0x3  }
0x96: {  	_ =	strace s2  }
0x97: {  	_ =	strace $0x8FFFFFFF  }
0x98: {  	s18 =	sld [smem:$0x3FDB];
	_ =	sdelay $0x1  }
0x99: {  	s19 =	simm.s32 $_scs_section_size  }
0x9a: {  	s4 =	simm.s32 $_size__tile_overlayer_lowered;
	s5 =	simm.s32 $_tile_overlayer_lowered  }
0x9b: {  	s22 =	simm.s32 $0x1BFF;
	s21 =	sshll.u32 s5, $0x1;
	s2 =	sadd.s32 s19, s18  }
0x9c: {  	s6 =	simm.s32 $0x0;
	s20 =	sshll.u32 s4, $0x1;
	s4 =	sadd.s32 s21, s2  }
0x9d: {  	[timem:s6], [sflag:s22] =	dma.local [hbm:s4], s20  }
0x9e: {  	_ =	swait.ge [sflag:s22], s20  }
0x9f: {  	s3 =	ssub.s32 $0x0, s20;
	[sflag:s22] =	ssyncset.done $0x0  }
0xa0: {  	[sflag:s22] =	ssyncadd.s32 s3;
	_ =	sdelay $0x1  }
0xa1: {  	s23 =	simm.s32 $0x1B8B  }
0xa2: {  	_ =	swait.ge [sflag:s23], $0x1  }
0xa3: {  	[sflag:s23] =	ssyncset.done $0x0  }
0xa4: {  	s25 =	simm.s32 $0x1B8E;
	s24 =	sld [smem:$0x3FFE];
	[sflag:s23] =	ssyncadd.s32 $0xFFFFFFFF  }
0xa5: {  	s26 =	simm.s32 $execute0_lowered;
	[smem:$0x3FD2] =	sst s25  }
0xa6: {  	s4 =	sshll.u32 s26, $0x1;
	_ =	strace $0x80000046;
	[dreg:$0x1] =	wrdreg $0xFFFFFFFF  }
0xa7: {  	s28 =	simm.s32 $_size_execute0_lowered;
	s2 =	sadd.s32 s2, s4;
	[dreg:$0x0] =	wrdreg $0x0  }
0xa8: {  	s4 =	sshll.u32 s28, $0x1;
	[dreg:$0x2] =	wrdreg s2  }
0xa9: {  	[dreg:$0x3] =	wrdreg s4  }
0xaa: {  	[dreg:$0x4] =	wrdreg $0xC0  }
0xab: {  	_ =	task [dreg:s6], $0x5FFFF  }
0xac: {  	[dreg:$0x1] =	wrdreg $0xFFFFFFFF  }
0xad: {  	[dreg:$0x0] =	wrdreg $0x60  }
0xae: {  	[dreg:$0x2] =	wrdreg s24  }
0xaf: {  	[dreg:$0x3] =	wrdreg $0x9  }
0xb0: {  	_ =	task.clear_ibuf [dreg:s6], $0x4FFFF;
	_ =	strace $0x90000046  }
0xb1: {  	s29 =	simm.s32 $0x9;
	_ =	strace $0x80000048  }
0xb2: {  	_ =	swait.ge [sflag:s29], $0x1  }
0xb3: {  	[sflag:s29] =	ssyncadd.s32 $0xFFFFFFFF  }
0xb4: {  	_ =	strace $0x90000048  }
0xb5: {  	_ =	sfence  }
0xb6: {  	s30 =	sld [smem:$0x0];
	_ =	sdelay $0x2  }
0xb7: {  	s31 =	sshll.u32 s1, $0xD;
	s1 =	sshrl.u32 s1, $0x2  }
0xb8: {  	s3 =	sand.u32 $0x4000, s31;
	s1 =	sadd.s32 s1, s30  }
0xb9: {  	s0 =	sor.u32 s3, s0;
	s1 =	sshll.u32 s1, $0x11  }
0xba: {  	s0 =	sor.u32 s1, s0  }
0xbb: {  	s0 =	sadd.s32 $0x8F2B, s0  }
0xbc: {  	[sflag:s0] =	ssyncadd.remote.s32 $0x1  }
0xbd: {  	_ =	sfence.sel $0xFFFF  }
0xbe: {  	[dreg:$0x0] =	wrdreg $0xFFFFFFFF;
	(pc) =	sbr.abs _section_cstart, $3  }
0xbf: {  	[dreg:$0x1] =	wrdreg $0xFFFFFFFF  }
0xc0: {  	_ =	task.clear_ibuf [dreg:s6], $0x2FFFF;
	_ =	strace $0x9FFFFFFF  }
0xc1: {  	(tm) =	ssettm $0x7FFFFFFF  }
tec
execute0_lowered:
.L_overlay_start_1:
0x0: {  	(tag) =	ssettag $0x1  }
0x1: {  	s0 =	srdreg.scid  }
0x2: {  	s7 =	stileid.u32;
	s1 =	rddreg [dreg:$0x0];
	s2 =	simm.s32 $0x0  }
0x3: {  	s0 =	sand.u32 $0x1, s0;
	s3 =	sshll.u32 s7, $0x1;
	s15 =	smul.u32 $0x190000, s7  }
0x4: {  	s3 =	sor.u32 s0, s3;
	s6 =	ssub.s32 $0x2, s0;
	s0 =	smul.u32 $0xC8000, s0  }
0x5: {  	[smem:$0x7FF] =	sst s2;
	s4 =	smul.u32 $0x640, s3  }
0x6: {  	s13 =	sadd.s32 $0xDE00, s1;
	_ =	strace $0x80000047;
	s5 =	smul.u32 $0xC8000, s3  }
0x7: {  	s3 =	sadd.s32 $0xF43A00, s1;
	s0 =	sadd.s32 s0, s15;
	s4 =	sadd.s32 s4, s1  }
0x8: {  	s8 =	sshrl.u32 s6, $0x1;
	s26 =	sadd.s32 $0x1A000, s0;
	s4 =	sadd.s32 $0x1600, s4  }
0x9: {  	s1 =	ssub.s32 s6, s8;
	s7 =	sshrl.u32 s26, $0x3;
	[dreg:$0xb] =	wrdreg s4  }
0xa: {  	s5 =	sshrl.u32 s5, $0x3;
	s1 =	smax.u32 s1, $0x1;
	[dreg:$0x3] =	wrdreg s7  }
0xb: {  	s6 =	sadd.s32 s13, s5;
	[dreg:$0x1e] =	wrdreg s1  }
0xc: {  	s9 =	sadd.s32 $0x400, s6;
	[dreg:$0xc] =	wrdreg s6  }
0xd: {  	s10 =	sadd.s32 $0x800, s6;
	[dreg:$0xd] =	wrdreg s9  }
0xe: {  	s11 =	sadd.s32 $0xC00, s6;
	[dreg:$0xe] =	wrdreg s10  }
0xf: {  	s12 =	sadd.s32 $0x1000, s6;
	[dreg:$0xf] =	wrdreg s11  }
0x10: {  	s14 =	sadd.s32 $0x1400, s6;
	[dreg:$0x10] =	wrdreg s12  }
0x11: {  	s5 =	sadd.s32 $0x1800, s6;
	[dreg:$0x11] =	wrdreg s14  }
0x12: {  	s16 =	sadd.s32 $0x1C00, s6;
	[dreg:$0x12] =	wrdreg s5  }
0x13: {  	s17 =	sadd.s32 $0x2000, s6;
	[dreg:$0x13] =	wrdreg s16  }
0x14: {  	s30 =	simm.s32 $0x80;
	s18 =	sadd.s32 $0x2400, s6;
	[dreg:$0x14] =	wrdreg s17  }
0x15: {  	s28 =	simm.s32 $0xA;
	s19 =	sadd.s32 $0x16800, s6;
	[dreg:$0x15] =	wrdreg s18  }
0x16: {  	s29 =	simm.s32 $0x10;
	s20 =	sadd.s32 $0x16C00, s6;
	[dreg:$0x16] =	wrdreg s19  }
0x17: {  	s31 =	simm.s32 $0x13;
	s21 =	sadd.s32 $0x17000, s6;
	[dreg:$0x17] =	wrdreg s20  }
0x18: {  	s24 =	sadd.s32 $0x1C000, s0;
	s22 =	sadd.s32 $0x17400, s6;
	[dreg:$0x18] =	wrdreg s21  }
0x19: {  	s8 =	sadd.s32 $0x18000, s0;
	s23 =	sadd.s32 $0x17800, s6;
	[dreg:$0x19] =	wrdreg s22  }
0x1a: {  	s15 =	sadd.s32 $0x24000, s0;
	s25 =	sadd.s32 $0x17C00, s6;
	[dreg:$0x1a] =	wrdreg s23  }
0x1b: {  	s4 =	sshrl.u32 s24, $0x3;
	s24 =	sadd.s32 $0x18400, s6;
	[dreg:$0x1b] =	wrdreg s25  }
0x1c: {  	s26 =	sadd.s32 $0x18C00, s6;
	s1 =	simm.s32 $0x14;
	[dreg:$0x2] =	wrdreg s4  }
0x1d: {  	s9 =	sshrl.u32 s8, $0x3;
	s10 =	sadd.s32 $0x16000, s0;
	[dreg:$0x1d] =	wrdreg s24  }
0x1e: {  	s12 =	sadd.s32 $0x26000, s0;
	s16 =	sshrl.u32 s15, $0x3;
	[smem:$0x7FD] =	sst s26  }
0x1f: {  	s17 =	sadd.s32 $0x22000, s0;
	s19 =	sadd.s32 $0x20000, s0;
	[dreg:$0x4] =	wrdreg s9  }
0x20: {  	s21 =	sadd.s32 $0x1E000, s0;
	s22 =	sadd.s32 $0x18000, s6;
	[dreg:$0x7] =	wrdreg s16  }
0x21: {  	s0 =	sadd.s32 $0x14000, s0;
	s25 =	sadd.s32 $0x18800, s6;
	[dreg:$0x1c] =	wrdreg s22  }
0x22: {  	s24 =	simm.s32 $0x9;
	s26 =	simm.s32 $0xE;
	[dreg:$0x1f] =	wrdreg s0  }
0x23: {  	s6 =	simm.s32 $0xF;
	s11 =	sshrl.u32 s10, $0x3;
	[smem:$0x7FC] =	sst s25  }
0x24: {  	s4 =	simm.s32 $0x12;
	s14 =	sshrl.u32 s12, $0x3;
	[dreg:$0x5] =	wrdreg s11  }
0x25: {  	s5 =	simm.s32 $0x0;
	s18 =	sshrl.u32 s17, $0x3;
	[dreg:$0x6] =	wrdreg s14  }
0x26: {  	s20 =	sshrl.u32 s19, $0x3;
	s23 =	sshrl.u32 s21, $0x3;
	[dreg:$0x8] =	wrdreg s18  }
0x27: {  	s21 =	simm.s32 $0xC;
	s22 =	simm.s32 $0x8;
	[dreg:$0x9] =	wrdreg s20  }
0x28: {  	s25 =	simm.s32 $0x11;
	[dreg:$0xa] =	wrdreg s23;
	s23 =	simm.s32 $0xD  }
.LBB2_1:
0x29: {  	[smem:$0x7FB] =	sst s5  }
0x2a: {  	s0 =	rddreg [dreg:$0xb];
	s8 =	simm.s32 $0x15  }
0x2b: {  	[tilespmem:s2], [sflag:$0x15] =	stream.linear.gather [hbm4b:s0+s2], $0x3200, $0x38;
	[tilespmem:$0x17200] =	vst v63  }
0x2c: {  	_ =	swait.ge [sflag:s8], $0x3200  }
0x2d: {  	[sflag:s8] =	ssyncset.done $0x0  }
0x2e: {  	s15 =	simm.s32 $0x3200;
	[sflag:s8] =	ssyncadd.s32 $0xFFFFCE00  }
0x2f: {  	[tilespmem:s15], [sflag:$0x1] =	stream.indirect.gather [hbm4b:s3+s30], $0x40, s2, s30, $0xb8;
	[tilespmem:$0x17200] =	vst v63  }
0x30: {  	s20 =	simm.s32 $0x5200  }
0x31: {  	[tilespmem:s20], [sflag:$0x2] =	stream.indirect.gather [hbm4b:s3+s30], $0x40, s30, s30, $0xb8;
	[tilespmem:$0x17200] =	vst v63  }
0x32: {  	s9 =	simm.s32 $0x100;
	s10 =	simm.s32 $0x7200  }
0x33: {  	[tilespmem:s10], [sflag:$0x3] =	stream.indirect.gather [hbm4b:s3+s30], $0x40, s9, s30, $0xb8;
	[tilespmem:$0x17200] =	vst v63  }
0x34: {  	s11 =	simm.s32 $0x180;
	s12 =	simm.s32 $0x9200  }
0x35: {  	[tilespmem:s12], [sflag:$0x4] =	stream.indirect.gather [hbm4b:s3+s30], $0x40, s11, s30, $0xb8;
	[tilespmem:$0x17200] =	vst v63  }
0x36: {  	s14 =	simm.s32 $0x200;
	s17 =	simm.s32 $0xB200;
	s12 =	simm.s32 $0x1  }
0x37: {  	[tilespmem:s17], [sflag:$0x5] =	stream.indirect.gather [hbm4b:s3+s30], $0x40, s14, s30, $0xb8;
	[tilespmem:$0x17200] =	vst v63  }
0x38: {  	_ =	swait.ge [sflag:s12], $0x2000  }
0x39: {  	[sflag:s12] =	ssyncset.done $0x0  }
0x3a: {  	s16 =	rddreg [dreg:$0xc];
	[sflag:s12] =	ssyncadd.s32 $0xFFFFE000  }
0x3b: {  	[hbm4b:s16+s2] =	stream.linear.scatter [tilespmem:s15], [sflag:$0xB], $0x2000, $0x38;
	[tilespmem:$0x17200] =	vst v63  }
0x3c: {  	s18 =	simm.s32 $0x280;
	s8 =	simm.s32 $0xD200;
	s14 =	simm.s32 $0x2  }
0x3d: {  	[tilespmem:s8], [sflag:$0x6] =	stream.indirect.gather [hbm4b:s3+s30], $0x40, s18, s30, $0xb8;
	[tilespmem:$0x17200] =	vst v63  }
0x3e: {  	_ =	swait.ge [sflag:s14], $0x2000  }
0x3f: {  	[sflag:s14] =	ssyncset.done $0x0  }
0x40: {  	s19 =	rddreg [dreg:$0xd];
	[sflag:s14] =	ssyncadd.s32 $0xFFFFE000  }
0x41: {  	[hbm4b:s19+s2] =	stream.linear.scatter [tilespmem:s20], [sflag:$0xC], $0x2000, $0x38;
	[tilespmem:$0x17200] =	vst v63  }
0x42: {  	s10 =	simm.s32 $0xF200;
	s16 =	simm.s32 $0x3;
	s8 =	simm.s32 $0x300  }
0x43: {  	[tilespmem:s10], [sflag:$0x7] =	stream.indirect.gather [hbm4b:s3+s30], $0x40, s8, s30, $0xb8;
	[tilespmem:$0x17200] =	vst v63  }
0x44: {  	_ =	swait.ge [sflag:s16], $0x2000  }
0x45: {  	[sflag:s16] =	ssyncset.done $0x0  }
0x46: {  	s7 =	simm.s32 $0x7200;
	s11 =	rddreg [dreg:$0xe];
	[sflag:s16] =	ssyncadd.s32 $0xFFFFE000  }
0x47: {  	[hbm4b:s11+s2] =	stream.linear.scatter [tilespmem:s7], [sflag:$0xD], $0x2000, $0x38;
	[tilespmem:$0x17200] =	vst v63  }
0x48: {  	s18 =	simm.s32 $0x380;
	s19 =	simm.s32 $0x11200  }
0x49: {  	[tilespmem:s19], [sflag:$0x8] =	stream.indirect.gather [hbm4b:s3+s30], $0x40, s18, s30, $0xb8;
	[tilespmem:$0x17200] =	vst v63  }
0x4a: {  	s18 =	simm.s32 $0x4  }
0x4b: {  	_ =	swait.ge [sflag:s18], $0x2000  }
0x4c: {  	[sflag:s18] =	ssyncset.done $0x0  }
0x4d: {  	s5 =	simm.s32 $0x9200;
	s7 =	rddreg [dreg:$0xf];
	[sflag:s18] =	ssyncadd.s32 $0xFFFFE000  }
0x4e: {  	[hbm4b:s7+s2] =	stream.linear.scatter [tilespmem:s5], [sflag:$0xE], $0x2000, $0x38;
	[tilespmem:$0x17200] =	vst v63  }
0x4f: {  	s8 =	simm.s32 $0x400;
	s19 =	simm.s32 $0x13200  }
0x50: {  	[tilespmem:s19], [sflag:$0x9] =	stream.indirect.gather [hbm4b:s3+s30], $0x40, s8, s30, $0xb8;
	[tilespmem:$0x17200] =	vst v63  }
0x51: {  	s19 =	simm.s32 $0x5  }
0x52: {  	_ =	swait.ge [sflag:s19], $0x2000  }
0x53: {  	[sflag:s19] =	ssyncset.done $0x0  }
0x54: {  	s5 =	rddreg [dreg:$0x10];
	[sflag:s19] =	ssyncadd.s32 $0xFFFFE000  }
0x55: {  	[hbm4b:s5+s2] =	stream.linear.scatter [tilespmem:s17], [sflag:$0xF], $0x2000, $0x38;
	[tilespmem:$0x17200] =	vst v63  }
0x56: {  	s7 =	simm.s32 $0x480;
	s8 =	simm.s32 $0x15200;
	s5 =	simm.s32 $0x6  }
0x57: {  	[tilespmem:s8], [sflag:$0xA] =	stream.indirect.gather [hbm4b:s3+s30], $0x40, s7, s30, $0xb8;
	[tilespmem:$0x17200] =	vst v63  }
0x58: {  	_ =	swait.ge [sflag:s5], $0x2000  }
0x59: {  	[sflag:s5] =	ssyncset.done $0x0  }
0x5a: {  	s9 =	simm.s32 $0xD200;
	s7 =	rddreg [dreg:$0x11];
	[sflag:s5] =	ssyncadd.s32 $0xFFFFE000  }
0x5b: {  	[hbm4b:s7+s2] =	stream.linear.scatter [tilespmem:s9], [sflag:$0x10], $0x2000, $0x38;
	[tilespmem:$0x17200] =	vst v63  }
0x5c: {  	s7 =	simm.s32 $0xB  }
0x5d: {  	_ =	swait.ge [sflag:s7], $0x2000  }
0x5e: {  	[sflag:s7] =	ssyncset.done $0x0  }
0x5f: {  	s8 =	simm.s32 $0x500;
	[sflag:s7] =	ssyncadd.s32 $0xFFFFE000  }
0x60: {  	[tilespmem:s15], [sflag:$0x1] =	stream.indirect.gather [hbm4b:s3+s30], $0x40, s8, s30, $0xb8;
	[tilespmem:$0x17200] =	vst v63  }
0x61: {  	s8 =	simm.s32 $0x7  }
0x62: {  	_ =	swait.ge [sflag:s8], $0x2000  }
0x63: {  	[sflag:s8] =	ssyncset.done $0x0  }
0x64: {  	s10 =	simm.s32 $0xF200;
	s9 =	rddreg [dreg:$0x12];
	[sflag:s8] =	ssyncadd.s32 $0xFFFFE000  }
0x65: {  	[hbm4b:s9+s2] =	stream.linear.scatter [tilespmem:s10], [sflag:$0x11], $0x2000, $0x38;
	[tilespmem:$0x17200] =	vst v63  }
0x66: {  	_ =	swait.ge [sflag:s21], $0x2000  }
0x67: {  	[sflag:s21] =	ssyncset.done $0x0  }
0x68: {  	s10 =	simm.s32 $0x580;
	[sflag:s21] =	ssyncadd.s32 $0xFFFFE000  }
0x69: {  	[tilespmem:s20], [sflag:$0x2] =	stream.indirect.gather [hbm4b:s3+s30], $0x40, s10, s30, $0xb8;
	[tilespmem:$0x17200] =	vst v63  }
0x6a: {  	_ =	swait.ge [sflag:s22], $0x2000  }
0x6b: {  	[sflag:s22] =	ssyncset.done $0x0  }
0x6c: {  	s11 =	simm.s32 $0x11200;
	s9 =	rddreg [dreg:$0x13];
	[sflag:s22] =	ssyncadd.s32 $0xFFFFE000  }
0x6d: {  	[hbm4b:s9+s2] =	stream.linear.scatter [tilespmem:s11], [sflag:$0x12], $0x2000, $0x38;
	[tilespmem:$0x17200] =	vst v63  }
0x6e: {  	_ =	swait.ge [sflag:s23], $0x2000  }
0x6f: {  	[sflag:s23] =	ssyncset.done $0x0  }
0x70: {  	s10 =	simm.s32 $0x600;
	s11 =	simm.s32 $0x7200;
	[sflag:s23] =	ssyncadd.s32 $0xFFFFE000  }
0x71: {  	[tilespmem:s11], [sflag:$0x3] =	stream.indirect.gather [hbm4b:s3+s30], $0x40, s10, s30, $0xb8;
	[tilespmem:$0x17200] =	vst v63  }
0x72: {  	_ =	swait.ge [sflag:s24], $0x2000  }
0x73: {  	[sflag:s24] =	ssyncset.done $0x0  }
0x74: {  	s10 =	simm.s32 $0x13200;
	s9 =	rddreg [dreg:$0x14];
	[sflag:s24] =	ssyncadd.s32 $0xFFFFE000  }
0x75: {  	[hbm4b:s9+s2] =	stream.linear.scatter [tilespmem:s10], [sflag:$0x13], $0x2000, $0x38;
	[tilespmem:$0x17200] =	vst v63  }
0x76: {  	_ =	swait.ge [sflag:s26], $0x2000  }
0x77: {  	[sflag:s26] =	ssyncset.done $0x0  }
0x78: {  	s9 =	simm.s32 $0x680;
	s10 =	simm.s32 $0x9200;
	[sflag:s26] =	ssyncadd.s32 $0xFFFFE000  }
0x79: {  	[tilespmem:s10], [sflag:$0x4] =	stream.indirect.gather [hbm4b:s3+s30], $0x40, s9, s30, $0xb8;
	[tilespmem:$0x17200] =	vst v63  }
0x7a: {  	_ =	swait.ge [sflag:s28], $0x2000  }
0x7b: {  	[sflag:s28] =	ssyncset.done $0x0  }
0x7c: {  	s9 =	simm.s32 $0x15200;
	s0 =	rddreg [dreg:$0x15];
	[sflag:s28] =	ssyncadd.s32 $0xFFFFE000  }
0x7d: {  	[hbm4b:s0+s2] =	stream.linear.scatter [tilespmem:s9], [sflag:$0x14], $0x2000, $0x38;
	[tilespmem:$0x17200] =	vst v63  }
0x7e: {  	_ =	swait.ge [sflag:s6], $0x2000  }
0x7f: {  	[sflag:s6] =	ssyncset.done $0x0  }
0x80: {  	s9 =	simm.s32 $0x700;
	[sflag:s6] =	ssyncadd.s32 $0xFFFFE000  }
0x81: {  	[tilespmem:s17], [sflag:$0x5] =	stream.indirect.gather [hbm4b:s3+s30], $0x40, s9, s30, $0xb8;
	[tilespmem:$0x17200] =	vst v63  }
0x82: {  	_ =	swait.ge [sflag:s12], $0x2000  }
0x83: {  	s9 =	rddreg [dreg:$0x1f]  }
0x84: {  	[sflag:s12] =	ssyncset.done $0x0;
	s0 =	sshrl.u32 s9, $0x3  }
0x85: {  	[sflag:s12] =	ssyncadd.s32 $0xFFFFE000;
	s0 =	sadd.s32 s13, s0  }
0x86: {  	[hbm4b:s0+s2] =	stream.linear.scatter [tilespmem:s15], [sflag:$0xB], $0x2000, $0x38;
	[tilespmem:$0x17200] =	vst v63  }
0x87: {  	_ =	swait.ge [sflag:s29], $0x2000  }
0x88: {  	[sflag:s29] =	ssyncset.done $0x0  }
0x89: {  	s12 =	simm.s32 $0xD200;
	s0 =	simm.s32 $0x780;
	[sflag:s29] =	ssyncadd.s32 $0xFFFFE000  }
0x8a: {  	[tilespmem:s12], [sflag:$0x6] =	stream.indirect.gather [hbm4b:s3+s30], $0x40, s0, s30, $0xb8;
	[tilespmem:$0x17200] =	vst v63  }
0x8b: {  	_ =	swait.ge [sflag:s14], $0x2000  }
0x8c: {  	s12 =	rddreg [dreg:$0x5];
	[sflag:s14] =	ssyncset.done $0x0  }
0x8d: {  	[sflag:s14] =	ssyncadd.s32 $0xFFFFE000;
	s0 =	sadd.s32 s13, s12  }
0x8e: {  	[hbm4b:s0+s2] =	stream.linear.scatter [tilespmem:s20], [sflag:$0xC], $0x2000, $0x38;
	[tilespmem:$0x17200] =	vst v63  }
0x8f: {  	_ =	swait.ge [sflag:s25], $0x2000  }
0x90: {  	[sflag:s25] =	ssyncset.done $0x0  }
0x91: {  	s12 =	simm.s32 $0x800;
	s14 =	simm.s32 $0xF200;
	[sflag:s25] =	ssyncadd.s32 $0xFFFFE000  }
0x92: {  	[tilespmem:s14], [sflag:$0x7] =	stream.indirect.gather [hbm4b:s3+s30], $0x40, s12, s30, $0xb8;
	[tilespmem:$0x17200] =	vst v63  }
0x93: {  	_ =	swait.ge [sflag:s16], $0x2000  }
0x94: {  	s12 =	rddreg [dreg:$0x4];
	[sflag:s16] =	ssyncset.done $0x0  }
0x95: {  	s11 =	simm.s32 $0x7200;
	[sflag:s16] =	ssyncadd.s32 $0xFFFFE000;
	s0 =	sadd.s32 s13, s12  }
0x96: {  	[hbm4b:s0+s2] =	stream.linear.scatter [tilespmem:s11], [sflag:$0xD], $0x2000, $0x38;
	[tilespmem:$0x17200] =	vst v63  }
0x97: {  	_ =	swait.ge [sflag:s4], $0x2000  }
0x98: {  	[sflag:s4] =	ssyncset.done $0x0  }
0x99: {  	s12 =	simm.s32 $0x880;
	s16 =	simm.s32 $0x11200;
	[sflag:s4] =	ssyncadd.s32 $0xFFFFE000  }
0x9a: {  	[tilespmem:s16], [sflag:$0x8] =	stream.indirect.gather [hbm4b:s3+s30], $0x40, s12, s30, $0xb8;
	[tilespmem:$0x17200] =	vst v63  }
0x9b: {  	_ =	swait.ge [sflag:s18], $0x2000  }
0x9c: {  	s12 =	rddreg [dreg:$0x3];
	[sflag:s18] =	ssyncset.done $0x0  }
0x9d: {  	s10 =	simm.s32 $0x9200;
	[sflag:s18] =	ssyncadd.s32 $0xFFFFE000;
	s0 =	sadd.s32 s13, s12  }
0x9e: {  	[hbm4b:s0+s2] =	stream.linear.scatter [tilespmem:s10], [sflag:$0xE], $0x2000, $0x38;
	[tilespmem:$0x17200] =	vst v63  }
0x9f: {  	_ =	swait.ge [sflag:s31], $0x2000  }
0xa0: {  	[sflag:s31] =	ssyncset.done $0x0  }
0xa1: {  	s18 =	simm.s32 $0x900;
	s12 =	simm.s32 $0x13200;
	[sflag:s31] =	ssyncadd.s32 $0xFFFFE000  }
0xa2: {  	[tilespmem:s12], [sflag:$0x9] =	stream.indirect.gather [hbm4b:s3+s30], $0x40, s18, s30, $0xb8;
	[tilespmem:$0x17200] =	vst v63  }
0xa3: {  	_ =	swait.ge [sflag:s19], $0x2000  }
0xa4: {  	s11 =	rddreg [dreg:$0x2];
	[sflag:s19] =	ssyncset.done $0x0  }
0xa5: {  	[sflag:s19] =	ssyncadd.s32 $0xFFFFE000;
	s0 =	sadd.s32 s13, s11  }
0xa6: {  	[hbm4b:s0+s2] =	stream.linear.scatter [tilespmem:s17], [sflag:$0xF], $0x2000, $0x38;
	[tilespmem:$0x17200] =	vst v63  }
0xa7: {  	_ =	swait.ge [sflag:s1], $0x2000  }
0xa8: {  	[sflag:s1] =	ssyncset.done $0x0  }
0xa9: {  	s11 =	simm.s32 $0x15200;
	s17 =	simm.s32 $0x980;
	[sflag:s1] =	ssyncadd.s32 $0xFFFFE000  }
0xaa: {  	[tilespmem:s11], [sflag:$0xA] =	stream.indirect.gather [hbm4b:s3+s30], $0x40, s17, s30, $0xb8;
	[tilespmem:$0x17200] =	vst v63  }
0xab: {  	_ =	swait.ge [sflag:s5], $0x2000  }
0xac: {  	s18 =	rddreg [dreg:$0xa];
	[sflag:s5] =	ssyncset.done $0x0  }
0xad: {  	s19 =	simm.s32 $0xD200;
	[sflag:s5] =	ssyncadd.s32 $0xFFFFE000;
	s0 =	sadd.s32 s13, s18  }
0xae: {  	[hbm4b:s0+s2] =	stream.linear.scatter [tilespmem:s19], [sflag:$0x10], $0x2000, $0x38;
	[tilespmem:$0x17200] =	vst v63  }
0xaf: {  	_ =	swait.ge [sflag:s7], $0x2000  }
0xb0: {  	[sflag:s7] =	ssyncset.done $0x0  }
0xb1: {  	s5 =	simm.s32 $0xA00;
	[sflag:s7] =	ssyncadd.s32 $0xFFFFE000  }
0xb2: {  	[tilespmem:s15], [sflag:$0x1] =	stream.indirect.gather [hbm4b:s3+s30], $0x40, s5, s30, $0xb8;
	[tilespmem:$0x17200] =	vst v63  }
0xb3: {  	_ =	swait.ge [sflag:s8], $0x2000  }
0xb4: {  	s7 =	rddreg [dreg:$0x9];
	[sflag:s8] =	ssyncset.done $0x0  }
0xb5: {  	s14 =	simm.s32 $0xF200;
	[sflag:s8] =	ssyncadd.s32 $0xFFFFE000;
	s0 =	sadd.s32 s13, s7  }
0xb6: {  	[hbm4b:s0+s2] =	stream.linear.scatter [tilespmem:s14], [sflag:$0x11], $0x2000, $0x38;
	[tilespmem:$0x17200] =	vst v63  }
0xb7: {  	_ =	swait.ge [sflag:s21], $0x2000  }
0xb8: {  	[sflag:s21] =	ssyncset.done $0x0  }
0xb9: {  	s14 =	simm.s32 $0xA80;
	[sflag:s21] =	ssyncadd.s32 $0xFFFFE000  }
0xba: {  	[tilespmem:s20], [sflag:$0x2] =	stream.indirect.gather [hbm4b:s3+s30], $0x40, s14, s30, $0xb8;
	[tilespmem:$0x17200] =	vst v63  }
0xbb: {  	_ =	swait.ge [sflag:s22], $0x2000  }
0xbc: {  	s15 =	rddreg [dreg:$0x8];
	[sflag:s22] =	ssyncset.done $0x0  }
0xbd: {  	s16 =	simm.s32 $0x11200;
	[sflag:s22] =	ssyncadd.s32 $0xFFFFE000;
	s0 =	sadd.s32 s13, s15  }
0xbe: {  	[hbm4b:s0+s2] =	stream.linear.scatter [tilespmem:s16], [sflag:$0x12], $0x2000, $0x38;
	[tilespmem:$0x17200] =	vst v63  }
0xbf: {  	_ =	swait.ge [sflag:s23], $0x2000  }
0xc0: {  	[sflag:s23] =	ssyncset.done $0x0  }
0xc1: {  	s17 =	simm.s32 $0x7200;
	s16 =	simm.s32 $0xB00;
	[sflag:s23] =	ssyncadd.s32 $0xFFFFE000  }
0xc2: {  	[tilespmem:s17], [sflag:$0x3] =	stream.indirect.gather [hbm4b:s3+s30], $0x40, s16, s30, $0xb8;
	[tilespmem:$0x17200] =	vst v63  }
0xc3: {  	_ =	swait.ge [sflag:s24], $0x2000  }
0xc4: {  	s18 =	rddreg [dreg:$0x7];
	[sflag:s24] =	ssyncset.done $0x0  }
0xc5: {  	[sflag:s24] =	ssyncadd.s32 $0xFFFFE000;
	s0 =	sadd.s32 s13, s18  }
0xc6: {  	[hbm4b:s0+s2] =	stream.linear.scatter [tilespmem:s12], [sflag:$0x13], $0x2000, $0x38;
	[tilespmem:$0x17200] =	vst v63  }
0xc7: {  	_ =	swait.ge [sflag:s26], $0x2000  }
0xc8: {  	[sflag:s26] =	ssyncset.done $0x0  }
0xc9: {  	s10 =	simm.s32 $0x9200;
	s19 =	simm.s32 $0xB80;
	[sflag:s26] =	ssyncadd.s32 $0xFFFFE000  }
0xca: {  	[tilespmem:s10], [sflag:$0x4] =	stream.indirect.gather [hbm4b:s3+s30], $0x40, s19, s30, $0xb8;
	[tilespmem:$0x17200] =	vst v63  }
0xcb: {  	_ =	swait.ge [sflag:s28], $0x2000  }
0xcc: {  	s20 =	rddreg [dreg:$0x6];
	[sflag:s28] =	ssyncset.done $0x0  }
0xcd: {  	[sflag:s28] =	ssyncadd.s32 $0xFFFFE000;
	s0 =	sadd.s32 s13, s20  }
0xce: {  	[hbm4b:s0+s2] =	stream.linear.scatter [tilespmem:s11], [sflag:$0x14], $0x2000, $0x38;
	[tilespmem:$0x17200] =	vst v63  }
0xcf: {  	_ =	swait.ge [sflag:s6], $0x2000  }
0xd0: {  	s5 =	sadd.s32 $0x14000, s9;
	s9 =	simm.s32 $0xC00;
	[sflag:s6] =	ssyncset.done $0x0  }
0xd1: {  	s7 =	sadd.s32 $0x2800, s13;
	s0 =	simm.s32 $0x1400;
	[sflag:s6] =	ssyncadd.s32 $0xFFFFE000  }
.LBB2_2:
0xd2: {  	s17 =	simm.s32 $0xB200;
	s8 =	simm.s32 $0x1  }
0xd3: {  	[tilespmem:s17], [sflag:$0x5] =	stream.indirect.gather [hbm4b:s3+s30], $0x40, s9, s30, $0xb8;
	[tilespmem:$0x17200] =	vst v63  }
0xd4: {  	_ =	swait.ge [sflag:s8], $0x2000  }
0xd5: {  	s11 =	sshrl.u32 s5, $0x3;
	[sflag:s8] =	ssyncset.done $0x0  }
0xd6: {  	s15 =	simm.s32 $0x3200;
	s11 =	sadd.s32 s13, s11;
	[sflag:s8] =	ssyncadd.s32 $0xFFFFE000  }
0xd7: {  	[hbm4b:s11+s2] =	stream.linear.scatter [tilespmem:s15], [sflag:$0xB], $0x2000, $0x38;
	[tilespmem:$0x17200] =	vst v63  }
0xd8: {  	s10 =	smov.u32 s0;
	_ =	swait.ge [sflag:s29], $0x2000  }
0xd9: {  	s14 =	simm.s32 $0xD200;
	s9 =	sshra.s32 s10, $0x2;
	[sflag:s29] =	ssyncset.done $0x0  }
0xda: {  	s16 =	simm.s32 $0x2;
	s12 =	sadd.s32 $0x780, s9;
	[sflag:s29] =	ssyncadd.s32 $0xFFFFE000  }
0xdb: {  	[tilespmem:s14], [sflag:$0x6] =	stream.indirect.gather [hbm4b:s3+s30], $0x40, s12, s30, $0xb8;
	[tilespmem:$0x17200] =	vst v63  }
0xdc: {  	_ =	swait.ge [sflag:s16], $0x2000  }
0xdd: {  	s18 =	rddreg [dreg:$0x5];
	[sflag:s16] =	ssyncset.done $0x0  }
0xde: {  	s8 =	simm.s32 $0x5200;
	[sflag:s16] =	ssyncadd.s32 $0xFFFFE000;
	s11 =	sadd.s32 s7, s18  }
0xdf: {  	[hbm4b:s11+s2] =	stream.linear.scatter [tilespmem:s8], [sflag:$0xC], $0x2000, $0x38;
	[tilespmem:$0x17200] =	vst v63  }
0xe0: {  	_ =	swait.ge [sflag:s25], $0x2000  }
0xe1: {  	s10 =	simm.s32 $0x3;
	[sflag:s25] =	ssyncset.done $0x0  }
0xe2: {  	s19 =	sadd.s32 $0x800, s9;
	s16 =	simm.s32 $0xF200;
	[sflag:s25] =	ssyncadd.s32 $0xFFFFE000  }
0xe3: {  	[tilespmem:s16], [sflag:$0x7] =	stream.indirect.gather [hbm4b:s3+s30], $0x40, s19, s30, $0xb8;
	[tilespmem:$0x17200] =	vst v63  }
0xe4: {  	_ =	swait.ge [sflag:s10], $0x2000  }
0xe5: {  	s20 =	rddreg [dreg:$0x4];
	[sflag:s10] =	ssyncset.done $0x0  }
0xe6: {  	[sflag:s10] =	ssyncadd.s32 $0xFFFFE000;
	s11 =	sadd.s32 s7, s20;
	s10 =	simm.s32 $0x7200  }
0xe7: {  	[hbm4b:s11+s2] =	stream.linear.scatter [tilespmem:s10], [sflag:$0xD], $0x2000, $0x38;
	[tilespmem:$0x17200] =	vst v63  }
0xe8: {  	_ =	swait.ge [sflag:s4], $0x2000  }
0xe9: {  	[sflag:s4] =	ssyncset.done $0x0  }
0xea: {  	s12 =	sadd.s32 $0x880, s9;
	s18 =	simm.s32 $0x11200;
	[sflag:s4] =	ssyncadd.s32 $0xFFFFE000  }
0xeb: {  	[tilespmem:s18], [sflag:$0x8] =	stream.indirect.gather [hbm4b:s3+s30], $0x40, s12, s30, $0xb8;
	[tilespmem:$0x17200] =	vst v63  }
0xec: {  	s12 =	simm.s32 $0x4  }
0xed: {  	_ =	swait.ge [sflag:s12], $0x2000  }
0xee: {  	s19 =	rddreg [dreg:$0x3];
	[sflag:s12] =	ssyncset.done $0x0  }
0xef: {  	[sflag:s12] =	ssyncadd.s32 $0xFFFFE000;
	s11 =	sadd.s32 s7, s19;
	s12 =	simm.s32 $0x9200  }
0xf0: {  	[hbm4b:s11+s2] =	stream.linear.scatter [tilespmem:s12], [sflag:$0xE], $0x2000, $0x38;
	[tilespmem:$0x17200] =	vst v63  }
0xf1: {  	_ =	swait.ge [sflag:s31], $0x2000  }
0xf2: {  	[sflag:s31] =	ssyncset.done $0x0  }
0xf3: {  	s20 =	sadd.s32 $0x900, s9;
	s19 =	simm.s32 $0x13200;
	[sflag:s31] =	ssyncadd.s32 $0xFFFFE000  }
0xf4: {  	[tilespmem:s19], [sflag:$0x9] =	stream.indirect.gather [hbm4b:s3+s30], $0x40, s20, s30, $0xb8;
	[tilespmem:$0x17200] =	vst v63  }
0xf5: {  	s20 =	simm.s32 $0x5  }
0xf6: {  	_ =	swait.ge [sflag:s20], $0x2000  }
0xf7: {  	s11 =	rddreg [dreg:$0x2];
	[sflag:s20] =	ssyncset.done $0x0  }
0xf8: {  	[sflag:s20] =	ssyncadd.s32 $0xFFFFE000;
	s11 =	sadd.s32 s7, s11  }
0xf9: {  	[hbm4b:s11+s2] =	stream.linear.scatter [tilespmem:s17], [sflag:$0xF], $0x2000, $0x38;
	[tilespmem:$0x17200] =	vst v63  }
0xfa: {  	_ =	swait.ge [sflag:s1], $0x2000  }
0xfb: {  	[sflag:s1] =	ssyncset.done $0x0  }
0xfc: {  	s20 =	simm.s32 $0x15200;
	s17 =	sadd.s32 $0x980, s9;
	[sflag:s1] =	ssyncadd.s32 $0xFFFFE000  }
0xfd: {  	[tilespmem:s20], [sflag:$0xA] =	stream.indirect.gather [hbm4b:s3+s30], $0x40, s17, s30, $0xb8;
	[tilespmem:$0x17200] =	vst v63  }
0xfe: {  	s17 =	simm.s32 $0x6  }
0xff: {  	_ =	swait.ge [sflag:s17], $0x2000  }
0x100: {  	s11 =	rddreg [dreg:$0xa];
	[sflag:s17] =	ssyncset.done $0x0  }
0x101: {  	[sflag:s17] =	ssyncadd.s32 $0xFFFFE000;
	s11 =	sadd.s32 s7, s11;
	s17 =	simm.s32 $0xB  }
0x102: {  	[hbm4b:s11+s2] =	stream.linear.scatter [tilespmem:s14], [sflag:$0x10], $0x2000, $0x38;
	[tilespmem:$0x17200] =	vst v63  }
0x103: {  	_ =	swait.ge [sflag:s17], $0x2000  }
0x104: {  	[sflag:s17] =	ssyncset.done $0x0  }
0x105: {  	s14 =	sadd.s32 $0xA00, s9;
	s11 =	simm.s32 $0x7;
	[sflag:s17] =	ssyncadd.s32 $0xFFFFE000  }
0x106: {  	[tilespmem:s15], [sflag:$0x1] =	stream.indirect.gather [hbm4b:s3+s30], $0x40, s14, s30, $0xb8;
	[tilespmem:$0x17200] =	vst v63  }
0x107: {  	_ =	swait.ge [sflag:s11], $0x2000  }
0x108: {  	s15 =	rddreg [dreg:$0x9];
	[sflag:s11] =	ssyncset.done $0x0  }
0x109: {  	[sflag:s11] =	ssyncadd.s32 $0xFFFFE000;
	s11 =	sadd.s32 s7, s15  }
0x10a: {  	[hbm4b:s11+s2] =	stream.linear.scatter [tilespmem:s16], [sflag:$0x11], $0x2000, $0x38;
	[tilespmem:$0x17200] =	vst v63  }
0x10b: {  	_ =	swait.ge [sflag:s21], $0x2000  }
0x10c: {  	[sflag:s21] =	ssyncset.done $0x0  }
0x10d: {  	s16 =	sadd.s32 $0xA80, s9;
	[sflag:s21] =	ssyncadd.s32 $0xFFFFE000  }
0x10e: {  	[tilespmem:s8], [sflag:$0x2] =	stream.indirect.gather [hbm4b:s3+s30], $0x40, s16, s30, $0xb8;
	[tilespmem:$0x17200] =	vst v63  }
0x10f: {  	_ =	swait.ge [sflag:s22], $0x2000  }
0x110: {  	s8 =	rddreg [dreg:$0x8];
	[sflag:s22] =	ssyncset.done $0x0  }
0x111: {  	[sflag:s22] =	ssyncadd.s32 $0xFFFFE000;
	s11 =	sadd.s32 s7, s8  }
0x112: {  	[hbm4b:s11+s2] =	stream.linear.scatter [tilespmem:s18], [sflag:$0x12], $0x2000, $0x38;
	[tilespmem:$0x17200] =	vst v63  }
0x113: {  	_ =	swait.ge [sflag:s23], $0x2000  }
0x114: {  	[sflag:s23] =	ssyncset.done $0x0  }
0x115: {  	s14 =	sadd.s32 $0xB00, s9;
	[sflag:s23] =	ssyncadd.s32 $0xFFFFE000  }
0x116: {  	[tilespmem:s10], [sflag:$0x3] =	stream.indirect.gather [hbm4b:s3+s30], $0x40, s14, s30, $0xb8;
	[tilespmem:$0x17200] =	vst v63  }
0x117: {  	_ =	swait.ge [sflag:s24], $0x2000  }
0x118: {  	s16 =	rddreg [dreg:$0x7];
	[sflag:s24] =	ssyncset.done $0x0  }
0x119: {  	[sflag:s24] =	ssyncadd.s32 $0xFFFFE000;
	s11 =	sadd.s32 s7, s16  }
0x11a: {  	[hbm4b:s11+s2] =	stream.linear.scatter [tilespmem:s19], [sflag:$0x13], $0x2000, $0x38;
	[tilespmem:$0x17200] =	vst v63  }
0x11b: {  	_ =	swait.ge [sflag:s26], $0x2000  }
0x11c: {  	[sflag:s26] =	ssyncset.done $0x0  }
0x11d: {  	s18 =	sadd.s32 $0xB80, s9;
	[sflag:s26] =	ssyncadd.s32 $0xFFFFE000  }
0x11e: {  	[tilespmem:s12], [sflag:$0x4] =	stream.indirect.gather [hbm4b:s3+s30], $0x40, s18, s30, $0xb8;
	[tilespmem:$0x17200] =	vst v63  }
0x11f: {  	p0 =	sne.s32 s0, $0x8C00;
	s0 =	sadd.s32 $0x1400, s0;
	_ =	swait.ge [sflag:s28], $0x2000  }
0x120: {  	s5 =	sadd.s32 $0x14000, s5;
	s19 =	rddreg [dreg:$0x6];
	[sflag:s28] =	ssyncset.done $0x0  }
.Ltmp0:
0x121: {  	[sflag:s28] =	ssyncadd.s32 $0xFFFFE000;
	s11 =	sadd.s32 s7, s19;
	(pc) =	sbr.rel @p0 .LBB2_2-.Ltmp0, $4  }
0x122: {  	[hbm4b:s11+s2] =	stream.linear.scatter [tilespmem:s20], [sflag:$0x14], $0x2000, $0x38;
	[tilespmem:$0x17200] =	vst v63  }
0x123: {  	s17 =	simm.s32 $0x3200;
	s15 =	simm.s32 $0x5200;
	_ =	swait.ge [sflag:s6], $0x2000  }
0x124: {  	s8 =	simm.s32 $0x7200;
	s9 =	sadd.s32 $0xC00, s9;
	[sflag:s6] =	ssyncset.done $0x0  }
0x125: {  	s10 =	simm.s32 $0x9200;
	s7 =	sadd.s32 $0x2800, s7;
	[sflag:s6] =	ssyncadd.s32 $0xFFFFE000  }
0x126: {  	s5 =	simm.s32 $0xB200;
	s0 =	simm.s32 $0x1  }
0x127: {  	[tilespmem:s5], [sflag:$0x5] =	stream.indirect.gather [hbm4b:s3+s30], $0x40, s9, s30, $0xb8;
	[tilespmem:$0x17200] =	vst v63  }
0x128: {  	_ =	swait.ge [sflag:s0], $0x2000  }
0x129: {  	[sflag:s0] =	ssyncset.done $0x0  }
0x12a: {  	s12 =	rddreg [dreg:$0x16];
	[sflag:s0] =	ssyncadd.s32 $0xFFFFE000  }
0x12b: {  	[hbm4b:s12+s2] =	stream.linear.scatter [tilespmem:s17], [sflag:$0xB], $0x2000, $0x38;
	[tilespmem:$0x17200] =	vst v63  }
0x12c: {  	_ =	swait.ge [sflag:s29], $0x2000  }
0x12d: {  	s7 =	simm.s32 $0xD200;
	[sflag:s29] =	ssyncset.done $0x0  }
0x12e: {  	s14 =	simm.s32 $0x2F80;
	s16 =	simm.s32 $0x2;
	[sflag:s29] =	ssyncadd.s32 $0xFFFFE000  }
0x12f: {  	[tilespmem:s7], [sflag:$0x6] =	stream.indirect.gather [hbm4b:s3+s30], $0x40, s14, s30, $0xb8;
	[tilespmem:$0x17200] =	vst v63  }
0x130: {  	_ =	swait.ge [sflag:s16], $0x2000  }
0x131: {  	[sflag:s16] =	ssyncset.done $0x0  }
0x132: {  	s17 =	rddreg [dreg:$0x17];
	[sflag:s16] =	ssyncadd.s32 $0xFFFFE000  }
0x133: {  	[hbm4b:s17+s2] =	stream.linear.scatter [tilespmem:s15], [sflag:$0xC], $0x2000, $0x38;
	[tilespmem:$0x17200] =	vst v63  }
0x134: {  	_ =	swait.ge [sflag:s25], $0x2000  }
0x135: {  	s18 =	simm.s32 $0x3000;
	[sflag:s25] =	ssyncset.done $0x0  }
0x136: {  	s19 =	simm.s32 $0x3;
	s9 =	simm.s32 $0xF200;
	[sflag:s25] =	ssyncadd.s32 $0xFFFFE000  }
0x137: {  	[tilespmem:s9], [sflag:$0x7] =	stream.indirect.gather [hbm4b:s3+s30], $0x40, s18, s30, $0xb8;
	[tilespmem:$0x17200] =	vst v63  }
0x138: {  	_ =	swait.ge [sflag:s19], $0x2000  }
0x139: {  	[sflag:s19] =	ssyncset.done $0x0  }
0x13a: {  	s20 =	rddreg [dreg:$0x18];
	[sflag:s19] =	ssyncadd.s32 $0xFFFFE000  }
0x13b: {  	[hbm4b:s20+s2] =	stream.linear.scatter [tilespmem:s8], [sflag:$0xD], $0x2000, $0x38;
	[tilespmem:$0x17200] =	vst v63  }
0x13c: {  	_ =	swait.ge [sflag:s4], $0x2000  }
0x13d: {  	s11 =	simm.s32 $0x3080;
	[sflag:s4] =	ssyncset.done $0x0  }
0x13e: {  	s12 =	simm.s32 $0x4;
	s8 =	simm.s32 $0x11200;
	[sflag:s4] =	ssyncadd.s32 $0xFFFFE000  }
0x13f: {  	[tilespmem:s8], [sflag:$0x8] =	stream.indirect.gather [hbm4b:s3+s30], $0x40, s11, s30, $0xb8;
	[tilespmem:$0x17200] =	vst v63  }
0x140: {  	_ =	swait.ge [sflag:s12], $0x2000  }
0x141: {  	[sflag:s12] =	ssyncset.done $0x0  }
0x142: {  	s14 =	rddreg [dreg:$0x19];
	[sflag:s12] =	ssyncadd.s32 $0xFFFFE000  }
0x143: {  	[hbm4b:s14+s2] =	stream.linear.scatter [tilespmem:s10], [sflag:$0xE], $0x2000, $0x38;
	[tilespmem:$0x17200] =	vst v63  }
0x144: {  	_ =	swait.ge [sflag:s31], $0x2000  }
0x145: {  	s16 =	simm.s32 $0x5;
	[sflag:s31] =	ssyncset.done $0x0  }
0x146: {  	s15 =	simm.s32 $0x3100;
	s10 =	simm.s32 $0x13200;
	[sflag:s31] =	ssyncadd.s32 $0xFFFFE000  }
0x147: {  	[tilespmem:s10], [sflag:$0x9] =	stream.indirect.gather [hbm4b:s3+s30], $0x40, s15, s30, $0xb8;
	[tilespmem:$0x17200] =	vst v63  }
0x148: {  	_ =	swait.ge [sflag:s16], $0x2000  }
0x149: {  	[sflag:s16] =	ssyncset.done $0x0  }
0x14a: {  	s17 =	rddreg [dreg:$0x1a];
	[sflag:s16] =	ssyncadd.s32 $0xFFFFE000  }
0x14b: {  	[hbm4b:s17+s2] =	stream.linear.scatter [tilespmem:s5], [sflag:$0xF], $0x2000, $0x38;
	[tilespmem:$0x17200] =	vst v63  }
0x14c: {  	_ =	swait.ge [sflag:s1], $0x2000  }
0x14d: {  	s18 =	simm.s32 $0x15200;
	[sflag:s1] =	ssyncset.done $0x0  }
0x14e: {  	s19 =	simm.s32 $0x3180;
	s20 =	simm.s32 $0x6;
	[sflag:s1] =	ssyncadd.s32 $0xFFFFE000  }
0x14f: {  	[tilespmem:s18], [sflag:$0xA] =	stream.indirect.gather [hbm4b:s3+s30], $0x40, s19, s30, $0xb8;
	[tilespmem:$0x17200] =	vst v63  }
0x150: {  	_ =	swait.ge [sflag:s20], $0x2000  }
0x151: {  	[sflag:s20] =	ssyncset.done $0x0  }
0x152: {  	s12 =	simm.s32 $0x7;
	s11 =	rddreg [dreg:$0x1b];
	[sflag:s20] =	ssyncadd.s32 $0xFFFFE000  }
0x153: {  	[hbm4b:s11+s2] =	stream.linear.scatter [tilespmem:s7], [sflag:$0x10], $0x2000, $0x38;
	[tilespmem:$0x17200] =	vst v63  }
0x154: {  	_ =	swait.ge [sflag:s12], $0x2000  }
0x155: {  	[sflag:s12] =	ssyncset.done $0x0  }
0x156: {  	s14 =	rddreg [dreg:$0x1c];
	[sflag:s12] =	ssyncadd.s32 $0xFFFFE000  }
0x157: {  	[hbm4b:s14+s2] =	stream.linear.scatter [tilespmem:s9], [sflag:$0x11], $0x2000, $0x38;
	[tilespmem:$0x17200] =	vst v63  }
0x158: {  	_ =	swait.ge [sflag:s22], $0x2000  }
0x159: {  	[sflag:s22] =	ssyncset.done $0x0  }
0x15a: {  	s15 =	rddreg [dreg:$0x1d];
	[sflag:s22] =	ssyncadd.s32 $0xFFFFE000  }
0x15b: {  	[hbm4b:s15+s2] =	stream.linear.scatter [tilespmem:s8], [sflag:$0x12], $0x2000, $0x38;
	[tilespmem:$0x17200] =	vst v63  }
0x15c: {  	_ =	swait.ge [sflag:s24], $0x2000  }
0x15d: {  	s16 =	sld [smem:$0x7FC]  }
0x15e: {  	[sflag:s24] =	ssyncset.done $0x0  }
0x15f: {  	[sflag:s24] =	ssyncadd.s32 $0xFFFFE000  }
0x160: {  	[hbm4b:s16+s2] =	stream.linear.scatter [tilespmem:s10], [sflag:$0x13], $0x2000, $0x38;
	[tilespmem:$0x17200] =	vst v63  }
0x161: {  	_ =	swait.ge [sflag:s28], $0x2000  }
0x162: {  	s17 =	sld [smem:$0x7FD]  }
0x163: {  	[sflag:s28] =	ssyncset.done $0x0  }
0x164: {  	[sflag:s28] =	ssyncadd.s32 $0xFFFFE000  }
0x165: {  	[hbm4b:s17+s2] =	stream.linear.scatter [tilespmem:s18], [sflag:$0x14], $0x2000, $0x38;
	[tilespmem:$0x17200] =	vst v63  }
0x166: {  	s18 =	simm.s32 $0xB  }
0x167: {  	_ =	swait.ge [sflag:s18], $0x2000  }
0x168: {  	[sflag:s18] =	ssyncset.done $0x0  }
0x169: {  	[sflag:s18] =	ssyncadd.s32 $0xFFFFE000  }
0x16a: {  	_ =	swait.ge [sflag:s21], $0x2000  }
0x16b: {  	[sflag:s21] =	ssyncset.done $0x0  }
0x16c: {  	[sflag:s21] =	ssyncadd.s32 $0xFFFFE000  }
0x16d: {  	_ =	swait.ge [sflag:s23], $0x2000  }
0x16e: {  	[sflag:s23] =	ssyncset.done $0x0  }
0x16f: {  	[sflag:s23] =	ssyncadd.s32 $0xFFFFE000  }
0x170: {  	_ =	swait.ge [sflag:s26], $0x2000  }
0x171: {  	[sflag:s26] =	ssyncset.done $0x0  }
0x172: {  	[sflag:s26] =	ssyncadd.s32 $0xFFFFE000  }
0x173: {  	_ =	swait.ge [sflag:s6], $0x2000  }
0x174: {  	[sflag:s6] =	ssyncset.done $0x0  }
0x175: {  	[sflag:s6] =	ssyncadd.s32 $0xFFFFE000  }
0x176: {  	_ =	swait.ge [sflag:s29], $0x2000  }
0x177: {  	[sflag:s29] =	ssyncset.done $0x0  }
0x178: {  	[sflag:s29] =	ssyncadd.s32 $0xFFFFE000  }
0x179: {  	_ =	swait.ge [sflag:s25], $0x2000  }
0x17a: {  	[sflag:s25] =	ssyncset.done $0x0  }
0x17b: {  	[sflag:s25] =	ssyncadd.s32 $0xFFFFE000  }
0x17c: {  	_ =	swait.ge [sflag:s4], $0x2000  }
0x17d: {  	[sflag:s4] =	ssyncset.done $0x0  }
0x17e: {  	[sflag:s4] =	ssyncadd.s32 $0xFFFFE000  }
0x17f: {  	_ =	swait.ge [sflag:s31], $0x2000  }
0x180: {  	[sflag:s31] =	ssyncset.done $0x0  }
0x181: {  	[sflag:s31] =	ssyncadd.s32 $0xFFFFE000  }
0x182: {  	_ =	swait.ge [sflag:s1], $0x2000  }
0x183: {  	s19 =	sld [smem:$0x7FB];
	_ =	sdelay $0x2  }
0x184: {  	s20 =	rddreg [dreg:$0x1e];
	s5 =	sadd.s32 $0x1, s19  }
0x185: {  	p0 =	sne.s32 s5, s20  }
.Ltmp1:
0x186: {  	_ = 	snop;
	(pc) =	sbr.rel @p0 .LBB2_1-.Ltmp1, $3  }
0x187: {  	_ =	sdelay $0x1  }
0x188: {  	[sflag:s1] =	ssyncset.done $0x0  }
0x189: {  	[sflag:s1] =	ssyncadd.s32 $0xFFFFE000  }
0x18a: {  	_ =	sfence.sel $0x180000  }
0x18b: {  	[bflag:$0x0] =	sbarrier.arrive $0xFFFF  }
0x18c: {  	_ =	strace $0x90000047  }
0x18d: {  	s0 =	stileid.u32;
	[bflag:$0x2] =	sbarrier.arrive $0xFFFF  }
0x18e: {  	p0 =	sne.s32 s0, $0x0;
	s0 =	rddreg [dreg:$0x1]  }
0x18f: {  	s0 =	sadd.s32 @!p0 $0x100000, s0  }
0x190: {  	[sflag:s0] =	ssyncadd.tile.s32 @!p0 $0x1;
	_ =	shalt  }
.Lfunc_end2:
_tile_overlayer_lowered:
.L_overlay_start_2:
0x191: {  	(tag) =	ssettag $0x2  }
0x192: {  	s0 =	rddreg [dreg:$0x0];
	s2 =	stileid.u32  }
0x193: {  	s1 =	rddreg [dreg:$0x1];
	p0 =	sne.s32 s2, $0x0  }
0x194: {  	s3 =	rddreg [dreg:$0x2];
	[bflag:$0x3] =	sbarrier.arrive $0xFFFF;
	s2 =	simm.s32 @!p0 $0x1C15  }
0x195: {  	[timem:s3], [sflag:s2] =	dma.local @!p0 [hbm:s0], s1  }
0x196: {  	s0 =	simm.s32 @!p0 $0x15  }
0x197: {  	_ =	swait.ge @!p0 [sflag:s0], s1  }
0x198: {  	s1 =	ssub.s32 @!p0 $0x0, s1;
	[sflag:s0] =	ssyncset.done @!p0 $0x0  }
0x199: {  	[sflag:s0] =	ssyncadd.s32 @!p0 s1  }
0x19a: {  	[bflag:$0x3] =	sbarrier.arrive $0xFFFF  }
0x19b: {  	_ =	shalt  }

// kernel: sparse-core-data-format-call.1.cloned.1.call-start
scs
called_computation.1_lowered:
.L_overlay_start_0:
0x0: {  	s2 =	sld [smem:$0x3FD9]  }
0x1: {  	s3 =	sld [smem:$0x3FFE];
	_ =	sdelay $0x1  }
0x2: {  	s1 =	srdreg.scid  }
0x3: {  	s0 =	sand.u32 $0x1, s1  }
0x4: {  	s18 =	sshll.u32 s0, $0xA;
	s2 =	sadd.s32 s3, s2  }
0x5: {  	s2 =	sadd.s32 s2, s18  }
0x6: {  	[smem:$0x3FC6] =	sst s2  }
0x7: {  	_ = 	snop  }
0x8: {  	(tm) =	ssettm $0x1  }
0x9: {  	s19 =	sld [smem:$0x3FFB];
	_ =	sdelay $0x3  }
0xa: {  	_ =	strace s19  }
0xb: {  	s2 =	sld [smem:$0x3FFC];
	_ =	sdelay $0x3  }
0xc: {  	_ =	strace s2  }
0xd: {  	s2 =	sld [smem:$0x3FFD];
	_ =	sdelay $0x3  }
0xe: {  	_ =	strace s2  }
0xf: {  	_ =	strace $0x8FFFFFFF  }
0x10: {  	s20 =	sld [smem:$0x3FDB];
	_ =	sdelay $0x1  }
0x11: {  	s21 =	simm.s32 $_scs_section_size  }
0x12: {  	s4 =	simm.s32 $_size__tile_overlayer_lowered;
	s5 =	simm.s32 $_tile_overlayer_lowered  }
0x13: {  	s6 =	simm.s32 $0x1BFF;
	s22 =	sshll.u32 s5, $0x1;
	s3 =	sadd.s32 s21, s20  }
0x14: {  	s23 =	simm.s32 $0x0;
	s4 =	sshll.u32 s4, $0x1;
	s5 =	sadd.s32 s22, s3  }
0x15: {  	[timem:s23], [sflag:s6] =	dma.local [hbm:s5], s4  }
0x16: {  	_ =	swait.ge [sflag:s6], s4  }
0x17: {  	s4 =	ssub.s32 $0x0, s4;
	[sflag:s6] =	ssyncset.done $0x0  }
0x18: {  	[sflag:s6] =	ssyncadd.s32 s4;
	_ =	sdelay $0x1  }
0x19: {  	s24 =	simm.s32 $0x1B8B  }
0x1a: {  	_ =	swait.ge [sflag:s24], $0x1  }
0x1b: {  	[sflag:s24] =	ssyncset.done $0x0  }
0x1c: {  	[sflag:s24] =	ssyncadd.s32 $0xFFFFFFFF  }
0x1d: {  	s4 =	sld [smem:$0x0]  }
0x1e: {  	s5 =	sand.u32 $0xFFFFFFFE, s1  }
0x1f: {  	p0 =	sne.s32 s1, s5  }
0x20: {  	s5 =	sshll.u32 @p0 s5, $0xE  }
0x21: {  	s5 =	sadd.s32 @p0 $0x11B8D, s5;
	s6 =	sshll.u32 @p0 s4, $0x11  }
0x22: {  	s5 =	sor.u32 @p0 s6, s5  }
0x23: {  	[sflag:s5] =	ssyncadd.remote.s32 @p0 $0x1;
	_ =	sdelay $0x1  }
0x24: {  	s5 =	simm.s32 @p0 $0x1B8D  }
0x25: {  	_ =	swait.eq @p0 [sflag:s5], $0x1  }
0x26: {  	[sflag:s5] =	ssyncadd.s32 @p0 $0xFFFFFFFF  }
0x27: {  	s6 =	sshll.u32 @!p0 s1, $0xE  }
0x28: {  	s6 =	sor.u32 @!p0 $0x4000, s6;
	s5 =	simm.s32 @!p0 $0x1B8D  }
0x29: {  	s4 =	sshll.u32 @!p0 s4, $0x11;
	s6 =	sadd.s32 @!p0 $0x11B8D, s6;
	_ =	swait.eq @!p0 [sflag:s5], $0x1  }
0x2a: {  	s4 =	sor.u32 @!p0 s4, s6;
	[sflag:s5] =	ssyncadd.s32 @!p0 $0xFFFFFFFF  }
0x2b: {  	s26 =	simm.s32 $0x1B8E;
	s25 =	sld [smem:$0x3FFE];
	[sflag:s4] =	ssyncadd.remote.s32 @!p0 $0x1  }
0x2c: {  	s27 =	simm.s32 $execute0_lowered;
	[smem:$0x3FD2] =	sst s26  }
0x2d: {  	s5 =	sshll.u32 s27, $0x1;
	_ =	strace $0x8000004C;
	[dreg:$0x1] =	wrdreg $0xFFFFFFFF  }
0x2e: {  	s28 =	simm.s32 $_size_execute0_lowered;
	s3 =	sadd.s32 s3, s5;
	[dreg:$0x0] =	wrdreg $0x0  }
0x2f: {  	s5 =	sshll.u32 s28, $0x1;
	[dreg:$0x2] =	wrdreg s3  }
0x30: {  	[dreg:$0x3] =	wrdreg s5  }
0x31: {  	[dreg:$0x4] =	wrdreg $0xC0  }
0x32: {  	_ =	task [dreg:s23], $0x5FFFF  }
0x33: {  	[dreg:$0x1] =	wrdreg $0xFFFFFFFF  }
0x34: {  	[dreg:$0x0] =	wrdreg $0x60  }
0x35: {  	[dreg:$0x2] =	wrdreg s25  }
0x36: {  	[dreg:$0x3] =	wrdreg $0x9  }
0x37: {  	_ =	task.clear_ibuf [dreg:s23], $0x4FFFF;
	_ =	strace $0x9000004C  }
0x38: {  	s29 =	simm.s32 $0x9;
	_ =	strace $0x8000004E  }
0x39: {  	_ =	swait.ge [sflag:s29], $0x1  }
0x3a: {  	[sflag:s29] =	ssyncadd.s32 $0xFFFFFFFF  }
0x3b: {  	_ =	strace $0x9000004E  }
0x3c: {  	_ =	sfence  }
0x3d: {  	s30 =	sld [smem:$0x0];
	_ =	sdelay $0x2  }
0x3e: {  	s31 =	sshll.u32 s1, $0xD;
	s1 =	sshrl.u32 s1, $0x2  }
0x3f: {  	s4 =	sand.u32 $0x4000, s31;
	s1 =	sadd.s32 s1, s30  }
0x40: {  	s0 =	sor.u32 s4, s0;
	s1 =	sshll.u32 s1, $0x11  }
0x41: {  	s0 =	sor.u32 s1, s0  }
0x42: {  	s0 =	sadd.s32 $0x8F2B, s0  }
0x43: {  	[sflag:s0] =	ssyncadd.remote.s32 $0x1  }
0x44: {  	_ =	sfence.sel $0xFFFF  }
0x45: {  	[dreg:$0x0] =	wrdreg $0xFFFFFFFF;
	(pc) =	sbr.abs _section_cstart, $3  }
0x46: {  	[dreg:$0x1] =	wrdreg $0xFFFFFFFF  }
0x47: {  	_ =	task.clear_ibuf [dreg:s23], $0x2FFFF;
	_ =	strace $0x9FFFFFFF  }
0x48: {  	(tm) =	ssettm $0x7FFFFFFF  }
0x49: {  	_ =	shalt  }
tec
execute0_lowered:
.L_overlay_start_1:
0x0: {  	(tag) =	ssettag $0x1  }
0x1: {  	s0 =	srdreg.scid  }
0x2: {  	s1 =	sshll.u32 s0, $0x4  }
0x3: {  	s0 =	stileid.u32;
	s1 =	sand.u32 $0x10, s1  }
0x4: {  	s1 =	sor.u32 s0, s1  }
0x5: {  	s6 =	rddreg [dreg:$0x0];
	s7 =	simm.s32 $0x2;
	s2 =	sshll.u32 s1, $0x7  }
0x6: {  	s12 =	simm.s32 $0x0;
	s8 =	simm.s32 $0x20000;
	s1 =	ssub.s32 $0x4000, s2  }
0x7: {  	s13 =	simm.s32 $0x0;
	s9 =	simm.s32 $0x0;
	s3 =	sand.u32 $0xF80, s1  }
0x8: {  	s11 =	simm.s32 $0x0;
	p0 =	sne.s32 s3, $0x0;
	s3 =	simm.s32 $0x1  }
.Ltmp0:
0x9: {  	s4 =	sshrl.u32 s1, $0xC;
	s3 =	simm.s32 @!p0 $0x0;
	(pc) =	sbr.rel .LBB1_1-.Ltmp0, $4  }
0xa: {  	s5 =	sadd.s32 $0x33A600, s6;
	s1 =	rddreg [dreg:$0x1];
	s4 =	sadd.s32 s3, s4  }
0xb: {  	_ =	strace $0x8000004D;
	s3 =	simm.s32 $0x1;
	s4 =	smul.u32 $0x19, s4  }
0xc: {  	s6 =	sadd.s32 $0x1600, s6;
	s10 =	smov.u32 s2;
	[sflag:s3] =	ssyncpa.u1 $0x0  }
0xd: {  	p0 =	por $0x0, $0x0;
	[sflag:s7] =	ssyncpa.u1 $0x0;
	s7 =	sadd.s32 $0x1, s4  }
.LBB1_4:
0xe: {  	s16 =	sshll.u32 s13, $0x3;
	s17 =	sand.u32 $0x78, s13  }
0xf: {  	s30 =	sand.u32 $0x1F800, s13;
	s12 =	sshll.u32 s12, $0x11;
	s16 =	sand.u32 $0x3C00, s16  }
0x10: {  	[tilespmem:s15+$0x810 ss:$0x81] =	vst.msk $0xffff, v2;
	s31 =	sand.u32 $0x7, s13;
	s16 =	sor.u32 s17, s16;
	s17 =	sadd.s32 s6, s30  }
0x11: {  	[tilespmem:s15+$0x1020 ss:$0x81] =	vst.msk $0xffff, v0;
	s13 =	sshll.u32 s31, $0x12;
	s12 =	sadd.s32 s12, s17;
	s16 =	sshrl.u32 s16, $0x3  }
0x12: {  	[tilespmem:s15+$0x0 ss:$0x81] =	vst.msk $0xffff, v1;
	s13 =	sor.u32 $0x400, s13;
	s12 =	sadd.s32 s16, s12  }
0x13: {  	[hbm4b:s12+s13] =	stream.strided.scatter [tilespmem:s14], [sflag:$0x2], $0x2000, s8, s13, $0x20;
	[tilespmem:$0x8080] =	vst v63  }
.LBB1_5:
0x14: {  	s14 =	sadd.s32 $0x1, s9  }
0x15: {  	s12 =	sadd.s32 $0x1000, s10;
	s16 =	smov.u32 s10;
	p2 =	sgt.s32 s14, $0x18  }
0x16: {  	s16 =	smov.u32 @p2 s12  }
0x17: {  	s14 =	simm.s32 @p2 $0x0;
	p2 =	sgt.s32 s16, $0x3FFF  }
0x18: {  	s16 =	smov.u32 @p2 s2;
	p2 =	sne.s32 s11, s7  }
.Ltmp1:
0x19: {  	p1 =	slt.u32 s11, $0x2;
	(pc) =	sbr.rel @!p2 .LBB1_6-.Ltmp1, $4  }
0x1a: {  	s15 =	simm.s32 @!p1 $0x2  }
0x1b: {  	s13 =	smov.u32 s10;
	p0 =	por !p0, !p0;
	_ =	swait.ge @!p1 [sflag:s15], $0x2000  }
0x1c: {  	s12 =	smov.u32 s9;
	[sflag:s15] =	ssyncset.done @!p1 $0x0;
	s9 =	smov.u32 s14  }
0x1d: {  	s11 =	sadd.s32 $0x1, s11;
	[sflag:s15] =	ssyncadd.s32 @!p1 $0xFFFFE000;
	s10 =	smov.u32 s16  }
.LBB1_1:
0x1e: {  	p1 =	sge.u32 s11, s4  }
0x1f: {  	s31 =	sadd.s32 $0xFFFFFFFF, s11;
	s14 =	sxor.u32 @!p1 $0xFFFFFFFF, s11  }
0x20: {  	s15 =	sshll.u32 @!p1 s10, $0x9;
	s16 =	sshll.u32 @!p1 s9, $0x4;
	s17 =	simm.s32 @!p1 $0x1000  }
0x21: {  	s14 =	sshll.u32 @!p1 s14, $0xD;
	s16 =	sand.u32 @!p1 $0x1F0, s16;
	s15 =	sadd.s32 @!p1 s5, s15  }
0x22: {  	s14 =	sand.u32 @!p1 $0x2000, s14;
	s15 =	sadd.s32 @!p1 s16, s15;
	s16 =	simm.s32 @!p1 $0x40  }
0x23: {  	[tilespmem:s14], [sflag:$0x1] =	stream.strided.gather @!p1 [hbm4b:s15+s16], $0x2000, s17, s16, $0x38;
	[tilespmem:$0x8080] =	vst v63  }
0x24: {  	p1 =	sge.u32 s31, s4  }
.Ltmp2:
0x25: {  	_ = 	snop;
	(pc) =	sbr.rel @p1 .LBB1_5-.Ltmp2, $1  }
0x26: {  	_ =	sdelay $0x3  }
0x27: {  	s14 =	simm.s32 $0x1  }
0x28: {  	_ =	swait.ge [sflag:s3], $0x2000;
	s14 =	simm.s32 @!p0 $0x0  }
0x29: {  	[sflag:s3] =	ssyncset.done $0x0;
	s15 =	sshll.u32 s14, $0xD  }
0x2a: {  	[sflag:s3] =	ssyncadd.s32 $0xFFFFE000;
	s18 =	sor.u32 $0x20, s15  }
0x2b: {  	s14 =	smul.u32 $0x8100, s14;
	v3 =	vld [tilespmem:s18+$0x10]  }
0x2c: {  	s30 =	sand.u32 $0x1, s11;
	v2 =	vld [tilespmem:s18+$0xFFFFFFF0]  }
0x2d: {  	s15 =	smul.u32 $0x8100, s30;
	s14 =	sshrl.u32 s14, $0x2;
	v0 =	vld [tilespmem:s18+$0x0]  }
0x2e: {  	v1 =	vld [tilespmem:s18+$0xFFFFFFE0];
	s16 =	sor.u32 $0x4000, s14  }
0x2f: {  	s31 =	sshrl.u32 s15, $0x2;
	s15 =	sadd.s32 $0x0, s16  }
0x30: {  	s17 =	simm.s32 $0x4;
	s18 =	sadd.s32 $0x40, s18;
	s14 =	sor.u32 $0x4000, s31;
	[tilespmem:s15+$0x1830 ss:$0x81] =	vst.msk $0xffff, v3  }
.LBB1_3:
0x31: {  	v3 =	vld [tilespmem:s18+$0x10];
	p1 =	sne.s32 s17, $0x1FC;
	[tilespmem:s15+$0x810 ss:$0x81] =	vst.msk $0xffff, v2;
	s19 =	smov.u32 s17;
	s17 =	sadd.s32 $0x4, s17  }
.Ltmp3:
0x32: {  	v2 =	vld [tilespmem:s18+$0xFFFFFFF0];
	[tilespmem:s15+$0x1020 ss:$0x81] =	vst.msk $0xffff, v0;
	(pc) =	sbr.rel @p1 .LBB1_3-.Ltmp3, $4  }
0x33: {  	v0 =	vld [tilespmem:s18+$0x0];
	[tilespmem:s15+$0x0 ss:$0x81] =	vst.msk $0xffff, v1  }
0x34: {  	s15 =	sshra.s32 s19, $0x2;
	v1 =	vld [tilespmem:s18+$0xFFFFFFE0]  }
0x35: {  	s15 =	sadd.s32 s15, s16  }
0x36: {  	s18 =	sadd.s32 $0x40, s18;
	[tilespmem:s15+$0x1830 ss:$0x81] =	vst.msk $0xffff, v3  }
.Ltmp4:
0x37: {  	_ = 	snop;
	(pc) =	sbr.rel .LBB1_4-.Ltmp4, $1  }
0x38: {  	_ =	sdelay $0x3  }
.LBB1_6:
0x39: {  	_ =	sfence.sel $0x180000  }
0x3a: {  	s2 =	simm.s32 $0x1;
	[bflag:$0x0] =	sbarrier.arrive $0xFFFF  }
0x3b: {  	s31 =	simm.s32 $0x2;
	[sflag:s2] =	ssyncpa.u1 $0x1  }
0x3c: {  	[sflag:s31] =	ssyncpa.u1 $0x1  }
0x3d: {  	p0 =	sne.s32 s0, $0x0;
	_ =	strace $0x9000004D  }
0x3e: {  	s0 =	sadd.s32 @!p0 $0x100000, s1;
	[bflag:$0x2] =	sbarrier.arrive $0xFFFF  }
0x3f: {  	[sflag:s0] =	ssyncadd.tile.s32 @!p0 $0x1;
	_ =	shalt  }
.Lfunc_end1:
_tile_overlayer_lowered:
.L_overlay_start_2:
0x40: {  	(tag) =	ssettag $0x2  }
0x41: {  	s0 =	rddreg [dreg:$0x0];
	s2 =	stileid.u32  }
0x42: {  	s1 =	rddreg [dreg:$0x1];
	p0 =	sne.s32 s2, $0x0  }
0x43: {  	s3 =	rddreg [dreg:$0x2];
	[bflag:$0x3] =	sbarrier.arrive $0xFFFF;
	s2 =	simm.s32 @!p0 $0x1C01  }
0x44: {  	[timem:s3], [sflag:s2] =	dma.local @!p0 [hbm:s0], s1  }
0x45: {  	s0 =	simm.s32 @!p0 $0x1  }
0x46: {  	_ =	swait.ge @!p0 [sflag:s0], s1  }
0x47: {  	s1 =	ssub.s32 @!p0 $0x0, s1;
	[sflag:s0] =	ssyncset.done @!p0 $0x0  }
0x48: {  	[sflag:s0] =	ssyncadd.s32 @!p0 s1  }
0x49: {  	[bflag:$0x3] =	sbarrier.arrive $0xFFFF  }
0x4a: {  	_ =	shalt  }

// kernel: sparse-core-data-format-call.cloned.1.call-start
scs
called_computation_lowered:
.L_overlay_start_0:
0x0: {  	s2 =	sld [smem:$0x3FD9]  }
0x1: {  	s3 =	sld [smem:$0x3FFE];
	_ =	sdelay $0x1  }
0x2: {  	s1 =	srdreg.scid  }
0x3: {  	s0 =	sand.u32 $0x1, s1  }
0x4: {  	s18 =	sshll.u32 s0, $0xA;
	s2 =	sadd.s32 s3, s2  }
0x5: {  	s2 =	sadd.s32 s2, s18  }
0x6: {  	[smem:$0x3FC6] =	sst s2  }
0x7: {  	_ = 	snop  }
0x8: {  	(tm) =	ssettm $0x1  }
0x9: {  	s19 =	sld [smem:$0x3FFB];
	_ =	sdelay $0x3  }
0xa: {  	_ =	strace s19  }
0xb: {  	s2 =	sld [smem:$0x3FFC];
	_ =	sdelay $0x3  }
0xc: {  	_ =	strace s2  }
0xd: {  	s2 =	sld [smem:$0x3FFD];
	_ =	sdelay $0x3  }
0xe: {  	_ =	strace s2  }
0xf: {  	_ =	strace $0x8FFFFFFF  }
0x10: {  	s20 =	sld [smem:$0x3FDB];
	_ =	sdelay $0x1  }
0x11: {  	s21 =	simm.s32 $_scs_section_size  }
0x12: {  	s4 =	simm.s32 $_size__tile_overlayer_lowered;
	s5 =	simm.s32 $_tile_overlayer_lowered  }
0x13: {  	s6 =	simm.s32 $0x1BFF;
	s22 =	sshll.u32 s5, $0x1;
	s3 =	sadd.s32 s21, s20  }
0x14: {  	s23 =	simm.s32 $0x0;
	s4 =	sshll.u32 s4, $0x1;
	s5 =	sadd.s32 s22, s3  }
0x15: {  	[timem:s23], [sflag:s6] =	dma.local [hbm:s5], s4  }
0x16: {  	_ =	swait.ge [sflag:s6], s4  }
0x17: {  	s4 =	ssub.s32 $0x0, s4;
	[sflag:s6] =	ssyncset.done $0x0  }
0x18: {  	[sflag:s6] =	ssyncadd.s32 s4;
	_ =	sdelay $0x1  }
0x19: {  	s24 =	simm.s32 $0x1B8B  }
0x1a: {  	_ =	swait.ge [sflag:s24], $0x1  }
0x1b: {  	[sflag:s24] =	ssyncset.done $0x0  }
0x1c: {  	[sflag:s24] =	ssyncadd.s32 $0xFFFFFFFF  }
0x1d: {  	s4 =	sld [smem:$0x0]  }
0x1e: {  	s5 =	sand.u32 $0xFFFFFFFE, s1  }
0x1f: {  	p0 =	sne.s32 s1, s5  }
0x20: {  	s5 =	sshll.u32 @p0 s5, $0xE  }
0x21: {  	s5 =	sadd.s32 @p0 $0x11B8D, s5;
	s6 =	sshll.u32 @p0 s4, $0x11  }
0x22: {  	s5 =	sor.u32 @p0 s6, s5  }
0x23: {  	[sflag:s5] =	ssyncadd.remote.s32 @p0 $0x1;
	_ =	sdelay $0x1  }
0x24: {  	s5 =	simm.s32 @p0 $0x1B8D  }
0x25: {  	_ =	swait.eq @p0 [sflag:s5], $0x1  }
0x26: {  	[sflag:s5] =	ssyncadd.s32 @p0 $0xFFFFFFFF  }
0x27: {  	s6 =	sshll.u32 @!p0 s1, $0xE  }
0x28: {  	s6 =	sor.u32 @!p0 $0x4000, s6;
	s5 =	simm.s32 @!p0 $0x1B8D  }
0x29: {  	s4 =	sshll.u32 @!p0 s4, $0x11;
	s6 =	sadd.s32 @!p0 $0x11B8D, s6;
	_ =	swait.eq @!p0 [sflag:s5], $0x1  }
0x2a: {  	s4 =	sor.u32 @!p0 s4, s6;
	[sflag:s5] =	ssyncadd.s32 @!p0 $0xFFFFFFFF  }
0x2b: {  	s26 =	simm.s32 $0x1B8E;
	s25 =	sld [smem:$0x3FFE];
	[sflag:s4] =	ssyncadd.remote.s32 @!p0 $0x1  }
0x2c: {  	s27 =	simm.s32 $execute0_lowered;
	[smem:$0x3FD2] =	sst s26  }
0x2d: {  	s5 =	sshll.u32 s27, $0x1;
	_ =	strace $0x8000004F;
	[dreg:$0x1] =	wrdreg $0xFFFFFFFF  }
0x2e: {  	s28 =	simm.s32 $_size_execute0_lowered;
	s3 =	sadd.s32 s3, s5;
	[dreg:$0x0] =	wrdreg $0x0  }
0x2f: {  	s5 =	sshll.u32 s28, $0x1;
	[dreg:$0x2] =	wrdreg s3  }
0x30: {  	[dreg:$0x3] =	wrdreg s5  }
0x31: {  	[dreg:$0x4] =	wrdreg $0xC0  }
0x32: {  	_ =	task [dreg:s23], $0x5FFFF  }
0x33: {  	[dreg:$0x1] =	wrdreg $0xFFFFFFFF  }
0x34: {  	[dreg:$0x0] =	wrdreg $0x60  }
0x35: {  	[dreg:$0x2] =	wrdreg s25  }
0x36: {  	[dreg:$0x3] =	wrdreg $0xA  }
0x37: {  	_ =	task.clear_ibuf [dreg:s23], $0x4FFFF;
	_ =	strace $0x9000004F  }
0x38: {  	s29 =	simm.s32 $0xA;
	_ =	strace $0x80000051  }
0x39: {  	_ =	swait.ge [sflag:s29], $0x1  }
0x3a: {  	[sflag:s29] =	ssyncadd.s32 $0xFFFFFFFF  }
0x3b: {  	_ =	strace $0x90000051  }
0x3c: {  	_ =	sfence  }
0x3d: {  	s30 =	sld [smem:$0x0];
	_ =	sdelay $0x2  }
0x3e: {  	s31 =	sshll.u32 s1, $0xD;
	s1 =	sshrl.u32 s1, $0x2  }
0x3f: {  	s4 =	sand.u32 $0x4000, s31;
	s1 =	sadd.s32 s1, s30  }
0x40: {  	s0 =	sor.u32 s4, s0;
	s1 =	sshll.u32 s1, $0x11  }
0x41: {  	s0 =	sor.u32 s1, s0  }
0x42: {  	s0 =	sadd.s32 $0x8F2B, s0  }
0x43: {  	[sflag:s0] =	ssyncadd.remote.s32 $0x1  }
0x44: {  	_ =	sfence.sel $0xFFFF  }
0x45: {  	[dreg:$0x0] =	wrdreg $0xFFFFFFFF;
	(pc) =	sbr.abs _section_cstart, $3  }
0x46: {  	[dreg:$0x1] =	wrdreg $0xFFFFFFFF  }
0x47: {  	_ =	task.clear_ibuf [dreg:s23], $0x2FFFF;
	_ =	strace $0x9FFFFFFF  }
0x48: {  	(tm) =	ssettm $0x7FFFFFFF  }
0x49: {  	_ =	shalt  }
tec
execute0_lowered:
.L_overlay_start_1:
0x0: {  	(tag) =	ssettag $0x1  }
0x1: {  	s0 =	srdreg.scid  }
0x2: {  	s1 =	sshll.u32 s0, $0x4  }
0x3: {  	s0 =	stileid.u32;
	s1 =	sand.u32 $0x10, s1  }
0x4: {  	s1 =	sor.u32 s0, s1  }
0x5: {  	s6 =	rddreg [dreg:$0x0];
	s7 =	simm.s32 $0x2;
	s2 =	sshll.u32 s1, $0x7  }
0x6: {  	s12 =	simm.s32 $0x0;
	s8 =	simm.s32 $0x20000;
	s1 =	ssub.s32 $0x4000, s2  }
0x7: {  	s13 =	simm.s32 $0x0;
	s9 =	simm.s32 $0x0;
	s3 =	sand.u32 $0xF80, s1  }
0x8: {  	s11 =	simm.s32 $0x0;
	p0 =	sne.s32 s3, $0x0;
	s3 =	simm.s32 $0x1  }
.Ltmp0:
0x9: {  	s4 =	sshrl.u32 s1, $0xC;
	s3 =	simm.s32 @!p0 $0x0;
	(pc) =	sbr.rel .LBB1_1-.Ltmp0, $4  }
0xa: {  	s5 =	sadd.s32 $0xB3A600, s6;
	s1 =	rddreg [dreg:$0x1];
	s4 =	sadd.s32 s3, s4  }
0xb: {  	_ =	strace $0x80000050;
	s3 =	simm.s32 $0x1;
	s4 =	smul.u32 $0x19, s4  }
0xc: {  	s6 =	sadd.s32 $0x133A600, s6;
	s10 =	smov.u32 s2;
	[sflag:s3] =	ssyncpa.u1 $0x0  }
0xd: {  	p0 =	por $0x0, $0x0;
	[sflag:s7] =	ssyncpa.u1 $0x0;
	s7 =	sadd.s32 $0x1, s4  }
.LBB1_4:
0xe: {  	s16 =	sshll.u32 s13, $0x3;
	s17 =	sand.u32 $0x78, s13  }
0xf: {  	s30 =	sand.u32 $0x1F800, s13;
	s12 =	sshll.u32 s12, $0x11;
	s16 =	sand.u32 $0x3C00, s16  }
0x10: {  	[tilespmem:s15+$0x810 ss:$0x81] =	vst.msk $0xffff, v2;
	s31 =	sand.u32 $0x7, s13;
	s16 =	sor.u32 s17, s16;
	s17 =	sadd.s32 s6, s30  }
0x11: {  	[tilespmem:s15+$0x1020 ss:$0x81] =	vst.msk $0xffff, v0;
	s13 =	sshll.u32 s31, $0x12;
	s12 =	sadd.s32 s12, s17;
	s16 =	sshrl.u32 s16, $0x3  }
0x12: {  	[tilespmem:s15+$0x0 ss:$0x81] =	vst.msk $0xffff, v1;
	s13 =	sor.u32 $0x400, s13;
	s12 =	sadd.s32 s16, s12  }
0x13: {  	[hbm4b:s12+s13] =	stream.strided.scatter [tilespmem:s14], [sflag:$0x2], $0x2000, s8, s13, $0x20;
	[tilespmem:$0x8080] =	vst v63  }
.LBB1_5:
0x14: {  	s14 =	sadd.s32 $0x1, s9  }
0x15: {  	s12 =	sadd.s32 $0x1000, s10;
	s16 =	smov.u32 s10;
	p2 =	sgt.s32 s14, $0x18  }
0x16: {  	s16 =	smov.u32 @p2 s12  }
0x17: {  	s14 =	simm.s32 @p2 $0x0;
	p2 =	sgt.s32 s16, $0x3FFF  }
0x18: {  	s16 =	smov.u32 @p2 s2;
	p2 =	sne.s32 s11, s7  }
.Ltmp1:
0x19: {  	p1 =	slt.u32 s11, $0x2;
	(pc) =	sbr.rel @!p2 .LBB1_6-.Ltmp1, $4  }
0x1a: {  	s15 =	simm.s32 @!p1 $0x2  }
0x1b: {  	s13 =	smov.u32 s10;
	p0 =	por !p0, !p0;
	_ =	swait.ge @!p1 [sflag:s15], $0x2000  }
0x1c: {  	s12 =	smov.u32 s9;
	[sflag:s15] =	ssyncset.done @!p1 $0x0;
	s9 =	smov.u32 s14  }
0x1d: {  	s11 =	sadd.s32 $0x1, s11;
	[sflag:s15] =	ssyncadd.s32 @!p1 $0xFFFFE000;
	s10 =	smov.u32 s16  }
.LBB1_1:
0x1e: {  	p1 =	sge.u32 s11, s4  }
0x1f: {  	s31 =	sadd.s32 $0xFFFFFFFF, s11;
	s14 =	sxor.u32 @!p1 $0xFFFFFFFF, s11  }
0x20: {  	s15 =	sshll.u32 @!p1 s10, $0x9;
	s16 =	sshll.u32 @!p1 s9, $0x4;
	s17 =	simm.s32 @!p1 $0x1000  }
0x21: {  	s14 =	sshll.u32 @!p1 s14, $0xD;
	s16 =	sand.u32 @!p1 $0x1F0, s16;
	s15 =	sadd.s32 @!p1 s5, s15  }
0x22: {  	s14 =	sand.u32 @!p1 $0x2000, s14;
	s15 =	sadd.s32 @!p1 s16, s15;
	s16 =	simm.s32 @!p1 $0x40  }
0x23: {  	[tilespmem:s14], [sflag:$0x1] =	stream.strided.gather @!p1 [hbm4b:s15+s16], $0x2000, s17, s16, $0x38;
	[tilespmem:$0x8080] =	vst v63  }
0x24: {  	p1 =	sge.u32 s31, s4  }
.Ltmp2:
0x25: {  	_ = 	snop;
	(pc) =	sbr.rel @p1 .LBB1_5-.Ltmp2, $1  }
0x26: {  	_ =	sdelay $0x3  }
0x27: {  	s14 =	simm.s32 $0x1  }
0x28: {  	_ =	swait.ge [sflag:s3], $0x2000;
	s14 =	simm.s32 @!p0 $0x0  }
0x29: {  	[sflag:s3] =	ssyncset.done $0x0;
	s15 =	sshll.u32 s14, $0xD  }
0x2a: {  	[sflag:s3] =	ssyncadd.s32 $0xFFFFE000;
	s18 =	sor.u32 $0x20, s15  }
0x2b: {  	s14 =	smul.u32 $0x8100, s14;
	v3 =	vld [tilespmem:s18+$0x10]  }
0x2c: {  	s30 =	sand.u32 $0x1, s11;
	v2 =	vld [tilespmem:s18+$0xFFFFFFF0]  }
0x2d: {  	s15 =	smul.u32 $0x8100, s30;
	s14 =	sshrl.u32 s14, $0x2;
	v0 =	vld [tilespmem:s18+$0x0]  }
0x2e: {  	v1 =	vld [tilespmem:s18+$0xFFFFFFE0];
	s16 =	sor.u32 $0x4000, s14  }
0x2f: {  	s31 =	sshrl.u32 s15, $0x2;
	s15 =	sadd.s32 $0x0, s16  }
0x30: {  	s17 =	simm.s32 $0x4;
	s18 =	sadd.s32 $0x40, s18;
	s14 =	sor.u32 $0x4000, s31;
	[tilespmem:s15+$0x1830 ss:$0x81] =	vst.msk $0xffff, v3  }
.LBB1_3:
0x31: {  	v3 =	vld [tilespmem:s18+$0x10];
	p1 =	sne.s32 s17, $0x1FC;
	[tilespmem:s15+$0x810 ss:$0x81] =	vst.msk $0xffff, v2;
	s19 =	smov.u32 s17;
	s17 =	sadd.s32 $0x4, s17  }
.Ltmp3:
0x32: {  	v2 =	vld [tilespmem:s18+$0xFFFFFFF0];
	[tilespmem:s15+$0x1020 ss:$0x81] =	vst.msk $0xffff, v0;
	(pc) =	sbr.rel @p1 .LBB1_3-.Ltmp3, $4  }
0x33: {  	v0 =	vld [tilespmem:s18+$0x0];
	[tilespmem:s15+$0x0 ss:$0x81] =	vst.msk $0xffff, v1  }
0x34: {  	s15 =	sshra.s32 s19, $0x2;
	v1 =	vld [tilespmem:s18+$0xFFFFFFE0]  }
0x35: {  	s15 =	sadd.s32 s15, s16  }
0x36: {  	s18 =	sadd.s32 $0x40, s18;
	[tilespmem:s15+$0x1830 ss:$0x81] =	vst.msk $0xffff, v3  }
.Ltmp4:
0x37: {  	_ = 	snop;
	(pc) =	sbr.rel .LBB1_4-.Ltmp4, $1  }
0x38: {  	_ =	sdelay $0x3  }
.LBB1_6:
0x39: {  	_ =	sfence.sel $0x180000  }
0x3a: {  	s2 =	simm.s32 $0x1;
	[bflag:$0x0] =	sbarrier.arrive $0xFFFF  }
0x3b: {  	s31 =	simm.s32 $0x2;
	[sflag:s2] =	ssyncpa.u1 $0x1  }
0x3c: {  	[sflag:s31] =	ssyncpa.u1 $0x1  }
0x3d: {  	p0 =	sne.s32 s0, $0x0;
	_ =	strace $0x90000050  }
0x3e: {  	s0 =	sadd.s32 @!p0 $0x100000, s1;
	[bflag:$0x2] =	sbarrier.arrive $0xFFFF  }
0x3f: {  	[sflag:s0] =	ssyncadd.tile.s32 @!p0 $0x1;
	_ =	shalt  }
.Lfunc_end1:
_tile_overlayer_lowered:
.L_overlay_start_2:
0x40: {  	(tag) =	ssettag $0x2  }
0x41: {  	s0 =	rddreg [dreg:$0x0];
	s2 =	stileid.u32  }
0x42: {  	s1 =	rddreg [dreg:$0x1];
	p0 =	sne.s32 s2, $0x0  }
0x43: {  	s3 =	rddreg [dreg:$0x2];
	[bflag:$0x3] =	sbarrier.arrive $0xFFFF;
	s2 =	simm.s32 @!p0 $0x1C01  }
0x44: {  	[timem:s3], [sflag:s2] =	dma.local @!p0 [hbm:s0], s1  }
0x45: {  	s0 =	simm.s32 @!p0 $0x1  }
0x46: {  	_ =	swait.ge @!p0 [sflag:s0], s1  }
0x47: {  	s1 =	ssub.s32 @!p0 $0x0, s1;
	[sflag:s0] =	ssyncset.done @!p0 $0x0  }
0x48: {  	[sflag:s0] =	ssyncadd.s32 @!p0 s1  }
0x49: {  	[bflag:$0x3] =	sbarrier.arrive $0xFFFF  }
0x4a: {  	_ =	shalt  }

</sc_bundles>
